<compile_context>
chip_gen: v7x
topology: tpu7x:2x2x1
jax: 0.10.2.dev20260603
libtpu: 0.0.44.dev20260713+nightly
codegen_flags: <defaults>
</compile_context>

<pallas_src>
import functools

import jax
import jax.numpy as jnp
from jax import lax
from jax.experimental import pallas as pl
from jax.experimental.pallas import tpu as pltpu
from jax.experimental.pallas import tpu_sc as plsc

N = 10000
E = 320000
D = 128
NC = 2
NS = 16
NW = NC * NS
C = 256
G = 4
JT = 1280
EP = C * JT
NP = 10240
RPT = NP // NS
CW = 16


def _mesh():
    return plsc.VectorSubcoreMesh(core_axis_name="c", subcore_axis_name="s",
                                  num_cores=NC, num_subcores=NS)


DH = 64


def _seg2_body(h2_hbm, srcs_hbm, dsts_hbm, acc_hbm,
               idx_src, idx_dst, rows, table_sh, acc_sh,
               sem_g0, sem_g1, sem_s0, sem_s1, sem_is, sem_id):
    cid = lax.axis_index("c")
    sid = lax.axis_index("s")
    wid = sid * NC + cid
    sem_g = (sem_g0, sem_g1)
    sem_s = (sem_s0, sem_s1)
    jb = JT // NW
    start = wid * jb
    NG = jb // G

    zv = jnp.zeros((16,), jnp.float32)

    for half in range(2):
        pltpu.sync_copy(h2_hbm.at[half, pl.ds(sid * RPT, RPT)],
                        table_sh.at[pl.ds(sid * RPT, RPT)])
        def _zrow(r, carry):
            for k in range(DH // 16):
                rows[0, r, pl.ds(k * 16, 16)] = zv
            return carry
        lax.fori_loop(0, C, _zrow, 0)
        for k in range(RPT // C):
            pltpu.sync_copy(rows.at[0],
                            acc_sh.at[pl.ds(sid * RPT + k * C, C)])
        if RPT % C:
            pltpu.sync_copy(
                rows.at[0, pl.ds(0, RPT % C)],
                acc_sh.at[pl.ds(sid * RPT + (RPT // C) * C, RPT % C)])

        pltpu.sync_copy(srcs_hbm.at[pl.ds(start, G)], idx_src.at[0])
        pltpu.sync_copy(dsts_hbm.at[pl.ds(start, G)], idx_dst.at[0])

        plsc.subcore_barrier()

        pltpu.async_copy(table_sh.at[idx_src.at[0, 0]], rows.at[0], sem_g[0])

        def _group(g, carry):
            s_cur = g % 2
            s_nxt = (g + 1) % 2
            for jj in range(G):
                b = jj % 2
                pltpu.make_async_copy(table_sh.at[idx_src.at[s_cur, jj]],
                                      rows.at[b], sem_g[b]).wait()
                if jj == 0:
                    @pl.when(g >= 1)
                    def _():
                        pltpu.make_async_copy(
                            rows.at[1 - b], acc_sh.at[idx_dst.at[s_cur, 0]],
                            sem_s[1 - b]).wait()
                    @pl.when(g < NG - 1)
                    def _():
                        pltpu.async_copy(
                            srcs_hbm.at[pl.ds(start + (g + 1) * G, G)],
                            idx_src.at[s_nxt], sem_is)
                        pltpu.async_copy(
                            dsts_hbm.at[pl.ds(start + (g + 1) * G, G)],
                            idx_dst.at[s_nxt], sem_id)
                else:
                    pltpu.make_async_copy(
                        rows.at[1 - b], acc_sh.at[idx_dst.at[s_cur, 0]],
                        sem_s[1 - b]).wait()
                if jj < G - 1:
                    pltpu.async_copy(table_sh.at[idx_src.at[s_cur, jj + 1]],
                                     rows.at[1 - b], sem_g[1 - b])
                else:
                    @pl.when(g < NG - 1)
                    def _():
                        pltpu.make_async_copy(
                            srcs_hbm.at[pl.ds(0, G)], idx_src.at[s_nxt],
                            sem_is).wait()
                        pltpu.make_async_copy(
                            dsts_hbm.at[pl.ds(0, G)], idx_dst.at[s_nxt],
                            sem_id).wait()
                        pltpu.async_copy(table_sh.at[idx_src.at[s_nxt, 0]],
                                         rows.at[1 - b], sem_g[1 - b])
                pltpu.async_copy(rows.at[b], acc_sh.at[idx_dst.at[s_cur, jj]],
                                 sem_s[b], add=True)
            return carry
        lax.fori_loop(0, NG, _group, 0)

        pltpu.make_async_copy(rows.at[1], acc_sh.at[idx_dst.at[0, 0]],
                              sem_s[1]).wait()

        plsc.subcore_barrier()

        pltpu.sync_copy(acc_sh.at[pl.ds(sid * RPT, RPT)],
                        acc_hbm.at[cid, half, pl.ds(sid * RPT, RPT)])


@functools.lru_cache(maxsize=None)
def _make_seg2_kernel():
    return pl.kernel(
        _seg2_body,
        out_type=jax.ShapeDtypeStruct((NC, 2, NP, DH), jnp.float32),
        mesh=_mesh(),
        compiler_params=pltpu.CompilerParams(use_tc_tiling_on_sc=False),
        scratch_types=[
            pltpu.VMEM((2, G, C), jnp.int32),
            pltpu.VMEM((2, G, C), jnp.int32),
            pltpu.VMEM((2, C, DH), jnp.float32),
            pltpu.VMEM_SHARED((NP, DH), jnp.float32),
            pltpu.VMEM_SHARED((NP, DH), jnp.float32),
            pltpu.SemaphoreType.DMA,
            pltpu.SemaphoreType.DMA,
            pltpu.SemaphoreType.DMA,
            pltpu.SemaphoreType.DMA,
            pltpu.SemaphoreType.DMA,
            pltpu.SemaphoreType.DMA,
        ],
    )


def _cnt_body(dsts_hbm, cnt_hbm, dst_buf, ones_buf, cnt_sh):
    cid = lax.axis_index("c")
    sid = lax.axis_index("s")
    wid = sid * NC + cid

    zv = jnp.zeros((16,), jnp.float32)
    ov = jnp.ones((16,), jnp.float32)

    def _fill(val):
        def _row(r, carry):
            for k in range(CW // 16):
                ones_buf[r, pl.ds(k * 16, 16)] = val
            return carry
        lax.fori_loop(0, C, _row, 0)

    _fill(zv)
    for k in range(RPT // C):
        pltpu.sync_copy(ones_buf, cnt_sh.at[pl.ds(sid * RPT + k * C, C)])
    if RPT % C:
        pltpu.sync_copy(
            ones_buf.at[pl.ds(0, RPT % C)],
            cnt_sh.at[pl.ds(sid * RPT + (RPT // C) * C, RPT % C)])
    _fill(ov)

    plsc.subcore_barrier()

    jb = JT // NW
    def _group(g, carry):
        pltpu.sync_copy(dsts_hbm.at[pl.ds(wid * jb + g * G, G)], dst_buf)
        for jj in range(G):
            pltpu.sync_copy(ones_buf, cnt_sh.at[dst_buf.at[jj]], add=True)
        return carry
    lax.fori_loop(0, jb // G, _group, 0)

    plsc.subcore_barrier()

    pltpu.sync_copy(cnt_sh.at[pl.ds(sid * RPT, RPT)],
                    cnt_hbm.at[cid, pl.ds(sid * RPT, RPT)])


@functools.lru_cache(maxsize=None)
def _make_cnt_kernel():
    return pl.kernel(
        _cnt_body,
        out_type=jax.ShapeDtypeStruct((NC, NP, CW), jnp.float32),
        mesh=_mesh(),
        compiler_params=pltpu.CompilerParams(use_tc_tiling_on_sc=False),
        scratch_types=[
            pltpu.VMEM((G, C), jnp.int32),
            pltpu.VMEM((C, CW), jnp.float32),
            pltpu.VMEM_SHARED((NP, CW), jnp.float32),
        ],
    )


def _tc_body(apply_elu, p0, p1, c0, c1, h, wl, bl, wr, out):
    cnt = c0[:, 0:1] + c1[:, 0:1]
    inv = 1.0 / jnp.maximum(cnt, 1.0)
    agg = (p0[...] + p1[...]) * inv
    y = (jnp.dot(agg, wl[...], preferred_element_type=jnp.float32)
         + jnp.dot(h[...], wr[...], preferred_element_type=jnp.float32)
         + bl[...])
    if apply_elu:
        y = jnp.where(y > 0.0, y, jnp.exp(jnp.minimum(y, 0.0)) - 1.0)
    out[...] = y


def _tc_layer(apply_elu, p0, p1, c0, c1, h, wl, bl, wr):
    B = 1000
    grid = (N // B,)
    row_spec = pl.BlockSpec((B, D), lambda b: (b, 0))
    cnt_spec = pl.BlockSpec((B, CW), lambda b: (b, 0))
    w_spec = pl.BlockSpec((D, D), lambda b: (0, 0))
    b_spec = pl.BlockSpec((1, D), lambda b: (0, 0))
    return pl.pallas_call(
        functools.partial(_tc_body, apply_elu),
        grid=grid,
        in_specs=[row_spec, row_spec, cnt_spec, cnt_spec, row_spec,
                  w_spec, b_spec, w_spec],
        out_specs=row_spec,
        out_shape=jax.ShapeDtypeStruct((N, D), jnp.float32),
    )(p0, p1, c0, c1, h, wl, bl, wr)


def kernel(x, edge_index, Wl0, bl0, Wr0, Wl1, bl1, Wr1, Wl2, bl2, Wr2):
    src = edge_index[0].astype(jnp.int32)
    dst = edge_index[1].astype(jnp.int32)
    pad = EP - E
    src = jnp.concatenate([src, jnp.zeros((pad,), jnp.int32)]).reshape(JT, C)
    dst = jnp.concatenate([dst, jnp.full((pad,), N, jnp.int32)]).reshape(JT, C)

    seg = _make_seg2_kernel()
    zpad = jnp.zeros((2, NP - N, DH), jnp.float32)

    def agg(h):
        h2 = jnp.concatenate(
            [jnp.stack([h[:, :DH], h[:, DH:]]), zpad], axis=1)
        a = seg(h2, src, dst)
        p0 = jnp.concatenate([a[0, 0, :N], a[0, 1, :N]], axis=1)
        p1 = jnp.concatenate([a[1, 0, :N], a[1, 1, :N]], axis=1)
        return p0, p1

    cnt = _make_cnt_kernel()(dst)
    c0, c1 = cnt[0, :N], cnt[1, :N]
    bl0 = bl0.reshape(1, D)
    bl1 = bl1.reshape(1, D)
    bl2 = bl2.reshape(1, D)

    p0, p1 = agg(x)
    h = _tc_layer(True, p0, p1, c0, c1, x, Wl0, bl0, Wr0)
    p0, p1 = agg(h)
    h = _tc_layer(True, p0, p1, c0, c1, h, Wl1, bl1, Wr1)
    p0, p1 = agg(h)
    out = _tc_layer(False, p0, p1, c0, c1, h, Wl2, bl2, Wr2)
    return out

# --- scband reference (transcript-rebuilt; emitter-appended) ---
"""Pipeline reference for scband-graph-sage-53635551592820 (READ-ONLY COPY).

The authoritative reference and input builder live on the scoring server;
editing this copy changes nothing except your own understanding.
"""

import jax, jax.numpy as jnp
import numpy as np

N_NODES = 10000
N_EDGES = 320000
D_IN = 128
D_HID = 128
D_OUT = 128


def setup_inputs(seed: int = 0) -> dict:
    key = jax.random.key(seed)
    ks = jax.random.split(key, 12)
    x = jax.random.normal(ks[0], (N_NODES, D_IN), dtype=jnp.float32)
    edge_index = jax.random.randint(ks[1], (2, N_EDGES), 0, N_NODES, dtype=jnp.int64)
    def w(k, i, o):
        return jax.random.normal(k, (i, o), dtype=jnp.float32) * 0.05
    inp = {
        'x': x,
        'edge_index': edge_index,
        'Wl0': w(ks[2], D_IN, D_HID), 'bl0': jnp.zeros((D_HID,), jnp.float32), 'Wr0': w(ks[3], D_IN, D_HID),
        'Wl1': w(ks[4], D_HID, D_HID), 'bl1': jnp.zeros((D_HID,), jnp.float32), 'Wr1': w(ks[5], D_HID, D_HID),
        'Wl2': w(ks[6], D_HID, D_OUT), 'bl2': jnp.zeros((D_OUT,), jnp.float32), 'Wr2': w(ks[7], D_HID, D_OUT),
    }
    return inp


def _sage_conv(x, src, dst, Wl, bl, Wr):
    # PyG SAGEConv (aggr='mean'): out = lin_l(mean_{j in N(i)} x_j) + lin_r(x_i)
    msgs = jnp.take(x, src, axis=0)
    summed = jax.ops.segment_sum(msgs, dst, num_segments=N_NODES)
    cnt = jax.ops.segment_sum(jnp.ones((src.shape[0], 1), x.dtype), dst, num_segments=N_NODES)
    agg = summed / jnp.maximum(cnt, 1.0)
    return agg @ Wl + bl + x @ Wr


def reference(x, edge_index, Wl0, bl0, Wr0, Wl1, bl1, Wr1, Wl2, bl2, Wr2):
    src = edge_index[0]
    dst = edge_index[1]
    # dropout p=0.0 is a no-op
    h = _sage_conv(x, src, dst, Wl0, bl0, Wr0)
    h = jax.nn.elu(h)
    h = _sage_conv(h, src, dst, Wl1, bl1, Wr1)
    h = jax.nn.elu(h)
    out = _sage_conv(h, src, dst, Wl2, bl2, Wr2)
    return out

if __name__ == "__main__":
    import jax
    _d = setup_inputs()
    print(jax.jit(kernel)(*tuple(_d.values())))

</pallas_src>

<mosaic_0001>
#map = affine_map<(d0, d1) -> (0, 0, 0)>
#map1 = affine_map<(d0, d1) -> (0, 0)>
#map2 = affine_map<(d0, d1) -> (0, 0, 0, 0)>
module attributes {stable_mosaic.version = 14 : i64} {
  func.func @_seg2_body(%arg0: i32, %arg1: i32, %arg2: memref<2x10240x64xf32, #tpu.memory_space<hbm>>, %arg3: memref<1280x256xi32, #tpu.memory_space<hbm>>, %arg4: memref<1280x256xi32, #tpu.memory_space<hbm>>, %arg5: memref<2x2x10240x64xf32, #tpu.memory_space<hbm>>, %arg6: memref<2x4x256xi32, #tpu.memory_space<vmem>>, %arg7: memref<2x4x256xi32, #tpu.memory_space<vmem>>, %arg8: memref<2x256x64xf32, #tpu.memory_space<vmem>>, %arg9: memref<10240x64xf32, #tpu.memory_space<vmem_shared>>, %arg10: memref<10240x64xf32, #tpu.memory_space<vmem_shared>>, %arg11: memref<!tpu.dma_semaphore, #tpu.memory_space<semaphore_mem>>, %arg12: memref<!tpu.dma_semaphore, #tpu.memory_space<semaphore_mem>>, %arg13: memref<!tpu.dma_semaphore, #tpu.memory_space<semaphore_mem>>, %arg14: memref<!tpu.dma_semaphore, #tpu.memory_space<semaphore_mem>>, %arg15: memref<!tpu.dma_semaphore, #tpu.memory_space<semaphore_mem>>, %arg16: memref<!tpu.dma_semaphore, #tpu.memory_space<semaphore_mem>>) attributes {dimension_semantics = [#tpu.dimension_semantics<core_parallel>, #tpu.dimension_semantics<subcore_parallel>], iteration_bounds = array<i64: 2, 16>, scalar_prefetch = 0 : i64, scratch_operands = 11 : i64, tpu.core_type = #tpu.core_type<sc_vector_subcore>, window_params = [{transform_indices = #map}, {transform_indices = #map1}, {transform_indices = #map1}, {transform_indices = #map2}]} {
    %mul3A = arith.constant 2 : i32
    %mul3A_0 = arith.muli %arg1, %mul3A : i32
    %add3A = arith.addi %mul3A_0, %arg0 : i32
    %mul3A_1 = arith.constant 40 : i32
    %mul3A_2 = arith.muli %add3A, %mul3A_1 : i32
    %broadcast_in_dim3A = arith.constant 0.000000e+00 : f32
    %broadcast_in_dim3A_3 = vector.broadcast %broadcast_in_dim3A : f32 to vector<16xf32>
    %mul3A_4 = arith.constant 640 : i32
    %mul3A_5 = arith.muli %arg1, %mul3A_4 : i32
    %mul3A_6 = arith.constant 640 : i32
    %mul3A_7 = arith.muli %arg1, %mul3A_6 : i32
    %run_scoped3A = arith.constant 0 : i32
    "tpu.region"() ({
      %run_scoped3A_133 = tpu.sem_alloc : memref<!tpu.dma_semaphore, #tpu.memory_space<semaphore_mem>>
      %dma_start3A_134 = arith.constant 0 : i32
      %dma_start3A_135 = tpu.memref_slice %arg9[%mul3A_7, %dma_start3A_134] : memref<10240x64xf32, #tpu.memory_space<vmem_shared>> -> memref<640x64xf32, #tpu.memory_space<vmem_shared>>
      %dma_start3A_136 = arith.constant 0 : i32
      %dma_start3A_137 = tpu.memref_slice %arg2[%run_scoped3A, %mul3A_5, %dma_start3A_136] : memref<2x10240x64xf32, #tpu.memory_space<hbm>> -> memref<1x640x64xf32, #tpu.memory_space<hbm>>
      %dma_start3A_138 = tpu.memref_squeeze %dma_start3A_137 : memref<1x640x64xf32, #tpu.memory_space<hbm>> -> memref<640x64xf32, #tpu.memory_space<hbm>>
      tpu.enqueue_dma source(%dma_start3A_138 : memref<640x64xf32, #tpu.memory_space<hbm>>) target(%dma_start3A_135 : memref<640x64xf32, #tpu.memory_space<vmem_shared>>) target_semaphore(%run_scoped3A_133 : memref<!tpu.dma_semaphore, #tpu.memory_space<semaphore_mem>>)
      %dma_wait3A_139 = arith.constant 0 : i32
      %dma_wait3A_140 = tpu.memref_slice %arg9[%mul3A_7, %dma_wait3A_139] : memref<10240x64xf32, #tpu.memory_space<vmem_shared>> -> memref<640x64xf32, #tpu.memory_space<vmem_shared>>
      %dma_wait3A_141 = arith.constant 0 : i32
      %dma_wait3A_142 = tpu.memref_slice %arg2[%run_scoped3A, %mul3A_5, %dma_wait3A_141] : memref<2x10240x64xf32, #tpu.memory_space<hbm>> -> memref<1x640x64xf32, #tpu.memory_space<hbm>>
      %dma_wait3A_143 = tpu.memref_squeeze %dma_wait3A_142 : memref<1x640x64xf32, #tpu.memory_space<hbm>> -> memref<640x64xf32, #tpu.memory_space<hbm>>
      tpu.wait_dma2 semaphore(%run_scoped3A_133 : memref<!tpu.dma_semaphore, #tpu.memory_space<semaphore_mem>>) src(%dma_wait3A_143 : memref<640x64xf32, #tpu.memory_space<hbm>>) dst(%dma_wait3A_140 : memref<640x64xf32, #tpu.memory_space<vmem_shared>>)
      tpu.yield
    }) : () -> ()
    %scan3A = arith.constant 0 : i32
    %scan3A_8 = arith.constant 0 : i32
    %scan3A_9 = arith.constant 256 : i32
    %scan3A_10 = arith.addi %scan3A_8, %scan3A_9 : i32
    %scan3A_11 = arith.constant 1 : i32
    scf.for %scan3A_133 = %scan3A_8 to %scan3A_10 step %scan3A_11  : i32 {
      %swap3A = arith.constant 0 : i32
      %swap3A_134 = arith.index_cast %swap3A : i32 to index
      %swap3A_135 = arith.index_cast %scan3A_133 : i32 to index
      %swap3A_136 = arith.constant 0 : index
      %swap3A_137 = tpu.vector_load %arg8[%swap3A_134, %swap3A_135, %swap3A_136] {strides = array<i32>} : memref<2x256x64xf32, #tpu.memory_space<vmem>>, vector<1x1x16xf32>,
      %swap3A_138 = vector.shape_cast %swap3A_137 : vector<1x1x16xf32> to vector<16xf32>
      %swap3A_139 = vector.shape_cast %broadcast_in_dim3A_3 : vector<16xf32> to vector<1x1x16xf32>
      tpu.vector_store %arg8[%swap3A_134, %swap3A_135, %swap3A_136], %swap3A_139 {strides = array<i32>} : memref<2x256x64xf32, #tpu.memory_space<vmem>>, vector<1x1x16xf32>,
      %swap3A_140 = arith.constant 0 : i32
      %swap3A_141 = arith.index_cast %swap3A_140 : i32 to index
      %swap3A_142 = arith.index_cast %scan3A_133 : i32 to index
      %swap3A_143 = arith.constant 16 : index
      %swap3A_144 = tpu.vector_load %arg8[%swap3A_141, %swap3A_142, %swap3A_143] {strides = array<i32>} : memref<2x256x64xf32, #tpu.memory_space<vmem>>, vector<1x1x16xf32>,
      %swap3A_145 = vector.shape_cast %swap3A_144 : vector<1x1x16xf32> to vector<16xf32>
      %swap3A_146 = vector.shape_cast %broadcast_in_dim3A_3 : vector<16xf32> to vector<1x1x16xf32>
      tpu.vector_store %arg8[%swap3A_141, %swap3A_142, %swap3A_143], %swap3A_146 {strides = array<i32>} : memref<2x256x64xf32, #tpu.memory_space<vmem>>, vector<1x1x16xf32>,
      %swap3A_147 = arith.constant 0 : i32
      %swap3A_148 = arith.index_cast %swap3A_147 : i32 to index
      %swap3A_149 = arith.index_cast %scan3A_133 : i32 to index
      %swap3A_150 = arith.constant 32 : index
      %swap3A_151 = tpu.vector_load %arg8[%swap3A_148, %swap3A_149, %swap3A_150] {strides = array<i32>} : memref<2x256x64xf32, #tpu.memory_space<vmem>>, vector<1x1x16xf32>,
      %swap3A_152 = vector.shape_cast %swap3A_151 : vector<1x1x16xf32> to vector<16xf32>
      %swap3A_153 = vector.shape_cast %broadcast_in_dim3A_3 : vector<16xf32> to vector<1x1x16xf32>
      tpu.vector_store %arg8[%swap3A_148, %swap3A_149, %swap3A_150], %swap3A_153 {strides = array<i32>} : memref<2x256x64xf32, #tpu.memory_space<vmem>>, vector<1x1x16xf32>,
      %swap3A_154 = arith.constant 0 : i32
      %swap3A_155 = arith.index_cast %swap3A_154 : i32 to index
      %swap3A_156 = arith.index_cast %scan3A_133 : i32 to index
      %swap3A_157 = arith.constant 48 : index
      %swap3A_158 = tpu.vector_load %arg8[%swap3A_155, %swap3A_156, %swap3A_157] {strides = array<i32>} : memref<2x256x64xf32, #tpu.memory_space<vmem>>, vector<1x1x16xf32>,
      %swap3A_159 = vector.shape_cast %swap3A_158 : vector<1x1x16xf32> to vector<16xf32>
      %swap3A_160 = vector.shape_cast %broadcast_in_dim3A_3 : vector<16xf32> to vector<1x1x16xf32>
      tpu.vector_store %arg8[%swap3A_155, %swap3A_156, %swap3A_157], %swap3A_160 {strides = array<i32>} : memref<2x256x64xf32, #tpu.memory_space<vmem>>, vector<1x1x16xf32>,
    }
    %scan3A_12 = arith.constant 256 : i32
    %mul3A_13 = arith.constant 640 : i32
    %mul3A_14 = arith.muli %arg1, %mul3A_13 : i32
    %add3A_15 = arith.constant 0 : i32
    %add3A_16 = arith.addi %mul3A_14, %add3A_15 : i32
    %run_scoped3A_17 = arith.constant 0 : i32
    "tpu.region"() ({
      %run_scoped3A_133 = tpu.sem_alloc : memref<!tpu.dma_semaphore, #tpu.memory_space<semaphore_mem>>
      %dma_start3A_134 = arith.constant 0 : i32
      %dma_start3A_135 = arith.constant 0 : i32
      %dma_start3A_136 = tpu.memref_slice %arg8[%run_scoped3A_17, %dma_start3A_134, %dma_start3A_135] : memref<2x256x64xf32, #tpu.memory_space<vmem>> -> memref<1x256x64xf32, #tpu.memory_space<vmem>>
      %dma_start3A_137 = tpu.memref_squeeze %dma_start3A_136 : memref<1x256x64xf32, #tpu.memory_space<vmem>> -> memref<256x64xf32, #tpu.memory_space<vmem>>
      %dma_start3A_138 = arith.constant 0 : i32
      %dma_start3A_139 = tpu.memref_slice %arg10[%add3A_16, %dma_start3A_138] : memref<10240x64xf32, #tpu.memory_space<vmem_shared>> -> memref<256x64xf32, #tpu.memory_space<vmem_shared>>
      %dma_start3A_140 = arith.constant 0 : i32
      %dma_start3A_141 = tpu.memref_slice %arg10[%add3A_16, %dma_start3A_140] : memref<10240x64xf32, #tpu.memory_space<vmem_shared>> -> memref<256x64xf32, #tpu.memory_space<vmem_shared>>
      %dma_start3A_142 = arith.constant 0 : i32
      %dma_start3A_143 = arith.constant 0 : i32
      %dma_start3A_144 = tpu.memref_slice %arg8[%run_scoped3A_17, %dma_start3A_142, %dma_start3A_143] : memref<2x256x64xf32, #tpu.memory_space<vmem>> -> memref<1x256x64xf32, #tpu.memory_space<vmem>>
      %dma_start3A_145 = tpu.memref_squeeze %dma_start3A_144 : memref<1x256x64xf32, #tpu.memory_space<vmem>> -> memref<256x64xf32, #tpu.memory_space<vmem>>
      tpu.enqueue_dma source(%dma_start3A_145 : memref<256x64xf32, #tpu.memory_space<vmem>>) target(%dma_start3A_141 : memref<256x64xf32, #tpu.memory_space<vmem_shared>>) target_semaphore(%run_scoped3A_133 : memref<!tpu.dma_semaphore, #tpu.memory_space<semaphore_mem>>)
      %dma_wait3A_146 = arith.constant 0 : i32
      %dma_wait3A_147 = arith.constant 0 : i32
      %dma_wait3A_148 = tpu.memref_slice %arg8[%run_scoped3A_17, %dma_wait3A_146, %dma_wait3A_147] : memref<2x256x64xf32, #tpu.memory_space<vmem>> -> memref<1x256x64xf32, #tpu.memory_space<vmem>>
      %dma_wait3A_149 = tpu.memref_squeeze %dma_wait3A_148 : memref<1x256x64xf32, #tpu.memory_space<vmem>> -> memref<256x64xf32, #tpu.memory_space<vmem>>
      %dma_wait3A_150 = arith.constant 0 : i32
      %dma_wait3A_151 = tpu.memref_slice %arg10[%add3A_16, %dma_wait3A_150] : memref<10240x64xf32, #tpu.memory_space<vmem_shared>> -> memref<256x64xf32, #tpu.memory_space<vmem_shared>>
      %dma_wait3A_152 = arith.constant 0 : i32
      %dma_wait3A_153 = tpu.memref_slice %arg10[%add3A_16, %dma_wait3A_152] : memref<10240x64xf32, #tpu.memory_space<vmem_shared>> -> memref<256x64xf32, #tpu.memory_space<vmem_shared>>
      %dma_wait3A_154 = arith.constant 0 : i32
      %dma_wait3A_155 = arith.constant 0 : i32
      %dma_wait3A_156 = tpu.memref_slice %arg8[%run_scoped3A_17, %dma_wait3A_154, %dma_wait3A_155] : memref<2x256x64xf32, #tpu.memory_space<vmem>> -> memref<1x256x64xf32, #tpu.memory_space<vmem>>
      %dma_wait3A_157 = tpu.memref_squeeze %dma_wait3A_156 : memref<1x256x64xf32, #tpu.memory_space<vmem>> -> memref<256x64xf32, #tpu.memory_space<vmem>>
      tpu.wait_dma2 semaphore(%run_scoped3A_133 : memref<!tpu.dma_semaphore, #tpu.memory_space<semaphore_mem>>) src(%dma_wait3A_157 : memref<256x64xf32, #tpu.memory_space<vmem>>) dst(%dma_wait3A_153 : memref<256x64xf32, #tpu.memory_space<vmem_shared>>)
      tpu.yield
    }) : () -> ()
    %mul3A_18 = arith.constant 640 : i32
    %mul3A_19 = arith.muli %arg1, %mul3A_18 : i32
    %add3A_20 = arith.constant 256 : i32
    %add3A_21 = arith.addi %mul3A_19, %add3A_20 : i32
    %run_scoped3A_22 = arith.constant 0 : i32
    "tpu.region"() ({
      %run_scoped3A_133 = tpu.sem_alloc : memref<!tpu.dma_semaphore, #tpu.memory_space<semaphore_mem>>
      %dma_start3A_134 = arith.constant 0 : i32
      %dma_start3A_135 = arith.constant 0 : i32
      %dma_start3A_136 = tpu.memref_slice %arg8[%run_scoped3A_22, %dma_start3A_134, %dma_start3A_135] : memref<2x256x64xf32, #tpu.memory_space<vmem>> -> memref<1x256x64xf32, #tpu.memory_space<vmem>>
      %dma_start3A_137 = tpu.memref_squeeze %dma_start3A_136 : memref<1x256x64xf32, #tpu.memory_space<vmem>> -> memref<256x64xf32, #tpu.memory_space<vmem>>
      %dma_start3A_138 = arith.constant 0 : i32
      %dma_start3A_139 = tpu.memref_slice %arg10[%add3A_21, %dma_start3A_138] : memref<10240x64xf32, #tpu.memory_space<vmem_shared>> -> memref<256x64xf32, #tpu.memory_space<vmem_shared>>
      %dma_start3A_140 = arith.constant 0 : i32
      %dma_start3A_141 = tpu.memref_slice %arg10[%add3A_21, %dma_start3A_140] : memref<10240x64xf32, #tpu.memory_space<vmem_shared>> -> memref<256x64xf32, #tpu.memory_space<vmem_shared>>
      %dma_start3A_142 = arith.constant 0 : i32
      %dma_start3A_143 = arith.constant 0 : i32
      %dma_start3A_144 = tpu.memref_slice %arg8[%run_scoped3A_22, %dma_start3A_142, %dma_start3A_143] : memref<2x256x64xf32, #tpu.memory_space<vmem>> -> memref<1x256x64xf32, #tpu.memory_space<vmem>>
      %dma_start3A_145 = tpu.memref_squeeze %dma_start3A_144 : memref<1x256x64xf32, #tpu.memory_space<vmem>> -> memref<256x64xf32, #tpu.memory_space<vmem>>
      tpu.enqueue_dma source(%dma_start3A_145 : memref<256x64xf32, #tpu.memory_space<vmem>>) target(%dma_start3A_141 : memref<256x64xf32, #tpu.memory_space<vmem_shared>>) target_semaphore(%run_scoped3A_133 : memref<!tpu.dma_semaphore, #tpu.memory_space<semaphore_mem>>)
      %dma_wait3A_146 = arith.constant 0 : i32
      %dma_wait3A_147 = arith.constant 0 : i32
      %dma_wait3A_148 = tpu.memref_slice %arg8[%run_scoped3A_22, %dma_wait3A_146, %dma_wait3A_147] : memref<2x256x64xf32, #tpu.memory_space<vmem>> -> memref<1x256x64xf32, #tpu.memory_space<vmem>>
      %dma_wait3A_149 = tpu.memref_squeeze %dma_wait3A_148 : memref<1x256x64xf32, #tpu.memory_space<vmem>> -> memref<256x64xf32, #tpu.memory_space<vmem>>
      %dma_wait3A_150 = arith.constant 0 : i32
      %dma_wait3A_151 = tpu.memref_slice %arg10[%add3A_21, %dma_wait3A_150] : memref<10240x64xf32, #tpu.memory_space<vmem_shared>> -> memref<256x64xf32, #tpu.memory_space<vmem_shared>>
      %dma_wait3A_152 = arith.constant 0 : i32
      %dma_wait3A_153 = tpu.memref_slice %arg10[%add3A_21, %dma_wait3A_152] : memref<10240x64xf32, #tpu.memory_space<vmem_shared>> -> memref<256x64xf32, #tpu.memory_space<vmem_shared>>
      %dma_wait3A_154 = arith.constant 0 : i32
      %dma_wait3A_155 = arith.constant 0 : i32
      %dma_wait3A_156 = tpu.memref_slice %arg8[%run_scoped3A_22, %dma_wait3A_154, %dma_wait3A_155] : memref<2x256x64xf32, #tpu.memory_space<vmem>> -> memref<1x256x64xf32, #tpu.memory_space<vmem>>
      %dma_wait3A_157 = tpu.memref_squeeze %dma_wait3A_156 : memref<1x256x64xf32, #tpu.memory_space<vmem>> -> memref<256x64xf32, #tpu.memory_space<vmem>>
      tpu.wait_dma2 semaphore(%run_scoped3A_133 : memref<!tpu.dma_semaphore, #tpu.memory_space<semaphore_mem>>) src(%dma_wait3A_157 : memref<256x64xf32, #tpu.memory_space<vmem>>) dst(%dma_wait3A_153 : memref<256x64xf32, #tpu.memory_space<vmem_shared>>)
      tpu.yield
    }) : () -> ()
    %mul3A_23 = arith.constant 640 : i32
    %mul3A_24 = arith.muli %arg1, %mul3A_23 : i32
    %add3A_25 = arith.constant 512 : i32
    %add3A_26 = arith.addi %mul3A_24, %add3A_25 : i32
    %run_scoped3A_27 = arith.constant 0 : i32
    "tpu.region"() ({
      %run_scoped3A_133 = tpu.sem_alloc : memref<!tpu.dma_semaphore, #tpu.memory_space<semaphore_mem>>
      %dma_start3A_134 = arith.constant 0 : i32
      %dma_start3A_135 = arith.constant 0 : i32
      %dma_start3A_136 = tpu.memref_slice %arg8[%run_scoped3A_27, %dma_start3A_134, %dma_start3A_135] : memref<2x256x64xf32, #tpu.memory_space<vmem>> -> memref<1x128x64xf32, #tpu.memory_space<vmem>>
      %dma_start3A_137 = tpu.memref_squeeze %dma_start3A_136 : memref<1x128x64xf32, #tpu.memory_space<vmem>> -> memref<128x64xf32, #tpu.memory_space<vmem>>
      %dma_start3A_138 = arith.constant 0 : i32
      %dma_start3A_139 = tpu.memref_slice %arg10[%add3A_26, %dma_start3A_138] : memref<10240x64xf32, #tpu.memory_space<vmem_shared>> -> memref<128x64xf32, #tpu.memory_space<vmem_shared>>
      %dma_start3A_140 = arith.constant 0 : i32
      %dma_start3A_141 = tpu.memref_slice %arg10[%add3A_26, %dma_start3A_140] : memref<10240x64xf32, #tpu.memory_space<vmem_shared>> -> memref<128x64xf32, #tpu.memory_space<vmem_shared>>
      %dma_start3A_142 = arith.constant 0 : i32
      %dma_start3A_143 = arith.constant 0 : i32
      %dma_start3A_144 = tpu.memref_slice %arg8[%run_scoped3A_27, %dma_start3A_142, %dma_start3A_143] : memref<2x256x64xf32, #tpu.memory_space<vmem>> -> memref<1x128x64xf32, #tpu.memory_space<vmem>>
      %dma_start3A_145 = tpu.memref_squeeze %dma_start3A_144 : memref<1x128x64xf32, #tpu.memory_space<vmem>> -> memref<128x64xf32, #tpu.memory_space<vmem>>
      tpu.enqueue_dma source(%dma_start3A_145 : memref<128x64xf32, #tpu.memory_space<vmem>>) target(%dma_start3A_141 : memref<128x64xf32, #tpu.memory_space<vmem_shared>>) target_semaphore(%run_scoped3A_133 : memref<!tpu.dma_semaphore, #tpu.memory_space<semaphore_mem>>)
      %dma_wait3A_146 = arith.constant 0 : i32
      %dma_wait3A_147 = arith.constant 0 : i32
      %dma_wait3A_148 = tpu.memref_slice %arg8[%run_scoped3A_27, %dma_wait3A_146, %dma_wait3A_147] : memref<2x256x64xf32, #tpu.memory_space<vmem>> -> memref<1x128x64xf32, #tpu.memory_space<vmem>>
      %dma_wait3A_149 = tpu.memref_squeeze %dma_wait3A_148 : memref<1x128x64xf32, #tpu.memory_space<vmem>> -> memref<128x64xf32, #tpu.memory_space<vmem>>
      %dma_wait3A_150 = arith.constant 0 : i32
      %dma_wait3A_151 = tpu.memref_slice %arg10[%add3A_26, %dma_wait3A_150] : memref<10240x64xf32, #tpu.memory_space<vmem_shared>> -> memref<128x64xf32, #tpu.memory_space<vmem_shared>>
      %dma_wait3A_152 = arith.constant 0 : i32
      %dma_wait3A_153 = tpu.memref_slice %arg10[%add3A_26, %dma_wait3A_152] : memref<10240x64xf32, #tpu.memory_space<vmem_shared>> -> memref<128x64xf32, #tpu.memory_space<vmem_shared>>
      %dma_wait3A_154 = arith.constant 0 : i32
      %dma_wait3A_155 = arith.constant 0 : i32
      %dma_wait3A_156 = tpu.memref_slice %arg8[%run_scoped3A_27, %dma_wait3A_154, %dma_wait3A_155] : memref<2x256x64xf32, #tpu.memory_space<vmem>> -> memref<1x128x64xf32, #tpu.memory_space<vmem>>
      %dma_wait3A_157 = tpu.memref_squeeze %dma_wait3A_156 : memref<1x128x64xf32, #tpu.memory_space<vmem>> -> memref<128x64xf32, #tpu.memory_space<vmem>>
      tpu.wait_dma2 semaphore(%run_scoped3A_133 : memref<!tpu.dma_semaphore, #tpu.memory_space<semaphore_mem>>) src(%dma_wait3A_157 : memref<128x64xf32, #tpu.memory_space<vmem>>) dst(%dma_wait3A_153 : memref<128x64xf32, #tpu.memory_space<vmem_shared>>)
      tpu.yield
    }) : () -> ()
    %run_scoped3A_28 = arith.constant 0 : i32
    "tpu.region"() ({
      %run_scoped3A_133 = tpu.sem_alloc : memref<!tpu.dma_semaphore, #tpu.memory_space<semaphore_mem>>
      %dma_start3A_134 = arith.constant 0 : i32
      %dma_start3A_135 = arith.constant 0 : i32
      %dma_start3A_136 = tpu.memref_slice %arg6[%run_scoped3A_28, %dma_start3A_134, %dma_start3A_135] : memref<2x4x256xi32, #tpu.memory_space<vmem>> -> memref<1x4x256xi32, #tpu.memory_space<vmem>>
      %dma_start3A_137 = tpu.memref_squeeze %dma_start3A_136 : memref<1x4x256xi32, #tpu.memory_space<vmem>> -> memref<4x256xi32, #tpu.memory_space<vmem>>
      %dma_start3A_138 = arith.constant 0 : i32
      %dma_start3A_139 = tpu.memref_slice %arg3[%mul3A_2, %dma_start3A_138] : memref<1280x256xi32, #tpu.memory_space<hbm>> -> memref<4x256xi32, #tpu.memory_space<hbm>>
      %dma_start3A_140 = arith.constant 0 : i32
      %dma_start3A_141 = arith.constant 0 : i32
      %dma_start3A_142 = tpu.memref_slice %arg6[%run_scoped3A_28, %dma_start3A_140, %dma_start3A_141] : memref<2x4x256xi32, #tpu.memory_space<vmem>> -> memref<1x4x256xi32, #tpu.memory_space<vmem>>
      %dma_start3A_143 = tpu.memref_squeeze %dma_start3A_142 : memref<1x4x256xi32, #tpu.memory_space<vmem>> -> memref<4x256xi32, #tpu.memory_space<vmem>>
      %dma_start3A_144 = arith.constant 0 : i32
      %dma_start3A_145 = tpu.memref_slice %arg3[%mul3A_2, %dma_start3A_144] : memref<1280x256xi32, #tpu.memory_space<hbm>> -> memref<4x256xi32, #tpu.memory_space<hbm>>
      tpu.enqueue_dma source(%dma_start3A_145 : memref<4x256xi32, #tpu.memory_space<hbm>>) target(%dma_start3A_143 : memref<4x256xi32, #tpu.memory_space<vmem>>) target_semaphore(%run_scoped3A_133 : memref<!tpu.dma_semaphore, #tpu.memory_space<semaphore_mem>>)
      %dma_wait3A_146 = arith.constant 0 : i32
      %dma_wait3A_147 = arith.constant 0 : i32
      %dma_wait3A_148 = tpu.memref_slice %arg6[%run_scoped3A_28, %dma_wait3A_146, %dma_wait3A_147] : memref<2x4x256xi32, #tpu.memory_space<vmem>> -> memref<1x4x256xi32, #tpu.memory_space<vmem>>
      %dma_wait3A_149 = tpu.memref_squeeze %dma_wait3A_148 : memref<1x4x256xi32, #tpu.memory_space<vmem>> -> memref<4x256xi32, #tpu.memory_space<vmem>>
      %dma_wait3A_150 = arith.constant 0 : i32
      %dma_wait3A_151 = tpu.memref_slice %arg3[%mul3A_2, %dma_wait3A_150] : memref<1280x256xi32, #tpu.memory_space<hbm>> -> memref<4x256xi32, #tpu.memory_space<hbm>>
      %dma_wait3A_152 = arith.constant 0 : i32
      %dma_wait3A_153 = arith.constant 0 : i32
      %dma_wait3A_154 = tpu.memref_slice %arg6[%run_scoped3A_28, %dma_wait3A_152, %dma_wait3A_153] : memref<2x4x256xi32, #tpu.memory_space<vmem>> -> memref<1x4x256xi32, #tpu.memory_space<vmem>>
      %dma_wait3A_155 = tpu.memref_squeeze %dma_wait3A_154 : memref<1x4x256xi32, #tpu.memory_space<vmem>> -> memref<4x256xi32, #tpu.memory_space<vmem>>
      %dma_wait3A_156 = arith.constant 0 : i32
      %dma_wait3A_157 = tpu.memref_slice %arg3[%mul3A_2, %dma_wait3A_156] : memref<1280x256xi32, #tpu.memory_space<hbm>> -> memref<4x256xi32, #tpu.memory_space<hbm>>
      tpu.wait_dma2 semaphore(%run_scoped3A_133 : memref<!tpu.dma_semaphore, #tpu.memory_space<semaphore_mem>>) src(%dma_wait3A_157 : memref<4x256xi32, #tpu.memory_space<hbm>>) dst(%dma_wait3A_155 : memref<4x256xi32, #tpu.memory_space<vmem>>)
      tpu.yield
    }) : () -> ()
    %run_scoped3A_29 = arith.constant 0 : i32
    "tpu.region"() ({
      %run_scoped3A_133 = tpu.sem_alloc : memref<!tpu.dma_semaphore, #tpu.memory_space<semaphore_mem>>
      %dma_start3A_134 = arith.constant 0 : i32
      %dma_start3A_135 = arith.constant 0 : i32
      %dma_start3A_136 = tpu.memref_slice %arg7[%run_scoped3A_29, %dma_start3A_134, %dma_start3A_135] : memref<2x4x256xi32, #tpu.memory_space<vmem>> -> memref<1x4x256xi32, #tpu.memory_space<vmem>>
      %dma_start3A_137 = tpu.memref_squeeze %dma_start3A_136 : memref<1x4x256xi32, #tpu.memory_space<vmem>> -> memref<4x256xi32, #tpu.memory_space<vmem>>
      %dma_start3A_138 = arith.constant 0 : i32
      %dma_start3A_139 = tpu.memref_slice %arg4[%mul3A_2, %dma_start3A_138] : memref<1280x256xi32, #tpu.memory_space<hbm>> -> memref<4x256xi32, #tpu.memory_space<hbm>>
      %dma_start3A_140 = arith.constant 0 : i32
      %dma_start3A_141 = arith.constant 0 : i32
      %dma_start3A_142 = tpu.memref_slice %arg7[%run_scoped3A_29, %dma_start3A_140, %dma_start3A_141] : memref<2x4x256xi32, #tpu.memory_space<vmem>> -> memref<1x4x256xi32, #tpu.memory_space<vmem>>
      %dma_start3A_143 = tpu.memref_squeeze %dma_start3A_142 : memref<1x4x256xi32, #tpu.memory_space<vmem>> -> memref<4x256xi32, #tpu.memory_space<vmem>>
      %dma_start3A_144 = arith.constant 0 : i32
      %dma_start3A_145 = tpu.memref_slice %arg4[%mul3A_2, %dma_start3A_144] : memref<1280x256xi32, #tpu.memory_space<hbm>> -> memref<4x256xi32, #tpu.memory_space<hbm>>
      tpu.enqueue_dma source(%dma_start3A_145 : memref<4x256xi32, #tpu.memory_space<hbm>>) target(%dma_start3A_143 : memref<4x256xi32, #tpu.memory_space<vmem>>) target_semaphore(%run_scoped3A_133 : memref<!tpu.dma_semaphore, #tpu.memory_space<semaphore_mem>>)
      %dma_wait3A_146 = arith.constant 0 : i32
      %dma_wait3A_147 = arith.constant 0 : i32
      %dma_wait3A_148 = tpu.memref_slice %arg7[%run_scoped3A_29, %dma_wait3A_146, %dma_wait3A_147] : memref<2x4x256xi32, #tpu.memory_space<vmem>> -> memref<1x4x256xi32, #tpu.memory_space<vmem>>
      %dma_wait3A_149 = tpu.memref_squeeze %dma_wait3A_148 : memref<1x4x256xi32, #tpu.memory_space<vmem>> -> memref<4x256xi32, #tpu.memory_space<vmem>>
      %dma_wait3A_150 = arith.constant 0 : i32
      %dma_wait3A_151 = tpu.memref_slice %arg4[%mul3A_2, %dma_wait3A_150] : memref<1280x256xi32, #tpu.memory_space<hbm>> -> memref<4x256xi32, #tpu.memory_space<hbm>>
      %dma_wait3A_152 = arith.constant 0 : i32
      %dma_wait3A_153 = arith.constant 0 : i32
      %dma_wait3A_154 = tpu.memref_slice %arg7[%run_scoped3A_29, %dma_wait3A_152, %dma_wait3A_153] : memref<2x4x256xi32, #tpu.memory_space<vmem>> -> memref<1x4x256xi32, #tpu.memory_space<vmem>>
      %dma_wait3A_155 = tpu.memref_squeeze %dma_wait3A_154 : memref<1x4x256xi32, #tpu.memory_space<vmem>> -> memref<4x256xi32, #tpu.memory_space<vmem>>
      %dma_wait3A_156 = arith.constant 0 : i32
      %dma_wait3A_157 = tpu.memref_slice %arg4[%mul3A_2, %dma_wait3A_156] : memref<1280x256xi32, #tpu.memory_space<hbm>> -> memref<4x256xi32, #tpu.memory_space<hbm>>
      tpu.wait_dma2 semaphore(%run_scoped3A_133 : memref<!tpu.dma_semaphore, #tpu.memory_space<semaphore_mem>>) src(%dma_wait3A_157 : memref<4x256xi32, #tpu.memory_space<hbm>>) dst(%dma_wait3A_155 : memref<4x256xi32, #tpu.memory_space<vmem>>)
      tpu.yield
    }) : () -> ()
    %barrier3A = arith.constant 0 : index
    tpu.barrier barrier_id(%barrier3A)
    %dma_start3A = arith.constant 0 : i32
    %dma_start3A_30 = arith.constant 0 : i32
    %dma_start3A_31 = arith.constant 0 : i32
    %dma_start3A_32 = arith.constant 0 : i32
    %dma_start3A_33 = arith.constant 0 : i32
    %dma_start3A_34 = tpu.memref_slice %arg8[%dma_start3A_31, %dma_start3A_32, %dma_start3A_33] : memref<2x256x64xf32, #tpu.memory_space<vmem>> -> memref<1x256x64xf32, #tpu.memory_space<vmem>>
    %dma_start3A_35 = tpu.memref_squeeze %dma_start3A_34 : memref<1x256x64xf32, #tpu.memory_space<vmem>> -> memref<256x64xf32, #tpu.memory_space<vmem>>
    %dma_start3A_36 = arith.constant 0 : i32
    %dma_start3A_37 = tpu.memref_slice %arg6[%dma_start3A, %dma_start3A_30, %dma_start3A_36] : memref<2x4x256xi32, #tpu.memory_space<vmem>> -> memref<1x1x256xi32, #tpu.memory_space<vmem>>
    %dma_start3A_38 = tpu.memref_squeeze %dma_start3A_37 : memref<1x1x256xi32, #tpu.memory_space<vmem>> -> memref<256xi32, #tpu.memory_space<vmem>>
    %dma_start3A_39 = arith.constant 0 : i32
    %dma_start3A_40 = arith.constant 0 : i32
    %dma_start3A_41 = tpu.memref_slice %arg9[%dma_start3A_39, %dma_start3A_40] : memref<10240x64xf32, #tpu.memory_space<vmem_shared>> -> memref<10240x64xf32, #tpu.memory_space<vmem_shared>>
    tpu.enqueue_indirect_dma source(%dma_start3A_41 : memref<10240x64xf32, #tpu.memory_space<vmem_shared>>) target(%dma_start3A_35 : memref<256x64xf32, #tpu.memory_space<vmem>>) offsets(%dma_start3A_38 : memref<256xi32, #tpu.memory_space<vmem>>) semaphore(%arg11 : memref<!tpu.dma_semaphore, #tpu.memory_space<semaphore_mem>>)
    %scan3A_42 = arith.constant 0 : i32
    %scan3A_43 = arith.constant 0 : i32
    %scan3A_44 = arith.constant 10 : i32
    %scan3A_45 = arith.addi %scan3A_43, %scan3A_44 : i32
    %scan3A_46 = arith.constant 1 : i32
    scf.for %scan3A_133 = %scan3A_43 to %scan3A_45 step %scan3A_46  : i32 {
      %jit3A = arith.constant 2 : i32
      %eq3A = arith.constant 0 : i32
      %eq3A_134 = arith.cmpi eq, %jit3A, %eq3A : i32
      %jit3A_135 = arith.constant 1 : i32
      %select_n3A = arith.select %eq3A_134, %jit3A_135, %jit3A : i32
      %rem3A = arith.remsi %scan3A_133, %select_n3A : i32
      %ne3A = arith.constant 0 : i32
      %ne3A_136 = arith.cmpi ne, %rem3A, %ne3A : i32
      %lt3A = arith.constant 0 : i32
      %lt3A_137 = arith.cmpi slt, %rem3A, %lt3A : i32
      %lt3A_138 = arith.constant 0 : i32
      %lt3A_139 = arith.cmpi slt, %select_n3A, %lt3A_138 : i32
      %ne3A_140 = arith.xori %lt3A_137, %lt3A_139 : i1
      %and3A = arith.andi %ne3A_140, %ne3A_136 : i1
      %add3A_141 = arith.addi %rem3A, %select_n3A : i32
      %select_n3A_142 = arith.select %and3A, %add3A_141, %rem3A : i32
      %add3A_143 = arith.constant 1 : i32
      %add3A_144 = arith.addi %scan3A_133, %add3A_143 : i32
      %jit3A_145 = arith.constant 2 : i32
      %eq3A_146 = arith.constant 0 : i32
      %eq3A_147 = arith.cmpi eq, %jit3A_145, %eq3A_146 : i32
      %jit3A_148 = arith.constant 1 : i32
      %select_n3A_149 = arith.select %eq3A_147, %jit3A_148, %jit3A_145 : i32
      %rem3A_150 = arith.remsi %add3A_144, %select_n3A_149 : i32
      %ne3A_151 = arith.constant 0 : i32
      %ne3A_152 = arith.cmpi ne, %rem3A_150, %ne3A_151 : i32
      %lt3A_153 = arith.constant 0 : i32
      %lt3A_154 = arith.cmpi slt, %rem3A_150, %lt3A_153 : i32
      %lt3A_155 = arith.constant 0 : i32
      %lt3A_156 = arith.cmpi slt, %select_n3A_149, %lt3A_155 : i32
      %ne3A_157 = arith.xori %lt3A_154, %lt3A_156 : i1
      %and3A_158 = arith.andi %ne3A_157, %ne3A_152 : i1
      %add3A_159 = arith.addi %rem3A_150, %select_n3A_149 : i32
      %select_n3A_160 = arith.select %and3A_158, %add3A_159, %rem3A_150 : i32
      %dma_wait3A_161 = arith.constant 0 : i32
      %dma_wait3A_162 = arith.constant 0 : i32
      %dma_wait3A_163 = arith.constant 0 : i32
      %dma_wait3A_164 = arith.constant 0 : i32
      %dma_wait3A_165 = tpu.memref_slice %arg8[%dma_wait3A_162, %dma_wait3A_163, %dma_wait3A_164] : memref<2x256x64xf32, #tpu.memory_space<vmem>> -> memref<1x256x64xf32, #tpu.memory_space<vmem>>
      %dma_wait3A_166 = tpu.memref_squeeze %dma_wait3A_165 : memref<1x256x64xf32, #tpu.memory_space<vmem>> -> memref<256x64xf32, #tpu.memory_space<vmem>>
      %dma_wait3A_167 = arith.constant 0 : i32
      %dma_wait3A_168 = tpu.memref_slice %arg6[%select_n3A_142, %dma_wait3A_161, %dma_wait3A_167] : memref<2x4x256xi32, #tpu.memory_space<vmem>> -> memref<1x1x256xi32, #tpu.memory_space<vmem>>
      %dma_wait3A_169 = tpu.memref_squeeze %dma_wait3A_168 : memref<1x1x256xi32, #tpu.memory_space<vmem>> -> memref<256xi32, #tpu.memory_space<vmem>>
      %dma_wait3A_170 = arith.constant 0 : i32
      %dma_wait3A_171 = arith.constant 0 : i32
      %dma_wait3A_172 = tpu.memref_slice %arg9[%dma_wait3A_170, %dma_wait3A_171] : memref<10240x64xf32, #tpu.memory_space<vmem_shared>> -> memref<10240x64xf32, #tpu.memory_space<vmem_shared>>
      tpu.wait_indirect_dma semaphore(%arg11 : memref<!tpu.dma_semaphore, #tpu.memory_space<semaphore_mem>>) src(%dma_wait3A_172 : memref<10240x64xf32, #tpu.memory_space<vmem_shared>>) dst(%dma_wait3A_166 : memref<256x64xf32, #tpu.memory_space<vmem>>)
      %ge3A = arith.constant 1 : i32
      %ge3A_173 = arith.cmpi sge, %scan3A_133, %ge3A : i32
      %convert_element_type3A = arith.extui %ge3A_173 : i1 to i32
      %cond3A = arith.constant 0 : i32
      %cond3A_174 = arith.cmpi ne, %convert_element_type3A, %cond3A : i32
      scf.if %cond3A_174 {
        %dma_wait3A_341 = arith.constant 1 : i32
        %dma_wait3A_342 = arith.constant 0 : i32
        %dma_wait3A_343 = arith.constant 0 : i32
        %dma_wait3A_344 = arith.constant 0 : i32
        %dma_wait3A_345 = tpu.memref_slice %arg8[%dma_wait3A_341, %dma_wait3A_343, %dma_wait3A_344] : memref<2x256x64xf32, #tpu.memory_space<vmem>> -> memref<1x256x64xf32, #tpu.memory_space<vmem>>
        %dma_wait3A_346 = tpu.memref_squeeze %dma_wait3A_345 : memref<1x256x64xf32, #tpu.memory_space<vmem>> -> memref<256x64xf32, #tpu.memory_space<vmem>>
        %dma_wait3A_347 = arith.constant 0 : i32
        %dma_wait3A_348 = tpu.memref_slice %arg7[%select_n3A_142, %dma_wait3A_342, %dma_wait3A_347] : memref<2x4x256xi32, #tpu.memory_space<vmem>> -> memref<1x1x256xi32, #tpu.memory_space<vmem>>
        %dma_wait3A_349 = tpu.memref_squeeze %dma_wait3A_348 : memref<1x1x256xi32, #tpu.memory_space<vmem>> -> memref<256xi32, #tpu.memory_space<vmem>>
        %dma_wait3A_350 = arith.constant 0 : i32
        %dma_wait3A_351 = arith.constant 0 : i32
        %dma_wait3A_352 = tpu.memref_slice %arg10[%dma_wait3A_350, %dma_wait3A_351] : memref<10240x64xf32, #tpu.memory_space<vmem_shared>> -> memref<10240x64xf32, #tpu.memory_space<vmem_shared>>
        tpu.wait_indirect_dma semaphore(%arg14 : memref<!tpu.dma_semaphore, #tpu.memory_space<semaphore_mem>>) src(%dma_wait3A_346 : memref<256x64xf32, #tpu.memory_space<vmem>>) dst(%dma_wait3A_352 : memref<10240x64xf32, #tpu.memory_space<vmem_shared>>)
      } else {
      }
      %lt3A_175 = arith.constant 9 : i32
      %lt3A_176 = arith.cmpi slt, %scan3A_133, %lt3A_175 : i32
      %convert_element_type3A_177 = arith.extui %lt3A_176 : i1 to i32
      %cond3A_178 = arith.constant 0 : i32
      %cond3A_179 = arith.cmpi ne, %convert_element_type3A_177, %cond3A_178 : i32
      scf.if %cond3A_179 {
        %add3A_341 = arith.constant 1 : i32
        %add3A_342 = arith.addi %scan3A_133, %add3A_341 : i32
        %mul3A_343 = arith.constant 4 : i32
        %mul3A_344 = arith.muli %add3A_342, %mul3A_343 : i32
        %add3A_345 = arith.addi %mul3A_2, %mul3A_344 : i32
        %dma_start3A_346 = arith.constant 0 : i32
        %dma_start3A_347 = arith.constant 0 : i32
        %dma_start3A_348 = tpu.memref_slice %arg6[%select_n3A_160, %dma_start3A_346, %dma_start3A_347] : memref<2x4x256xi32, #tpu.memory_space<vmem>> -> memref<1x4x256xi32, #tpu.memory_space<vmem>>
        %dma_start3A_349 = tpu.memref_squeeze %dma_start3A_348 : memref<1x4x256xi32, #tpu.memory_space<vmem>> -> memref<4x256xi32, #tpu.memory_space<vmem>>
        %dma_start3A_350 = arith.constant 0 : i32
        %dma_start3A_351 = tpu.memref_slice %arg3[%add3A_345, %dma_start3A_350] : memref<1280x256xi32, #tpu.memory_space<hbm>> -> memref<4x256xi32, #tpu.memory_space<hbm>>
        %dma_start3A_352 = arith.constant 0 : i32
        %dma_start3A_353 = arith.constant 0 : i32
        %dma_start3A_354 = tpu.memref_slice %arg6[%select_n3A_160, %dma_start3A_352, %dma_start3A_353] : memref<2x4x256xi32, #tpu.memory_space<vmem>> -> memref<1x4x256xi32, #tpu.memory_space<vmem>>
        %dma_start3A_355 = tpu.memref_squeeze %dma_start3A_354 : memref<1x4x256xi32, #tpu.memory_space<vmem>> -> memref<4x256xi32, #tpu.memory_space<vmem>>
        %dma_start3A_356 = arith.constant 0 : i32
        %dma_start3A_357 = tpu.memref_slice %arg3[%add3A_345, %dma_start3A_356] : memref<1280x256xi32, #tpu.memory_space<hbm>> -> memref<4x256xi32, #tpu.memory_space<hbm>>
        tpu.enqueue_dma source(%dma_start3A_357 : memref<4x256xi32, #tpu.memory_space<hbm>>) target(%dma_start3A_355 : memref<4x256xi32, #tpu.memory_space<vmem>>) target_semaphore(%arg15 : memref<!tpu.dma_semaphore, #tpu.memory_space<semaphore_mem>>)
        %add3A_358 = arith.constant 1 : i32
        %add3A_359 = arith.addi %scan3A_133, %add3A_358 : i32
        %mul3A_360 = arith.constant 4 : i32
        %mul3A_361 = arith.muli %add3A_359, %mul3A_360 : i32
        %add3A_362 = arith.addi %mul3A_2, %mul3A_361 : i32
        %dma_start3A_363 = arith.constant 0 : i32
        %dma_start3A_364 = arith.constant 0 : i32
        %dma_start3A_365 = tpu.memref_slice %arg7[%select_n3A_160, %dma_start3A_363, %dma_start3A_364] : memref<2x4x256xi32, #tpu.memory_space<vmem>> -> memref<1x4x256xi32, #tpu.memory_space<vmem>>
        %dma_start3A_366 = tpu.memref_squeeze %dma_start3A_365 : memref<1x4x256xi32, #tpu.memory_space<vmem>> -> memref<4x256xi32, #tpu.memory_space<vmem>>
        %dma_start3A_367 = arith.constant 0 : i32
        %dma_start3A_368 = tpu.memref_slice %arg4[%add3A_362, %dma_start3A_367] : memref<1280x256xi32, #tpu.memory_space<hbm>> -> memref<4x256xi32, #tpu.memory_space<hbm>>
        %dma_start3A_369 = arith.constant 0 : i32
        %dma_start3A_370 = arith.constant 0 : i32
        %dma_start3A_371 = tpu.memref_slice %arg7[%select_n3A_160, %dma_start3A_369, %dma_start3A_370] : memref<2x4x256xi32, #tpu.memory_space<vmem>> -> memref<1x4x256xi32, #tpu.memory_space<vmem>>
        %dma_start3A_372 = tpu.memref_squeeze %dma_start3A_371 : memref<1x4x256xi32, #tpu.memory_space<vmem>> -> memref<4x256xi32, #tpu.memory_space<vmem>>
        %dma_start3A_373 = arith.constant 0 : i32
        %dma_start3A_374 = tpu.memref_slice %arg4[%add3A_362, %dma_start3A_373] : memref<1280x256xi32, #tpu.memory_space<hbm>> -> memref<4x256xi32, #tpu.memory_space<hbm>>
        tpu.enqueue_dma source(%dma_start3A_374 : memref<4x256xi32, #tpu.memory_space<hbm>>) target(%dma_start3A_372 : memref<4x256xi32, #tpu.memory_space<vmem>>) target_semaphore(%arg16 : memref<!tpu.dma_semaphore, #tpu.memory_space<semaphore_mem>>)
      } else {
      }
      %dma_start3A_180 = arith.constant 1 : i32
      %dma_start3A_181 = arith.constant 1 : i32
      %dma_start3A_182 = arith.constant 0 : i32
      %dma_start3A_183 = arith.constant 0 : i32
      %dma_start3A_184 = tpu.memref_slice %arg8[%dma_start3A_181, %dma_start3A_182, %dma_start3A_183] : memref<2x256x64xf32, #tpu.memory_space<vmem>> -> memref<1x256x64xf32, #tpu.memory_space<vmem>>
      %dma_start3A_185 = tpu.memref_squeeze %dma_start3A_184 : memref<1x256x64xf32, #tpu.memory_space<vmem>> -> memref<256x64xf32, #tpu.memory_space<vmem>>
      %dma_start3A_186 = arith.constant 0 : i32
      %dma_start3A_187 = tpu.memref_slice %arg6[%select_n3A_142, %dma_start3A_180, %dma_start3A_186] : memref<2x4x256xi32, #tpu.memory_space<vmem>> -> memref<1x1x256xi32, #tpu.memory_space<vmem>>
      %dma_start3A_188 = tpu.memref_squeeze %dma_start3A_187 : memref<1x1x256xi32, #tpu.memory_space<vmem>> -> memref<256xi32, #tpu.memory_space<vmem>>
      %dma_start3A_189 = arith.constant 0 : i32
      %dma_start3A_190 = arith.constant 0 : i32
      %dma_start3A_191 = tpu.memref_slice %arg9[%dma_start3A_189, %dma_start3A_190] : memref<10240x64xf32, #tpu.memory_space<vmem_shared>> -> memref<10240x64xf32, #tpu.memory_space<vmem_shared>>
      tpu.enqueue_indirect_dma source(%dma_start3A_191 : memref<10240x64xf32, #tpu.memory_space<vmem_shared>>) target(%dma_start3A_185 : memref<256x64xf32, #tpu.memory_space<vmem>>) offsets(%dma_start3A_188 : memref<256xi32, #tpu.memory_space<vmem>>) semaphore(%arg12 : memref<!tpu.dma_semaphore, #tpu.memory_space<semaphore_mem>>)
      %dma_start3A_192 = arith.constant 0 : i32
      %dma_start3A_193 = arith.constant 0 : i32
      %dma_start3A_194 = arith.constant 0 : i32
      %dma_start3A_195 = arith.constant 0 : i32
      %dma_start3A_196 = tpu.memref_slice %arg8[%dma_start3A_192, %dma_start3A_194, %dma_start3A_195] : memref<2x256x64xf32, #tpu.memory_space<vmem>> -> memref<1x256x64xf32, #tpu.memory_space<vmem>>
      %dma_start3A_197 = tpu.memref_squeeze %dma_start3A_196 : memref<1x256x64xf32, #tpu.memory_space<vmem>> -> memref<256x64xf32, #tpu.memory_space<vmem>>
      %dma_start3A_198 = arith.constant 0 : i32
      %dma_start3A_199 = tpu.memref_slice %arg7[%select_n3A_142, %dma_start3A_193, %dma_start3A_198] : memref<2x4x256xi32, #tpu.memory_space<vmem>> -> memref<1x1x256xi32, #tpu.memory_space<vmem>>
      %dma_start3A_200 = tpu.memref_squeeze %dma_start3A_199 : memref<1x1x256xi32, #tpu.memory_space<vmem>> -> memref<256xi32, #tpu.memory_space<vmem>>
      %dma_start3A_201 = arith.constant 0 : i32
      %dma_start3A_202 = arith.constant 0 : i32
      %dma_start3A_203 = tpu.memref_slice %arg10[%dma_start3A_201, %dma_start3A_202] : memref<10240x64xf32, #tpu.memory_space<vmem_shared>> -> memref<10240x64xf32, #tpu.memory_space<vmem_shared>>
      tpu.enqueue_indirect_dma source(%dma_start3A_197 : memref<256x64xf32, #tpu.memory_space<vmem>>) target(%dma_start3A_203 : memref<10240x64xf32, #tpu.memory_space<vmem_shared>>) offsets(%dma_start3A_200 : memref<256xi32, #tpu.memory_space<vmem>>) semaphore(%arg13 : memref<!tpu.dma_semaphore, #tpu.memory_space<semaphore_mem>>) {add = true}
      %dma_wait3A_204 = arith.constant 1 : i32
      %dma_wait3A_205 = arith.constant 1 : i32
      %dma_wait3A_206 = arith.constant 0 : i32
      %dma_wait3A_207 = arith.constant 0 : i32
      %dma_wait3A_208 = tpu.memref_slice %arg8[%dma_wait3A_205, %dma_wait3A_206, %dma_wait3A_207] : memref<2x256x64xf32, #tpu.memory_space<vmem>> -> memref<1x256x64xf32, #tpu.memory_space<vmem>>
      %dma_wait3A_209 = tpu.memref_squeeze %dma_wait3A_208 : memref<1x256x64xf32, #tpu.memory_space<vmem>> -> memref<256x64xf32, #tpu.memory_space<vmem>>
      %dma_wait3A_210 = arith.constant 0 : i32
      %dma_wait3A_211 = tpu.memref_slice %arg6[%select_n3A_142, %dma_wait3A_204, %dma_wait3A_210] : memref<2x4x256xi32, #tpu.memory_space<vmem>> -> memref<1x1x256xi32, #tpu.memory_space<vmem>>
      %dma_wait3A_212 = tpu.memref_squeeze %dma_wait3A_211 : memref<1x1x256xi32, #tpu.memory_space<vmem>> -> memref<256xi32, #tpu.memory_space<vmem>>
      %dma_wait3A_213 = arith.constant 0 : i32
      %dma_wait3A_214 = arith.constant 0 : i32
      %dma_wait3A_215 = tpu.memref_slice %arg9[%dma_wait3A_213, %dma_wait3A_214] : memref<10240x64xf32, #tpu.memory_space<vmem_shared>> -> memref<10240x64xf32, #tpu.memory_space<vmem_shared>>
      tpu.wait_indirect_dma semaphore(%arg12 : memref<!tpu.dma_semaphore, #tpu.memory_space<semaphore_mem>>) src(%dma_wait3A_215 : memref<10240x64xf32, #tpu.memory_space<vmem_shared>>) dst(%dma_wait3A_209 : memref<256x64xf32, #tpu.memory_space<vmem>>)
      %dma_wait3A_216 = arith.constant 0 : i32
      %dma_wait3A_217 = arith.constant 0 : i32
      %dma_wait3A_218 = arith.constant 0 : i32
      %dma_wait3A_219 = arith.constant 0 : i32
      %dma_wait3A_220 = tpu.memref_slice %arg8[%dma_wait3A_216, %dma_wait3A_218, %dma_wait3A_219] : memref<2x256x64xf32, #tpu.memory_space<vmem>> -> memref<1x256x64xf32, #tpu.memory_space<vmem>>
      %dma_wait3A_221 = tpu.memref_squeeze %dma_wait3A_220 : memref<1x256x64xf32, #tpu.memory_space<vmem>> -> memref<256x64xf32, #tpu.memory_space<vmem>>
      %dma_wait3A_222 = arith.constant 0 : i32
      %dma_wait3A_223 = tpu.memref_slice %arg7[%select_n3A_142, %dma_wait3A_217, %dma_wait3A_222] : memref<2x4x256xi32, #tpu.memory_space<vmem>> -> memref<1x1x256xi32, #tpu.memory_space<vmem>>
      %dma_wait3A_224 = tpu.memref_squeeze %dma_wait3A_223 : memref<1x1x256xi32, #tpu.memory_space<vmem>> -> memref<256xi32, #tpu.memory_space<vmem>>
      %dma_wait3A_225 = arith.constant 0 : i32
      %dma_wait3A_226 = arith.constant 0 : i32
      %dma_wait3A_227 = tpu.memref_slice %arg10[%dma_wait3A_225, %dma_wait3A_226] : memref<10240x64xf32, #tpu.memory_space<vmem_shared>> -> memref<10240x64xf32, #tpu.memory_space<vmem_shared>>
      tpu.wait_indirect_dma semaphore(%arg13 : memref<!tpu.dma_semaphore, #tpu.memory_space<semaphore_mem>>) src(%dma_wait3A_221 : memref<256x64xf32, #tpu.memory_space<vmem>>) dst(%dma_wait3A_227 : memref<10240x64xf32, #tpu.memory_space<vmem_shared>>)
      %dma_start3A_228 = arith.constant 2 : i32
      %dma_start3A_229 = arith.constant 0 : i32
      %dma_start3A_230 = arith.constant 0 : i32
      %dma_start3A_231 = arith.constant 0 : i32
      %dma_start3A_232 = tpu.memref_slice %arg8[%dma_start3A_229, %dma_start3A_230, %dma_start3A_231] : memref<2x256x64xf32, #tpu.memory_space<vmem>> -> memref<1x256x64xf32, #tpu.memory_space<vmem>>
      %dma_start3A_233 = tpu.memref_squeeze %dma_start3A_232 : memref<1x256x64xf32, #tpu.memory_space<vmem>> -> memref<256x64xf32, #tpu.memory_space<vmem>>
      %dma_start3A_234 = arith.constant 0 : i32
      %dma_start3A_235 = tpu.memref_slice %arg6[%select_n3A_142, %dma_start3A_228, %dma_start3A_234] : memref<2x4x256xi32, #tpu.memory_space<vmem>> -> memref<1x1x256xi32, #tpu.memory_space<vmem>>
      %dma_start3A_236 = tpu.memref_squeeze %dma_start3A_235 : memref<1x1x256xi32, #tpu.memory_space<vmem>> -> memref<256xi32, #tpu.memory_space<vmem>>
      %dma_start3A_237 = arith.constant 0 : i32
      %dma_start3A_238 = arith.constant 0 : i32
      %dma_start3A_239 = tpu.memref_slice %arg9[%dma_start3A_237, %dma_start3A_238] : memref<10240x64xf32, #tpu.memory_space<vmem_shared>> -> memref<10240x64xf32, #tpu.memory_space<vmem_shared>>
      tpu.enqueue_indirect_dma source(%dma_start3A_239 : memref<10240x64xf32, #tpu.memory_space<vmem_shared>>) target(%dma_start3A_233 : memref<256x64xf32, #tpu.memory_space<vmem>>) offsets(%dma_start3A_236 : memref<256xi32, #tpu.memory_space<vmem>>) semaphore(%arg11 : memref<!tpu.dma_semaphore, #tpu.memory_space<semaphore_mem>>)
      %dma_start3A_240 = arith.constant 1 : i32
      %dma_start3A_241 = arith.constant 1 : i32
      %dma_start3A_242 = arith.constant 0 : i32
      %dma_start3A_243 = arith.constant 0 : i32
      %dma_start3A_244 = tpu.memref_slice %arg8[%dma_start3A_240, %dma_start3A_242, %dma_start3A_243] : memref<2x256x64xf32, #tpu.memory_space<vmem>> -> memref<1x256x64xf32, #tpu.memory_space<vmem>>
      %dma_start3A_245 = tpu.memref_squeeze %dma_start3A_244 : memref<1x256x64xf32, #tpu.memory_space<vmem>> -> memref<256x64xf32, #tpu.memory_space<vmem>>
      %dma_start3A_246 = arith.constant 0 : i32
      %dma_start3A_247 = tpu.memref_slice %arg7[%select_n3A_142, %dma_start3A_241, %dma_start3A_246] : memref<2x4x256xi32, #tpu.memory_space<vmem>> -> memref<1x1x256xi32, #tpu.memory_space<vmem>>
      %dma_start3A_248 = tpu.memref_squeeze %dma_start3A_247 : memref<1x1x256xi32, #tpu.memory_space<vmem>> -> memref<256xi32, #tpu.memory_space<vmem>>
      %dma_start3A_249 = arith.constant 0 : i32
      %dma_start3A_250 = arith.constant 0 : i32
      %dma_start3A_251 = tpu.memref_slice %arg10[%dma_start3A_249, %dma_start3A_250] : memref<10240x64xf32, #tpu.memory_space<vmem_shared>> -> memref<10240x64xf32, #tpu.memory_space<vmem_shared>>
      tpu.enqueue_indirect_dma source(%dma_start3A_245 : memref<256x64xf32, #tpu.memory_space<vmem>>) target(%dma_start3A_251 : memref<10240x64xf32, #tpu.memory_space<vmem_shared>>) offsets(%dma_start3A_248 : memref<256xi32, #tpu.memory_space<vmem>>) semaphore(%arg14 : memref<!tpu.dma_semaphore, #tpu.memory_space<semaphore_mem>>) {add = true}
      %dma_wait3A_252 = arith.constant 2 : i32
      %dma_wait3A_253 = arith.constant 0 : i32
      %dma_wait3A_254 = arith.constant 0 : i32
      %dma_wait3A_255 = arith.constant 0 : i32
      %dma_wait3A_256 = tpu.memref_slice %arg8[%dma_wait3A_253, %dma_wait3A_254, %dma_wait3A_255] : memref<2x256x64xf32, #tpu.memory_space<vmem>> -> memref<1x256x64xf32, #tpu.memory_space<vmem>>
      %dma_wait3A_257 = tpu.memref_squeeze %dma_wait3A_256 : memref<1x256x64xf32, #tpu.memory_space<vmem>> -> memref<256x64xf32, #tpu.memory_space<vmem>>
      %dma_wait3A_258 = arith.constant 0 : i32
      %dma_wait3A_259 = tpu.memref_slice %arg6[%select_n3A_142, %dma_wait3A_252, %dma_wait3A_258] : memref<2x4x256xi32, #tpu.memory_space<vmem>> -> memref<1x1x256xi32, #tpu.memory_space<vmem>>
      %dma_wait3A_260 = tpu.memref_squeeze %dma_wait3A_259 : memref<1x1x256xi32, #tpu.memory_space<vmem>> -> memref<256xi32, #tpu.memory_space<vmem>>
      %dma_wait3A_261 = arith.constant 0 : i32
      %dma_wait3A_262 = arith.constant 0 : i32
      %dma_wait3A_263 = tpu.memref_slice %arg9[%dma_wait3A_261, %dma_wait3A_262] : memref<10240x64xf32, #tpu.memory_space<vmem_shared>> -> memref<10240x64xf32, #tpu.memory_space<vmem_shared>>
      tpu.wait_indirect_dma semaphore(%arg11 : memref<!tpu.dma_semaphore, #tpu.memory_space<semaphore_mem>>) src(%dma_wait3A_263 : memref<10240x64xf32, #tpu.memory_space<vmem_shared>>) dst(%dma_wait3A_257 : memref<256x64xf32, #tpu.memory_space<vmem>>)
      %dma_wait3A_264 = arith.constant 1 : i32
      %dma_wait3A_265 = arith.constant 0 : i32
      %dma_wait3A_266 = arith.constant 0 : i32
      %dma_wait3A_267 = arith.constant 0 : i32
      %dma_wait3A_268 = tpu.memref_slice %arg8[%dma_wait3A_264, %dma_wait3A_266, %dma_wait3A_267] : memref<2x256x64xf32, #tpu.memory_space<vmem>> -> memref<1x256x64xf32, #tpu.memory_space<vmem>>
      %dma_wait3A_269 = tpu.memref_squeeze %dma_wait3A_268 : memref<1x256x64xf32, #tpu.memory_space<vmem>> -> memref<256x64xf32, #tpu.memory_space<vmem>>
      %dma_wait3A_270 = arith.constant 0 : i32
      %dma_wait3A_271 = tpu.memref_slice %arg7[%select_n3A_142, %dma_wait3A_265, %dma_wait3A_270] : memref<2x4x256xi32, #tpu.memory_space<vmem>> -> memref<1x1x256xi32, #tpu.memory_space<vmem>>
      %dma_wait3A_272 = tpu.memref_squeeze %dma_wait3A_271 : memref<1x1x256xi32, #tpu.memory_space<vmem>> -> memref<256xi32, #tpu.memory_space<vmem>>
      %dma_wait3A_273 = arith.constant 0 : i32
      %dma_wait3A_274 = arith.constant 0 : i32
      %dma_wait3A_275 = tpu.memref_slice %arg10[%dma_wait3A_273, %dma_wait3A_274] : memref<10240x64xf32, #tpu.memory_space<vmem_shared>> -> memref<10240x64xf32, #tpu.memory_space<vmem_shared>>
      tpu.wait_indirect_dma semaphore(%arg14 : memref<!tpu.dma_semaphore, #tpu.memory_space<semaphore_mem>>) src(%dma_wait3A_269 : memref<256x64xf32, #tpu.memory_space<vmem>>) dst(%dma_wait3A_275 : memref<10240x64xf32, #tpu.memory_space<vmem_shared>>)
      %dma_start3A_276 = arith.constant 3 : i32
      %dma_start3A_277 = arith.constant 1 : i32
      %dma_start3A_278 = arith.constant 0 : i32
      %dma_start3A_279 = arith.constant 0 : i32
      %dma_start3A_280 = tpu.memref_slice %arg8[%dma_start3A_277, %dma_start3A_278, %dma_start3A_279] : memref<2x256x64xf32, #tpu.memory_space<vmem>> -> memref<1x256x64xf32, #tpu.memory_space<vmem>>
      %dma_start3A_281 = tpu.memref_squeeze %dma_start3A_280 : memref<1x256x64xf32, #tpu.memory_space<vmem>> -> memref<256x64xf32, #tpu.memory_space<vmem>>
      %dma_start3A_282 = arith.constant 0 : i32
      %dma_start3A_283 = tpu.memref_slice %arg6[%select_n3A_142, %dma_start3A_276, %dma_start3A_282] : memref<2x4x256xi32, #tpu.memory_space<vmem>> -> memref<1x1x256xi32, #tpu.memory_space<vmem>>
      %dma_start3A_284 = tpu.memref_squeeze %dma_start3A_283 : memref<1x1x256xi32, #tpu.memory_space<vmem>> -> memref<256xi32, #tpu.memory_space<vmem>>
      %dma_start3A_285 = arith.constant 0 : i32
      %dma_start3A_286 = arith.constant 0 : i32
      %dma_start3A_287 = tpu.memref_slice %arg9[%dma_start3A_285, %dma_start3A_286] : memref<10240x64xf32, #tpu.memory_space<vmem_shared>> -> memref<10240x64xf32, #tpu.memory_space<vmem_shared>>
      tpu.enqueue_indirect_dma source(%dma_start3A_287 : memref<10240x64xf32, #tpu.memory_space<vmem_shared>>) target(%dma_start3A_281 : memref<256x64xf32, #tpu.memory_space<vmem>>) offsets(%dma_start3A_284 : memref<256xi32, #tpu.memory_space<vmem>>) semaphore(%arg12 : memref<!tpu.dma_semaphore, #tpu.memory_space<semaphore_mem>>)
      %dma_start3A_288 = arith.constant 0 : i32
      %dma_start3A_289 = arith.constant 2 : i32
      %dma_start3A_290 = arith.constant 0 : i32
      %dma_start3A_291 = arith.constant 0 : i32
      %dma_start3A_292 = tpu.memref_slice %arg8[%dma_start3A_288, %dma_start3A_290, %dma_start3A_291] : memref<2x256x64xf32, #tpu.memory_space<vmem>> -> memref<1x256x64xf32, #tpu.memory_space<vmem>>
      %dma_start3A_293 = tpu.memref_squeeze %dma_start3A_292 : memref<1x256x64xf32, #tpu.memory_space<vmem>> -> memref<256x64xf32, #tpu.memory_space<vmem>>
      %dma_start3A_294 = arith.constant 0 : i32
      %dma_start3A_295 = tpu.memref_slice %arg7[%select_n3A_142, %dma_start3A_289, %dma_start3A_294] : memref<2x4x256xi32, #tpu.memory_space<vmem>> -> memref<1x1x256xi32, #tpu.memory_space<vmem>>
      %dma_start3A_296 = tpu.memref_squeeze %dma_start3A_295 : memref<1x1x256xi32, #tpu.memory_space<vmem>> -> memref<256xi32, #tpu.memory_space<vmem>>
      %dma_start3A_297 = arith.constant 0 : i32
      %dma_start3A_298 = arith.constant 0 : i32
      %dma_start3A_299 = tpu.memref_slice %arg10[%dma_start3A_297, %dma_start3A_298] : memref<10240x64xf32, #tpu.memory_space<vmem_shared>> -> memref<10240x64xf32, #tpu.memory_space<vmem_shared>>
      tpu.enqueue_indirect_dma source(%dma_start3A_293 : memref<256x64xf32, #tpu.memory_space<vmem>>) target(%dma_start3A_299 : memref<10240x64xf32, #tpu.memory_space<vmem_shared>>) offsets(%dma_start3A_296 : memref<256xi32, #tpu.memory_space<vmem>>) semaphore(%arg13 : memref<!tpu.dma_semaphore, #tpu.memory_space<semaphore_mem>>) {add = true}
      %dma_wait3A_300 = arith.constant 3 : i32
      %dma_wait3A_301 = arith.constant 1 : i32
      %dma_wait3A_302 = arith.constant 0 : i32
      %dma_wait3A_303 = arith.constant 0 : i32
      %dma_wait3A_304 = tpu.memref_slice %arg8[%dma_wait3A_301, %dma_wait3A_302, %dma_wait3A_303] : memref<2x256x64xf32, #tpu.memory_space<vmem>> -> memref<1x256x64xf32, #tpu.memory_space<vmem>>
      %dma_wait3A_305 = tpu.memref_squeeze %dma_wait3A_304 : memref<1x256x64xf32, #tpu.memory_space<vmem>> -> memref<256x64xf32, #tpu.memory_space<vmem>>
      %dma_wait3A_306 = arith.constant 0 : i32
      %dma_wait3A_307 = tpu.memref_slice %arg6[%select_n3A_142, %dma_wait3A_300, %dma_wait3A_306] : memref<2x4x256xi32, #tpu.memory_space<vmem>> -> memref<1x1x256xi32, #tpu.memory_space<vmem>>
      %dma_wait3A_308 = tpu.memref_squeeze %dma_wait3A_307 : memref<1x1x256xi32, #tpu.memory_space<vmem>> -> memref<256xi32, #tpu.memory_space<vmem>>
      %dma_wait3A_309 = arith.constant 0 : i32
      %dma_wait3A_310 = arith.constant 0 : i32
      %dma_wait3A_311 = tpu.memref_slice %arg9[%dma_wait3A_309, %dma_wait3A_310] : memref<10240x64xf32, #tpu.memory_space<vmem_shared>> -> memref<10240x64xf32, #tpu.memory_space<vmem_shared>>
      tpu.wait_indirect_dma semaphore(%arg12 : memref<!tpu.dma_semaphore, #tpu.memory_space<semaphore_mem>>) src(%dma_wait3A_311 : memref<10240x64xf32, #tpu.memory_space<vmem_shared>>) dst(%dma_wait3A_305 : memref<256x64xf32, #tpu.memory_space<vmem>>)
      %dma_wait3A_312 = arith.constant 0 : i32
      %dma_wait3A_313 = arith.constant 0 : i32
      %dma_wait3A_314 = arith.constant 0 : i32
      %dma_wait3A_315 = arith.constant 0 : i32
      %dma_wait3A_316 = tpu.memref_slice %arg8[%dma_wait3A_312, %dma_wait3A_314, %dma_wait3A_315] : memref<2x256x64xf32, #tpu.memory_space<vmem>> -> memref<1x256x64xf32, #tpu.memory_space<vmem>>
      %dma_wait3A_317 = tpu.memref_squeeze %dma_wait3A_316 : memref<1x256x64xf32, #tpu.memory_space<vmem>> -> memref<256x64xf32, #tpu.memory_space<vmem>>
      %dma_wait3A_318 = arith.constant 0 : i32
      %dma_wait3A_319 = tpu.memref_slice %arg7[%select_n3A_142, %dma_wait3A_313, %dma_wait3A_318] : memref<2x4x256xi32, #tpu.memory_space<vmem>> -> memref<1x1x256xi32, #tpu.memory_space<vmem>>
      %dma_wait3A_320 = tpu.memref_squeeze %dma_wait3A_319 : memref<1x1x256xi32, #tpu.memory_space<vmem>> -> memref<256xi32, #tpu.memory_space<vmem>>
      %dma_wait3A_321 = arith.constant 0 : i32
      %dma_wait3A_322 = arith.constant 0 : i32
      %dma_wait3A_323 = tpu.memref_slice %arg10[%dma_wait3A_321, %dma_wait3A_322] : memref<10240x64xf32, #tpu.memory_space<vmem_shared>> -> memref<10240x64xf32, #tpu.memory_space<vmem_shared>>
      tpu.wait_indirect_dma semaphore(%arg13 : memref<!tpu.dma_semaphore, #tpu.memory_space<semaphore_mem>>) src(%dma_wait3A_317 : memref<256x64xf32, #tpu.memory_space<vmem>>) dst(%dma_wait3A_323 : memref<10240x64xf32, #tpu.memory_space<vmem_shared>>)
      %lt3A_324 = arith.constant 9 : i32
      %lt3A_325 = arith.cmpi slt, %scan3A_133, %lt3A_324 : i32
      %convert_element_type3A_326 = arith.extui %lt3A_325 : i1 to i32
      %cond3A_327 = arith.constant 0 : i32
      %cond3A_328 = arith.cmpi ne, %convert_element_type3A_326, %cond3A_327 : i32
      scf.if %cond3A_328 {
        %dma_wait3A_341 = arith.constant 0 : i32
        %dma_wait3A_342 = arith.constant 0 : i32
        %dma_wait3A_343 = tpu.memref_slice %arg6[%select_n3A_160, %dma_wait3A_341, %dma_wait3A_342] : memref<2x4x256xi32, #tpu.memory_space<vmem>> -> memref<1x4x256xi32, #tpu.memory_space<vmem>>
        %dma_wait3A_344 = tpu.memref_squeeze %dma_wait3A_343 : memref<1x4x256xi32, #tpu.memory_space<vmem>> -> memref<4x256xi32, #tpu.memory_space<vmem>>
        %dma_wait3A_345 = arith.constant 0 : i32
        %dma_wait3A_346 = arith.constant 0 : i32
        %dma_wait3A_347 = tpu.memref_slice %arg3[%dma_wait3A_345, %dma_wait3A_346] : memref<1280x256xi32, #tpu.memory_space<hbm>> -> memref<4x256xi32, #tpu.memory_space<hbm>>
        %dma_wait3A_348 = arith.constant 0 : i32
        %dma_wait3A_349 = arith.constant 0 : i32
        %dma_wait3A_350 = tpu.memref_slice %arg6[%select_n3A_160, %dma_wait3A_348, %dma_wait3A_349] : memref<2x4x256xi32, #tpu.memory_space<vmem>> -> memref<1x4x256xi32, #tpu.memory_space<vmem>>
        %dma_wait3A_351 = tpu.memref_squeeze %dma_wait3A_350 : memref<1x4x256xi32, #tpu.memory_space<vmem>> -> memref<4x256xi32, #tpu.memory_space<vmem>>
        %dma_wait3A_352 = arith.constant 0 : i32
        %dma_wait3A_353 = arith.constant 0 : i32
        %dma_wait3A_354 = tpu.memref_slice %arg3[%dma_wait3A_352, %dma_wait3A_353] : memref<1280x256xi32, #tpu.memory_space<hbm>> -> memref<4x256xi32, #tpu.memory_space<hbm>>
        tpu.wait_dma2 semaphore(%arg15 : memref<!tpu.dma_semaphore, #tpu.memory_space<semaphore_mem>>) src(%dma_wait3A_354 : memref<4x256xi32, #tpu.memory_space<hbm>>) dst(%dma_wait3A_351 : memref<4x256xi32, #tpu.memory_space<vmem>>)
        %dma_wait3A_355 = arith.constant 0 : i32
        %dma_wait3A_356 = arith.constant 0 : i32
        %dma_wait3A_357 = tpu.memref_slice %arg7[%select_n3A_160, %dma_wait3A_355, %dma_wait3A_356] : memref<2x4x256xi32, #tpu.memory_space<vmem>> -> memref<1x4x256xi32, #tpu.memory_space<vmem>>
        %dma_wait3A_358 = tpu.memref_squeeze %dma_wait3A_357 : memref<1x4x256xi32, #tpu.memory_space<vmem>> -> memref<4x256xi32, #tpu.memory_space<vmem>>
        %dma_wait3A_359 = arith.constant 0 : i32
        %dma_wait3A_360 = arith.constant 0 : i32
        %dma_wait3A_361 = tpu.memref_slice %arg4[%dma_wait3A_359, %dma_wait3A_360] : memref<1280x256xi32, #tpu.memory_space<hbm>> -> memref<4x256xi32, #tpu.memory_space<hbm>>
        %dma_wait3A_362 = arith.constant 0 : i32
        %dma_wait3A_363 = arith.constant 0 : i32
        %dma_wait3A_364 = tpu.memref_slice %arg7[%select_n3A_160, %dma_wait3A_362, %dma_wait3A_363] : memref<2x4x256xi32, #tpu.memory_space<vmem>> -> memref<1x4x256xi32, #tpu.memory_space<vmem>>
        %dma_wait3A_365 = tpu.memref_squeeze %dma_wait3A_364 : memref<1x4x256xi32, #tpu.memory_space<vmem>> -> memref<4x256xi32, #tpu.memory_space<vmem>>
        %dma_wait3A_366 = arith.constant 0 : i32
        %dma_wait3A_367 = arith.constant 0 : i32
        %dma_wait3A_368 = tpu.memref_slice %arg4[%dma_wait3A_366, %dma_wait3A_367] : memref<1280x256xi32, #tpu.memory_space<hbm>> -> memref<4x256xi32, #tpu.memory_space<hbm>>
        tpu.wait_dma2 semaphore(%arg16 : memref<!tpu.dma_semaphore, #tpu.memory_space<semaphore_mem>>) src(%dma_wait3A_368 : memref<4x256xi32, #tpu.memory_space<hbm>>) dst(%dma_wait3A_365 : memref<4x256xi32, #tpu.memory_space<vmem>>)
        %dma_start3A_369 = arith.constant 0 : i32
        %dma_start3A_370 = arith.constant 0 : i32
        %dma_start3A_371 = arith.constant 0 : i32
        %dma_start3A_372 = arith.constant 0 : i32
        %dma_start3A_373 = tpu.memref_slice %arg8[%dma_start3A_370, %dma_start3A_371, %dma_start3A_372] : memref<2x256x64xf32, #tpu.memory_space<vmem>> -> memref<1x256x64xf32, #tpu.memory_space<vmem>>
        %dma_start3A_374 = tpu.memref_squeeze %dma_start3A_373 : memref<1x256x64xf32, #tpu.memory_space<vmem>> -> memref<256x64xf32, #tpu.memory_space<vmem>>
        %dma_start3A_375 = arith.constant 0 : i32
        %dma_start3A_376 = tpu.memref_slice %arg6[%select_n3A_160, %dma_start3A_369, %dma_start3A_375] : memref<2x4x256xi32, #tpu.memory_space<vmem>> -> memref<1x1x256xi32, #tpu.memory_space<vmem>>
        %dma_start3A_377 = tpu.memref_squeeze %dma_start3A_376 : memref<1x1x256xi32, #tpu.memory_space<vmem>> -> memref<256xi32, #tpu.memory_space<vmem>>
        %dma_start3A_378 = arith.constant 0 : i32
        %dma_start3A_379 = arith.constant 0 : i32
        %dma_start3A_380 = tpu.memref_slice %arg9[%dma_start3A_378, %dma_start3A_379] : memref<10240x64xf32, #tpu.memory_space<vmem_shared>> -> memref<10240x64xf32, #tpu.memory_space<vmem_shared>>
        tpu.enqueue_indirect_dma source(%dma_start3A_380 : memref<10240x64xf32, #tpu.memory_space<vmem_shared>>) target(%dma_start3A_374 : memref<256x64xf32, #tpu.memory_space<vmem>>) offsets(%dma_start3A_377 : memref<256xi32, #tpu.memory_space<vmem>>) semaphore(%arg11 : memref<!tpu.dma_semaphore, #tpu.memory_space<semaphore_mem>>)
      } else {
      }
      %dma_start3A_329 = arith.constant 1 : i32
      %dma_start3A_330 = arith.constant 3 : i32
      %dma_start3A_331 = arith.constant 0 : i32
      %dma_start3A_332 = arith.constant 0 : i32
      %dma_start3A_333 = tpu.memref_slice %arg8[%dma_start3A_329, %dma_start3A_331, %dma_start3A_332] : memref<2x256x64xf32, #tpu.memory_space<vmem>> -> memref<1x256x64xf32, #tpu.memory_space<vmem>>
      %dma_start3A_334 = tpu.memref_squeeze %dma_start3A_333 : memref<1x256x64xf32, #tpu.memory_space<vmem>> -> memref<256x64xf32, #tpu.memory_space<vmem>>
      %dma_start3A_335 = arith.constant 0 : i32
      %dma_start3A_336 = tpu.memref_slice %arg7[%select_n3A_142, %dma_start3A_330, %dma_start3A_335] : memref<2x4x256xi32, #tpu.memory_space<vmem>> -> memref<1x1x256xi32, #tpu.memory_space<vmem>>
      %dma_start3A_337 = tpu.memref_squeeze %dma_start3A_336 : memref<1x1x256xi32, #tpu.memory_space<vmem>> -> memref<256xi32, #tpu.memory_space<vmem>>
      %dma_start3A_338 = arith.constant 0 : i32
      %dma_start3A_339 = arith.constant 0 : i32
      %dma_start3A_340 = tpu.memref_slice %arg10[%dma_start3A_338, %dma_start3A_339] : memref<10240x64xf32, #tpu.memory_space<vmem_shared>> -> memref<10240x64xf32, #tpu.memory_space<vmem_shared>>
      tpu.enqueue_indirect_dma source(%dma_start3A_334 : memref<256x64xf32, #tpu.memory_space<vmem>>) target(%dma_start3A_340 : memref<10240x64xf32, #tpu.memory_space<vmem_shared>>) offsets(%dma_start3A_337 : memref<256xi32, #tpu.memory_space<vmem>>) semaphore(%arg14 : memref<!tpu.dma_semaphore, #tpu.memory_space<semaphore_mem>>) {add = true}
    }
    %scan3A_47 = arith.constant 10 : i32
    %dma_wait3A = arith.constant 1 : i32
    %dma_wait3A_48 = arith.constant 0 : i32
    %dma_wait3A_49 = arith.constant 0 : i32
    %dma_wait3A_50 = arith.constant 0 : i32
    %dma_wait3A_51 = arith.constant 0 : i32
    %dma_wait3A_52 = tpu.memref_slice %arg8[%dma_wait3A, %dma_wait3A_50, %dma_wait3A_51] : memref<2x256x64xf32, #tpu.memory_space<vmem>> -> memref<1x256x64xf32, #tpu.memory_space<vmem>>
    %dma_wait3A_53 = tpu.memref_squeeze %dma_wait3A_52 : memref<1x256x64xf32, #tpu.memory_space<vmem>> -> memref<256x64xf32, #tpu.memory_space<vmem>>
    %dma_wait3A_54 = arith.constant 0 : i32
    %dma_wait3A_55 = tpu.memref_slice %arg7[%dma_wait3A_48, %dma_wait3A_49, %dma_wait3A_54] : memref<2x4x256xi32, #tpu.memory_space<vmem>> -> memref<1x1x256xi32, #tpu.memory_space<vmem>>
    %dma_wait3A_56 = tpu.memref_squeeze %dma_wait3A_55 : memref<1x1x256xi32, #tpu.memory_space<vmem>> -> memref<256xi32, #tpu.memory_space<vmem>>
    %dma_wait3A_57 = arith.constant 0 : i32
    %dma_wait3A_58 = arith.constant 0 : i32
    %dma_wait3A_59 = tpu.memref_slice %arg10[%dma_wait3A_57, %dma_wait3A_58] : memref<10240x64xf32, #tpu.memory_space<vmem_shared>> -> memref<10240x64xf32, #tpu.memory_space<vmem_shared>>
    tpu.wait_indirect_dma semaphore(%arg14 : memref<!tpu.dma_semaphore, #tpu.memory_space<semaphore_mem>>) src(%dma_wait3A_53 : memref<256x64xf32, #tpu.memory_space<vmem>>) dst(%dma_wait3A_59 : memref<10240x64xf32, #tpu.memory_space<vmem_shared>>)
    %barrier3A_60 = arith.constant 0 : index
    tpu.barrier barrier_id(%barrier3A_60)
    %mul3A_61 = arith.constant 640 : i32
    %mul3A_62 = arith.muli %arg1, %mul3A_61 : i32
    %mul3A_63 = arith.constant 640 : i32
    %mul3A_64 = arith.muli %arg1, %mul3A_63 : i32
    %run_scoped3A_65 = arith.constant 0 : i32
    "tpu.region"() ({
      %run_scoped3A_133 = tpu.sem_alloc : memref<!tpu.dma_semaphore, #tpu.memory_space<semaphore_mem>>
      %dma_start3A_134 = arith.constant 0 : i32
      %dma_start3A_135 = tpu.memref_slice %arg5[%arg0, %run_scoped3A_65, %mul3A_64, %dma_start3A_134] : memref<2x2x10240x64xf32, #tpu.memory_space<hbm>> -> memref<1x1x640x64xf32, #tpu.memory_space<hbm>>
      %dma_start3A_136 = tpu.memref_squeeze %dma_start3A_135 : memref<1x1x640x64xf32, #tpu.memory_space<hbm>> -> memref<640x64xf32, #tpu.memory_space<hbm>>
      %dma_start3A_137 = arith.constant 0 : i32
      %dma_start3A_138 = tpu.memref_slice %arg10[%mul3A_62, %dma_start3A_137] : memref<10240x64xf32, #tpu.memory_space<vmem_shared>> -> memref<640x64xf32, #tpu.memory_space<vmem_shared>>
      tpu.enqueue_dma source(%dma_start3A_138 : memref<640x64xf32, #tpu.memory_space<vmem_shared>>) target(%dma_start3A_136 : memref<640x64xf32, #tpu.memory_space<hbm>>) target_semaphore(%run_scoped3A_133 : memref<!tpu.dma_semaphore, #tpu.memory_space<semaphore_mem>>)
      %dma_wait3A_139 = arith.constant 0 : i32
      %dma_wait3A_140 = tpu.memref_slice %arg5[%arg0, %run_scoped3A_65, %mul3A_64, %dma_wait3A_139] : memref<2x2x10240x64xf32, #tpu.memory_space<hbm>> -> memref<1x1x640x64xf32, #tpu.memory_space<hbm>>
      %dma_wait3A_141 = tpu.memref_squeeze %dma_wait3A_140 : memref<1x1x640x64xf32, #tpu.memory_space<hbm>> -> memref<640x64xf32, #tpu.memory_space<hbm>>
      %dma_wait3A_142 = arith.constant 0 : i32
      %dma_wait3A_143 = tpu.memref_slice %arg10[%mul3A_62, %dma_wait3A_142] : memref<10240x64xf32, #tpu.memory_space<vmem_shared>> -> memref<640x64xf32, #tpu.memory_space<vmem_shared>>
      tpu.wait_dma2 semaphore(%run_scoped3A_133 : memref<!tpu.dma_semaphore, #tpu.memory_space<semaphore_mem>>) src(%dma_wait3A_143 : memref<640x64xf32, #tpu.memory_space<vmem_shared>>) dst(%dma_wait3A_141 : memref<640x64xf32, #tpu.memory_space<hbm>>)
      tpu.yield
    }) : () -> ()
    %mul3A_66 = arith.constant 640 : i32
    %mul3A_67 = arith.muli %arg1, %mul3A_66 : i32
    %mul3A_68 = arith.constant 640 : i32
    %mul3A_69 = arith.muli %arg1, %mul3A_68 : i32
    %run_scoped3A_70 = arith.constant 1 : i32
    "tpu.region"() ({
      %run_scoped3A_133 = tpu.sem_alloc : memref<!tpu.dma_semaphore, #tpu.memory_space<semaphore_mem>>
      %dma_start3A_134 = arith.constant 0 : i32
      %dma_start3A_135 = tpu.memref_slice %arg9[%mul3A_69, %dma_start3A_134] : memref<10240x64xf32, #tpu.memory_space<vmem_shared>> -> memref<640x64xf32, #tpu.memory_space<vmem_shared>>
      %dma_start3A_136 = arith.constant 0 : i32
      %dma_start3A_137 = tpu.memref_slice %arg2[%run_scoped3A_70, %mul3A_67, %dma_start3A_136] : memref<2x10240x64xf32, #tpu.memory_space<hbm>> -> memref<1x640x64xf32, #tpu.memory_space<hbm>>
      %dma_start3A_138 = tpu.memref_squeeze %dma_start3A_137 : memref<1x640x64xf32, #tpu.memory_space<hbm>> -> memref<640x64xf32, #tpu.memory_space<hbm>>
      tpu.enqueue_dma source(%dma_start3A_138 : memref<640x64xf32, #tpu.memory_space<hbm>>) target(%dma_start3A_135 : memref<640x64xf32, #tpu.memory_space<vmem_shared>>) target_semaphore(%run_scoped3A_133 : memref<!tpu.dma_semaphore, #tpu.memory_space<semaphore_mem>>)
      %dma_wait3A_139 = arith.constant 0 : i32
      %dma_wait3A_140 = tpu.memref_slice %arg9[%mul3A_69, %dma_wait3A_139] : memref<10240x64xf32, #tpu.memory_space<vmem_shared>> -> memref<640x64xf32, #tpu.memory_space<vmem_shared>>
      %dma_wait3A_141 = arith.constant 0 : i32
      %dma_wait3A_142 = tpu.memref_slice %arg2[%run_scoped3A_70, %mul3A_67, %dma_wait3A_141] : memref<2x10240x64xf32, #tpu.memory_space<hbm>> -> memref<1x640x64xf32, #tpu.memory_space<hbm>>
      %dma_wait3A_143 = tpu.memref_squeeze %dma_wait3A_142 : memref<1x640x64xf32, #tpu.memory_space<hbm>> -> memref<640x64xf32, #tpu.memory_space<hbm>>
      tpu.wait_dma2 semaphore(%run_scoped3A_133 : memref<!tpu.dma_semaphore, #tpu.memory_space<semaphore_mem>>) src(%dma_wait3A_143 : memref<640x64xf32, #tpu.memory_space<hbm>>) dst(%dma_wait3A_140 : memref<640x64xf32, #tpu.memory_space<vmem_shared>>)
      tpu.yield
    }) : () -> ()
    %scan3A_71 = arith.constant 0 : i32
    %scan3A_72 = arith.constant 0 : i32
    %scan3A_73 = arith.constant 256 : i32
    %scan3A_74 = arith.addi %scan3A_72, %scan3A_73 : i32
    %scan3A_75 = arith.constant 1 : i32
    scf.for %scan3A_133 = %scan3A_72 to %scan3A_74 step %scan3A_75  : i32 {
      %swap3A = arith.constant 0 : i32
      %swap3A_134 = arith.index_cast %swap3A : i32 to index
      %swap3A_135 = arith.index_cast %scan3A_133 : i32 to index
      %swap3A_136 = arith.constant 0 : index
      %swap3A_137 = tpu.vector_load %arg8[%swap3A_134, %swap3A_135, %swap3A_136] {strides = array<i32>} : memref<2x256x64xf32, #tpu.memory_space<vmem>>, vector<1x1x16xf32>,
      %swap3A_138 = vector.shape_cast %swap3A_137 : vector<1x1x16xf32> to vector<16xf32>
      %swap3A_139 = vector.shape_cast %broadcast_in_dim3A_3 : vector<16xf32> to vector<1x1x16xf32>
      tpu.vector_store %arg8[%swap3A_134, %swap3A_135, %swap3A_136], %swap3A_139 {strides = array<i32>} : memref<2x256x64xf32, #tpu.memory_space<vmem>>, vector<1x1x16xf32>,
      %swap3A_140 = arith.constant 0 : i32
      %swap3A_141 = arith.index_cast %swap3A_140 : i32 to index
      %swap3A_142 = arith.index_cast %scan3A_133 : i32 to index
      %swap3A_143 = arith.constant 16 : index
      %swap3A_144 = tpu.vector_load %arg8[%swap3A_141, %swap3A_142, %swap3A_143] {strides = array<i32>} : memref<2x256x64xf32, #tpu.memory_space<vmem>>, vector<1x1x16xf32>,
      %swap3A_145 = vector.shape_cast %swap3A_144 : vector<1x1x16xf32> to vector<16xf32>
      %swap3A_146 = vector.shape_cast %broadcast_in_dim3A_3 : vector<16xf32> to vector<1x1x16xf32>
      tpu.vector_store %arg8[%swap3A_141, %swap3A_142, %swap3A_143], %swap3A_146 {strides = array<i32>} : memref<2x256x64xf32, #tpu.memory_space<vmem>>, vector<1x1x16xf32>,
      %swap3A_147 = arith.constant 0 : i32
      %swap3A_148 = arith.index_cast %swap3A_147 : i32 to index
      %swap3A_149 = arith.index_cast %scan3A_133 : i32 to index
      %swap3A_150 = arith.constant 32 : index
      %swap3A_151 = tpu.vector_load %arg8[%swap3A_148, %swap3A_149, %swap3A_150] {strides = array<i32>} : memref<2x256x64xf32, #tpu.memory_space<vmem>>, vector<1x1x16xf32>,
      %swap3A_152 = vector.shape_cast %swap3A_151 : vector<1x1x16xf32> to vector<16xf32>
      %swap3A_153 = vector.shape_cast %broadcast_in_dim3A_3 : vector<16xf32> to vector<1x1x16xf32>
      tpu.vector_store %arg8[%swap3A_148, %swap3A_149, %swap3A_150], %swap3A_153 {strides = array<i32>} : memref<2x256x64xf32, #tpu.memory_space<vmem>>, vector<1x1x16xf32>,
      %swap3A_154 = arith.constant 0 : i32
      %swap3A_155 = arith.index_cast %swap3A_154 : i32 to index
      %swap3A_156 = arith.index_cast %scan3A_133 : i32 to index
      %swap3A_157 = arith.constant 48 : index
      %swap3A_158 = tpu.vector_load %arg8[%swap3A_155, %swap3A_156, %swap3A_157] {strides = array<i32>} : memref<2x256x64xf32, #tpu.memory_space<vmem>>, vector<1x1x16xf32>,
      %swap3A_159 = vector.shape_cast %swap3A_158 : vector<1x1x16xf32> to vector<16xf32>
      %swap3A_160 = vector.shape_cast %broadcast_in_dim3A_3 : vector<16xf32> to vector<1x1x16xf32>
      tpu.vector_store %arg8[%swap3A_155, %swap3A_156, %swap3A_157], %swap3A_160 {strides = array<i32>} : memref<2x256x64xf32, #tpu.memory_space<vmem>>, vector<1x1x16xf32>,
    }
    %scan3A_76 = arith.constant 256 : i32
    %mul3A_77 = arith.constant 640 : i32
    %mul3A_78 = arith.muli %arg1, %mul3A_77 : i32
    %add3A_79 = arith.constant 0 : i32
    %add3A_80 = arith.addi %mul3A_78, %add3A_79 : i32
    %run_scoped3A_81 = arith.constant 0 : i32
    "tpu.region"() ({
      %run_scoped3A_133 = tpu.sem_alloc : memref<!tpu.dma_semaphore, #tpu.memory_space<semaphore_mem>>
      %dma_start3A_134 = arith.constant 0 : i32
      %dma_start3A_135 = arith.constant 0 : i32
      %dma_start3A_136 = tpu.memref_slice %arg8[%run_scoped3A_81, %dma_start3A_134, %dma_start3A_135] : memref<2x256x64xf32, #tpu.memory_space<vmem>> -> memref<1x256x64xf32, #tpu.memory_space<vmem>>
      %dma_start3A_137 = tpu.memref_squeeze %dma_start3A_136 : memref<1x256x64xf32, #tpu.memory_space<vmem>> -> memref<256x64xf32, #tpu.memory_space<vmem>>
      %dma_start3A_138 = arith.constant 0 : i32
      %dma_start3A_139 = tpu.memref_slice %arg10[%add3A_80, %dma_start3A_138] : memref<10240x64xf32, #tpu.memory_space<vmem_shared>> -> memref<256x64xf32, #tpu.memory_space<vmem_shared>>
      %dma_start3A_140 = arith.constant 0 : i32
      %dma_start3A_141 = tpu.memref_slice %arg10[%add3A_80, %dma_start3A_140] : memref<10240x64xf32, #tpu.memory_space<vmem_shared>> -> memref<256x64xf32, #tpu.memory_space<vmem_shared>>
      %dma_start3A_142 = arith.constant 0 : i32
      %dma_start3A_143 = arith.constant 0 : i32
      %dma_start3A_144 = tpu.memref_slice %arg8[%run_scoped3A_81, %dma_start3A_142, %dma_start3A_143] : memref<2x256x64xf32, #tpu.memory_space<vmem>> -> memref<1x256x64xf32, #tpu.memory_space<vmem>>
      %dma_start3A_145 = tpu.memref_squeeze %dma_start3A_144 : memref<1x256x64xf32, #tpu.memory_space<vmem>> -> memref<256x64xf32, #tpu.memory_space<vmem>>
      tpu.enqueue_dma source(%dma_start3A_145 : memref<256x64xf32, #tpu.memory_space<vmem>>) target(%dma_start3A_141 : memref<256x64xf32, #tpu.memory_space<vmem_shared>>) target_semaphore(%run_scoped3A_133 : memref<!tpu.dma_semaphore, #tpu.memory_space<semaphore_mem>>)
      %dma_wait3A_146 = arith.constant 0 : i32
      %dma_wait3A_147 = arith.constant 0 : i32
      %dma_wait3A_148 = tpu.memref_slice %arg8[%run_scoped3A_81, %dma_wait3A_146, %dma_wait3A_147] : memref<2x256x64xf32, #tpu.memory_space<vmem>> -> memref<1x256x64xf32, #tpu.memory_space<vmem>>
      %dma_wait3A_149 = tpu.memref_squeeze %dma_wait3A_148 : memref<1x256x64xf32, #tpu.memory_space<vmem>> -> memref<256x64xf32, #tpu.memory_space<vmem>>
      %dma_wait3A_150 = arith.constant 0 : i32
      %dma_wait3A_151 = tpu.memref_slice %arg10[%add3A_80, %dma_wait3A_150] : memref<10240x64xf32, #tpu.memory_space<vmem_shared>> -> memref<256x64xf32, #tpu.memory_space<vmem_shared>>
      %dma_wait3A_152 = arith.constant 0 : i32
      %dma_wait3A_153 = tpu.memref_slice %arg10[%add3A_80, %dma_wait3A_152] : memref<10240x64xf32, #tpu.memory_space<vmem_shared>> -> memref<256x64xf32, #tpu.memory_space<vmem_shared>>
      %dma_wait3A_154 = arith.constant 0 : i32
      %dma_wait3A_155 = arith.constant 0 : i32
      %dma_wait3A_156 = tpu.memref_slice %arg8[%run_scoped3A_81, %dma_wait3A_154, %dma_wait3A_155] : memref<2x256x64xf32, #tpu.memory_space<vmem>> -> memref<1x256x64xf32, #tpu.memory_space<vmem>>
      %dma_wait3A_157 = tpu.memref_squeeze %dma_wait3A_156 : memref<1x256x64xf32, #tpu.memory_space<vmem>> -> memref<256x64xf32, #tpu.memory_space<vmem>>
      tpu.wait_dma2 semaphore(%run_scoped3A_133 : memref<!tpu.dma_semaphore, #tpu.memory_space<semaphore_mem>>) src(%dma_wait3A_157 : memref<256x64xf32, #tpu.memory_space<vmem>>) dst(%dma_wait3A_153 : memref<256x64xf32, #tpu.memory_space<vmem_shared>>)
      tpu.yield
    }) : () -> ()
    %mul3A_82 = arith.constant 640 : i32
    %mul3A_83 = arith.muli %arg1, %mul3A_82 : i32
    %add3A_84 = arith.constant 256 : i32
    %add3A_85 = arith.addi %mul3A_83, %add3A_84 : i32
    %run_scoped3A_86 = arith.constant 0 : i32
    "tpu.region"() ({
      %run_scoped3A_133 = tpu.sem_alloc : memref<!tpu.dma_semaphore, #tpu.memory_space<semaphore_mem>>
      %dma_start3A_134 = arith.constant 0 : i32
      %dma_start3A_135 = arith.constant 0 : i32
      %dma_start3A_136 = tpu.memref_slice %arg8[%run_scoped3A_86, %dma_start3A_134, %dma_start3A_135] : memref<2x256x64xf32, #tpu.memory_space<vmem>> -> memref<1x256x64xf32, #tpu.memory_space<vmem>>
      %dma_start3A_137 = tpu.memref_squeeze %dma_start3A_136 : memref<1x256x64xf32, #tpu.memory_space<vmem>> -> memref<256x64xf32, #tpu.memory_space<vmem>>
      %dma_start3A_138 = arith.constant 0 : i32
      %dma_start3A_139 = tpu.memref_slice %arg10[%add3A_85, %dma_start3A_138] : memref<10240x64xf32, #tpu.memory_space<vmem_shared>> -> memref<256x64xf32, #tpu.memory_space<vmem_shared>>
      %dma_start3A_140 = arith.constant 0 : i32
      %dma_start3A_141 = tpu.memref_slice %arg10[%add3A_85, %dma_start3A_140] : memref<10240x64xf32, #tpu.memory_space<vmem_shared>> -> memref<256x64xf32, #tpu.memory_space<vmem_shared>>
      %dma_start3A_142 = arith.constant 0 : i32
      %dma_start3A_143 = arith.constant 0 : i32
      %dma_start3A_144 = tpu.memref_slice %arg8[%run_scoped3A_86, %dma_start3A_142, %dma_start3A_143] : memref<2x256x64xf32, #tpu.memory_space<vmem>> -> memref<1x256x64xf32, #tpu.memory_space<vmem>>
      %dma_start3A_145 = tpu.memref_squeeze %dma_start3A_144 : memref<1x256x64xf32, #tpu.memory_space<vmem>> -> memref<256x64xf32, #tpu.memory_space<vmem>>
      tpu.enqueue_dma source(%dma_start3A_145 : memref<256x64xf32, #tpu.memory_space<vmem>>) target(%dma_start3A_141 : memref<256x64xf32, #tpu.memory_space<vmem_shared>>) target_semaphore(%run_scoped3A_133 : memref<!tpu.dma_semaphore, #tpu.memory_space<semaphore_mem>>)
      %dma_wait3A_146 = arith.constant 0 : i32
      %dma_wait3A_147 = arith.constant 0 : i32
      %dma_wait3A_148 = tpu.memref_slice %arg8[%run_scoped3A_86, %dma_wait3A_146, %dma_wait3A_147] : memref<2x256x64xf32, #tpu.memory_space<vmem>> -> memref<1x256x64xf32, #tpu.memory_space<vmem>>
      %dma_wait3A_149 = tpu.memref_squeeze %dma_wait3A_148 : memref<1x256x64xf32, #tpu.memory_space<vmem>> -> memref<256x64xf32, #tpu.memory_space<vmem>>
      %dma_wait3A_150 = arith.constant 0 : i32
      %dma_wait3A_151 = tpu.memref_slice %arg10[%add3A_85, %dma_wait3A_150] : memref<10240x64xf32, #tpu.memory_space<vmem_shared>> -> memref<256x64xf32, #tpu.memory_space<vmem_shared>>
      %dma_wait3A_152 = arith.constant 0 : i32
      %dma_wait3A_153 = tpu.memref_slice %arg10[%add3A_85, %dma_wait3A_152] : memref<10240x64xf32, #tpu.memory_space<vmem_shared>> -> memref<256x64xf32, #tpu.memory_space<vmem_shared>>
      %dma_wait3A_154 = arith.constant 0 : i32
      %dma_wait3A_155 = arith.constant 0 : i32
      %dma_wait3A_156 = tpu.memref_slice %arg8[%run_scoped3A_86, %dma_wait3A_154, %dma_wait3A_155] : memref<2x256x64xf32, #tpu.memory_space<vmem>> -> memref<1x256x64xf32, #tpu.memory_space<vmem>>
      %dma_wait3A_157 = tpu.memref_squeeze %dma_wait3A_156 : memref<1x256x64xf32, #tpu.memory_space<vmem>> -> memref<256x64xf32, #tpu.memory_space<vmem>>
      tpu.wait_dma2 semaphore(%run_scoped3A_133 : memref<!tpu.dma_semaphore, #tpu.memory_space<semaphore_mem>>) src(%dma_wait3A_157 : memref<256x64xf32, #tpu.memory_space<vmem>>) dst(%dma_wait3A_153 : memref<256x64xf32, #tpu.memory_space<vmem_shared>>)
      tpu.yield
    }) : () -> ()
    %mul3A_87 = arith.constant 640 : i32
    %mul3A_88 = arith.muli %arg1, %mul3A_87 : i32
    %add3A_89 = arith.constant 512 : i32
    %add3A_90 = arith.addi %mul3A_88, %add3A_89 : i32
    %run_scoped3A_91 = arith.constant 0 : i32
    "tpu.region"() ({
      %run_scoped3A_133 = tpu.sem_alloc : memref<!tpu.dma_semaphore, #tpu.memory_space<semaphore_mem>>
      %dma_start3A_134 = arith.constant 0 : i32
      %dma_start3A_135 = arith.constant 0 : i32
      %dma_start3A_136 = tpu.memref_slice %arg8[%run_scoped3A_91, %dma_start3A_134, %dma_start3A_135] : memref<2x256x64xf32, #tpu.memory_space<vmem>> -> memref<1x128x64xf32, #tpu.memory_space<vmem>>
      %dma_start3A_137 = tpu.memref_squeeze %dma_start3A_136 : memref<1x128x64xf32, #tpu.memory_space<vmem>> -> memref<128x64xf32, #tpu.memory_space<vmem>>
      %dma_start3A_138 = arith.constant 0 : i32
      %dma_start3A_139 = tpu.memref_slice %arg10[%add3A_90, %dma_start3A_138] : memref<10240x64xf32, #tpu.memory_space<vmem_shared>> -> memref<128x64xf32, #tpu.memory_space<vmem_shared>>
      %dma_start3A_140 = arith.constant 0 : i32
      %dma_start3A_141 = tpu.memref_slice %arg10[%add3A_90, %dma_start3A_140] : memref<10240x64xf32, #tpu.memory_space<vmem_shared>> -> memref<128x64xf32, #tpu.memory_space<vmem_shared>>
      %dma_start3A_142 = arith.constant 0 : i32
      %dma_start3A_143 = arith.constant 0 : i32
      %dma_start3A_144 = tpu.memref_slice %arg8[%run_scoped3A_91, %dma_start3A_142, %dma_start3A_143] : memref<2x256x64xf32, #tpu.memory_space<vmem>> -> memref<1x128x64xf32, #tpu.memory_space<vmem>>
      %dma_start3A_145 = tpu.memref_squeeze %dma_start3A_144 : memref<1x128x64xf32, #tpu.memory_space<vmem>> -> memref<128x64xf32, #tpu.memory_space<vmem>>
      tpu.enqueue_dma source(%dma_start3A_145 : memref<128x64xf32, #tpu.memory_space<vmem>>) target(%dma_start3A_141 : memref<128x64xf32, #tpu.memory_space<vmem_shared>>) target_semaphore(%run_scoped3A_133 : memref<!tpu.dma_semaphore, #tpu.memory_space<semaphore_mem>>)
      %dma_wait3A_146 = arith.constant 0 : i32
      %dma_wait3A_147 = arith.constant 0 : i32
      %dma_wait3A_148 = tpu.memref_slice %arg8[%run_scoped3A_91, %dma_wait3A_146, %dma_wait3A_147] : memref<2x256x64xf32, #tpu.memory_space<vmem>> -> memref<1x128x64xf32, #tpu.memory_space<vmem>>
      %dma_wait3A_149 = tpu.memref_squeeze %dma_wait3A_148 : memref<1x128x64xf32, #tpu.memory_space<vmem>> -> memref<128x64xf32, #tpu.memory_space<vmem>>
      %dma_wait3A_150 = arith.constant 0 : i32
      %dma_wait3A_151 = tpu.memref_slice %arg10[%add3A_90, %dma_wait3A_150] : memref<10240x64xf32, #tpu.memory_space<vmem_shared>> -> memref<128x64xf32, #tpu.memory_space<vmem_shared>>
      %dma_wait3A_152 = arith.constant 0 : i32
      %dma_wait3A_153 = tpu.memref_slice %arg10[%add3A_90, %dma_wait3A_152] : memref<10240x64xf32, #tpu.memory_space<vmem_shared>> -> memref<128x64xf32, #tpu.memory_space<vmem_shared>>
      %dma_wait3A_154 = arith.constant 0 : i32
      %dma_wait3A_155 = arith.constant 0 : i32
      %dma_wait3A_156 = tpu.memref_slice %arg8[%run_scoped3A_91, %dma_wait3A_154, %dma_wait3A_155] : memref<2x256x64xf32, #tpu.memory_space<vmem>> -> memref<1x128x64xf32, #tpu.memory_space<vmem>>
      %dma_wait3A_157 = tpu.memref_squeeze %dma_wait3A_156 : memref<1x128x64xf32, #tpu.memory_space<vmem>> -> memref<128x64xf32, #tpu.memory_space<vmem>>
      tpu.wait_dma2 semaphore(%run_scoped3A_133 : memref<!tpu.dma_semaphore, #tpu.memory_space<semaphore_mem>>) src(%dma_wait3A_157 : memref<128x64xf32, #tpu.memory_space<vmem>>) dst(%dma_wait3A_153 : memref<128x64xf32, #tpu.memory_space<vmem_shared>>)
      tpu.yield
    }) : () -> ()
    %run_scoped3A_92 = arith.constant 0 : i32
    "tpu.region"() ({
      %run_scoped3A_133 = tpu.sem_alloc : memref<!tpu.dma_semaphore, #tpu.memory_space<semaphore_mem>>
      %dma_start3A_134 = arith.constant 0 : i32
      %dma_start3A_135 = arith.constant 0 : i32
      %dma_start3A_136 = tpu.memref_slice %arg6[%run_scoped3A_92, %dma_start3A_134, %dma_start3A_135] : memref<2x4x256xi32, #tpu.memory_space<vmem>> -> memref<1x4x256xi32, #tpu.memory_space<vmem>>
      %dma_start3A_137 = tpu.memref_squeeze %dma_start3A_136 : memref<1x4x256xi32, #tpu.memory_space<vmem>> -> memref<4x256xi32, #tpu.memory_space<vmem>>
      %dma_start3A_138 = arith.constant 0 : i32
      %dma_start3A_139 = tpu.memref_slice %arg3[%mul3A_2, %dma_start3A_138] : memref<1280x256xi32, #tpu.memory_space<hbm>> -> memref<4x256xi32, #tpu.memory_space<hbm>>
      %dma_start3A_140 = arith.constant 0 : i32
      %dma_start3A_141 = arith.constant 0 : i32
      %dma_start3A_142 = tpu.memref_slice %arg6[%run_scoped3A_92, %dma_start3A_140, %dma_start3A_141] : memref<2x4x256xi32, #tpu.memory_space<vmem>> -> memref<1x4x256xi32, #tpu.memory_space<vmem>>
      %dma_start3A_143 = tpu.memref_squeeze %dma_start3A_142 : memref<1x4x256xi32, #tpu.memory_space<vmem>> -> memref<4x256xi32, #tpu.memory_space<vmem>>
      %dma_start3A_144 = arith.constant 0 : i32
      %dma_start3A_145 = tpu.memref_slice %arg3[%mul3A_2, %dma_start3A_144] : memref<1280x256xi32, #tpu.memory_space<hbm>> -> memref<4x256xi32, #tpu.memory_space<hbm>>
      tpu.enqueue_dma source(%dma_start3A_145 : memref<4x256xi32, #tpu.memory_space<hbm>>) target(%dma_start3A_143 : memref<4x256xi32, #tpu.memory_space<vmem>>) target_semaphore(%run_scoped3A_133 : memref<!tpu.dma_semaphore, #tpu.memory_space<semaphore_mem>>)
      %dma_wait3A_146 = arith.constant 0 : i32
      %dma_wait3A_147 = arith.constant 0 : i32
      %dma_wait3A_148 = tpu.memref_slice %arg6[%run_scoped3A_92, %dma_wait3A_146, %dma_wait3A_147] : memref<2x4x256xi32, #tpu.memory_space<vmem>> -> memref<1x4x256xi32, #tpu.memory_space<vmem>>
      %dma_wait3A_149 = tpu.memref_squeeze %dma_wait3A_148 : memref<1x4x256xi32, #tpu.memory_space<vmem>> -> memref<4x256xi32, #tpu.memory_space<vmem>>
      %dma_wait3A_150 = arith.constant 0 : i32
      %dma_wait3A_151 = tpu.memref_slice %arg3[%mul3A_2, %dma_wait3A_150] : memref<1280x256xi32, #tpu.memory_space<hbm>> -> memref<4x256xi32, #tpu.memory_space<hbm>>
      %dma_wait3A_152 = arith.constant 0 : i32
      %dma_wait3A_153 = arith.constant 0 : i32
      %dma_wait3A_154 = tpu.memref_slice %arg6[%run_scoped3A_92, %dma_wait3A_152, %dma_wait3A_153] : memref<2x4x256xi32, #tpu.memory_space<vmem>> -> memref<1x4x256xi32, #tpu.memory_space<vmem>>
      %dma_wait3A_155 = tpu.memref_squeeze %dma_wait3A_154 : memref<1x4x256xi32, #tpu.memory_space<vmem>> -> memref<4x256xi32, #tpu.memory_space<vmem>>
      %dma_wait3A_156 = arith.constant 0 : i32
      %dma_wait3A_157 = tpu.memref_slice %arg3[%mul3A_2, %dma_wait3A_156] : memref<1280x256xi32, #tpu.memory_space<hbm>> -> memref<4x256xi32, #tpu.memory_space<hbm>>
      tpu.wait_dma2 semaphore(%run_scoped3A_133 : memref<!tpu.dma_semaphore, #tpu.memory_space<semaphore_mem>>) src(%dma_wait3A_157 : memref<4x256xi32, #tpu.memory_space<hbm>>) dst(%dma_wait3A_155 : memref<4x256xi32, #tpu.memory_space<vmem>>)
      tpu.yield
    }) : () -> ()
    %run_scoped3A_93 = arith.constant 0 : i32
    "tpu.region"() ({
      %run_scoped3A_133 = tpu.sem_alloc : memref<!tpu.dma_semaphore, #tpu.memory_space<semaphore_mem>>
      %dma_start3A_134 = arith.constant 0 : i32
      %dma_start3A_135 = arith.constant 0 : i32
      %dma_start3A_136 = tpu.memref_slice %arg7[%run_scoped3A_93, %dma_start3A_134, %dma_start3A_135] : memref<2x4x256xi32, #tpu.memory_space<vmem>> -> memref<1x4x256xi32, #tpu.memory_space<vmem>>
      %dma_start3A_137 = tpu.memref_squeeze %dma_start3A_136 : memref<1x4x256xi32, #tpu.memory_space<vmem>> -> memref<4x256xi32, #tpu.memory_space<vmem>>
      %dma_start3A_138 = arith.constant 0 : i32
      %dma_start3A_139 = tpu.memref_slice %arg4[%mul3A_2, %dma_start3A_138] : memref<1280x256xi32, #tpu.memory_space<hbm>> -> memref<4x256xi32, #tpu.memory_space<hbm>>
      %dma_start3A_140 = arith.constant 0 : i32
      %dma_start3A_141 = arith.constant 0 : i32
      %dma_start3A_142 = tpu.memref_slice %arg7[%run_scoped3A_93, %dma_start3A_140, %dma_start3A_141] : memref<2x4x256xi32, #tpu.memory_space<vmem>> -> memref<1x4x256xi32, #tpu.memory_space<vmem>>
      %dma_start3A_143 = tpu.memref_squeeze %dma_start3A_142 : memref<1x4x256xi32, #tpu.memory_space<vmem>> -> memref<4x256xi32, #tpu.memory_space<vmem>>
      %dma_start3A_144 = arith.constant 0 : i32
      %dma_start3A_145 = tpu.memref_slice %arg4[%mul3A_2, %dma_start3A_144] : memref<1280x256xi32, #tpu.memory_space<hbm>> -> memref<4x256xi32, #tpu.memory_space<hbm>>
      tpu.enqueue_dma source(%dma_start3A_145 : memref<4x256xi32, #tpu.memory_space<hbm>>) target(%dma_start3A_143 : memref<4x256xi32, #tpu.memory_space<vmem>>) target_semaphore(%run_scoped3A_133 : memref<!tpu.dma_semaphore, #tpu.memory_space<semaphore_mem>>)
      %dma_wait3A_146 = arith.constant 0 : i32
      %dma_wait3A_147 = arith.constant 0 : i32
      %dma_wait3A_148 = tpu.memref_slice %arg7[%run_scoped3A_93, %dma_wait3A_146, %dma_wait3A_147] : memref<2x4x256xi32, #tpu.memory_space<vmem>> -> memref<1x4x256xi32, #tpu.memory_space<vmem>>
      %dma_wait3A_149 = tpu.memref_squeeze %dma_wait3A_148 : memref<1x4x256xi32, #tpu.memory_space<vmem>> -> memref<4x256xi32, #tpu.memory_space<vmem>>
      %dma_wait3A_150 = arith.constant 0 : i32
      %dma_wait3A_151 = tpu.memref_slice %arg4[%mul3A_2, %dma_wait3A_150] : memref<1280x256xi32, #tpu.memory_space<hbm>> -> memref<4x256xi32, #tpu.memory_space<hbm>>
      %dma_wait3A_152 = arith.constant 0 : i32
      %dma_wait3A_153 = arith.constant 0 : i32
      %dma_wait3A_154 = tpu.memref_slice %arg7[%run_scoped3A_93, %dma_wait3A_152, %dma_wait3A_153] : memref<2x4x256xi32, #tpu.memory_space<vmem>> -> memref<1x4x256xi32, #tpu.memory_space<vmem>>
      %dma_wait3A_155 = tpu.memref_squeeze %dma_wait3A_154 : memref<1x4x256xi32, #tpu.memory_space<vmem>> -> memref<4x256xi32, #tpu.memory_space<vmem>>
      %dma_wait3A_156 = arith.constant 0 : i32
      %dma_wait3A_157 = tpu.memref_slice %arg4[%mul3A_2, %dma_wait3A_156] : memref<1280x256xi32, #tpu.memory_space<hbm>> -> memref<4x256xi32, #tpu.memory_space<hbm>>
      tpu.wait_dma2 semaphore(%run_scoped3A_133 : memref<!tpu.dma_semaphore, #tpu.memory_space<semaphore_mem>>) src(%dma_wait3A_157 : memref<4x256xi32, #tpu.memory_space<hbm>>) dst(%dma_wait3A_155 : memref<4x256xi32, #tpu.memory_space<vmem>>)
      tpu.yield
    }) : () -> ()
    %barrier3A_94 = arith.constant 0 : index
    tpu.barrier barrier_id(%barrier3A_94)
    %dma_start3A_95 = arith.constant 0 : i32
    %dma_start3A_96 = arith.constant 0 : i32
    %dma_start3A_97 = arith.constant 0 : i32
    %dma_start3A_98 = arith.constant 0 : i32
    %dma_start3A_99 = arith.constant 0 : i32
    %dma_start3A_100 = tpu.memref_slice %arg8[%dma_start3A_97, %dma_start3A_98, %dma_start3A_99] : memref<2x256x64xf32, #tpu.memory_space<vmem>> -> memref<1x256x64xf32, #tpu.memory_space<vmem>>
    %dma_start3A_101 = tpu.memref_squeeze %dma_start3A_100 : memref<1x256x64xf32, #tpu.memory_space<vmem>> -> memref<256x64xf32, #tpu.memory_space<vmem>>
    %dma_start3A_102 = arith.constant 0 : i32
    %dma_start3A_103 = tpu.memref_slice %arg6[%dma_start3A_95, %dma_start3A_96, %dma_start3A_102] : memref<2x4x256xi32, #tpu.memory_space<vmem>> -> memref<1x1x256xi32, #tpu.memory_space<vmem>>
    %dma_start3A_104 = tpu.memref_squeeze %dma_start3A_103 : memref<1x1x256xi32, #tpu.memory_space<vmem>> -> memref<256xi32, #tpu.memory_space<vmem>>
    %dma_start3A_105 = arith.constant 0 : i32
    %dma_start3A_106 = arith.constant 0 : i32
    %dma_start3A_107 = tpu.memref_slice %arg9[%dma_start3A_105, %dma_start3A_106] : memref<10240x64xf32, #tpu.memory_space<vmem_shared>> -> memref<10240x64xf32, #tpu.memory_space<vmem_shared>>
    tpu.enqueue_indirect_dma source(%dma_start3A_107 : memref<10240x64xf32, #tpu.memory_space<vmem_shared>>) target(%dma_start3A_101 : memref<256x64xf32, #tpu.memory_space<vmem>>) offsets(%dma_start3A_104 : memref<256xi32, #tpu.memory_space<vmem>>) semaphore(%arg11 : memref<!tpu.dma_semaphore, #tpu.memory_space<semaphore_mem>>)
    %scan3A_108 = arith.constant 0 : i32
    %scan3A_109 = arith.constant 0 : i32
    %scan3A_110 = arith.constant 10 : i32
    %scan3A_111 = arith.addi %scan3A_109, %scan3A_110 : i32
    %scan3A_112 = arith.constant 1 : i32
    scf.for %scan3A_133 = %scan3A_109 to %scan3A_111 step %scan3A_112  : i32 {
      %jit3A = arith.constant 2 : i32
      %eq3A = arith.constant 0 : i32
      %eq3A_134 = arith.cmpi eq, %jit3A, %eq3A : i32
      %jit3A_135 = arith.constant 1 : i32
      %select_n3A = arith.select %eq3A_134, %jit3A_135, %jit3A : i32
      %rem3A = arith.remsi %scan3A_133, %select_n3A : i32
      %ne3A = arith.constant 0 : i32
      %ne3A_136 = arith.cmpi ne, %rem3A, %ne3A : i32
      %lt3A = arith.constant 0 : i32
      %lt3A_137 = arith.cmpi slt, %rem3A, %lt3A : i32
      %lt3A_138 = arith.constant 0 : i32
      %lt3A_139 = arith.cmpi slt, %select_n3A, %lt3A_138 : i32
      %ne3A_140 = arith.xori %lt3A_137, %lt3A_139 : i1
      %and3A = arith.andi %ne3A_140, %ne3A_136 : i1
      %add3A_141 = arith.addi %rem3A, %select_n3A : i32
      %select_n3A_142 = arith.select %and3A, %add3A_141, %rem3A : i32
      %add3A_143 = arith.constant 1 : i32
      %add3A_144 = arith.addi %scan3A_133, %add3A_143 : i32
      %jit3A_145 = arith.constant 2 : i32
      %eq3A_146 = arith.constant 0 : i32
      %eq3A_147 = arith.cmpi eq, %jit3A_145, %eq3A_146 : i32
      %jit3A_148 = arith.constant 1 : i32
      %select_n3A_149 = arith.select %eq3A_147, %jit3A_148, %jit3A_145 : i32
      %rem3A_150 = arith.remsi %add3A_144, %select_n3A_149 : i32
      %ne3A_151 = arith.constant 0 : i32
      %ne3A_152 = arith.cmpi ne, %rem3A_150, %ne3A_151 : i32
      %lt3A_153 = arith.constant 0 : i32
      %lt3A_154 = arith.cmpi slt, %rem3A_150, %lt3A_153 : i32
      %lt3A_155 = arith.constant 0 : i32
      %lt3A_156 = arith.cmpi slt, %select_n3A_149, %lt3A_155 : i32
      %ne3A_157 = arith.xori %lt3A_154, %lt3A_156 : i1
      %and3A_158 = arith.andi %ne3A_157, %ne3A_152 : i1
      %add3A_159 = arith.addi %rem3A_150, %select_n3A_149 : i32
      %select_n3A_160 = arith.select %and3A_158, %add3A_159, %rem3A_150 : i32
      %dma_wait3A_161 = arith.constant 0 : i32
      %dma_wait3A_162 = arith.constant 0 : i32
      %dma_wait3A_163 = arith.constant 0 : i32
      %dma_wait3A_164 = arith.constant 0 : i32
      %dma_wait3A_165 = tpu.memref_slice %arg8[%dma_wait3A_162, %dma_wait3A_163, %dma_wait3A_164] : memref<2x256x64xf32, #tpu.memory_space<vmem>> -> memref<1x256x64xf32, #tpu.memory_space<vmem>>
      %dma_wait3A_166 = tpu.memref_squeeze %dma_wait3A_165 : memref<1x256x64xf32, #tpu.memory_space<vmem>> -> memref<256x64xf32, #tpu.memory_space<vmem>>
      %dma_wait3A_167 = arith.constant 0 : i32
      %dma_wait3A_168 = tpu.memref_slice %arg6[%select_n3A_142, %dma_wait3A_161, %dma_wait3A_167] : memref<2x4x256xi32, #tpu.memory_space<vmem>> -> memref<1x1x256xi32, #tpu.memory_space<vmem>>
      %dma_wait3A_169 = tpu.memref_squeeze %dma_wait3A_168 : memref<1x1x256xi32, #tpu.memory_space<vmem>> -> memref<256xi32, #tpu.memory_space<vmem>>
      %dma_wait3A_170 = arith.constant 0 : i32
      %dma_wait3A_171 = arith.constant 0 : i32
      %dma_wait3A_172 = tpu.memref_slice %arg9[%dma_wait3A_170, %dma_wait3A_171] : memref<10240x64xf32, #tpu.memory_space<vmem_shared>> -> memref<10240x64xf32, #tpu.memory_space<vmem_shared>>
      tpu.wait_indirect_dma semaphore(%arg11 : memref<!tpu.dma_semaphore, #tpu.memory_space<semaphore_mem>>) src(%dma_wait3A_172 : memref<10240x64xf32, #tpu.memory_space<vmem_shared>>) dst(%dma_wait3A_166 : memref<256x64xf32, #tpu.memory_space<vmem>>)
      %ge3A = arith.constant 1 : i32
      %ge3A_173 = arith.cmpi sge, %scan3A_133, %ge3A : i32
      %convert_element_type3A = arith.extui %ge3A_173 : i1 to i32
      %cond3A = arith.constant 0 : i32
      %cond3A_174 = arith.cmpi ne, %convert_element_type3A, %cond3A : i32
      scf.if %cond3A_174 {
        %dma_wait3A_341 = arith.constant 1 : i32
        %dma_wait3A_342 = arith.constant 0 : i32
        %dma_wait3A_343 = arith.constant 0 : i32
        %dma_wait3A_344 = arith.constant 0 : i32
        %dma_wait3A_345 = tpu.memref_slice %arg8[%dma_wait3A_341, %dma_wait3A_343, %dma_wait3A_344] : memref<2x256x64xf32, #tpu.memory_space<vmem>> -> memref<1x256x64xf32, #tpu.memory_space<vmem>>
        %dma_wait3A_346 = tpu.memref_squeeze %dma_wait3A_345 : memref<1x256x64xf32, #tpu.memory_space<vmem>> -> memref<256x64xf32, #tpu.memory_space<vmem>>
        %dma_wait3A_347 = arith.constant 0 : i32
        %dma_wait3A_348 = tpu.memref_slice %arg7[%select_n3A_142, %dma_wait3A_342, %dma_wait3A_347] : memref<2x4x256xi32, #tpu.memory_space<vmem>> -> memref<1x1x256xi32, #tpu.memory_space<vmem>>
        %dma_wait3A_349 = tpu.memref_squeeze %dma_wait3A_348 : memref<1x1x256xi32, #tpu.memory_space<vmem>> -> memref<256xi32, #tpu.memory_space<vmem>>
        %dma_wait3A_350 = arith.constant 0 : i32
        %dma_wait3A_351 = arith.constant 0 : i32
        %dma_wait3A_352 = tpu.memref_slice %arg10[%dma_wait3A_350, %dma_wait3A_351] : memref<10240x64xf32, #tpu.memory_space<vmem_shared>> -> memref<10240x64xf32, #tpu.memory_space<vmem_shared>>
        tpu.wait_indirect_dma semaphore(%arg14 : memref<!tpu.dma_semaphore, #tpu.memory_space<semaphore_mem>>) src(%dma_wait3A_346 : memref<256x64xf32, #tpu.memory_space<vmem>>) dst(%dma_wait3A_352 : memref<10240x64xf32, #tpu.memory_space<vmem_shared>>)
      } else {
      }
      %lt3A_175 = arith.constant 9 : i32
      %lt3A_176 = arith.cmpi slt, %scan3A_133, %lt3A_175 : i32
      %convert_element_type3A_177 = arith.extui %lt3A_176 : i1 to i32
      %cond3A_178 = arith.constant 0 : i32
      %cond3A_179 = arith.cmpi ne, %convert_element_type3A_177, %cond3A_178 : i32
      scf.if %cond3A_179 {
        %add3A_341 = arith.constant 1 : i32
        %add3A_342 = arith.addi %scan3A_133, %add3A_341 : i32
        %mul3A_343 = arith.constant 4 : i32
        %mul3A_344 = arith.muli %add3A_342, %mul3A_343 : i32
        %add3A_345 = arith.addi %mul3A_2, %mul3A_344 : i32
        %dma_start3A_346 = arith.constant 0 : i32
        %dma_start3A_347 = arith.constant 0 : i32
        %dma_start3A_348 = tpu.memref_slice %arg6[%select_n3A_160, %dma_start3A_346, %dma_start3A_347] : memref<2x4x256xi32, #tpu.memory_space<vmem>> -> memref<1x4x256xi32, #tpu.memory_space<vmem>>
        %dma_start3A_349 = tpu.memref_squeeze %dma_start3A_348 : memref<1x4x256xi32, #tpu.memory_space<vmem>> -> memref<4x256xi32, #tpu.memory_space<vmem>>
        %dma_start3A_350 = arith.constant 0 : i32
        %dma_start3A_351 = tpu.memref_slice %arg3[%add3A_345, %dma_start3A_350] : memref<1280x256xi32, #tpu.memory_space<hbm>> -> memref<4x256xi32, #tpu.memory_space<hbm>>
        %dma_start3A_352 = arith.constant 0 : i32
        %dma_start3A_353 = arith.constant 0 : i32
        %dma_start3A_354 = tpu.memref_slice %arg6[%select_n3A_160, %dma_start3A_352, %dma_start3A_353] : memref<2x4x256xi32, #tpu.memory_space<vmem>> -> memref<1x4x256xi32, #tpu.memory_space<vmem>>
        %dma_start3A_355 = tpu.memref_squeeze %dma_start3A_354 : memref<1x4x256xi32, #tpu.memory_space<vmem>> -> memref<4x256xi32, #tpu.memory_space<vmem>>
        %dma_start3A_356 = arith.constant 0 : i32
        %dma_start3A_357 = tpu.memref_slice %arg3[%add3A_345, %dma_start3A_356] : memref<1280x256xi32, #tpu.memory_space<hbm>> -> memref<4x256xi32, #tpu.memory_space<hbm>>
        tpu.enqueue_dma source(%dma_start3A_357 : memref<4x256xi32, #tpu.memory_space<hbm>>) target(%dma_start3A_355 : memref<4x256xi32, #tpu.memory_space<vmem>>) target_semaphore(%arg15 : memref<!tpu.dma_semaphore, #tpu.memory_space<semaphore_mem>>)
        %add3A_358 = arith.constant 1 : i32
        %add3A_359 = arith.addi %scan3A_133, %add3A_358 : i32
        %mul3A_360 = arith.constant 4 : i32
        %mul3A_361 = arith.muli %add3A_359, %mul3A_360 : i32
        %add3A_362 = arith.addi %mul3A_2, %mul3A_361 : i32
        %dma_start3A_363 = arith.constant 0 : i32
        %dma_start3A_364 = arith.constant 0 : i32
        %dma_start3A_365 = tpu.memref_slice %arg7[%select_n3A_160, %dma_start3A_363, %dma_start3A_364] : memref<2x4x256xi32, #tpu.memory_space<vmem>> -> memref<1x4x256xi32, #tpu.memory_space<vmem>>
        %dma_start3A_366 = tpu.memref_squeeze %dma_start3A_365 : memref<1x4x256xi32, #tpu.memory_space<vmem>> -> memref<4x256xi32, #tpu.memory_space<vmem>>
        %dma_start3A_367 = arith.constant 0 : i32
        %dma_start3A_368 = tpu.memref_slice %arg4[%add3A_362, %dma_start3A_367] : memref<1280x256xi32, #tpu.memory_space<hbm>> -> memref<4x256xi32, #tpu.memory_space<hbm>>
        %dma_start3A_369 = arith.constant 0 : i32
        %dma_start3A_370 = arith.constant 0 : i32
        %dma_start3A_371 = tpu.memref_slice %arg7[%select_n3A_160, %dma_start3A_369, %dma_start3A_370] : memref<2x4x256xi32, #tpu.memory_space<vmem>> -> memref<1x4x256xi32, #tpu.memory_space<vmem>>
        %dma_start3A_372 = tpu.memref_squeeze %dma_start3A_371 : memref<1x4x256xi32, #tpu.memory_space<vmem>> -> memref<4x256xi32, #tpu.memory_space<vmem>>
        %dma_start3A_373 = arith.constant 0 : i32
        %dma_start3A_374 = tpu.memref_slice %arg4[%add3A_362, %dma_start3A_373] : memref<1280x256xi32, #tpu.memory_space<hbm>> -> memref<4x256xi32, #tpu.memory_space<hbm>>
        tpu.enqueue_dma source(%dma_start3A_374 : memref<4x256xi32, #tpu.memory_space<hbm>>) target(%dma_start3A_372 : memref<4x256xi32, #tpu.memory_space<vmem>>) target_semaphore(%arg16 : memref<!tpu.dma_semaphore, #tpu.memory_space<semaphore_mem>>)
      } else {
      }
      %dma_start3A_180 = arith.constant 1 : i32
      %dma_start3A_181 = arith.constant 1 : i32
      %dma_start3A_182 = arith.constant 0 : i32
      %dma_start3A_183 = arith.constant 0 : i32
      %dma_start3A_184 = tpu.memref_slice %arg8[%dma_start3A_181, %dma_start3A_182, %dma_start3A_183] : memref<2x256x64xf32, #tpu.memory_space<vmem>> -> memref<1x256x64xf32, #tpu.memory_space<vmem>>
      %dma_start3A_185 = tpu.memref_squeeze %dma_start3A_184 : memref<1x256x64xf32, #tpu.memory_space<vmem>> -> memref<256x64xf32, #tpu.memory_space<vmem>>
      %dma_start3A_186 = arith.constant 0 : i32
      %dma_start3A_187 = tpu.memref_slice %arg6[%select_n3A_142, %dma_start3A_180, %dma_start3A_186] : memref<2x4x256xi32, #tpu.memory_space<vmem>> -> memref<1x1x256xi32, #tpu.memory_space<vmem>>
      %dma_start3A_188 = tpu.memref_squeeze %dma_start3A_187 : memref<1x1x256xi32, #tpu.memory_space<vmem>> -> memref<256xi32, #tpu.memory_space<vmem>>
      %dma_start3A_189 = arith.constant 0 : i32
      %dma_start3A_190 = arith.constant 0 : i32
      %dma_start3A_191 = tpu.memref_slice %arg9[%dma_start3A_189, %dma_start3A_190] : memref<10240x64xf32, #tpu.memory_space<vmem_shared>> -> memref<10240x64xf32, #tpu.memory_space<vmem_shared>>
      tpu.enqueue_indirect_dma source(%dma_start3A_191 : memref<10240x64xf32, #tpu.memory_space<vmem_shared>>) target(%dma_start3A_185 : memref<256x64xf32, #tpu.memory_space<vmem>>) offsets(%dma_start3A_188 : memref<256xi32, #tpu.memory_space<vmem>>) semaphore(%arg12 : memref<!tpu.dma_semaphore, #tpu.memory_space<semaphore_mem>>)
      %dma_start3A_192 = arith.constant 0 : i32
      %dma_start3A_193 = arith.constant 0 : i32
      %dma_start3A_194 = arith.constant 0 : i32
      %dma_start3A_195 = arith.constant 0 : i32
      %dma_start3A_196 = tpu.memref_slice %arg8[%dma_start3A_192, %dma_start3A_194, %dma_start3A_195] : memref<2x256x64xf32, #tpu.memory_space<vmem>> -> memref<1x256x64xf32, #tpu.memory_space<vmem>>
      %dma_start3A_197 = tpu.memref_squeeze %dma_start3A_196 : memref<1x256x64xf32, #tpu.memory_space<vmem>> -> memref<256x64xf32, #tpu.memory_space<vmem>>
      %dma_start3A_198 = arith.constant 0 : i32
      %dma_start3A_199 = tpu.memref_slice %arg7[%select_n3A_142, %dma_start3A_193, %dma_start3A_198] : memref<2x4x256xi32, #tpu.memory_space<vmem>> -> memref<1x1x256xi32, #tpu.memory_space<vmem>>
      %dma_start3A_200 = tpu.memref_squeeze %dma_start3A_199 : memref<1x1x256xi32, #tpu.memory_space<vmem>> -> memref<256xi32, #tpu.memory_space<vmem>>
      %dma_start3A_201 = arith.constant 0 : i32
      %dma_start3A_202 = arith.constant 0 : i32
      %dma_start3A_203 = tpu.memref_slice %arg10[%dma_start3A_201, %dma_start3A_202] : memref<10240x64xf32, #tpu.memory_space<vmem_shared>> -> memref<10240x64xf32, #tpu.memory_space<vmem_shared>>
      tpu.enqueue_indirect_dma source(%dma_start3A_197 : memref<256x64xf32, #tpu.memory_space<vmem>>) target(%dma_start3A_203 : memref<10240x64xf32, #tpu.memory_space<vmem_shared>>) offsets(%dma_start3A_200 : memref<256xi32, #tpu.memory_space<vmem>>) semaphore(%arg13 : memref<!tpu.dma_semaphore, #tpu.memory_space<semaphore_mem>>) {add = true}
      %dma_wait3A_204 = arith.constant 1 : i32
      %dma_wait3A_205 = arith.constant 1 : i32
      %dma_wait3A_206 = arith.constant 0 : i32
      %dma_wait3A_207 = arith.constant 0 : i32
      %dma_wait3A_208 = tpu.memref_slice %arg8[%dma_wait3A_205, %dma_wait3A_206, %dma_wait3A_207] : memref<2x256x64xf32, #tpu.memory_space<vmem>> -> memref<1x256x64xf32, #tpu.memory_space<vmem>>
      %dma_wait3A_209 = tpu.memref_squeeze %dma_wait3A_208 : memref<1x256x64xf32, #tpu.memory_space<vmem>> -> memref<256x64xf32, #tpu.memory_space<vmem>>
      %dma_wait3A_210 = arith.constant 0 : i32
      %dma_wait3A_211 = tpu.memref_slice %arg6[%select_n3A_142, %dma_wait3A_204, %dma_wait3A_210] : memref<2x4x256xi32, #tpu.memory_space<vmem>> -> memref<1x1x256xi32, #tpu.memory_space<vmem>>
      %dma_wait3A_212 = tpu.memref_squeeze %dma_wait3A_211 : memref<1x1x256xi32, #tpu.memory_space<vmem>> -> memref<256xi32, #tpu.memory_space<vmem>>
      %dma_wait3A_213 = arith.constant 0 : i32
      %dma_wait3A_214 = arith.constant 0 : i32
      %dma_wait3A_215 = tpu.memref_slice %arg9[%dma_wait3A_213, %dma_wait3A_214] : memref<10240x64xf32, #tpu.memory_space<vmem_shared>> -> memref<10240x64xf32, #tpu.memory_space<vmem_shared>>
      tpu.wait_indirect_dma semaphore(%arg12 : memref<!tpu.dma_semaphore, #tpu.memory_space<semaphore_mem>>) src(%dma_wait3A_215 : memref<10240x64xf32, #tpu.memory_space<vmem_shared>>) dst(%dma_wait3A_209 : memref<256x64xf32, #tpu.memory_space<vmem>>)
      %dma_wait3A_216 = arith.constant 0 : i32
      %dma_wait3A_217 = arith.constant 0 : i32
      %dma_wait3A_218 = arith.constant 0 : i32
      %dma_wait3A_219 = arith.constant 0 : i32
      %dma_wait3A_220 = tpu.memref_slice %arg8[%dma_wait3A_216, %dma_wait3A_218, %dma_wait3A_219] : memref<2x256x64xf32, #tpu.memory_space<vmem>> -> memref<1x256x64xf32, #tpu.memory_space<vmem>>
      %dma_wait3A_221 = tpu.memref_squeeze %dma_wait3A_220 : memref<1x256x64xf32, #tpu.memory_space<vmem>> -> memref<256x64xf32, #tpu.memory_space<vmem>>
      %dma_wait3A_222 = arith.constant 0 : i32
      %dma_wait3A_223 = tpu.memref_slice %arg7[%select_n3A_142, %dma_wait3A_217, %dma_wait3A_222] : memref<2x4x256xi32, #tpu.memory_space<vmem>> -> memref<1x1x256xi32, #tpu.memory_space<vmem>>
      %dma_wait3A_224 = tpu.memref_squeeze %dma_wait3A_223 : memref<1x1x256xi32, #tpu.memory_space<vmem>> -> memref<256xi32, #tpu.memory_space<vmem>>
      %dma_wait3A_225 = arith.constant 0 : i32
      %dma_wait3A_226 = arith.constant 0 : i32
      %dma_wait3A_227 = tpu.memref_slice %arg10[%dma_wait3A_225, %dma_wait3A_226] : memref<10240x64xf32, #tpu.memory_space<vmem_shared>> -> memref<10240x64xf32, #tpu.memory_space<vmem_shared>>
      tpu.wait_indirect_dma semaphore(%arg13 : memref<!tpu.dma_semaphore, #tpu.memory_space<semaphore_mem>>) src(%dma_wait3A_221 : memref<256x64xf32, #tpu.memory_space<vmem>>) dst(%dma_wait3A_227 : memref<10240x64xf32, #tpu.memory_space<vmem_shared>>)
      %dma_start3A_228 = arith.constant 2 : i32
      %dma_start3A_229 = arith.constant 0 : i32
      %dma_start3A_230 = arith.constant 0 : i32
      %dma_start3A_231 = arith.constant 0 : i32
      %dma_start3A_232 = tpu.memref_slice %arg8[%dma_start3A_229, %dma_start3A_230, %dma_start3A_231] : memref<2x256x64xf32, #tpu.memory_space<vmem>> -> memref<1x256x64xf32, #tpu.memory_space<vmem>>
      %dma_start3A_233 = tpu.memref_squeeze %dma_start3A_232 : memref<1x256x64xf32, #tpu.memory_space<vmem>> -> memref<256x64xf32, #tpu.memory_space<vmem>>
      %dma_start3A_234 = arith.constant 0 : i32
      %dma_start3A_235 = tpu.memref_slice %arg6[%select_n3A_142, %dma_start3A_228, %dma_start3A_234] : memref<2x4x256xi32, #tpu.memory_space<vmem>> -> memref<1x1x256xi32, #tpu.memory_space<vmem>>
      %dma_start3A_236 = tpu.memref_squeeze %dma_start3A_235 : memref<1x1x256xi32, #tpu.memory_space<vmem>> -> memref<256xi32, #tpu.memory_space<vmem>>
      %dma_start3A_237 = arith.constant 0 : i32
      %dma_start3A_238 = arith.constant 0 : i32
      %dma_start3A_239 = tpu.memref_slice %arg9[%dma_start3A_237, %dma_start3A_238] : memref<10240x64xf32, #tpu.memory_space<vmem_shared>> -> memref<10240x64xf32, #tpu.memory_space<vmem_shared>>
      tpu.enqueue_indirect_dma source(%dma_start3A_239 : memref<10240x64xf32, #tpu.memory_space<vmem_shared>>) target(%dma_start3A_233 : memref<256x64xf32, #tpu.memory_space<vmem>>) offsets(%dma_start3A_236 : memref<256xi32, #tpu.memory_space<vmem>>) semaphore(%arg11 : memref<!tpu.dma_semaphore, #tpu.memory_space<semaphore_mem>>)
      %dma_start3A_240 = arith.constant 1 : i32
      %dma_start3A_241 = arith.constant 1 : i32
      %dma_start3A_242 = arith.constant 0 : i32
      %dma_start3A_243 = arith.constant 0 : i32
      %dma_start3A_244 = tpu.memref_slice %arg8[%dma_start3A_240, %dma_start3A_242, %dma_start3A_243] : memref<2x256x64xf32, #tpu.memory_space<vmem>> -> memref<1x256x64xf32, #tpu.memory_space<vmem>>
      %dma_start3A_245 = tpu.memref_squeeze %dma_start3A_244 : memref<1x256x64xf32, #tpu.memory_space<vmem>> -> memref<256x64xf32, #tpu.memory_space<vmem>>
      %dma_start3A_246 = arith.constant 0 : i32
      %dma_start3A_247 = tpu.memref_slice %arg7[%select_n3A_142, %dma_start3A_241, %dma_start3A_246] : memref<2x4x256xi32, #tpu.memory_space<vmem>> -> memref<1x1x256xi32, #tpu.memory_space<vmem>>
      %dma_start3A_248 = tpu.memref_squeeze %dma_start3A_247 : memref<1x1x256xi32, #tpu.memory_space<vmem>> -> memref<256xi32, #tpu.memory_space<vmem>>
      %dma_start3A_249 = arith.constant 0 : i32
      %dma_start3A_250 = arith.constant 0 : i32
      %dma_start3A_251 = tpu.memref_slice %arg10[%dma_start3A_249, %dma_start3A_250] : memref<10240x64xf32, #tpu.memory_space<vmem_shared>> -> memref<10240x64xf32, #tpu.memory_space<vmem_shared>>
      tpu.enqueue_indirect_dma source(%dma_start3A_245 : memref<256x64xf32, #tpu.memory_space<vmem>>) target(%dma_start3A_251 : memref<10240x64xf32, #tpu.memory_space<vmem_shared>>) offsets(%dma_start3A_248 : memref<256xi32, #tpu.memory_space<vmem>>) semaphore(%arg14 : memref<!tpu.dma_semaphore, #tpu.memory_space<semaphore_mem>>) {add = true}
      %dma_wait3A_252 = arith.constant 2 : i32
      %dma_wait3A_253 = arith.constant 0 : i32
      %dma_wait3A_254 = arith.constant 0 : i32
      %dma_wait3A_255 = arith.constant 0 : i32
      %dma_wait3A_256 = tpu.memref_slice %arg8[%dma_wait3A_253, %dma_wait3A_254, %dma_wait3A_255] : memref<2x256x64xf32, #tpu.memory_space<vmem>> -> memref<1x256x64xf32, #tpu.memory_space<vmem>>
      %dma_wait3A_257 = tpu.memref_squeeze %dma_wait3A_256 : memref<1x256x64xf32, #tpu.memory_space<vmem>> -> memref<256x64xf32, #tpu.memory_space<vmem>>
      %dma_wait3A_258 = arith.constant 0 : i32
      %dma_wait3A_259 = tpu.memref_slice %arg6[%select_n3A_142, %dma_wait3A_252, %dma_wait3A_258] : memref<2x4x256xi32, #tpu.memory_space<vmem>> -> memref<1x1x256xi32, #tpu.memory_space<vmem>>
      %dma_wait3A_260 = tpu.memref_squeeze %dma_wait3A_259 : memref<1x1x256xi32, #tpu.memory_space<vmem>> -> memref<256xi32, #tpu.memory_space<vmem>>
      %dma_wait3A_261 = arith.constant 0 : i32
      %dma_wait3A_262 = arith.constant 0 : i32
      %dma_wait3A_263 = tpu.memref_slice %arg9[%dma_wait3A_261, %dma_wait3A_262] : memref<10240x64xf32, #tpu.memory_space<vmem_shared>> -> memref<10240x64xf32, #tpu.memory_space<vmem_shared>>
      tpu.wait_indirect_dma semaphore(%arg11 : memref<!tpu.dma_semaphore, #tpu.memory_space<semaphore_mem>>) src(%dma_wait3A_263 : memref<10240x64xf32, #tpu.memory_space<vmem_shared>>) dst(%dma_wait3A_257 : memref<256x64xf32, #tpu.memory_space<vmem>>)
      %dma_wait3A_264 = arith.constant 1 : i32
      %dma_wait3A_265 = arith.constant 0 : i32
      %dma_wait3A_266 = arith.constant 0 : i32
      %dma_wait3A_267 = arith.constant 0 : i32
      %dma_wait3A_268 = tpu.memref_slice %arg8[%dma_wait3A_264, %dma_wait3A_266, %dma_wait3A_267] : memref<2x256x64xf32, #tpu.memory_space<vmem>> -> memref<1x256x64xf32, #tpu.memory_space<vmem>>
      %dma_wait3A_269 = tpu.memref_squeeze %dma_wait3A_268 : memref<1x256x64xf32, #tpu.memory_space<vmem>> -> memref<256x64xf32, #tpu.memory_space<vmem>>
      %dma_wait3A_270 = arith.constant 0 : i32
      %dma_wait3A_271 = tpu.memref_slice %arg7[%select_n3A_142, %dma_wait3A_265, %dma_wait3A_270] : memref<2x4x256xi32, #tpu.memory_space<vmem>> -> memref<1x1x256xi32, #tpu.memory_space<vmem>>
      %dma_wait3A_272 = tpu.memref_squeeze %dma_wait3A_271 : memref<1x1x256xi32, #tpu.memory_space<vmem>> -> memref<256xi32, #tpu.memory_space<vmem>>
      %dma_wait3A_273 = arith.constant 0 : i32
      %dma_wait3A_274 = arith.constant 0 : i32
      %dma_wait3A_275 = tpu.memref_slice %arg10[%dma_wait3A_273, %dma_wait3A_274] : memref<10240x64xf32, #tpu.memory_space<vmem_shared>> -> memref<10240x64xf32, #tpu.memory_space<vmem_shared>>
      tpu.wait_indirect_dma semaphore(%arg14 : memref<!tpu.dma_semaphore, #tpu.memory_space<semaphore_mem>>) src(%dma_wait3A_269 : memref<256x64xf32, #tpu.memory_space<vmem>>) dst(%dma_wait3A_275 : memref<10240x64xf32, #tpu.memory_space<vmem_shared>>)
      %dma_start3A_276 = arith.constant 3 : i32
      %dma_start3A_277 = arith.constant 1 : i32
      %dma_start3A_278 = arith.constant 0 : i32
      %dma_start3A_279 = arith.constant 0 : i32
      %dma_start3A_280 = tpu.memref_slice %arg8[%dma_start3A_277, %dma_start3A_278, %dma_start3A_279] : memref<2x256x64xf32, #tpu.memory_space<vmem>> -> memref<1x256x64xf32, #tpu.memory_space<vmem>>
      %dma_start3A_281 = tpu.memref_squeeze %dma_start3A_280 : memref<1x256x64xf32, #tpu.memory_space<vmem>> -> memref<256x64xf32, #tpu.memory_space<vmem>>
      %dma_start3A_282 = arith.constant 0 : i32
      %dma_start3A_283 = tpu.memref_slice %arg6[%select_n3A_142, %dma_start3A_276, %dma_start3A_282] : memref<2x4x256xi32, #tpu.memory_space<vmem>> -> memref<1x1x256xi32, #tpu.memory_space<vmem>>
      %dma_start3A_284 = tpu.memref_squeeze %dma_start3A_283 : memref<1x1x256xi32, #tpu.memory_space<vmem>> -> memref<256xi32, #tpu.memory_space<vmem>>
      %dma_start3A_285 = arith.constant 0 : i32
      %dma_start3A_286 = arith.constant 0 : i32
      %dma_start3A_287 = tpu.memref_slice %arg9[%dma_start3A_285, %dma_start3A_286] : memref<10240x64xf32, #tpu.memory_space<vmem_shared>> -> memref<10240x64xf32, #tpu.memory_space<vmem_shared>>
      tpu.enqueue_indirect_dma source(%dma_start3A_287 : memref<10240x64xf32, #tpu.memory_space<vmem_shared>>) target(%dma_start3A_281 : memref<256x64xf32, #tpu.memory_space<vmem>>) offsets(%dma_start3A_284 : memref<256xi32, #tpu.memory_space<vmem>>) semaphore(%arg12 : memref<!tpu.dma_semaphore, #tpu.memory_space<semaphore_mem>>)
      %dma_start3A_288 = arith.constant 0 : i32
      %dma_start3A_289 = arith.constant 2 : i32
      %dma_start3A_290 = arith.constant 0 : i32
      %dma_start3A_291 = arith.constant 0 : i32
      %dma_start3A_292 = tpu.memref_slice %arg8[%dma_start3A_288, %dma_start3A_290, %dma_start3A_291] : memref<2x256x64xf32, #tpu.memory_space<vmem>> -> memref<1x256x64xf32, #tpu.memory_space<vmem>>
      %dma_start3A_293 = tpu.memref_squeeze %dma_start3A_292 : memref<1x256x64xf32, #tpu.memory_space<vmem>> -> memref<256x64xf32, #tpu.memory_space<vmem>>
      %dma_start3A_294 = arith.constant 0 : i32
      %dma_start3A_295 = tpu.memref_slice %arg7[%select_n3A_142, %dma_start3A_289, %dma_start3A_294] : memref<2x4x256xi32, #tpu.memory_space<vmem>> -> memref<1x1x256xi32, #tpu.memory_space<vmem>>
      %dma_start3A_296 = tpu.memref_squeeze %dma_start3A_295 : memref<1x1x256xi32, #tpu.memory_space<vmem>> -> memref<256xi32, #tpu.memory_space<vmem>>
      %dma_start3A_297 = arith.constant 0 : i32
      %dma_start3A_298 = arith.constant 0 : i32
      %dma_start3A_299 = tpu.memref_slice %arg10[%dma_start3A_297, %dma_start3A_298] : memref<10240x64xf32, #tpu.memory_space<vmem_shared>> -> memref<10240x64xf32, #tpu.memory_space<vmem_shared>>
      tpu.enqueue_indirect_dma source(%dma_start3A_293 : memref<256x64xf32, #tpu.memory_space<vmem>>) target(%dma_start3A_299 : memref<10240x64xf32, #tpu.memory_space<vmem_shared>>) offsets(%dma_start3A_296 : memref<256xi32, #tpu.memory_space<vmem>>) semaphore(%arg13 : memref<!tpu.dma_semaphore, #tpu.memory_space<semaphore_mem>>) {add = true}
      %dma_wait3A_300 = arith.constant 3 : i32
      %dma_wait3A_301 = arith.constant 1 : i32
      %dma_wait3A_302 = arith.constant 0 : i32
      %dma_wait3A_303 = arith.constant 0 : i32
      %dma_wait3A_304 = tpu.memref_slice %arg8[%dma_wait3A_301, %dma_wait3A_302, %dma_wait3A_303] : memref<2x256x64xf32, #tpu.memory_space<vmem>> -> memref<1x256x64xf32, #tpu.memory_space<vmem>>
      %dma_wait3A_305 = tpu.memref_squeeze %dma_wait3A_304 : memref<1x256x64xf32, #tpu.memory_space<vmem>> -> memref<256x64xf32, #tpu.memory_space<vmem>>
      %dma_wait3A_306 = arith.constant 0 : i32
      %dma_wait3A_307 = tpu.memref_slice %arg6[%select_n3A_142, %dma_wait3A_300, %dma_wait3A_306] : memref<2x4x256xi32, #tpu.memory_space<vmem>> -> memref<1x1x256xi32, #tpu.memory_space<vmem>>
      %dma_wait3A_308 = tpu.memref_squeeze %dma_wait3A_307 : memref<1x1x256xi32, #tpu.memory_space<vmem>> -> memref<256xi32, #tpu.memory_space<vmem>>
      %dma_wait3A_309 = arith.constant 0 : i32
      %dma_wait3A_310 = arith.constant 0 : i32
      %dma_wait3A_311 = tpu.memref_slice %arg9[%dma_wait3A_309, %dma_wait3A_310] : memref<10240x64xf32, #tpu.memory_space<vmem_shared>> -> memref<10240x64xf32, #tpu.memory_space<vmem_shared>>
      tpu.wait_indirect_dma semaphore(%arg12 : memref<!tpu.dma_semaphore, #tpu.memory_space<semaphore_mem>>) src(%dma_wait3A_311 : memref<10240x64xf32, #tpu.memory_space<vmem_shared>>) dst(%dma_wait3A_305 : memref<256x64xf32, #tpu.memory_space<vmem>>)
      %dma_wait3A_312 = arith.constant 0 : i32
      %dma_wait3A_313 = arith.constant 0 : i32
      %dma_wait3A_314 = arith.constant 0 : i32
      %dma_wait3A_315 = arith.constant 0 : i32
      %dma_wait3A_316 = tpu.memref_slice %arg8[%dma_wait3A_312, %dma_wait3A_314, %dma_wait3A_315] : memref<2x256x64xf32, #tpu.memory_space<vmem>> -> memref<1x256x64xf32, #tpu.memory_space<vmem>>
      %dma_wait3A_317 = tpu.memref_squeeze %dma_wait3A_316 : memref<1x256x64xf32, #tpu.memory_space<vmem>> -> memref<256x64xf32, #tpu.memory_space<vmem>>
      %dma_wait3A_318 = arith.constant 0 : i32
      %dma_wait3A_319 = tpu.memref_slice %arg7[%select_n3A_142, %dma_wait3A_313, %dma_wait3A_318] : memref<2x4x256xi32, #tpu.memory_space<vmem>> -> memref<1x1x256xi32, #tpu.memory_space<vmem>>
      %dma_wait3A_320 = tpu.memref_squeeze %dma_wait3A_319 : memref<1x1x256xi32, #tpu.memory_space<vmem>> -> memref<256xi32, #tpu.memory_space<vmem>>
      %dma_wait3A_321 = arith.constant 0 : i32
      %dma_wait3A_322 = arith.constant 0 : i32
      %dma_wait3A_323 = tpu.memref_slice %arg10[%dma_wait3A_321, %dma_wait3A_322] : memref<10240x64xf32, #tpu.memory_space<vmem_shared>> -> memref<10240x64xf32, #tpu.memory_space<vmem_shared>>
      tpu.wait_indirect_dma semaphore(%arg13 : memref<!tpu.dma_semaphore, #tpu.memory_space<semaphore_mem>>) src(%dma_wait3A_317 : memref<256x64xf32, #tpu.memory_space<vmem>>) dst(%dma_wait3A_323 : memref<10240x64xf32, #tpu.memory_space<vmem_shared>>)
      %lt3A_324 = arith.constant 9 : i32
      %lt3A_325 = arith.cmpi slt, %scan3A_133, %lt3A_324 : i32
      %convert_element_type3A_326 = arith.extui %lt3A_325 : i1 to i32
      %cond3A_327 = arith.constant 0 : i32
      %cond3A_328 = arith.cmpi ne, %convert_element_type3A_326, %cond3A_327 : i32
      scf.if %cond3A_328 {
        %dma_wait3A_341 = arith.constant 0 : i32
        %dma_wait3A_342 = arith.constant 0 : i32
        %dma_wait3A_343 = tpu.memref_slice %arg6[%select_n3A_160, %dma_wait3A_341, %dma_wait3A_342] : memref<2x4x256xi32, #tpu.memory_space<vmem>> -> memref<1x4x256xi32, #tpu.memory_space<vmem>>
        %dma_wait3A_344 = tpu.memref_squeeze %dma_wait3A_343 : memref<1x4x256xi32, #tpu.memory_space<vmem>> -> memref<4x256xi32, #tpu.memory_space<vmem>>
        %dma_wait3A_345 = arith.constant 0 : i32
        %dma_wait3A_346 = arith.constant 0 : i32
        %dma_wait3A_347 = tpu.memref_slice %arg3[%dma_wait3A_345, %dma_wait3A_346] : memref<1280x256xi32, #tpu.memory_space<hbm>> -> memref<4x256xi32, #tpu.memory_space<hbm>>
        %dma_wait3A_348 = arith.constant 0 : i32
        %dma_wait3A_349 = arith.constant 0 : i32
        %dma_wait3A_350 = tpu.memref_slice %arg6[%select_n3A_160, %dma_wait3A_348, %dma_wait3A_349] : memref<2x4x256xi32, #tpu.memory_space<vmem>> -> memref<1x4x256xi32, #tpu.memory_space<vmem>>
        %dma_wait3A_351 = tpu.memref_squeeze %dma_wait3A_350 : memref<1x4x256xi32, #tpu.memory_space<vmem>> -> memref<4x256xi32, #tpu.memory_space<vmem>>
        %dma_wait3A_352 = arith.constant 0 : i32
        %dma_wait3A_353 = arith.constant 0 : i32
        %dma_wait3A_354 = tpu.memref_slice %arg3[%dma_wait3A_352, %dma_wait3A_353] : memref<1280x256xi32, #tpu.memory_space<hbm>> -> memref<4x256xi32, #tpu.memory_space<hbm>>
        tpu.wait_dma2 semaphore(%arg15 : memref<!tpu.dma_semaphore, #tpu.memory_space<semaphore_mem>>) src(%dma_wait3A_354 : memref<4x256xi32, #tpu.memory_space<hbm>>) dst(%dma_wait3A_351 : memref<4x256xi32, #tpu.memory_space<vmem>>)
        %dma_wait3A_355 = arith.constant 0 : i32
        %dma_wait3A_356 = arith.constant 0 : i32
        %dma_wait3A_357 = tpu.memref_slice %arg7[%select_n3A_160, %dma_wait3A_355, %dma_wait3A_356] : memref<2x4x256xi32, #tpu.memory_space<vmem>> -> memref<1x4x256xi32, #tpu.memory_space<vmem>>
        %dma_wait3A_358 = tpu.memref_squeeze %dma_wait3A_357 : memref<1x4x256xi32, #tpu.memory_space<vmem>> -> memref<4x256xi32, #tpu.memory_space<vmem>>
        %dma_wait3A_359 = arith.constant 0 : i32
        %dma_wait3A_360 = arith.constant 0 : i32
        %dma_wait3A_361 = tpu.memref_slice %arg4[%dma_wait3A_359, %dma_wait3A_360] : memref<1280x256xi32, #tpu.memory_space<hbm>> -> memref<4x256xi32, #tpu.memory_space<hbm>>
        %dma_wait3A_362 = arith.constant 0 : i32
        %dma_wait3A_363 = arith.constant 0 : i32
        %dma_wait3A_364 = tpu.memref_slice %arg7[%select_n3A_160, %dma_wait3A_362, %dma_wait3A_363] : memref<2x4x256xi32, #tpu.memory_space<vmem>> -> memref<1x4x256xi32, #tpu.memory_space<vmem>>
        %dma_wait3A_365 = tpu.memref_squeeze %dma_wait3A_364 : memref<1x4x256xi32, #tpu.memory_space<vmem>> -> memref<4x256xi32, #tpu.memory_space<vmem>>
        %dma_wait3A_366 = arith.constant 0 : i32
        %dma_wait3A_367 = arith.constant 0 : i32
        %dma_wait3A_368 = tpu.memref_slice %arg4[%dma_wait3A_366, %dma_wait3A_367] : memref<1280x256xi32, #tpu.memory_space<hbm>> -> memref<4x256xi32, #tpu.memory_space<hbm>>
        tpu.wait_dma2 semaphore(%arg16 : memref<!tpu.dma_semaphore, #tpu.memory_space<semaphore_mem>>) src(%dma_wait3A_368 : memref<4x256xi32, #tpu.memory_space<hbm>>) dst(%dma_wait3A_365 : memref<4x256xi32, #tpu.memory_space<vmem>>)
        %dma_start3A_369 = arith.constant 0 : i32
        %dma_start3A_370 = arith.constant 0 : i32
        %dma_start3A_371 = arith.constant 0 : i32
        %dma_start3A_372 = arith.constant 0 : i32
        %dma_start3A_373 = tpu.memref_slice %arg8[%dma_start3A_370, %dma_start3A_371, %dma_start3A_372] : memref<2x256x64xf32, #tpu.memory_space<vmem>> -> memref<1x256x64xf32, #tpu.memory_space<vmem>>
        %dma_start3A_374 = tpu.memref_squeeze %dma_start3A_373 : memref<1x256x64xf32, #tpu.memory_space<vmem>> -> memref<256x64xf32, #tpu.memory_space<vmem>>
        %dma_start3A_375 = arith.constant 0 : i32
        %dma_start3A_376 = tpu.memref_slice %arg6[%select_n3A_160, %dma_start3A_369, %dma_start3A_375] : memref<2x4x256xi32, #tpu.memory_space<vmem>> -> memref<1x1x256xi32, #tpu.memory_space<vmem>>
        %dma_start3A_377 = tpu.memref_squeeze %dma_start3A_376 : memref<1x1x256xi32, #tpu.memory_space<vmem>> -> memref<256xi32, #tpu.memory_space<vmem>>
        %dma_start3A_378 = arith.constant 0 : i32
        %dma_start3A_379 = arith.constant 0 : i32
        %dma_start3A_380 = tpu.memref_slice %arg9[%dma_start3A_378, %dma_start3A_379] : memref<10240x64xf32, #tpu.memory_space<vmem_shared>> -> memref<10240x64xf32, #tpu.memory_space<vmem_shared>>
        tpu.enqueue_indirect_dma source(%dma_start3A_380 : memref<10240x64xf32, #tpu.memory_space<vmem_shared>>) target(%dma_start3A_374 : memref<256x64xf32, #tpu.memory_space<vmem>>) offsets(%dma_start3A_377 : memref<256xi32, #tpu.memory_space<vmem>>) semaphore(%arg11 : memref<!tpu.dma_semaphore, #tpu.memory_space<semaphore_mem>>)
      } else {
      }
      %dma_start3A_329 = arith.constant 1 : i32
      %dma_start3A_330 = arith.constant 3 : i32
      %dma_start3A_331 = arith.constant 0 : i32
      %dma_start3A_332 = arith.constant 0 : i32
      %dma_start3A_333 = tpu.memref_slice %arg8[%dma_start3A_329, %dma_start3A_331, %dma_start3A_332] : memref<2x256x64xf32, #tpu.memory_space<vmem>> -> memref<1x256x64xf32, #tpu.memory_space<vmem>>
      %dma_start3A_334 = tpu.memref_squeeze %dma_start3A_333 : memref<1x256x64xf32, #tpu.memory_space<vmem>> -> memref<256x64xf32, #tpu.memory_space<vmem>>
      %dma_start3A_335 = arith.constant 0 : i32
      %dma_start3A_336 = tpu.memref_slice %arg7[%select_n3A_142, %dma_start3A_330, %dma_start3A_335] : memref<2x4x256xi32, #tpu.memory_space<vmem>> -> memref<1x1x256xi32, #tpu.memory_space<vmem>>
      %dma_start3A_337 = tpu.memref_squeeze %dma_start3A_336 : memref<1x1x256xi32, #tpu.memory_space<vmem>> -> memref<256xi32, #tpu.memory_space<vmem>>
      %dma_start3A_338 = arith.constant 0 : i32
      %dma_start3A_339 = arith.constant 0 : i32
      %dma_start3A_340 = tpu.memref_slice %arg10[%dma_start3A_338, %dma_start3A_339] : memref<10240x64xf32, #tpu.memory_space<vmem_shared>> -> memref<10240x64xf32, #tpu.memory_space<vmem_shared>>
      tpu.enqueue_indirect_dma source(%dma_start3A_334 : memref<256x64xf32, #tpu.memory_space<vmem>>) target(%dma_start3A_340 : memref<10240x64xf32, #tpu.memory_space<vmem_shared>>) offsets(%dma_start3A_337 : memref<256xi32, #tpu.memory_space<vmem>>) semaphore(%arg14 : memref<!tpu.dma_semaphore, #tpu.memory_space<semaphore_mem>>) {add = true}
    }
    %scan3A_113 = arith.constant 10 : i32
    %dma_wait3A_114 = arith.constant 1 : i32
    %dma_wait3A_115 = arith.constant 0 : i32
    %dma_wait3A_116 = arith.constant 0 : i32
    %dma_wait3A_117 = arith.constant 0 : i32
    %dma_wait3A_118 = arith.constant 0 : i32
    %dma_wait3A_119 = tpu.memref_slice %arg8[%dma_wait3A_114, %dma_wait3A_117, %dma_wait3A_118] : memref<2x256x64xf32, #tpu.memory_space<vmem>> -> memref<1x256x64xf32, #tpu.memory_space<vmem>>
    %dma_wait3A_120 = tpu.memref_squeeze %dma_wait3A_119 : memref<1x256x64xf32, #tpu.memory_space<vmem>> -> memref<256x64xf32, #tpu.memory_space<vmem>>
    %dma_wait3A_121 = arith.constant 0 : i32
    %dma_wait3A_122 = tpu.memref_slice %arg7[%dma_wait3A_115, %dma_wait3A_116, %dma_wait3A_121] : memref<2x4x256xi32, #tpu.memory_space<vmem>> -> memref<1x1x256xi32, #tpu.memory_space<vmem>>
    %dma_wait3A_123 = tpu.memref_squeeze %dma_wait3A_122 : memref<1x1x256xi32, #tpu.memory_space<vmem>> -> memref<256xi32, #tpu.memory_space<vmem>>
    %dma_wait3A_124 = arith.constant 0 : i32
    %dma_wait3A_125 = arith.constant 0 : i32
    %dma_wait3A_126 = tpu.memref_slice %arg10[%dma_wait3A_124, %dma_wait3A_125] : memref<10240x64xf32, #tpu.memory_space<vmem_shared>> -> memref<10240x64xf32, #tpu.memory_space<vmem_shared>>
    tpu.wait_indirect_dma semaphore(%arg14 : memref<!tpu.dma_semaphore, #tpu.memory_space<semaphore_mem>>) src(%dma_wait3A_120 : memref<256x64xf32, #tpu.memory_space<vmem>>) dst(%dma_wait3A_126 : memref<10240x64xf32, #tpu.memory_space<vmem_shared>>)
    %barrier3A_127 = arith.constant 0 : index
    tpu.barrier barrier_id(%barrier3A_127)
    %mul3A_128 = arith.constant 640 : i32
    %mul3A_129 = arith.muli %arg1, %mul3A_128 : i32
    %mul3A_130 = arith.constant 640 : i32
    %mul3A_131 = arith.muli %arg1, %mul3A_130 : i32
    %run_scoped3A_132 = arith.constant 1 : i32
    "tpu.region"() ({
      %run_scoped3A_133 = tpu.sem_alloc : memref<!tpu.dma_semaphore, #tpu.memory_space<semaphore_mem>>
      %dma_start3A_134 = arith.constant 0 : i32
      %dma_start3A_135 = tpu.memref_slice %arg5[%arg0, %run_scoped3A_132, %mul3A_131, %dma_start3A_134] : memref<2x2x10240x64xf32, #tpu.memory_space<hbm>> -> memref<1x1x640x64xf32, #tpu.memory_space<hbm>>
      %dma_start3A_136 = tpu.memref_squeeze %dma_start3A_135 : memref<1x1x640x64xf32, #tpu.memory_space<hbm>> -> memref<640x64xf32, #tpu.memory_space<hbm>>
      %dma_start3A_137 = arith.constant 0 : i32
      %dma_start3A_138 = tpu.memref_slice %arg10[%mul3A_129, %dma_start3A_137] : memref<10240x64xf32, #tpu.memory_space<vmem_shared>> -> memref<640x64xf32, #tpu.memory_space<vmem_shared>>
      tpu.enqueue_dma source(%dma_start3A_138 : memref<640x64xf32, #tpu.memory_space<vmem_shared>>) target(%dma_start3A_136 : memref<640x64xf32, #tpu.memory_space<hbm>>) target_semaphore(%run_scoped3A_133 : memref<!tpu.dma_semaphore, #tpu.memory_space<semaphore_mem>>)
      %dma_wait3A_139 = arith.constant 0 : i32
      %dma_wait3A_140 = tpu.memref_slice %arg5[%arg0, %run_scoped3A_132, %mul3A_131, %dma_wait3A_139] : memref<2x2x10240x64xf32, #tpu.memory_space<hbm>> -> memref<1x1x640x64xf32, #tpu.memory_space<hbm>>
      %dma_wait3A_141 = tpu.memref_squeeze %dma_wait3A_140 : memref<1x1x640x64xf32, #tpu.memory_space<hbm>> -> memref<640x64xf32, #tpu.memory_space<hbm>>
      %dma_wait3A_142 = arith.constant 0 : i32
      %dma_wait3A_143 = tpu.memref_slice %arg10[%mul3A_129, %dma_wait3A_142] : memref<10240x64xf32, #tpu.memory_space<vmem_shared>> -> memref<640x64xf32, #tpu.memory_space<vmem_shared>>
      tpu.wait_dma2 semaphore(%run_scoped3A_133 : memref<!tpu.dma_semaphore, #tpu.memory_space<semaphore_mem>>) src(%dma_wait3A_143 : memref<640x64xf32, #tpu.memory_space<vmem_shared>>) dst(%dma_wait3A_141 : memref<640x64xf32, #tpu.memory_space<hbm>>)
      tpu.yield
    }) : () -> ()
    return
  }
}

#map = affine_map<(d0, d1) -> (0, 0)>
#map1 = affine_map<(d0, d1) -> (0, 0, 0)>
module attributes {stable_mosaic.version = 14 : i64} {
  func.func @_cnt_body(%arg0: i32, %arg1: i32, %arg2: memref<1280x256xi32, #tpu.memory_space<hbm>>, %arg3: memref<2x10240x16xf32, #tpu.memory_space<hbm>>, %arg4: memref<4x256xi32, #tpu.memory_space<vmem>>, %arg5: memref<256x16xf32, #tpu.memory_space<vmem>>, %arg6: memref<10240x16xf32, #tpu.memory_space<vmem_shared>>) attributes {dimension_semantics = [#tpu.dimension_semantics<core_parallel>, #tpu.dimension_semantics<subcore_parallel>], iteration_bounds = array<i64: 2, 16>, scalar_prefetch = 0 : i64, scratch_operands = 3 : i64, tpu.core_type = #tpu.core_type<sc_vector_subcore>, window_params = [{transform_indices = #map}, {transform_indices = #map1}]} {
    %mul3A = arith.constant 2 : i32
    %mul3A_0 = arith.muli %arg1, %mul3A : i32
    %add3A = arith.addi %mul3A_0, %arg0 : i32
    %broadcast_in_dim3A = arith.constant 0.000000e+00 : f32
    %broadcast_in_dim3A_1 = vector.broadcast %broadcast_in_dim3A : f32 to vector<16xf32>
    %broadcast_in_dim3A_2 = arith.constant 1.000000e+00 : f32
    %broadcast_in_dim3A_3 = vector.broadcast %broadcast_in_dim3A_2 : f32 to vector<16xf32>
    %scan3A = arith.constant 0 : i32
    %scan3A_4 = arith.constant 0 : i32
    %scan3A_5 = arith.constant 256 : i32
    %scan3A_6 = arith.addi %scan3A_4, %scan3A_5 : i32
    %scan3A_7 = arith.constant 1 : i32
    scf.for %scan3A_38 = %scan3A_4 to %scan3A_6 step %scan3A_7  : i32 {
      %swap3A = arith.index_cast %scan3A_38 : i32 to index
      %swap3A_39 = arith.constant 0 : index
      %swap3A_40 = tpu.vector_load %arg5[%swap3A, %swap3A_39] {strides = array<i32>} : memref<256x16xf32, #tpu.memory_space<vmem>>, vector<1x16xf32>,
      %swap3A_41 = vector.shape_cast %swap3A_40 : vector<1x16xf32> to vector<16xf32>
      %swap3A_42 = vector.shape_cast %broadcast_in_dim3A_1 : vector<16xf32> to vector<1x16xf32>
      tpu.vector_store %arg5[%swap3A, %swap3A_39], %swap3A_42 {strides = array<i32>} : memref<256x16xf32, #tpu.memory_space<vmem>>, vector<1x16xf32>,
    }
    %scan3A_8 = arith.constant 256 : i32
    %mul3A_9 = arith.constant 640 : i32
    %mul3A_10 = arith.muli %arg1, %mul3A_9 : i32
    %add3A_11 = arith.constant 0 : i32
    %add3A_12 = arith.addi %mul3A_10, %add3A_11 : i32
    "tpu.region"() ({
      %run_scoped3A = tpu.sem_alloc : memref<!tpu.dma_semaphore, #tpu.memory_space<semaphore_mem>>
      %dma_start3A = arith.constant 0 : i32
      %dma_start3A_38 = tpu.memref_slice %arg6[%add3A_12, %dma_start3A] : memref<10240x16xf32, #tpu.memory_space<vmem_shared>> -> memref<256x16xf32, #tpu.memory_space<vmem_shared>>
      %dma_start3A_39 = arith.constant 0 : i32
      %dma_start3A_40 = tpu.memref_slice %arg6[%add3A_12, %dma_start3A_39] : memref<10240x16xf32, #tpu.memory_space<vmem_shared>> -> memref<256x16xf32, #tpu.memory_space<vmem_shared>>
      tpu.enqueue_dma source(%arg5 : memref<256x16xf32, #tpu.memory_space<vmem>>) target(%dma_start3A_40 : memref<256x16xf32, #tpu.memory_space<vmem_shared>>) target_semaphore(%run_scoped3A : memref<!tpu.dma_semaphore, #tpu.memory_space<semaphore_mem>>)
      %dma_wait3A = arith.constant 0 : i32
      %dma_wait3A_41 = tpu.memref_slice %arg6[%add3A_12, %dma_wait3A] : memref<10240x16xf32, #tpu.memory_space<vmem_shared>> -> memref<256x16xf32, #tpu.memory_space<vmem_shared>>
      %dma_wait3A_42 = arith.constant 0 : i32
      %dma_wait3A_43 = tpu.memref_slice %arg6[%add3A_12, %dma_wait3A_42] : memref<10240x16xf32, #tpu.memory_space<vmem_shared>> -> memref<256x16xf32, #tpu.memory_space<vmem_shared>>
      tpu.wait_dma2 semaphore(%run_scoped3A : memref<!tpu.dma_semaphore, #tpu.memory_space<semaphore_mem>>) src(%arg5 : memref<256x16xf32, #tpu.memory_space<vmem>>) dst(%dma_wait3A_43 : memref<256x16xf32, #tpu.memory_space<vmem_shared>>)
      tpu.yield
    }) : () -> ()
    %mul3A_13 = arith.constant 640 : i32
    %mul3A_14 = arith.muli %arg1, %mul3A_13 : i32
    %add3A_15 = arith.constant 256 : i32
    %add3A_16 = arith.addi %mul3A_14, %add3A_15 : i32
    "tpu.region"() ({
      %run_scoped3A = tpu.sem_alloc : memref<!tpu.dma_semaphore, #tpu.memory_space<semaphore_mem>>
      %dma_start3A = arith.constant 0 : i32
      %dma_start3A_38 = tpu.memref_slice %arg6[%add3A_16, %dma_start3A] : memref<10240x16xf32, #tpu.memory_space<vmem_shared>> -> memref<256x16xf32, #tpu.memory_space<vmem_shared>>
      %dma_start3A_39 = arith.constant 0 : i32
      %dma_start3A_40 = tpu.memref_slice %arg6[%add3A_16, %dma_start3A_39] : memref<10240x16xf32, #tpu.memory_space<vmem_shared>> -> memref<256x16xf32, #tpu.memory_space<vmem_shared>>
      tpu.enqueue_dma source(%arg5 : memref<256x16xf32, #tpu.memory_space<vmem>>) target(%dma_start3A_40 : memref<256x16xf32, #tpu.memory_space<vmem_shared>>) target_semaphore(%run_scoped3A : memref<!tpu.dma_semaphore, #tpu.memory_space<semaphore_mem>>)
      %dma_wait3A = arith.constant 0 : i32
      %dma_wait3A_41 = tpu.memref_slice %arg6[%add3A_16, %dma_wait3A] : memref<10240x16xf32, #tpu.memory_space<vmem_shared>> -> memref<256x16xf32, #tpu.memory_space<vmem_shared>>
      %dma_wait3A_42 = arith.constant 0 : i32
      %dma_wait3A_43 = tpu.memref_slice %arg6[%add3A_16, %dma_wait3A_42] : memref<10240x16xf32, #tpu.memory_space<vmem_shared>> -> memref<256x16xf32, #tpu.memory_space<vmem_shared>>
      tpu.wait_dma2 semaphore(%run_scoped3A : memref<!tpu.dma_semaphore, #tpu.memory_space<semaphore_mem>>) src(%arg5 : memref<256x16xf32, #tpu.memory_space<vmem>>) dst(%dma_wait3A_43 : memref<256x16xf32, #tpu.memory_space<vmem_shared>>)
      tpu.yield
    }) : () -> ()
    %mul3A_17 = arith.constant 640 : i32
    %mul3A_18 = arith.muli %arg1, %mul3A_17 : i32
    %add3A_19 = arith.constant 512 : i32
    %add3A_20 = arith.addi %mul3A_18, %add3A_19 : i32
    "tpu.region"() ({
      %run_scoped3A = tpu.sem_alloc : memref<!tpu.dma_semaphore, #tpu.memory_space<semaphore_mem>>
      %dma_start3A = arith.constant 0 : i32
      %dma_start3A_38 = arith.constant 0 : i32
      %dma_start3A_39 = tpu.memref_slice %arg5[%dma_start3A, %dma_start3A_38] : memref<256x16xf32, #tpu.memory_space<vmem>> -> memref<128x16xf32, #tpu.memory_space<vmem>>
      %dma_start3A_40 = arith.constant 0 : i32
      %dma_start3A_41 = tpu.memref_slice %arg6[%add3A_20, %dma_start3A_40] : memref<10240x16xf32, #tpu.memory_space<vmem_shared>> -> memref<128x16xf32, #tpu.memory_space<vmem_shared>>
      %dma_start3A_42 = arith.constant 0 : i32
      %dma_start3A_43 = tpu.memref_slice %arg6[%add3A_20, %dma_start3A_42] : memref<10240x16xf32, #tpu.memory_space<vmem_shared>> -> memref<128x16xf32, #tpu.memory_space<vmem_shared>>
      %dma_start3A_44 = arith.constant 0 : i32
      %dma_start3A_45 = arith.constant 0 : i32
      %dma_start3A_46 = tpu.memref_slice %arg5[%dma_start3A_44, %dma_start3A_45] : memref<256x16xf32, #tpu.memory_space<vmem>> -> memref<128x16xf32, #tpu.memory_space<vmem>>
      tpu.enqueue_dma source(%dma_start3A_46 : memref<128x16xf32, #tpu.memory_space<vmem>>) target(%dma_start3A_43 : memref<128x16xf32, #tpu.memory_space<vmem_shared>>) target_semaphore(%run_scoped3A : memref<!tpu.dma_semaphore, #tpu.memory_space<semaphore_mem>>)
      %dma_wait3A = arith.constant 0 : i32
      %dma_wait3A_47 = arith.constant 0 : i32
      %dma_wait3A_48 = tpu.memref_slice %arg5[%dma_wait3A, %dma_wait3A_47] : memref<256x16xf32, #tpu.memory_space<vmem>> -> memref<128x16xf32, #tpu.memory_space<vmem>>
      %dma_wait3A_49 = arith.constant 0 : i32
      %dma_wait3A_50 = tpu.memref_slice %arg6[%add3A_20, %dma_wait3A_49] : memref<10240x16xf32, #tpu.memory_space<vmem_shared>> -> memref<128x16xf32, #tpu.memory_space<vmem_shared>>
      %dma_wait3A_51 = arith.constant 0 : i32
      %dma_wait3A_52 = tpu.memref_slice %arg6[%add3A_20, %dma_wait3A_51] : memref<10240x16xf32, #tpu.memory_space<vmem_shared>> -> memref<128x16xf32, #tpu.memory_space<vmem_shared>>
      %dma_wait3A_53 = arith.constant 0 : i32
      %dma_wait3A_54 = arith.constant 0 : i32
      %dma_wait3A_55 = tpu.memref_slice %arg5[%dma_wait3A_53, %dma_wait3A_54] : memref<256x16xf32, #tpu.memory_space<vmem>> -> memref<128x16xf32, #tpu.memory_space<vmem>>
      tpu.wait_dma2 semaphore(%run_scoped3A : memref<!tpu.dma_semaphore, #tpu.memory_space<semaphore_mem>>) src(%dma_wait3A_55 : memref<128x16xf32, #tpu.memory_space<vmem>>) dst(%dma_wait3A_52 : memref<128x16xf32, #tpu.memory_space<vmem_shared>>)
      tpu.yield
    }) : () -> ()
    %scan3A_21 = arith.constant 0 : i32
    %scan3A_22 = arith.constant 0 : i32
    %scan3A_23 = arith.constant 256 : i32
    %scan3A_24 = arith.addi %scan3A_22, %scan3A_23 : i32
    %scan3A_25 = arith.constant 1 : i32
    scf.for %scan3A_38 = %scan3A_22 to %scan3A_24 step %scan3A_25  : i32 {
      %swap3A = arith.index_cast %scan3A_38 : i32 to index
      %swap3A_39 = arith.constant 0 : index
      %swap3A_40 = tpu.vector_load %arg5[%swap3A, %swap3A_39] {strides = array<i32>} : memref<256x16xf32, #tpu.memory_space<vmem>>, vector<1x16xf32>,
      %swap3A_41 = vector.shape_cast %swap3A_40 : vector<1x16xf32> to vector<16xf32>
      %swap3A_42 = vector.shape_cast %broadcast_in_dim3A_3 : vector<16xf32> to vector<1x16xf32>
      tpu.vector_store %arg5[%swap3A, %swap3A_39], %swap3A_42 {strides = array<i32>} : memref<256x16xf32, #tpu.memory_space<vmem>>, vector<1x16xf32>,
    }
    %scan3A_26 = arith.constant 256 : i32
    %barrier3A = arith.constant 0 : index
    tpu.barrier barrier_id(%barrier3A)
    %scan3A_27 = arith.constant 0 : i32
    %scan3A_28 = arith.constant 0 : i32
    %scan3A_29 = arith.constant 10 : i32
    %scan3A_30 = arith.addi %scan3A_28, %scan3A_29 : i32
    %scan3A_31 = arith.constant 1 : i32
    scf.for %scan3A_38 = %scan3A_28 to %scan3A_30 step %scan3A_31  : i32 {
      %mul3A_39 = arith.constant 40 : i32
      %mul3A_40 = arith.muli %add3A, %mul3A_39 : i32
      %mul3A_41 = arith.constant 4 : i32
      %mul3A_42 = arith.muli %scan3A_38, %mul3A_41 : i32
      %add3A_43 = arith.addi %mul3A_40, %mul3A_42 : i32
      "tpu.region"() ({
        %run_scoped3A_47 = tpu.sem_alloc : memref<!tpu.dma_semaphore, #tpu.memory_space<semaphore_mem>>
        %dma_start3A = arith.constant 0 : i32
        %dma_start3A_48 = tpu.memref_slice %arg2[%add3A_43, %dma_start3A] : memref<1280x256xi32, #tpu.memory_space<hbm>> -> memref<4x256xi32, #tpu.memory_space<hbm>>
        %dma_start3A_49 = arith.constant 0 : i32
        %dma_start3A_50 = tpu.memref_slice %arg2[%add3A_43, %dma_start3A_49] : memref<1280x256xi32, #tpu.memory_space<hbm>> -> memref<4x256xi32, #tpu.memory_space<hbm>>
        tpu.enqueue_dma source(%dma_start3A_50 : memref<4x256xi32, #tpu.memory_space<hbm>>) target(%arg4 : memref<4x256xi32, #tpu.memory_space<vmem>>) target_semaphore(%run_scoped3A_47 : memref<!tpu.dma_semaphore, #tpu.memory_space<semaphore_mem>>)
        %dma_wait3A = arith.constant 0 : i32
        %dma_wait3A_51 = tpu.memref_slice %arg2[%add3A_43, %dma_wait3A] : memref<1280x256xi32, #tpu.memory_space<hbm>> -> memref<4x256xi32, #tpu.memory_space<hbm>>
        %dma_wait3A_52 = arith.constant 0 : i32
        %dma_wait3A_53 = tpu.memref_slice %arg2[%add3A_43, %dma_wait3A_52] : memref<1280x256xi32, #tpu.memory_space<hbm>> -> memref<4x256xi32, #tpu.memory_space<hbm>>
        tpu.wait_dma2 semaphore(%run_scoped3A_47 : memref<!tpu.dma_semaphore, #tpu.memory_space<semaphore_mem>>) src(%dma_wait3A_53 : memref<4x256xi32, #tpu.memory_space<hbm>>) dst(%arg4 : memref<4x256xi32, #tpu.memory_space<vmem>>)
        tpu.yield
      }) : () -> ()
      %run_scoped3A = arith.constant 0 : i32
      "tpu.region"() ({
        %run_scoped3A_47 = tpu.sem_alloc : memref<!tpu.dma_semaphore, #tpu.memory_space<semaphore_mem>>
        %dma_start3A = arith.constant 0 : i32
        %dma_start3A_48 = tpu.memref_slice %arg4[%run_scoped3A, %dma_start3A] : memref<4x256xi32, #tpu.memory_space<vmem>> -> memref<1x256xi32, #tpu.memory_space<vmem>>
        %dma_start3A_49 = tpu.memref_squeeze %dma_start3A_48 : memref<1x256xi32, #tpu.memory_space<vmem>> -> memref<256xi32, #tpu.memory_space<vmem>>
        %dma_start3A_50 = arith.constant 0 : i32
        %dma_start3A_51 = arith.constant 0 : i32
        %dma_start3A_52 = tpu.memref_slice %arg6[%dma_start3A_50, %dma_start3A_51] : memref<10240x16xf32, #tpu.memory_space<vmem_shared>> -> memref<10240x16xf32, #tpu.memory_space<vmem_shared>>
        tpu.enqueue_indirect_dma source(%arg5 : memref<256x16xf32, #tpu.memory_space<vmem>>) target(%dma_start3A_52 : memref<10240x16xf32, #tpu.memory_space<vmem_shared>>) offsets(%dma_start3A_49 : memref<256xi32, #tpu.memory_space<vmem>>) semaphore(%run_scoped3A_47 : memref<!tpu.dma_semaphore, #tpu.memory_space<semaphore_mem>>) {add = true}
        %dma_wait3A = arith.constant 0 : i32
        %dma_wait3A_53 = tpu.memref_slice %arg4[%run_scoped3A, %dma_wait3A] : memref<4x256xi32, #tpu.memory_space<vmem>> -> memref<1x256xi32, #tpu.memory_space<vmem>>
        %dma_wait3A_54 = tpu.memref_squeeze %dma_wait3A_53 : memref<1x256xi32, #tpu.memory_space<vmem>> -> memref<256xi32, #tpu.memory_space<vmem>>
        %dma_wait3A_55 = arith.constant 0 : i32
        %dma_wait3A_56 = arith.constant 0 : i32
        %dma_wait3A_57 = tpu.memref_slice %arg6[%dma_wait3A_55, %dma_wait3A_56] : memref<10240x16xf32, #tpu.memory_space<vmem_shared>> -> memref<10240x16xf32, #tpu.memory_space<vmem_shared>>
        tpu.wait_indirect_dma semaphore(%run_scoped3A_47 : memref<!tpu.dma_semaphore, #tpu.memory_space<semaphore_mem>>) src(%arg5 : memref<256x16xf32, #tpu.memory_space<vmem>>) dst(%dma_wait3A_57 : memref<10240x16xf32, #tpu.memory_space<vmem_shared>>)
        tpu.yield
      }) : () -> ()
      %run_scoped3A_44 = arith.constant 1 : i32
      "tpu.region"() ({
        %run_scoped3A_47 = tpu.sem_alloc : memref<!tpu.dma_semaphore, #tpu.memory_space<semaphore_mem>>
        %dma_start3A = arith.constant 0 : i32
        %dma_start3A_48 = tpu.memref_slice %arg4[%run_scoped3A_44, %dma_start3A] : memref<4x256xi32, #tpu.memory_space<vmem>> -> memref<1x256xi32, #tpu.memory_space<vmem>>
        %dma_start3A_49 = tpu.memref_squeeze %dma_start3A_48 : memref<1x256xi32, #tpu.memory_space<vmem>> -> memref<256xi32, #tpu.memory_space<vmem>>
        %dma_start3A_50 = arith.constant 0 : i32
        %dma_start3A_51 = arith.constant 0 : i32
        %dma_start3A_52 = tpu.memref_slice %arg6[%dma_start3A_50, %dma_start3A_51] : memref<10240x16xf32, #tpu.memory_space<vmem_shared>> -> memref<10240x16xf32, #tpu.memory_space<vmem_shared>>
        tpu.enqueue_indirect_dma source(%arg5 : memref<256x16xf32, #tpu.memory_space<vmem>>) target(%dma_start3A_52 : memref<10240x16xf32, #tpu.memory_space<vmem_shared>>) offsets(%dma_start3A_49 : memref<256xi32, #tpu.memory_space<vmem>>) semaphore(%run_scoped3A_47 : memref<!tpu.dma_semaphore, #tpu.memory_space<semaphore_mem>>) {add = true}
        %dma_wait3A = arith.constant 0 : i32
        %dma_wait3A_53 = tpu.memref_slice %arg4[%run_scoped3A_44, %dma_wait3A] : memref<4x256xi32, #tpu.memory_space<vmem>> -> memref<1x256xi32, #tpu.memory_space<vmem>>
        %dma_wait3A_54 = tpu.memref_squeeze %dma_wait3A_53 : memref<1x256xi32, #tpu.memory_space<vmem>> -> memref<256xi32, #tpu.memory_space<vmem>>
        %dma_wait3A_55 = arith.constant 0 : i32
        %dma_wait3A_56 = arith.constant 0 : i32
        %dma_wait3A_57 = tpu.memref_slice %arg6[%dma_wait3A_55, %dma_wait3A_56] : memref<10240x16xf32, #tpu.memory_space<vmem_shared>> -> memref<10240x16xf32, #tpu.memory_space<vmem_shared>>
        tpu.wait_indirect_dma semaphore(%run_scoped3A_47 : memref<!tpu.dma_semaphore, #tpu.memory_space<semaphore_mem>>) src(%arg5 : memref<256x16xf32, #tpu.memory_space<vmem>>) dst(%dma_wait3A_57 : memref<10240x16xf32, #tpu.memory_space<vmem_shared>>)
        tpu.yield
      }) : () -> ()
      %run_scoped3A_45 = arith.constant 2 : i32
      "tpu.region"() ({
        %run_scoped3A_47 = tpu.sem_alloc : memref<!tpu.dma_semaphore, #tpu.memory_space<semaphore_mem>>
        %dma_start3A = arith.constant 0 : i32
        %dma_start3A_48 = tpu.memref_slice %arg4[%run_scoped3A_45, %dma_start3A] : memref<4x256xi32, #tpu.memory_space<vmem>> -> memref<1x256xi32, #tpu.memory_space<vmem>>
        %dma_start3A_49 = tpu.memref_squeeze %dma_start3A_48 : memref<1x256xi32, #tpu.memory_space<vmem>> -> memref<256xi32, #tpu.memory_space<vmem>>
        %dma_start3A_50 = arith.constant 0 : i32
        %dma_start3A_51 = arith.constant 0 : i32
        %dma_start3A_52 = tpu.memref_slice %arg6[%dma_start3A_50, %dma_start3A_51] : memref<10240x16xf32, #tpu.memory_space<vmem_shared>> -> memref<10240x16xf32, #tpu.memory_space<vmem_shared>>
        tpu.enqueue_indirect_dma source(%arg5 : memref<256x16xf32, #tpu.memory_space<vmem>>) target(%dma_start3A_52 : memref<10240x16xf32, #tpu.memory_space<vmem_shared>>) offsets(%dma_start3A_49 : memref<256xi32, #tpu.memory_space<vmem>>) semaphore(%run_scoped3A_47 : memref<!tpu.dma_semaphore, #tpu.memory_space<semaphore_mem>>) {add = true}
        %dma_wait3A = arith.constant 0 : i32
        %dma_wait3A_53 = tpu.memref_slice %arg4[%run_scoped3A_45, %dma_wait3A] : memref<4x256xi32, #tpu.memory_space<vmem>> -> memref<1x256xi32, #tpu.memory_space<vmem>>
        %dma_wait3A_54 = tpu.memref_squeeze %dma_wait3A_53 : memref<1x256xi32, #tpu.memory_space<vmem>> -> memref<256xi32, #tpu.memory_space<vmem>>
        %dma_wait3A_55 = arith.constant 0 : i32
        %dma_wait3A_56 = arith.constant 0 : i32
        %dma_wait3A_57 = tpu.memref_slice %arg6[%dma_wait3A_55, %dma_wait3A_56] : memref<10240x16xf32, #tpu.memory_space<vmem_shared>> -> memref<10240x16xf32, #tpu.memory_space<vmem_shared>>
        tpu.wait_indirect_dma semaphore(%run_scoped3A_47 : memref<!tpu.dma_semaphore, #tpu.memory_space<semaphore_mem>>) src(%arg5 : memref<256x16xf32, #tpu.memory_space<vmem>>) dst(%dma_wait3A_57 : memref<10240x16xf32, #tpu.memory_space<vmem_shared>>)
        tpu.yield
      }) : () -> ()
      %run_scoped3A_46 = arith.constant 3 : i32
      "tpu.region"() ({
        %run_scoped3A_47 = tpu.sem_alloc : memref<!tpu.dma_semaphore, #tpu.memory_space<semaphore_mem>>
        %dma_start3A = arith.constant 0 : i32
        %dma_start3A_48 = tpu.memref_slice %arg4[%run_scoped3A_46, %dma_start3A] : memref<4x256xi32, #tpu.memory_space<vmem>> -> memref<1x256xi32, #tpu.memory_space<vmem>>
        %dma_start3A_49 = tpu.memref_squeeze %dma_start3A_48 : memref<1x256xi32, #tpu.memory_space<vmem>> -> memref<256xi32, #tpu.memory_space<vmem>>
        %dma_start3A_50 = arith.constant 0 : i32
        %dma_start3A_51 = arith.constant 0 : i32
        %dma_start3A_52 = tpu.memref_slice %arg6[%dma_start3A_50, %dma_start3A_51] : memref<10240x16xf32, #tpu.memory_space<vmem_shared>> -> memref<10240x16xf32, #tpu.memory_space<vmem_shared>>
        tpu.enqueue_indirect_dma source(%arg5 : memref<256x16xf32, #tpu.memory_space<vmem>>) target(%dma_start3A_52 : memref<10240x16xf32, #tpu.memory_space<vmem_shared>>) offsets(%dma_start3A_49 : memref<256xi32, #tpu.memory_space<vmem>>) semaphore(%run_scoped3A_47 : memref<!tpu.dma_semaphore, #tpu.memory_space<semaphore_mem>>) {add = true}
        %dma_wait3A = arith.constant 0 : i32
        %dma_wait3A_53 = tpu.memref_slice %arg4[%run_scoped3A_46, %dma_wait3A] : memref<4x256xi32, #tpu.memory_space<vmem>> -> memref<1x256xi32, #tpu.memory_space<vmem>>
        %dma_wait3A_54 = tpu.memref_squeeze %dma_wait3A_53 : memref<1x256xi32, #tpu.memory_space<vmem>> -> memref<256xi32, #tpu.memory_space<vmem>>
        %dma_wait3A_55 = arith.constant 0 : i32
        %dma_wait3A_56 = arith.constant 0 : i32
        %dma_wait3A_57 = tpu.memref_slice %arg6[%dma_wait3A_55, %dma_wait3A_56] : memref<10240x16xf32, #tpu.memory_space<vmem_shared>> -> memref<10240x16xf32, #tpu.memory_space<vmem_shared>>
        tpu.wait_indirect_dma semaphore(%run_scoped3A_47 : memref<!tpu.dma_semaphore, #tpu.memory_space<semaphore_mem>>) src(%arg5 : memref<256x16xf32, #tpu.memory_space<vmem>>) dst(%dma_wait3A_57 : memref<10240x16xf32, #tpu.memory_space<vmem_shared>>)
        tpu.yield
      }) : () -> ()
    }
    %scan3A_32 = arith.constant 10 : i32
    %barrier3A_33 = arith.constant 0 : index
    tpu.barrier barrier_id(%barrier3A_33)
    %mul3A_34 = arith.constant 640 : i32
    %mul3A_35 = arith.muli %arg1, %mul3A_34 : i32
    %mul3A_36 = arith.constant 640 : i32
    %mul3A_37 = arith.muli %arg1, %mul3A_36 : i32
    "tpu.region"() ({
      %run_scoped3A = tpu.sem_alloc : memref<!tpu.dma_semaphore, #tpu.memory_space<semaphore_mem>>
      %dma_start3A = arith.constant 0 : i32
      %dma_start3A_38 = tpu.memref_slice %arg3[%arg0, %mul3A_37, %dma_start3A] : memref<2x10240x16xf32, #tpu.memory_space<hbm>> -> memref<1x640x16xf32, #tpu.memory_space<hbm>>
      %dma_start3A_39 = tpu.memref_squeeze %dma_start3A_38 : memref<1x640x16xf32, #tpu.memory_space<hbm>> -> memref<640x16xf32, #tpu.memory_space<hbm>>
      %dma_start3A_40 = arith.constant 0 : i32
      %dma_start3A_41 = tpu.memref_slice %arg6[%mul3A_35, %dma_start3A_40] : memref<10240x16xf32, #tpu.memory_space<vmem_shared>> -> memref<640x16xf32, #tpu.memory_space<vmem_shared>>
      tpu.enqueue_dma source(%dma_start3A_41 : memref<640x16xf32, #tpu.memory_space<vmem_shared>>) target(%dma_start3A_39 : memref<640x16xf32, #tpu.memory_space<hbm>>) target_semaphore(%run_scoped3A : memref<!tpu.dma_semaphore, #tpu.memory_space<semaphore_mem>>)
      %dma_wait3A = arith.constant 0 : i32
      %dma_wait3A_42 = tpu.memref_slice %arg3[%arg0, %mul3A_37, %dma_wait3A] : memref<2x10240x16xf32, #tpu.memory_space<hbm>> -> memref<1x640x16xf32, #tpu.memory_space<hbm>>
      %dma_wait3A_43 = tpu.memref_squeeze %dma_wait3A_42 : memref<1x640x16xf32, #tpu.memory_space<hbm>> -> memref<640x16xf32, #tpu.memory_space<hbm>>
      %dma_wait3A_44 = arith.constant 0 : i32
      %dma_wait3A_45 = tpu.memref_slice %arg6[%mul3A_35, %dma_wait3A_44] : memref<10240x16xf32, #tpu.memory_space<vmem_shared>> -> memref<640x16xf32, #tpu.memory_space<vmem_shared>>
      tpu.wait_dma2 semaphore(%run_scoped3A : memref<!tpu.dma_semaphore, #tpu.memory_space<semaphore_mem>>) src(%dma_wait3A_45 : memref<640x16xf32, #tpu.memory_space<vmem_shared>>) dst(%dma_wait3A_43 : memref<640x16xf32, #tpu.memory_space<hbm>>)
      tpu.yield
    }) : () -> ()
    return
  }
}

#map = affine_map<(d0, d1) -> (0, 0, 0)>
#map1 = affine_map<(d0, d1) -> (0, 0)>
#map2 = affine_map<(d0, d1) -> (0, 0, 0, 0)>
module attributes {stable_mosaic.version = 14 : i64} {
  func.func @_seg2_body(%arg0: i32, %arg1: i32, %arg2: memref<2x10240x64xf32, #tpu.memory_space<hbm>>, %arg3: memref<1280x256xi32, #tpu.memory_space<hbm>>, %arg4: memref<1280x256xi32, #tpu.memory_space<hbm>>, %arg5: memref<2x2x10240x64xf32, #tpu.memory_space<hbm>>, %arg6: memref<2x4x256xi32, #tpu.memory_space<vmem>>, %arg7: memref<2x4x256xi32, #tpu.memory_space<vmem>>, %arg8: memref<2x256x64xf32, #tpu.memory_space<vmem>>, %arg9: memref<10240x64xf32, #tpu.memory_space<vmem_shared>>, %arg10: memref<10240x64xf32, #tpu.memory_space<vmem_shared>>, %arg11: memref<!tpu.dma_semaphore, #tpu.memory_space<semaphore_mem>>, %arg12: memref<!tpu.dma_semaphore, #tpu.memory_space<semaphore_mem>>, %arg13: memref<!tpu.dma_semaphore, #tpu.memory_space<semaphore_mem>>, %arg14: memref<!tpu.dma_semaphore, #tpu.memory_space<semaphore_mem>>, %arg15: memref<!tpu.dma_semaphore, #tpu.memory_space<semaphore_mem>>, %arg16: memref<!tpu.dma_semaphore, #tpu.memory_space<semaphore_mem>>) attributes {dimension_semantics = [#tpu.dimension_semantics<core_parallel>, #tpu.dimension_semantics<subcore_parallel>], iteration_bounds = array<i64: 2, 16>, scalar_prefetch = 0 : i64, scratch_operands = 11 : i64, tpu.core_type = #tpu.core_type<sc_vector_subcore>, window_params = [{transform_indices = #map}, {transform_indices = #map1}, {transform_indices = #map1}, {transform_indices = #map2}]} {
    %mul3A = arith.constant 2 : i32
    %mul3A_0 = arith.muli %arg1, %mul3A : i32
    %add3A = arith.addi %mul3A_0, %arg0 : i32
    %mul3A_1 = arith.constant 40 : i32
    %mul3A_2 = arith.muli %add3A, %mul3A_1 : i32
    %broadcast_in_dim3A = arith.constant 0.000000e+00 : f32
    %broadcast_in_dim3A_3 = vector.broadcast %broadcast_in_dim3A : f32 to vector<16xf32>
    %mul3A_4 = arith.constant 640 : i32
    %mul3A_5 = arith.muli %arg1, %mul3A_4 : i32
    %mul3A_6 = arith.constant 640 : i32
    %mul3A_7 = arith.muli %arg1, %mul3A_6 : i32
    %run_scoped3A = arith.constant 0 : i32
    "tpu.region"() ({
      %run_scoped3A_133 = tpu.sem_alloc : memref<!tpu.dma_semaphore, #tpu.memory_space<semaphore_mem>>
      %dma_start3A_134 = arith.constant 0 : i32
      %dma_start3A_135 = tpu.memref_slice %arg9[%mul3A_7, %dma_start3A_134] : memref<10240x64xf32, #tpu.memory_space<vmem_shared>> -> memref<640x64xf32, #tpu.memory_space<vmem_shared>>
      %dma_start3A_136 = arith.constant 0 : i32
      %dma_start3A_137 = tpu.memref_slice %arg2[%run_scoped3A, %mul3A_5, %dma_start3A_136] : memref<2x10240x64xf32, #tpu.memory_space<hbm>> -> memref<1x640x64xf32, #tpu.memory_space<hbm>>
      %dma_start3A_138 = tpu.memref_squeeze %dma_start3A_137 : memref<1x640x64xf32, #tpu.memory_space<hbm>> -> memref<640x64xf32, #tpu.memory_space<hbm>>
      tpu.enqueue_dma source(%dma_start3A_138 : memref<640x64xf32, #tpu.memory_space<hbm>>) target(%dma_start3A_135 : memref<640x64xf32, #tpu.memory_space<vmem_shared>>) target_semaphore(%run_scoped3A_133 : memref<!tpu.dma_semaphore, #tpu.memory_space<semaphore_mem>>)
      %dma_wait3A_139 = arith.constant 0 : i32
      %dma_wait3A_140 = tpu.memref_slice %arg9[%mul3A_7, %dma_wait3A_139] : memref<10240x64xf32, #tpu.memory_space<vmem_shared>> -> memref<640x64xf32, #tpu.memory_space<vmem_shared>>
      %dma_wait3A_141 = arith.constant 0 : i32
      %dma_wait3A_142 = tpu.memref_slice %arg2[%run_scoped3A, %mul3A_5, %dma_wait3A_141] : memref<2x10240x64xf32, #tpu.memory_space<hbm>> -> memref<1x640x64xf32, #tpu.memory_space<hbm>>
      %dma_wait3A_143 = tpu.memref_squeeze %dma_wait3A_142 : memref<1x640x64xf32, #tpu.memory_space<hbm>> -> memref<640x64xf32, #tpu.memory_space<hbm>>
      tpu.wait_dma2 semaphore(%run_scoped3A_133 : memref<!tpu.dma_semaphore, #tpu.memory_space<semaphore_mem>>) src(%dma_wait3A_143 : memref<640x64xf32, #tpu.memory_space<hbm>>) dst(%dma_wait3A_140 : memref<640x64xf32, #tpu.memory_space<vmem_shared>>)
      tpu.yield
    }) : () -> ()
    %scan3A = arith.constant 0 : i32
    %scan3A_8 = arith.constant 0 : i32
    %scan3A_9 = arith.constant 256 : i32
    %scan3A_10 = arith.addi %scan3A_8, %scan3A_9 : i32
    %scan3A_11 = arith.constant 1 : i32
    scf.for %scan3A_133 = %scan3A_8 to %scan3A_10 step %scan3A_11  : i32 {
      %swap3A = arith.constant 0 : i32
      %swap3A_134 = arith.index_cast %swap3A : i32 to index
      %swap3A_135 = arith.index_cast %scan3A_133 : i32 to index
      %swap3A_136 = arith.constant 0 : index
      %swap3A_137 = tpu.vector_load %arg8[%swap3A_134, %swap3A_135, %swap3A_136] {strides = array<i32>} : memref<2x256x64xf32, #tpu.memory_space<vmem>>, vector<1x1x16xf32>,
      %swap3A_138 = vector.shape_cast %swap3A_137 : vector<1x1x16xf32> to vector<16xf32>
      %swap3A_139 = vector.shape_cast %broadcast_in_dim3A_3 : vector<16xf32> to vector<1x1x16xf32>
      tpu.vector_store %arg8[%swap3A_134, %swap3A_135, %swap3A_136], %swap3A_139 {strides = array<i32>} : memref<2x256x64xf32, #tpu.memory_space<vmem>>, vector<1x1x16xf32>,
      %swap3A_140 = arith.constant 0 : i32
      %swap3A_141 = arith.index_cast %swap3A_140 : i32 to index
      %swap3A_142 = arith.index_cast %scan3A_133 : i32 to index
      %swap3A_143 = arith.constant 16 : index
      %swap3A_144 = tpu.vector_load %arg8[%swap3A_141, %swap3A_142, %swap3A_143] {strides = array<i32>} : memref<2x256x64xf32, #tpu.memory_space<vmem>>, vector<1x1x16xf32>,
      %swap3A_145 = vector.shape_cast %swap3A_144 : vector<1x1x16xf32> to vector<16xf32>
      %swap3A_146 = vector.shape_cast %broadcast_in_dim3A_3 : vector<16xf32> to vector<1x1x16xf32>
      tpu.vector_store %arg8[%swap3A_141, %swap3A_142, %swap3A_143], %swap3A_146 {strides = array<i32>} : memref<2x256x64xf32, #tpu.memory_space<vmem>>, vector<1x1x16xf32>,
      %swap3A_147 = arith.constant 0 : i32
      %swap3A_148 = arith.index_cast %swap3A_147 : i32 to index
      %swap3A_149 = arith.index_cast %scan3A_133 : i32 to index
      %swap3A_150 = arith.constant 32 : index
      %swap3A_151 = tpu.vector_load %arg8[%swap3A_148, %swap3A_149, %swap3A_150] {strides = array<i32>} : memref<2x256x64xf32, #tpu.memory_space<vmem>>, vector<1x1x16xf32>,
      %swap3A_152 = vector.shape_cast %swap3A_151 : vector<1x1x16xf32> to vector<16xf32>
      %swap3A_153 = vector.shape_cast %broadcast_in_dim3A_3 : vector<16xf32> to vector<1x1x16xf32>
      tpu.vector_store %arg8[%swap3A_148, %swap3A_149, %swap3A_150], %swap3A_153 {strides = array<i32>} : memref<2x256x64xf32, #tpu.memory_space<vmem>>, vector<1x1x16xf32>,
      %swap3A_154 = arith.constant 0 : i32
      %swap3A_155 = arith.index_cast %swap3A_154 : i32 to index
      %swap3A_156 = arith.index_cast %scan3A_133 : i32 to index
      %swap3A_157 = arith.constant 48 : index
      %swap3A_158 = tpu.vector_load %arg8[%swap3A_155, %swap3A_156, %swap3A_157] {strides = array<i32>} : memref<2x256x64xf32, #tpu.memory_space<vmem>>, vector<1x1x16xf32>,
      %swap3A_159 = vector.shape_cast %swap3A_158 : vector<1x1x16xf32> to vector<16xf32>
      %swap3A_160 = vector.shape_cast %broadcast_in_dim3A_3 : vector<16xf32> to vector<1x1x16xf32>
      tpu.vector_store %arg8[%swap3A_155, %swap3A_156, %swap3A_157], %swap3A_160 {strides = array<i32>} : memref<2x256x64xf32, #tpu.memory_space<vmem>>, vector<1x1x16xf32>,
    }
    %scan3A_12 = arith.constant 256 : i32
    %mul3A_13 = arith.constant 640 : i32
    %mul3A_14 = arith.muli %arg1, %mul3A_13 : i32
    %add3A_15 = arith.constant 0 : i32
    %add3A_16 = arith.addi %mul3A_14, %add3A_15 : i32
    %run_scoped3A_17 = arith.constant 0 : i32
    "tpu.region"() ({
      %run_scoped3A_133 = tpu.sem_alloc : memref<!tpu.dma_semaphore, #tpu.memory_space<semaphore_mem>>
      %dma_start3A_134 = arith.constant 0 : i32
      %dma_start3A_135 = arith.constant 0 : i32
      %dma_start3A_136 = tpu.memref_slice %arg8[%run_scoped3A_17, %dma_start3A_134, %dma_start3A_135] : memref<2x256x64xf32, #tpu.memory_space<vmem>> -> memref<1x256x64xf32, #tpu.memory_space<vmem>>
      %dma_start3A_137 = tpu.memref_squeeze %dma_start3A_136 : memref<1x256x64xf32, #tpu.memory_space<vmem>> -> memref<256x64xf32, #tpu.memory_space<vmem>>
      %dma_start3A_138 = arith.constant 0 : i32
      %dma_start3A_139 = tpu.memref_slice %arg10[%add3A_16, %dma_start3A_138] : memref<10240x64xf32, #tpu.memory_space<vmem_shared>> -> memref<256x64xf32, #tpu.memory_space<vmem_shared>>
      %dma_start3A_140 = arith.constant 0 : i32
      %dma_start3A_141 = tpu.memref_slice %arg10[%add3A_16, %dma_start3A_140] : memref<10240x64xf32, #tpu.memory_space<vmem_shared>> -> memref<256x64xf32, #tpu.memory_space<vmem_shared>>
      %dma_start3A_142 = arith.constant 0 : i32
      %dma_start3A_143 = arith.constant 0 : i32
      %dma_start3A_144 = tpu.memref_slice %arg8[%run_scoped3A_17, %dma_start3A_142, %dma_start3A_143] : memref<2x256x64xf32, #tpu.memory_space<vmem>> -> memref<1x256x64xf32, #tpu.memory_space<vmem>>
      %dma_start3A_145 = tpu.memref_squeeze %dma_start3A_144 : memref<1x256x64xf32, #tpu.memory_space<vmem>> -> memref<256x64xf32, #tpu.memory_space<vmem>>
      tpu.enqueue_dma source(%dma_start3A_145 : memref<256x64xf32, #tpu.memory_space<vmem>>) target(%dma_start3A_141 : memref<256x64xf32, #tpu.memory_space<vmem_shared>>) target_semaphore(%run_scoped3A_133 : memref<!tpu.dma_semaphore, #tpu.memory_space<semaphore_mem>>)
      %dma_wait3A_146 = arith.constant 0 : i32
      %dma_wait3A_147 = arith.constant 0 : i32
      %dma_wait3A_148 = tpu.memref_slice %arg8[%run_scoped3A_17, %dma_wait3A_146, %dma_wait3A_147] : memref<2x256x64xf32, #tpu.memory_space<vmem>> -> memref<1x256x64xf32, #tpu.memory_space<vmem>>
      %dma_wait3A_149 = tpu.memref_squeeze %dma_wait3A_148 : memref<1x256x64xf32, #tpu.memory_space<vmem>> -> memref<256x64xf32, #tpu.memory_space<vmem>>
      %dma_wait3A_150 = arith.constant 0 : i32
      %dma_wait3A_151 = tpu.memref_slice %arg10[%add3A_16, %dma_wait3A_150] : memref<10240x64xf32, #tpu.memory_space<vmem_shared>> -> memref<256x64xf32, #tpu.memory_space<vmem_shared>>
      %dma_wait3A_152 = arith.constant 0 : i32
      %dma_wait3A_153 = tpu.memref_slice %arg10[%add3A_16, %dma_wait3A_152] : memref<10240x64xf32, #tpu.memory_space<vmem_shared>> -> memref<256x64xf32, #tpu.memory_space<vmem_shared>>
      %dma_wait3A_154 = arith.constant 0 : i32
      %dma_wait3A_155 = arith.constant 0 : i32
      %dma_wait3A_156 = tpu.memref_slice %arg8[%run_scoped3A_17, %dma_wait3A_154, %dma_wait3A_155] : memref<2x256x64xf32, #tpu.memory_space<vmem>> -> memref<1x256x64xf32, #tpu.memory_space<vmem>>
      %dma_wait3A_157 = tpu.memref_squeeze %dma_wait3A_156 : memref<1x256x64xf32, #tpu.memory_space<vmem>> -> memref<256x64xf32, #tpu.memory_space<vmem>>
      tpu.wait_dma2 semaphore(%run_scoped3A_133 : memref<!tpu.dma_semaphore, #tpu.memory_space<semaphore_mem>>) src(%dma_wait3A_157 : memref<256x64xf32, #tpu.memory_space<vmem>>) dst(%dma_wait3A_153 : memref<256x64xf32, #tpu.memory_space<vmem_shared>>)
      tpu.yield
    }) : () -> ()
    %mul3A_18 = arith.constant 640 : i32
    %mul3A_19 = arith.muli %arg1, %mul3A_18 : i32
    %add3A_20 = arith.constant 256 : i32
    %add3A_21 = arith.addi %mul3A_19, %add3A_20 : i32
    %run_scoped3A_22 = arith.constant 0 : i32
    "tpu.region"() ({
      %run_scoped3A_133 = tpu.sem_alloc : memref<!tpu.dma_semaphore, #tpu.memory_space<semaphore_mem>>
      %dma_start3A_134 = arith.constant 0 : i32
      %dma_start3A_135 = arith.constant 0 : i32
      %dma_start3A_136 = tpu.memref_slice %arg8[%run_scoped3A_22, %dma_start3A_134, %dma_start3A_135] : memref<2x256x64xf32, #tpu.memory_space<vmem>> -> memref<1x256x64xf32, #tpu.memory_space<vmem>>
      %dma_start3A_137 = tpu.memref_squeeze %dma_start3A_136 : memref<1x256x64xf32, #tpu.memory_space<vmem>> -> memref<256x64xf32, #tpu.memory_space<vmem>>
      %dma_start3A_138 = arith.constant 0 : i32
      %dma_start3A_139 = tpu.memref_slice %arg10[%add3A_21, %dma_start3A_138] : memref<10240x64xf32, #tpu.memory_space<vmem_shared>> -> memref<256x64xf32, #tpu.memory_space<vmem_shared>>
      %dma_start3A_140 = arith.constant 0 : i32
      %dma_start3A_141 = tpu.memref_slice %arg10[%add3A_21, %dma_start3A_140] : memref<10240x64xf32, #tpu.memory_space<vmem_shared>> -> memref<256x64xf32, #tpu.memory_space<vmem_shared>>
      %dma_start3A_142 = arith.constant 0 : i32
      %dma_start3A_143 = arith.constant 0 : i32
      %dma_start3A_144 = tpu.memref_slice %arg8[%run_scoped3A_22, %dma_start3A_142, %dma_start3A_143] : memref<2x256x64xf32, #tpu.memory_space<vmem>> -> memref<1x256x64xf32, #tpu.memory_space<vmem>>
      %dma_start3A_145 = tpu.memref_squeeze %dma_start3A_144 : memref<1x256x64xf32, #tpu.memory_space<vmem>> -> memref<256x64xf32, #tpu.memory_space<vmem>>
      tpu.enqueue_dma source(%dma_start3A_145 : memref<256x64xf32, #tpu.memory_space<vmem>>) target(%dma_start3A_141 : memref<256x64xf32, #tpu.memory_space<vmem_shared>>) target_semaphore(%run_scoped3A_133 : memref<!tpu.dma_semaphore, #tpu.memory_space<semaphore_mem>>)
      %dma_wait3A_146 = arith.constant 0 : i32
      %dma_wait3A_147 = arith.constant 0 : i32
      %dma_wait3A_148 = tpu.memref_slice %arg8[%run_scoped3A_22, %dma_wait3A_146, %dma_wait3A_147] : memref<2x256x64xf32, #tpu.memory_space<vmem>> -> memref<1x256x64xf32, #tpu.memory_space<vmem>>
      %dma_wait3A_149 = tpu.memref_squeeze %dma_wait3A_148 : memref<1x256x64xf32, #tpu.memory_space<vmem>> -> memref<256x64xf32, #tpu.memory_space<vmem>>
      %dma_wait3A_150 = arith.constant 0 : i32
      %dma_wait3A_151 = tpu.memref_slice %arg10[%add3A_21, %dma_wait3A_150] : memref<10240x64xf32, #tpu.memory_space<vmem_shared>> -> memref<256x64xf32, #tpu.memory_space<vmem_shared>>
      %dma_wait3A_152 = arith.constant 0 : i32
      %dma_wait3A_153 = tpu.memref_slice %arg10[%add3A_21, %dma_wait3A_152] : memref<10240x64xf32, #tpu.memory_space<vmem_shared>> -> memref<256x64xf32, #tpu.memory_space<vmem_shared>>
      %dma_wait3A_154 = arith.constant 0 : i32
      %dma_wait3A_155 = arith.constant 0 : i32
      %dma_wait3A_156 = tpu.memref_slice %arg8[%run_scoped3A_22, %dma_wait3A_154, %dma_wait3A_155] : memref<2x256x64xf32, #tpu.memory_space<vmem>> -> memref<1x256x64xf32, #tpu.memory_space<vmem>>
      %dma_wait3A_157 = tpu.memref_squeeze %dma_wait3A_156 : memref<1x256x64xf32, #tpu.memory_space<vmem>> -> memref<256x64xf32, #tpu.memory_space<vmem>>
      tpu.wait_dma2 semaphore(%run_scoped3A_133 : memref<!tpu.dma_semaphore, #tpu.memory_space<semaphore_mem>>) src(%dma_wait3A_157 : memref<256x64xf32, #tpu.memory_space<vmem>>) dst(%dma_wait3A_153 : memref<256x64xf32, #tpu.memory_space<vmem_shared>>)
      tpu.yield
    }) : () -> ()
    %mul3A_23 = arith.constant 640 : i32
    %mul3A_24 = arith.muli %arg1, %mul3A_23 : i32
    %add3A_25 = arith.constant 512 : i32
    %add3A_26 = arith.addi %mul3A_24, %add3A_25 : i32
    %run_scoped3A_27 = arith.constant 0 : i32
    "tpu.region"() ({
      %run_scoped3A_133 = tpu.sem_alloc : memref<!tpu.dma_semaphore, #tpu.memory_space<semaphore_mem>>
      %dma_start3A_134 = arith.constant 0 : i32
      %dma_start3A_135 = arith.constant 0 : i32
      %dma_start3A_136 = tpu.memref_slice %arg8[%run_scoped3A_27, %dma_start3A_134, %dma_start3A_135] : memref<2x256x64xf32, #tpu.memory_space<vmem>> -> memref<1x128x64xf32, #tpu.memory_space<vmem>>
      %dma_start3A_137 = tpu.memref_squeeze %dma_start3A_136 : memref<1x128x64xf32, #tpu.memory_space<vmem>> -> memref<128x64xf32, #tpu.memory_space<vmem>>
      %dma_start3A_138 = arith.constant 0 : i32
      %dma_start3A_139 = tpu.memref_slice %arg10[%add3A_26, %dma_start3A_138] : memref<10240x64xf32, #tpu.memory_space<vmem_shared>> -> memref<128x64xf32, #tpu.memory_space<vmem_shared>>
      %dma_start3A_140 = arith.constant 0 : i32
      %dma_start3A_141 = tpu.memref_slice %arg10[%add3A_26, %dma_start3A_140] : memref<10240x64xf32, #tpu.memory_space<vmem_shared>> -> memref<128x64xf32, #tpu.memory_space<vmem_shared>>
      %dma_start3A_142 = arith.constant 0 : i32
      %dma_start3A_143 = arith.constant 0 : i32
      %dma_start3A_144 = tpu.memref_slice %arg8[%run_scoped3A_27, %dma_start3A_142, %dma_start3A_143] : memref<2x256x64xf32, #tpu.memory_space<vmem>> -> memref<1x128x64xf32, #tpu.memory_space<vmem>>
      %dma_start3A_145 = tpu.memref_squeeze %dma_start3A_144 : memref<1x128x64xf32, #tpu.memory_space<vmem>> -> memref<128x64xf32, #tpu.memory_space<vmem>>
      tpu.enqueue_dma source(%dma_start3A_145 : memref<128x64xf32, #tpu.memory_space<vmem>>) target(%dma_start3A_141 : memref<128x64xf32, #tpu.memory_space<vmem_shared>>) target_semaphore(%run_scoped3A_133 : memref<!tpu.dma_semaphore, #tpu.memory_space<semaphore_mem>>)
      %dma_wait3A_146 = arith.constant 0 : i32
      %dma_wait3A_147 = arith.constant 0 : i32
      %dma_wait3A_148 = tpu.memref_slice %arg8[%run_scoped3A_27, %dma_wait3A_146, %dma_wait3A_147] : memref<2x256x64xf32, #tpu.memory_space<vmem>> -> memref<1x128x64xf32, #tpu.memory_space<vmem>>
      %dma_wait3A_149 = tpu.memref_squeeze %dma_wait3A_148 : memref<1x128x64xf32, #tpu.memory_space<vmem>> -> memref<128x64xf32, #tpu.memory_space<vmem>>
      %dma_wait3A_150 = arith.constant 0 : i32
      %dma_wait3A_151 = tpu.memref_slice %arg10[%add3A_26, %dma_wait3A_150] : memref<10240x64xf32, #tpu.memory_space<vmem_shared>> -> memref<128x64xf32, #tpu.memory_space<vmem_shared>>
      %dma_wait3A_152 = arith.constant 0 : i32
      %dma_wait3A_153 = tpu.memref_slice %arg10[%add3A_26, %dma_wait3A_152] : memref<10240x64xf32, #tpu.memory_space<vmem_shared>> -> memref<128x64xf32, #tpu.memory_space<vmem_shared>>
      %dma_wait3A_154 = arith.constant 0 : i32
      %dma_wait3A_155 = arith.constant 0 : i32
      %dma_wait3A_156 = tpu.memref_slice %arg8[%run_scoped3A_27, %dma_wait3A_154, %dma_wait3A_155] : memref<2x256x64xf32, #tpu.memory_space<vmem>> -> memref<1x128x64xf32, #tpu.memory_space<vmem>>
      %dma_wait3A_157 = tpu.memref_squeeze %dma_wait3A_156 : memref<1x128x64xf32, #tpu.memory_space<vmem>> -> memref<128x64xf32, #tpu.memory_space<vmem>>
      tpu.wait_dma2 semaphore(%run_scoped3A_133 : memref<!tpu.dma_semaphore, #tpu.memory_space<semaphore_mem>>) src(%dma_wait3A_157 : memref<128x64xf32, #tpu.memory_space<vmem>>) dst(%dma_wait3A_153 : memref<128x64xf32, #tpu.memory_space<vmem_shared>>)
      tpu.yield
    }) : () -> ()
    %run_scoped3A_28 = arith.constant 0 : i32
    "tpu.region"() ({
      %run_scoped3A_133 = tpu.sem_alloc : memref<!tpu.dma_semaphore, #tpu.memory_space<semaphore_mem>>
      %dma_start3A_134 = arith.constant 0 : i32
      %dma_start3A_135 = arith.constant 0 : i32
      %dma_start3A_136 = tpu.memref_slice %arg6[%run_scoped3A_28, %dma_start3A_134, %dma_start3A_135] : memref<2x4x256xi32, #tpu.memory_space<vmem>> -> memref<1x4x256xi32, #tpu.memory_space<vmem>>
      %dma_start3A_137 = tpu.memref_squeeze %dma_start3A_136 : memref<1x4x256xi32, #tpu.memory_space<vmem>> -> memref<4x256xi32, #tpu.memory_space<vmem>>
      %dma_start3A_138 = arith.constant 0 : i32
      %dma_start3A_139 = tpu.memref_slice %arg3[%mul3A_2, %dma_start3A_138] : memref<1280x256xi32, #tpu.memory_space<hbm>> -> memref<4x256xi32, #tpu.memory_space<hbm>>
      %dma_start3A_140 = arith.constant 0 : i32
      %dma_start3A_141 = arith.constant 0 : i32
      %dma_start3A_142 = tpu.memref_slice %arg6[%run_scoped3A_28, %dma_start3A_140, %dma_start3A_141] : memref<2x4x256xi32, #tpu.memory_space<vmem>> -> memref<1x4x256xi32, #tpu.memory_space<vmem>>
      %dma_start3A_143 = tpu.memref_squeeze %dma_start3A_142 : memref<1x4x256xi32, #tpu.memory_space<vmem>> -> memref<4x256xi32, #tpu.memory_space<vmem>>
      %dma_start3A_144 = arith.constant 0 : i32
      %dma_start3A_145 = tpu.memref_slice %arg3[%mul3A_2, %dma_start3A_144] : memref<1280x256xi32, #tpu.memory_space<hbm>> -> memref<4x256xi32, #tpu.memory_space<hbm>>
      tpu.enqueue_dma source(%dma_start3A_145 : memref<4x256xi32, #tpu.memory_space<hbm>>) target(%dma_start3A_143 : memref<4x256xi32, #tpu.memory_space<vmem>>) target_semaphore(%run_scoped3A_133 : memref<!tpu.dma_semaphore, #tpu.memory_space<semaphore_mem>>)
      %dma_wait3A_146 = arith.constant 0 : i32
      %dma_wait3A_147 = arith.constant 0 : i32
      %dma_wait3A_148 = tpu.memref_slice %arg6[%run_scoped3A_28, %dma_wait3A_146, %dma_wait3A_147] : memref<2x4x256xi32, #tpu.memory_space<vmem>> -> memref<1x4x256xi32, #tpu.memory_space<vmem>>
      %dma_wait3A_149 = tpu.memref_squeeze %dma_wait3A_148 : memref<1x4x256xi32, #tpu.memory_space<vmem>> -> memref<4x256xi32, #tpu.memory_space<vmem>>
      %dma_wait3A_150 = arith.constant 0 : i32
      %dma_wait3A_151 = tpu.memref_slice %arg3[%mul3A_2, %dma_wait3A_150] : memref<1280x256xi32, #tpu.memory_space<hbm>> -> memref<4x256xi32, #tpu.memory_space<hbm>>
      %dma_wait3A_152 = arith.constant 0 : i32
      %dma_wait3A_153 = arith.constant 0 : i32
      %dma_wait3A_154 = tpu.memref_slice %arg6[%run_scoped3A_28, %dma_wait3A_152, %dma_wait3A_153] : memref<2x4x256xi32, #tpu.memory_space<vmem>> -> memref<1x4x256xi32, #tpu.memory_space<vmem>>
      %dma_wait3A_155 = tpu.memref_squeeze %dma_wait3A_154 : memref<1x4x256xi32, #tpu.memory_space<vmem>> -> memref<4x256xi32, #tpu.memory_space<vmem>>
      %dma_wait3A_156 = arith.constant 0 : i32
      %dma_wait3A_157 = tpu.memref_slice %arg3[%mul3A_2, %dma_wait3A_156] : memref<1280x256xi32, #tpu.memory_space<hbm>> -> memref<4x256xi32, #tpu.memory_space<hbm>>
      tpu.wait_dma2 semaphore(%run_scoped3A_133 : memref<!tpu.dma_semaphore, #tpu.memory_space<semaphore_mem>>) src(%dma_wait3A_157 : memref<4x256xi32, #tpu.memory_space<hbm>>) dst(%dma_wait3A_155 : memref<4x256xi32, #tpu.memory_space<vmem>>)
      tpu.yield
    }) : () -> ()
    %run_scoped3A_29 = arith.constant 0 : i32
    "tpu.region"() ({
      %run_scoped3A_133 = tpu.sem_alloc : memref<!tpu.dma_semaphore, #tpu.memory_space<semaphore_mem>>
      %dma_start3A_134 = arith.constant 0 : i32
      %dma_start3A_135 = arith.constant 0 : i32
      %dma_start3A_136 = tpu.memref_slice %arg7[%run_scoped3A_29, %dma_start3A_134, %dma_start3A_135] : memref<2x4x256xi32, #tpu.memory_space<vmem>> -> memref<1x4x256xi32, #tpu.memory_space<vmem>>
      %dma_start3A_137 = tpu.memref_squeeze %dma_start3A_136 : memref<1x4x256xi32, #tpu.memory_space<vmem>> -> memref<4x256xi32, #tpu.memory_space<vmem>>
      %dma_start3A_138 = arith.constant 0 : i32
      %dma_start3A_139 = tpu.memref_slice %arg4[%mul3A_2, %dma_start3A_138] : memref<1280x256xi32, #tpu.memory_space<hbm>> -> memref<4x256xi32, #tpu.memory_space<hbm>>
      %dma_start3A_140 = arith.constant 0 : i32
      %dma_start3A_141 = arith.constant 0 : i32
      %dma_start3A_142 = tpu.memref_slice %arg7[%run_scoped3A_29, %dma_start3A_140, %dma_start3A_141] : memref<2x4x256xi32, #tpu.memory_space<vmem>> -> memref<1x4x256xi32, #tpu.memory_space<vmem>>
      %dma_start3A_143 = tpu.memref_squeeze %dma_start3A_142 : memref<1x4x256xi32, #tpu.memory_space<vmem>> -> memref<4x256xi32, #tpu.memory_space<vmem>>
      %dma_start3A_144 = arith.constant 0 : i32
      %dma_start3A_145 = tpu.memref_slice %arg4[%mul3A_2, %dma_start3A_144] : memref<1280x256xi32, #tpu.memory_space<hbm>> -> memref<4x256xi32, #tpu.memory_space<hbm>>
      tpu.enqueue_dma source(%dma_start3A_145 : memref<4x256xi32, #tpu.memory_space<hbm>>) target(%dma_start3A_143 : memref<4x256xi32, #tpu.memory_space<vmem>>) target_semaphore(%run_scoped3A_133 : memref<!tpu.dma_semaphore, #tpu.memory_space<semaphore_mem>>)
      %dma_wait3A_146 = arith.constant 0 : i32
      %dma_wait3A_147 = arith.constant 0 : i32
      %dma_wait3A_148 = tpu.memref_slice %arg7[%run_scoped3A_29, %dma_wait3A_146, %dma_wait3A_147] : memref<2x4x256xi32, #tpu.memory_space<vmem>> -> memref<1x4x256xi32, #tpu.memory_space<vmem>>
      %dma_wait3A_149 = tpu.memref_squeeze %dma_wait3A_148 : memref<1x4x256xi32, #tpu.memory_space<vmem>> -> memref<4x256xi32, #tpu.memory_space<vmem>>
      %dma_wait3A_150 = arith.constant 0 : i32
      %dma_wait3A_151 = tpu.memref_slice %arg4[%mul3A_2, %dma_wait3A_150] : memref<1280x256xi32, #tpu.memory_space<hbm>> -> memref<4x256xi32, #tpu.memory_space<hbm>>
      %dma_wait3A_152 = arith.constant 0 : i32
      %dma_wait3A_153 = arith.constant 0 : i32
      %dma_wait3A_154 = tpu.memref_slice %arg7[%run_scoped3A_29, %dma_wait3A_152, %dma_wait3A_153] : memref<2x4x256xi32, #tpu.memory_space<vmem>> -> memref<1x4x256xi32, #tpu.memory_space<vmem>>
      %dma_wait3A_155 = tpu.memref_squeeze %dma_wait3A_154 : memref<1x4x256xi32, #tpu.memory_space<vmem>> -> memref<4x256xi32, #tpu.memory_space<vmem>>
      %dma_wait3A_156 = arith.constant 0 : i32
      %dma_wait3A_157 = tpu.memref_slice %arg4[%mul3A_2, %dma_wait3A_156] : memref<1280x256xi32, #tpu.memory_space<hbm>> -> memref<4x256xi32, #tpu.memory_space<hbm>>
      tpu.wait_dma2 semaphore(%run_scoped3A_133 : memref<!tpu.dma_semaphore, #tpu.memory_space<semaphore_mem>>) src(%dma_wait3A_157 : memref<4x256xi32, #tpu.memory_space<hbm>>) dst(%dma_wait3A_155 : memref<4x256xi32, #tpu.memory_space<vmem>>)
      tpu.yield
    }) : () -> ()
    %barrier3A = arith.constant 0 : index
    tpu.barrier barrier_id(%barrier3A)
    %dma_start3A = arith.constant 0 : i32
    %dma_start3A_30 = arith.constant 0 : i32
    %dma_start3A_31 = arith.constant 0 : i32
    %dma_start3A_32 = arith.constant 0 : i32
    %dma_start3A_33 = arith.constant 0 : i32
    %dma_start3A_34 = tpu.memref_slice %arg8[%dma_start3A_31, %dma_start3A_32, %dma_start3A_33] : memref<2x256x64xf32, #tpu.memory_space<vmem>> -> memref<1x256x64xf32, #tpu.memory_space<vmem>>
    %dma_start3A_35 = tpu.memref_squeeze %dma_start3A_34 : memref<1x256x64xf32, #tpu.memory_space<vmem>> -> memref<256x64xf32, #tpu.memory_space<vmem>>
    %dma_start3A_36 = arith.constant 0 : i32
    %dma_start3A_37 = tpu.memref_slice %arg6[%dma_start3A, %dma_start3A_30, %dma_start3A_36] : memref<2x4x256xi32, #tpu.memory_space<vmem>> -> memref<1x1x256xi32, #tpu.memory_space<vmem>>
    %dma_start3A_38 = tpu.memref_squeeze %dma_start3A_37 : memref<1x1x256xi32, #tpu.memory_space<vmem>> -> memref<256xi32, #tpu.memory_space<vmem>>
    %dma_start3A_39 = arith.constant 0 : i32
    %dma_start3A_40 = arith.constant 0 : i32
    %dma_start3A_41 = tpu.memref_slice %arg9[%dma_start3A_39, %dma_start3A_40] : memref<10240x64xf32, #tpu.memory_space<vmem_shared>> -> memref<10240x64xf32, #tpu.memory_space<vmem_shared>>
    tpu.enqueue_indirect_dma source(%dma_start3A_41 : memref<10240x64xf32, #tpu.memory_space<vmem_shared>>) target(%dma_start3A_35 : memref<256x64xf32, #tpu.memory_space<vmem>>) offsets(%dma_start3A_38 : memref<256xi32, #tpu.memory_space<vmem>>) semaphore(%arg11 : memref<!tpu.dma_semaphore, #tpu.memory_space<semaphore_mem>>)
    %scan3A_42 = arith.constant 0 : i32
    %scan3A_43 = arith.constant 0 : i32
    %scan3A_44 = arith.constant 10 : i32
    %scan3A_45 = arith.addi %scan3A_43, %scan3A_44 : i32
    %scan3A_46 = arith.constant 1 : i32
    scf.for %scan3A_133 = %scan3A_43 to %scan3A_45 step %scan3A_46  : i32 {
      %jit3A = arith.constant 2 : i32
      %eq3A = arith.constant 0 : i32
      %eq3A_134 = arith.cmpi eq, %jit3A, %eq3A : i32
      %jit3A_135 = arith.constant 1 : i32
      %select_n3A = arith.select %eq3A_134, %jit3A_135, %jit3A : i32
      %rem3A = arith.remsi %scan3A_133, %select_n3A : i32
      %ne3A = arith.constant 0 : i32
      %ne3A_136 = arith.cmpi ne, %rem3A, %ne3A : i32
      %lt3A = arith.constant 0 : i32
      %lt3A_137 = arith.cmpi slt, %rem3A, %lt3A : i32
      %lt3A_138 = arith.constant 0 : i32
      %lt3A_139 = arith.cmpi slt, %select_n3A, %lt3A_138 : i32
      %ne3A_140 = arith.xori %lt3A_137, %lt3A_139 : i1
      %and3A = arith.andi %ne3A_140, %ne3A_136 : i1
      %add3A_141 = arith.addi %rem3A, %select_n3A : i32
      %select_n3A_142 = arith.select %and3A, %add3A_141, %rem3A : i32
      %add3A_143 = arith.constant 1 : i32
      %add3A_144 = arith.addi %scan3A_133, %add3A_143 : i32
      %jit3A_145 = arith.constant 2 : i32
      %eq3A_146 = arith.constant 0 : i32
      %eq3A_147 = arith.cmpi eq, %jit3A_145, %eq3A_146 : i32
      %jit3A_148 = arith.constant 1 : i32
      %select_n3A_149 = arith.select %eq3A_147, %jit3A_148, %jit3A_145 : i32
      %rem3A_150 = arith.remsi %add3A_144, %select_n3A_149 : i32
      %ne3A_151 = arith.constant 0 : i32
      %ne3A_152 = arith.cmpi ne, %rem3A_150, %ne3A_151 : i32
      %lt3A_153 = arith.constant 0 : i32
      %lt3A_154 = arith.cmpi slt, %rem3A_150, %lt3A_153 : i32
      %lt3A_155 = arith.constant 0 : i32
      %lt3A_156 = arith.cmpi slt, %select_n3A_149, %lt3A_155 : i32
      %ne3A_157 = arith.xori %lt3A_154, %lt3A_156 : i1
      %and3A_158 = arith.andi %ne3A_157, %ne3A_152 : i1
      %add3A_159 = arith.addi %rem3A_150, %select_n3A_149 : i32
      %select_n3A_160 = arith.select %and3A_158, %add3A_159, %rem3A_150 : i32
      %dma_wait3A_161 = arith.constant 0 : i32
      %dma_wait3A_162 = arith.constant 0 : i32
      %dma_wait3A_163 = arith.constant 0 : i32
      %dma_wait3A_164 = arith.constant 0 : i32
      %dma_wait3A_165 = tpu.memref_slice %arg8[%dma_wait3A_162, %dma_wait3A_163, %dma_wait3A_164] : memref<2x256x64xf32, #tpu.memory_space<vmem>> -> memref<1x256x64xf32, #tpu.memory_space<vmem>>
      %dma_wait3A_166 = tpu.memref_squeeze %dma_wait3A_165 : memref<1x256x64xf32, #tpu.memory_space<vmem>> -> memref<256x64xf32, #tpu.memory_space<vmem>>
      %dma_wait3A_167 = arith.constant 0 : i32
      %dma_wait3A_168 = tpu.memref_slice %arg6[%select_n3A_142, %dma_wait3A_161, %dma_wait3A_167] : memref<2x4x256xi32, #tpu.memory_space<vmem>> -> memref<1x1x256xi32, #tpu.memory_space<vmem>>
      %dma_wait3A_169 = tpu.memref_squeeze %dma_wait3A_168 : memref<1x1x256xi32, #tpu.memory_space<vmem>> -> memref<256xi32, #tpu.memory_space<vmem>>
      %dma_wait3A_170 = arith.constant 0 : i32
      %dma_wait3A_171 = arith.constant 0 : i32
      %dma_wait3A_172 = tpu.memref_slice %arg9[%dma_wait3A_170, %dma_wait3A_171] : memref<10240x64xf32, #tpu.memory_space<vmem_shared>> -> memref<10240x64xf32, #tpu.memory_space<vmem_shared>>
      tpu.wait_indirect_dma semaphore(%arg11 : memref<!tpu.dma_semaphore, #tpu.memory_space<semaphore_mem>>) src(%dma_wait3A_172 : memref<10240x64xf32, #tpu.memory_space<vmem_shared>>) dst(%dma_wait3A_166 : memref<256x64xf32, #tpu.memory_space<vmem>>)
      %ge3A = arith.constant 1 : i32
      %ge3A_173 = arith.cmpi sge, %scan3A_133, %ge3A : i32
      %convert_element_type3A = arith.extui %ge3A_173 : i1 to i32
      %cond3A = arith.constant 0 : i32
      %cond3A_174 = arith.cmpi ne, %convert_element_type3A, %cond3A : i32
      scf.if %cond3A_174 {
        %dma_wait3A_341 = arith.constant 1 : i32
        %dma_wait3A_342 = arith.constant 0 : i32
        %dma_wait3A_343 = arith.constant 0 : i32
        %dma_wait3A_344 = arith.constant 0 : i32
        %dma_wait3A_345 = tpu.memref_slice %arg8[%dma_wait3A_341, %dma_wait3A_343, %dma_wait3A_344] : memref<2x256x64xf32, #tpu.memory_space<vmem>> -> memref<1x256x64xf32, #tpu.memory_space<vmem>>
        %dma_wait3A_346 = tpu.memref_squeeze %dma_wait3A_345 : memref<1x256x64xf32, #tpu.memory_space<vmem>> -> memref<256x64xf32, #tpu.memory_space<vmem>>
        %dma_wait3A_347 = arith.constant 0 : i32
        %dma_wait3A_348 = tpu.memref_slice %arg7[%select_n3A_142, %dma_wait3A_342, %dma_wait3A_347] : memref<2x4x256xi32, #tpu.memory_space<vmem>> -> memref<1x1x256xi32, #tpu.memory_space<vmem>>
        %dma_wait3A_349 = tpu.memref_squeeze %dma_wait3A_348 : memref<1x1x256xi32, #tpu.memory_space<vmem>> -> memref<256xi32, #tpu.memory_space<vmem>>
        %dma_wait3A_350 = arith.constant 0 : i32
        %dma_wait3A_351 = arith.constant 0 : i32
        %dma_wait3A_352 = tpu.memref_slice %arg10[%dma_wait3A_350, %dma_wait3A_351] : memref<10240x64xf32, #tpu.memory_space<vmem_shared>> -> memref<10240x64xf32, #tpu.memory_space<vmem_shared>>
        tpu.wait_indirect_dma semaphore(%arg14 : memref<!tpu.dma_semaphore, #tpu.memory_space<semaphore_mem>>) src(%dma_wait3A_346 : memref<256x64xf32, #tpu.memory_space<vmem>>) dst(%dma_wait3A_352 : memref<10240x64xf32, #tpu.memory_space<vmem_shared>>)
      } else {
      }
      %lt3A_175 = arith.constant 9 : i32
      %lt3A_176 = arith.cmpi slt, %scan3A_133, %lt3A_175 : i32
      %convert_element_type3A_177 = arith.extui %lt3A_176 : i1 to i32
      %cond3A_178 = arith.constant 0 : i32
      %cond3A_179 = arith.cmpi ne, %convert_element_type3A_177, %cond3A_178 : i32
      scf.if %cond3A_179 {
        %add3A_341 = arith.constant 1 : i32
        %add3A_342 = arith.addi %scan3A_133, %add3A_341 : i32
        %mul3A_343 = arith.constant 4 : i32
        %mul3A_344 = arith.muli %add3A_342, %mul3A_343 : i32
        %add3A_345 = arith.addi %mul3A_2, %mul3A_344 : i32
        %dma_start3A_346 = arith.constant 0 : i32
        %dma_start3A_347 = arith.constant 0 : i32
        %dma_start3A_348 = tpu.memref_slice %arg6[%select_n3A_160, %dma_start3A_346, %dma_start3A_347] : memref<2x4x256xi32, #tpu.memory_space<vmem>> -> memref<1x4x256xi32, #tpu.memory_space<vmem>>
        %dma_start3A_349 = tpu.memref_squeeze %dma_start3A_348 : memref<1x4x256xi32, #tpu.memory_space<vmem>> -> memref<4x256xi32, #tpu.memory_space<vmem>>
        %dma_start3A_350 = arith.constant 0 : i32
        %dma_start3A_351 = tpu.memref_slice %arg3[%add3A_345, %dma_start3A_350] : memref<1280x256xi32, #tpu.memory_space<hbm>> -> memref<4x256xi32, #tpu.memory_space<hbm>>
        %dma_start3A_352 = arith.constant 0 : i32
        %dma_start3A_353 = arith.constant 0 : i32
        %dma_start3A_354 = tpu.memref_slice %arg6[%select_n3A_160, %dma_start3A_352, %dma_start3A_353] : memref<2x4x256xi32, #tpu.memory_space<vmem>> -> memref<1x4x256xi32, #tpu.memory_space<vmem>>
        %dma_start3A_355 = tpu.memref_squeeze %dma_start3A_354 : memref<1x4x256xi32, #tpu.memory_space<vmem>> -> memref<4x256xi32, #tpu.memory_space<vmem>>
        %dma_start3A_356 = arith.constant 0 : i32
        %dma_start3A_357 = tpu.memref_slice %arg3[%add3A_345, %dma_start3A_356] : memref<1280x256xi32, #tpu.memory_space<hbm>> -> memref<4x256xi32, #tpu.memory_space<hbm>>
        tpu.enqueue_dma source(%dma_start3A_357 : memref<4x256xi32, #tpu.memory_space<hbm>>) target(%dma_start3A_355 : memref<4x256xi32, #tpu.memory_space<vmem>>) target_semaphore(%arg15 : memref<!tpu.dma_semaphore, #tpu.memory_space<semaphore_mem>>)
        %add3A_358 = arith.constant 1 : i32
        %add3A_359 = arith.addi %scan3A_133, %add3A_358 : i32
        %mul3A_360 = arith.constant 4 : i32
        %mul3A_361 = arith.muli %add3A_359, %mul3A_360 : i32
        %add3A_362 = arith.addi %mul3A_2, %mul3A_361 : i32
        %dma_start3A_363 = arith.constant 0 : i32
        %dma_start3A_364 = arith.constant 0 : i32
        %dma_start3A_365 = tpu.memref_slice %arg7[%select_n3A_160, %dma_start3A_363, %dma_start3A_364] : memref<2x4x256xi32, #tpu.memory_space<vmem>> -> memref<1x4x256xi32, #tpu.memory_space<vmem>>
        %dma_start3A_366 = tpu.memref_squeeze %dma_start3A_365 : memref<1x4x256xi32, #tpu.memory_space<vmem>> -> memref<4x256xi32, #tpu.memory_space<vmem>>
        %dma_start3A_367 = arith.constant 0 : i32
        %dma_start3A_368 = tpu.memref_slice %arg4[%add3A_362, %dma_start3A_367] : memref<1280x256xi32, #tpu.memory_space<hbm>> -> memref<4x256xi32, #tpu.memory_space<hbm>>
        %dma_start3A_369 = arith.constant 0 : i32
        %dma_start3A_370 = arith.constant 0 : i32
        %dma_start3A_371 = tpu.memref_slice %arg7[%select_n3A_160, %dma_start3A_369, %dma_start3A_370] : memref<2x4x256xi32, #tpu.memory_space<vmem>> -> memref<1x4x256xi32, #tpu.memory_space<vmem>>
        %dma_start3A_372 = tpu.memref_squeeze %dma_start3A_371 : memref<1x4x256xi32, #tpu.memory_space<vmem>> -> memref<4x256xi32, #tpu.memory_space<vmem>>
        %dma_start3A_373 = arith.constant 0 : i32
        %dma_start3A_374 = tpu.memref_slice %arg4[%add3A_362, %dma_start3A_373] : memref<1280x256xi32, #tpu.memory_space<hbm>> -> memref<4x256xi32, #tpu.memory_space<hbm>>
        tpu.enqueue_dma source(%dma_start3A_374 : memref<4x256xi32, #tpu.memory_space<hbm>>) target(%dma_start3A_372 : memref<4x256xi32, #tpu.memory_space<vmem>>) target_semaphore(%arg16 : memref<!tpu.dma_semaphore, #tpu.memory_space<semaphore_mem>>)
      } else {
      }
      %dma_start3A_180 = arith.constant 1 : i32
      %dma_start3A_181 = arith.constant 1 : i32
      %dma_start3A_182 = arith.constant 0 : i32
      %dma_start3A_183 = arith.constant 0 : i32
      %dma_start3A_184 = tpu.memref_slice %arg8[%dma_start3A_181, %dma_start3A_182, %dma_start3A_183] : memref<2x256x64xf32, #tpu.memory_space<vmem>> -> memref<1x256x64xf32, #tpu.memory_space<vmem>>
      %dma_start3A_185 = tpu.memref_squeeze %dma_start3A_184 : memref<1x256x64xf32, #tpu.memory_space<vmem>> -> memref<256x64xf32, #tpu.memory_space<vmem>>
      %dma_start3A_186 = arith.constant 0 : i32
      %dma_start3A_187 = tpu.memref_slice %arg6[%select_n3A_142, %dma_start3A_180, %dma_start3A_186] : memref<2x4x256xi32, #tpu.memory_space<vmem>> -> memref<1x1x256xi32, #tpu.memory_space<vmem>>
      %dma_start3A_188 = tpu.memref_squeeze %dma_start3A_187 : memref<1x1x256xi32, #tpu.memory_space<vmem>> -> memref<256xi32, #tpu.memory_space<vmem>>
      %dma_start3A_189 = arith.constant 0 : i32
      %dma_start3A_190 = arith.constant 0 : i32
      %dma_start3A_191 = tpu.memref_slice %arg9[%dma_start3A_189, %dma_start3A_190] : memref<10240x64xf32, #tpu.memory_space<vmem_shared>> -> memref<10240x64xf32, #tpu.memory_space<vmem_shared>>
      tpu.enqueue_indirect_dma source(%dma_start3A_191 : memref<10240x64xf32, #tpu.memory_space<vmem_shared>>) target(%dma_start3A_185 : memref<256x64xf32, #tpu.memory_space<vmem>>) offsets(%dma_start3A_188 : memref<256xi32, #tpu.memory_space<vmem>>) semaphore(%arg12 : memref<!tpu.dma_semaphore, #tpu.memory_space<semaphore_mem>>)
      %dma_start3A_192 = arith.constant 0 : i32
      %dma_start3A_193 = arith.constant 0 : i32
      %dma_start3A_194 = arith.constant 0 : i32
      %dma_start3A_195 = arith.constant 0 : i32
      %dma_start3A_196 = tpu.memref_slice %arg8[%dma_start3A_192, %dma_start3A_194, %dma_start3A_195] : memref<2x256x64xf32, #tpu.memory_space<vmem>> -> memref<1x256x64xf32, #tpu.memory_space<vmem>>
      %dma_start3A_197 = tpu.memref_squeeze %dma_start3A_196 : memref<1x256x64xf32, #tpu.memory_space<vmem>> -> memref<256x64xf32, #tpu.memory_space<vmem>>
      %dma_start3A_198 = arith.constant 0 : i32
      %dma_start3A_199 = tpu.memref_slice %arg7[%select_n3A_142, %dma_start3A_193, %dma_start3A_198] : memref<2x4x256xi32, #tpu.memory_space<vmem>> -> memref<1x1x256xi32, #tpu.memory_space<vmem>>
      %dma_start3A_200 = tpu.memref_squeeze %dma_start3A_199 : memref<1x1x256xi32, #tpu.memory_space<vmem>> -> memref<256xi32, #tpu.memory_space<vmem>>
      %dma_start3A_201 = arith.constant 0 : i32
      %dma_start3A_202 = arith.constant 0 : i32
      %dma_start3A_203 = tpu.memref_slice %arg10[%dma_start3A_201, %dma_start3A_202] : memref<10240x64xf32, #tpu.memory_space<vmem_shared>> -> memref<10240x64xf32, #tpu.memory_space<vmem_shared>>
      tpu.enqueue_indirect_dma source(%dma_start3A_197 : memref<256x64xf32, #tpu.memory_space<vmem>>) target(%dma_start3A_203 : memref<10240x64xf32, #tpu.memory_space<vmem_shared>>) offsets(%dma_start3A_200 : memref<256xi32, #tpu.memory_space<vmem>>) semaphore(%arg13 : memref<!tpu.dma_semaphore, #tpu.memory_space<semaphore_mem>>) {add = true}
      %dma_wait3A_204 = arith.constant 1 : i32
      %dma_wait3A_205 = arith.constant 1 : i32
      %dma_wait3A_206 = arith.constant 0 : i32
      %dma_wait3A_207 = arith.constant 0 : i32
      %dma_wait3A_208 = tpu.memref_slice %arg8[%dma_wait3A_205, %dma_wait3A_206, %dma_wait3A_207] : memref<2x256x64xf32, #tpu.memory_space<vmem>> -> memref<1x256x64xf32, #tpu.memory_space<vmem>>
      %dma_wait3A_209 = tpu.memref_squeeze %dma_wait3A_208 : memref<1x256x64xf32, #tpu.memory_space<vmem>> -> memref<256x64xf32, #tpu.memory_space<vmem>>
      %dma_wait3A_210 = arith.constant 0 : i32
      %dma_wait3A_211 = tpu.memref_slice %arg6[%select_n3A_142, %dma_wait3A_204, %dma_wait3A_210] : memref<2x4x256xi32, #tpu.memory_space<vmem>> -> memref<1x1x256xi32, #tpu.memory_space<vmem>>
      %dma_wait3A_212 = tpu.memref_squeeze %dma_wait3A_211 : memref<1x1x256xi32, #tpu.memory_space<vmem>> -> memref<256xi32, #tpu.memory_space<vmem>>
      %dma_wait3A_213 = arith.constant 0 : i32
      %dma_wait3A_214 = arith.constant 0 : i32
      %dma_wait3A_215 = tpu.memref_slice %arg9[%dma_wait3A_213, %dma_wait3A_214] : memref<10240x64xf32, #tpu.memory_space<vmem_shared>> -> memref<10240x64xf32, #tpu.memory_space<vmem_shared>>
      tpu.wait_indirect_dma semaphore(%arg12 : memref<!tpu.dma_semaphore, #tpu.memory_space<semaphore_mem>>) src(%dma_wait3A_215 : memref<10240x64xf32, #tpu.memory_space<vmem_shared>>) dst(%dma_wait3A_209 : memref<256x64xf32, #tpu.memory_space<vmem>>)
      %dma_wait3A_216 = arith.constant 0 : i32
      %dma_wait3A_217 = arith.constant 0 : i32
      %dma_wait3A_218 = arith.constant 0 : i32
      %dma_wait3A_219 = arith.constant 0 : i32
      %dma_wait3A_220 = tpu.memref_slice %arg8[%dma_wait3A_216, %dma_wait3A_218, %dma_wait3A_219] : memref<2x256x64xf32, #tpu.memory_space<vmem>> -> memref<1x256x64xf32, #tpu.memory_space<vmem>>
      %dma_wait3A_221 = tpu.memref_squeeze %dma_wait3A_220 : memref<1x256x64xf32, #tpu.memory_space<vmem>> -> memref<256x64xf32, #tpu.memory_space<vmem>>
      %dma_wait3A_222 = arith.constant 0 : i32
      %dma_wait3A_223 = tpu.memref_slice %arg7[%select_n3A_142, %dma_wait3A_217, %dma_wait3A_222] : memref<2x4x256xi32, #tpu.memory_space<vmem>> -> memref<1x1x256xi32, #tpu.memory_space<vmem>>
      %dma_wait3A_224 = tpu.memref_squeeze %dma_wait3A_223 : memref<1x1x256xi32, #tpu.memory_space<vmem>> -> memref<256xi32, #tpu.memory_space<vmem>>
      %dma_wait3A_225 = arith.constant 0 : i32
      %dma_wait3A_226 = arith.constant 0 : i32
      %dma_wait3A_227 = tpu.memref_slice %arg10[%dma_wait3A_225, %dma_wait3A_226] : memref<10240x64xf32, #tpu.memory_space<vmem_shared>> -> memref<10240x64xf32, #tpu.memory_space<vmem_shared>>
      tpu.wait_indirect_dma semaphore(%arg13 : memref<!tpu.dma_semaphore, #tpu.memory_space<semaphore_mem>>) src(%dma_wait3A_221 : memref<256x64xf32, #tpu.memory_space<vmem>>) dst(%dma_wait3A_227 : memref<10240x64xf32, #tpu.memory_space<vmem_shared>>)
      %dma_start3A_228 = arith.constant 2 : i32
      %dma_start3A_229 = arith.constant 0 : i32
      %dma_start3A_230 = arith.constant 0 : i32
      %dma_start3A_231 = arith.constant 0 : i32
      %dma_start3A_232 = tpu.memref_slice %arg8[%dma_start3A_229, %dma_start3A_230, %dma_start3A_231] : memref<2x256x64xf32, #tpu.memory_space<vmem>> -> memref<1x256x64xf32, #tpu.memory_space<vmem>>
      %dma_start3A_233 = tpu.memref_squeeze %dma_start3A_232 : memref<1x256x64xf32, #tpu.memory_space<vmem>> -> memref<256x64xf32, #tpu.memory_space<vmem>>
      %dma_start3A_234 = arith.constant 0 : i32
      %dma_start3A_235 = tpu.memref_slice %arg6[%select_n3A_142, %dma_start3A_228, %dma_start3A_234] : memref<2x4x256xi32, #tpu.memory_space<vmem>> -> memref<1x1x256xi32, #tpu.memory_space<vmem>>
      %dma_start3A_236 = tpu.memref_squeeze %dma_start3A_235 : memref<1x1x256xi32, #tpu.memory_space<vmem>> -> memref<256xi32, #tpu.memory_space<vmem>>
      %dma_start3A_237 = arith.constant 0 : i32
      %dma_start3A_238 = arith.constant 0 : i32
      %dma_start3A_239 = tpu.memref_slice %arg9[%dma_start3A_237, %dma_start3A_238] : memref<10240x64xf32, #tpu.memory_space<vmem_shared>> -> memref<10240x64xf32, #tpu.memory_space<vmem_shared>>
      tpu.enqueue_indirect_dma source(%dma_start3A_239 : memref<10240x64xf32, #tpu.memory_space<vmem_shared>>) target(%dma_start3A_233 : memref<256x64xf32, #tpu.memory_space<vmem>>) offsets(%dma_start3A_236 : memref<256xi32, #tpu.memory_space<vmem>>) semaphore(%arg11 : memref<!tpu.dma_semaphore, #tpu.memory_space<semaphore_mem>>)
      %dma_start3A_240 = arith.constant 1 : i32
      %dma_start3A_241 = arith.constant 1 : i32
      %dma_start3A_242 = arith.constant 0 : i32
      %dma_start3A_243 = arith.constant 0 : i32
      %dma_start3A_244 = tpu.memref_slice %arg8[%dma_start3A_240, %dma_start3A_242, %dma_start3A_243] : memref<2x256x64xf32, #tpu.memory_space<vmem>> -> memref<1x256x64xf32, #tpu.memory_space<vmem>>
      %dma_start3A_245 = tpu.memref_squeeze %dma_start3A_244 : memref<1x256x64xf32, #tpu.memory_space<vmem>> -> memref<256x64xf32, #tpu.memory_space<vmem>>
      %dma_start3A_246 = arith.constant 0 : i32
      %dma_start3A_247 = tpu.memref_slice %arg7[%select_n3A_142, %dma_start3A_241, %dma_start3A_246] : memref<2x4x256xi32, #tpu.memory_space<vmem>> -> memref<1x1x256xi32, #tpu.memory_space<vmem>>
      %dma_start3A_248 = tpu.memref_squeeze %dma_start3A_247 : memref<1x1x256xi32, #tpu.memory_space<vmem>> -> memref<256xi32, #tpu.memory_space<vmem>>
      %dma_start3A_249 = arith.constant 0 : i32
      %dma_start3A_250 = arith.constant 0 : i32
      %dma_start3A_251 = tpu.memref_slice %arg10[%dma_start3A_249, %dma_start3A_250] : memref<10240x64xf32, #tpu.memory_space<vmem_shared>> -> memref<10240x64xf32, #tpu.memory_space<vmem_shared>>
      tpu.enqueue_indirect_dma source(%dma_start3A_245 : memref<256x64xf32, #tpu.memory_space<vmem>>) target(%dma_start3A_251 : memref<10240x64xf32, #tpu.memory_space<vmem_shared>>) offsets(%dma_start3A_248 : memref<256xi32, #tpu.memory_space<vmem>>) semaphore(%arg14 : memref<!tpu.dma_semaphore, #tpu.memory_space<semaphore_mem>>) {add = true}
      %dma_wait3A_252 = arith.constant 2 : i32
      %dma_wait3A_253 = arith.constant 0 : i32
      %dma_wait3A_254 = arith.constant 0 : i32
      %dma_wait3A_255 = arith.constant 0 : i32
      %dma_wait3A_256 = tpu.memref_slice %arg8[%dma_wait3A_253, %dma_wait3A_254, %dma_wait3A_255] : memref<2x256x64xf32, #tpu.memory_space<vmem>> -> memref<1x256x64xf32, #tpu.memory_space<vmem>>
      %dma_wait3A_257 = tpu.memref_squeeze %dma_wait3A_256 : memref<1x256x64xf32, #tpu.memory_space<vmem>> -> memref<256x64xf32, #tpu.memory_space<vmem>>
      %dma_wait3A_258 = arith.constant 0 : i32
      %dma_wait3A_259 = tpu.memref_slice %arg6[%select_n3A_142, %dma_wait3A_252, %dma_wait3A_258] : memref<2x4x256xi32, #tpu.memory_space<vmem>> -> memref<1x1x256xi32, #tpu.memory_space<vmem>>
      %dma_wait3A_260 = tpu.memref_squeeze %dma_wait3A_259 : memref<1x1x256xi32, #tpu.memory_space<vmem>> -> memref<256xi32, #tpu.memory_space<vmem>>
      %dma_wait3A_261 = arith.constant 0 : i32
      %dma_wait3A_262 = arith.constant 0 : i32
      %dma_wait3A_263 = tpu.memref_slice %arg9[%dma_wait3A_261, %dma_wait3A_262] : memref<10240x64xf32, #tpu.memory_space<vmem_shared>> -> memref<10240x64xf32, #tpu.memory_space<vmem_shared>>
      tpu.wait_indirect_dma semaphore(%arg11 : memref<!tpu.dma_semaphore, #tpu.memory_space<semaphore_mem>>) src(%dma_wait3A_263 : memref<10240x64xf32, #tpu.memory_space<vmem_shared>>) dst(%dma_wait3A_257 : memref<256x64xf32, #tpu.memory_space<vmem>>)
      %dma_wait3A_264 = arith.constant 1 : i32
      %dma_wait3A_265 = arith.constant 0 : i32
      %dma_wait3A_266 = arith.constant 0 : i32
      %dma_wait3A_267 = arith.constant 0 : i32
      %dma_wait3A_268 = tpu.memref_slice %arg8[%dma_wait3A_264, %dma_wait3A_266, %dma_wait3A_267] : memref<2x256x64xf32, #tpu.memory_space<vmem>> -> memref<1x256x64xf32, #tpu.memory_space<vmem>>
      %dma_wait3A_269 = tpu.memref_squeeze %dma_wait3A_268 : memref<1x256x64xf32, #tpu.memory_space<vmem>> -> memref<256x64xf32, #tpu.memory_space<vmem>>
      %dma_wait3A_270 = arith.constant 0 : i32
      %dma_wait3A_271 = tpu.memref_slice %arg7[%select_n3A_142, %dma_wait3A_265, %dma_wait3A_270] : memref<2x4x256xi32, #tpu.memory_space<vmem>> -> memref<1x1x256xi32, #tpu.memory_space<vmem>>
      %dma_wait3A_272 = tpu.memref_squeeze %dma_wait3A_271 : memref<1x1x256xi32, #tpu.memory_space<vmem>> -> memref<256xi32, #tpu.memory_space<vmem>>
      %dma_wait3A_273 = arith.constant 0 : i32
      %dma_wait3A_274 = arith.constant 0 : i32
      %dma_wait3A_275 = tpu.memref_slice %arg10[%dma_wait3A_273, %dma_wait3A_274] : memref<10240x64xf32, #tpu.memory_space<vmem_shared>> -> memref<10240x64xf32, #tpu.memory_space<vmem_shared>>
      tpu.wait_indirect_dma semaphore(%arg14 : memref<!tpu.dma_semaphore, #tpu.memory_space<semaphore_mem>>) src(%dma_wait3A_269 : memref<256x64xf32, #tpu.memory_space<vmem>>) dst(%dma_wait3A_275 : memref<10240x64xf32, #tpu.memory_space<vmem_shared>>)
      %dma_start3A_276 = arith.constant 3 : i32
      %dma_start3A_277 = arith.constant 1 : i32
      %dma_start3A_278 = arith.constant 0 : i32
      %dma_start3A_279 = arith.constant 0 : i32
      %dma_start3A_280 = tpu.memref_slice %arg8[%dma_start3A_277, %dma_start3A_278, %dma_start3A_279] : memref<2x256x64xf32, #tpu.memory_space<vmem>> -> memref<1x256x64xf32, #tpu.memory_space<vmem>>
      %dma_start3A_281 = tpu.memref_squeeze %dma_start3A_280 : memref<1x256x64xf32, #tpu.memory_space<vmem>> -> memref<256x64xf32, #tpu.memory_space<vmem>>
      %dma_start3A_282 = arith.constant 0 : i32
      %dma_start3A_283 = tpu.memref_slice %arg6[%select_n3A_142, %dma_start3A_276, %dma_start3A_282] : memref<2x4x256xi32, #tpu.memory_space<vmem>> -> memref<1x1x256xi32, #tpu.memory_space<vmem>>
      %dma_start3A_284 = tpu.memref_squeeze %dma_start3A_283 : memref<1x1x256xi32, #tpu.memory_space<vmem>> -> memref<256xi32, #tpu.memory_space<vmem>>
      %dma_start3A_285 = arith.constant 0 : i32
      %dma_start3A_286 = arith.constant 0 : i32
      %dma_start3A_287 = tpu.memref_slice %arg9[%dma_start3A_285, %dma_start3A_286] : memref<10240x64xf32, #tpu.memory_space<vmem_shared>> -> memref<10240x64xf32, #tpu.memory_space<vmem_shared>>
      tpu.enqueue_indirect_dma source(%dma_start3A_287 : memref<10240x64xf32, #tpu.memory_space<vmem_shared>>) target(%dma_start3A_281 : memref<256x64xf32, #tpu.memory_space<vmem>>) offsets(%dma_start3A_284 : memref<256xi32, #tpu.memory_space<vmem>>) semaphore(%arg12 : memref<!tpu.dma_semaphore, #tpu.memory_space<semaphore_mem>>)
      %dma_start3A_288 = arith.constant 0 : i32
      %dma_start3A_289 = arith.constant 2 : i32
      %dma_start3A_290 = arith.constant 0 : i32
      %dma_start3A_291 = arith.constant 0 : i32
      %dma_start3A_292 = tpu.memref_slice %arg8[%dma_start3A_288, %dma_start3A_290, %dma_start3A_291] : memref<2x256x64xf32, #tpu.memory_space<vmem>> -> memref<1x256x64xf32, #tpu.memory_space<vmem>>
      %dma_start3A_293 = tpu.memref_squeeze %dma_start3A_292 : memref<1x256x64xf32, #tpu.memory_space<vmem>> -> memref<256x64xf32, #tpu.memory_space<vmem>>
      %dma_start3A_294 = arith.constant 0 : i32
      %dma_start3A_295 = tpu.memref_slice %arg7[%select_n3A_142, %dma_start3A_289, %dma_start3A_294] : memref<2x4x256xi32, #tpu.memory_space<vmem>> -> memref<1x1x256xi32, #tpu.memory_space<vmem>>
      %dma_start3A_296 = tpu.memref_squeeze %dma_start3A_295 : memref<1x1x256xi32, #tpu.memory_space<vmem>> -> memref<256xi32, #tpu.memory_space<vmem>>
      %dma_start3A_297 = arith.constant 0 : i32
      %dma_start3A_298 = arith.constant 0 : i32
      %dma_start3A_299 = tpu.memref_slice %arg10[%dma_start3A_297, %dma_start3A_298] : memref<10240x64xf32, #tpu.memory_space<vmem_shared>> -> memref<10240x64xf32, #tpu.memory_space<vmem_shared>>
      tpu.enqueue_indirect_dma source(%dma_start3A_293 : memref<256x64xf32, #tpu.memory_space<vmem>>) target(%dma_start3A_299 : memref<10240x64xf32, #tpu.memory_space<vmem_shared>>) offsets(%dma_start3A_296 : memref<256xi32, #tpu.memory_space<vmem>>) semaphore(%arg13 : memref<!tpu.dma_semaphore, #tpu.memory_space<semaphore_mem>>) {add = true}
      %dma_wait3A_300 = arith.constant 3 : i32
      %dma_wait3A_301 = arith.constant 1 : i32
      %dma_wait3A_302 = arith.constant 0 : i32
      %dma_wait3A_303 = arith.constant 0 : i32
      %dma_wait3A_304 = tpu.memref_slice %arg8[%dma_wait3A_301, %dma_wait3A_302, %dma_wait3A_303] : memref<2x256x64xf32, #tpu.memory_space<vmem>> -> memref<1x256x64xf32, #tpu.memory_space<vmem>>
      %dma_wait3A_305 = tpu.memref_squeeze %dma_wait3A_304 : memref<1x256x64xf32, #tpu.memory_space<vmem>> -> memref<256x64xf32, #tpu.memory_space<vmem>>
      %dma_wait3A_306 = arith.constant 0 : i32
      %dma_wait3A_307 = tpu.memref_slice %arg6[%select_n3A_142, %dma_wait3A_300, %dma_wait3A_306] : memref<2x4x256xi32, #tpu.memory_space<vmem>> -> memref<1x1x256xi32, #tpu.memory_space<vmem>>
      %dma_wait3A_308 = tpu.memref_squeeze %dma_wait3A_307 : memref<1x1x256xi32, #tpu.memory_space<vmem>> -> memref<256xi32, #tpu.memory_space<vmem>>
      %dma_wait3A_309 = arith.constant 0 : i32
      %dma_wait3A_310 = arith.constant 0 : i32
      %dma_wait3A_311 = tpu.memref_slice %arg9[%dma_wait3A_309, %dma_wait3A_310] : memref<10240x64xf32, #tpu.memory_space<vmem_shared>> -> memref<10240x64xf32, #tpu.memory_space<vmem_shared>>
      tpu.wait_indirect_dma semaphore(%arg12 : memref<!tpu.dma_semaphore, #tpu.memory_space<semaphore_mem>>) src(%dma_wait3A_311 : memref<10240x64xf32, #tpu.memory_space<vmem_shared>>) dst(%dma_wait3A_305 : memref<256x64xf32, #tpu.memory_space<vmem>>)
      %dma_wait3A_312 = arith.constant 0 : i32
      %dma_wait3A_313 = arith.constant 0 : i32
      %dma_wait3A_314 = arith.constant 0 : i32
      %dma_wait3A_315 = arith.constant 0 : i32
      %dma_wait3A_316 = tpu.memref_slice %arg8[%dma_wait3A_312, %dma_wait3A_314, %dma_wait3A_315] : memref<2x256x64xf32, #tpu.memory_space<vmem>> -> memref<1x256x64xf32, #tpu.memory_space<vmem>>
      %dma_wait3A_317 = tpu.memref_squeeze %dma_wait3A_316 : memref<1x256x64xf32, #tpu.memory_space<vmem>> -> memref<256x64xf32, #tpu.memory_space<vmem>>
      %dma_wait3A_318 = arith.constant 0 : i32
      %dma_wait3A_319 = tpu.memref_slice %arg7[%select_n3A_142, %dma_wait3A_313, %dma_wait3A_318] : memref<2x4x256xi32, #tpu.memory_space<vmem>> -> memref<1x1x256xi32, #tpu.memory_space<vmem>>
      %dma_wait3A_320 = tpu.memref_squeeze %dma_wait3A_319 : memref<1x1x256xi32, #tpu.memory_space<vmem>> -> memref<256xi32, #tpu.memory_space<vmem>>
      %dma_wait3A_321 = arith.constant 0 : i32
      %dma_wait3A_322 = arith.constant 0 : i32
      %dma_wait3A_323 = tpu.memref_slice %arg10[%dma_wait3A_321, %dma_wait3A_322] : memref<10240x64xf32, #tpu.memory_space<vmem_shared>> -> memref<10240x64xf32, #tpu.memory_space<vmem_shared>>
      tpu.wait_indirect_dma semaphore(%arg13 : memref<!tpu.dma_semaphore, #tpu.memory_space<semaphore_mem>>) src(%dma_wait3A_317 : memref<256x64xf32, #tpu.memory_space<vmem>>) dst(%dma_wait3A_323 : memref<10240x64xf32, #tpu.memory_space<vmem_shared>>)
      %lt3A_324 = arith.constant 9 : i32
      %lt3A_325 = arith.cmpi slt, %scan3A_133, %lt3A_324 : i32
      %convert_element_type3A_326 = arith.extui %lt3A_325 : i1 to i32
      %cond3A_327 = arith.constant 0 : i32
      %cond3A_328 = arith.cmpi ne, %convert_element_type3A_326, %cond3A_327 : i32
      scf.if %cond3A_328 {
        %dma_wait3A_341 = arith.constant 0 : i32
        %dma_wait3A_342 = arith.constant 0 : i32
        %dma_wait3A_343 = tpu.memref_slice %arg6[%select_n3A_160, %dma_wait3A_341, %dma_wait3A_342] : memref<2x4x256xi32, #tpu.memory_space<vmem>> -> memref<1x4x256xi32, #tpu.memory_space<vmem>>
        %dma_wait3A_344 = tpu.memref_squeeze %dma_wait3A_343 : memref<1x4x256xi32, #tpu.memory_space<vmem>> -> memref<4x256xi32, #tpu.memory_space<vmem>>
        %dma_wait3A_345 = arith.constant 0 : i32
        %dma_wait3A_346 = arith.constant 0 : i32
        %dma_wait3A_347 = tpu.memref_slice %arg3[%dma_wait3A_345, %dma_wait3A_346] : memref<1280x256xi32, #tpu.memory_space<hbm>> -> memref<4x256xi32, #tpu.memory_space<hbm>>
        %dma_wait3A_348 = arith.constant 0 : i32
        %dma_wait3A_349 = arith.constant 0 : i32
        %dma_wait3A_350 = tpu.memref_slice %arg6[%select_n3A_160, %dma_wait3A_348, %dma_wait3A_349] : memref<2x4x256xi32, #tpu.memory_space<vmem>> -> memref<1x4x256xi32, #tpu.memory_space<vmem>>
        %dma_wait3A_351 = tpu.memref_squeeze %dma_wait3A_350 : memref<1x4x256xi32, #tpu.memory_space<vmem>> -> memref<4x256xi32, #tpu.memory_space<vmem>>
        %dma_wait3A_352 = arith.constant 0 : i32
        %dma_wait3A_353 = arith.constant 0 : i32
        %dma_wait3A_354 = tpu.memref_slice %arg3[%dma_wait3A_352, %dma_wait3A_353] : memref<1280x256xi32, #tpu.memory_space<hbm>> -> memref<4x256xi32, #tpu.memory_space<hbm>>
        tpu.wait_dma2 semaphore(%arg15 : memref<!tpu.dma_semaphore, #tpu.memory_space<semaphore_mem>>) src(%dma_wait3A_354 : memref<4x256xi32, #tpu.memory_space<hbm>>) dst(%dma_wait3A_351 : memref<4x256xi32, #tpu.memory_space<vmem>>)
        %dma_wait3A_355 = arith.constant 0 : i32
        %dma_wait3A_356 = arith.constant 0 : i32
        %dma_wait3A_357 = tpu.memref_slice %arg7[%select_n3A_160, %dma_wait3A_355, %dma_wait3A_356] : memref<2x4x256xi32, #tpu.memory_space<vmem>> -> memref<1x4x256xi32, #tpu.memory_space<vmem>>
        %dma_wait3A_358 = tpu.memref_squeeze %dma_wait3A_357 : memref<1x4x256xi32, #tpu.memory_space<vmem>> -> memref<4x256xi32, #tpu.memory_space<vmem>>
        %dma_wait3A_359 = arith.constant 0 : i32
        %dma_wait3A_360 = arith.constant 0 : i32
        %dma_wait3A_361 = tpu.memref_slice %arg4[%dma_wait3A_359, %dma_wait3A_360] : memref<1280x256xi32, #tpu.memory_space<hbm>> -> memref<4x256xi32, #tpu.memory_space<hbm>>
        %dma_wait3A_362 = arith.constant 0 : i32
        %dma_wait3A_363 = arith.constant 0 : i32
        %dma_wait3A_364 = tpu.memref_slice %arg7[%select_n3A_160, %dma_wait3A_362, %dma_wait3A_363] : memref<2x4x256xi32, #tpu.memory_space<vmem>> -> memref<1x4x256xi32, #tpu.memory_space<vmem>>
        %dma_wait3A_365 = tpu.memref_squeeze %dma_wait3A_364 : memref<1x4x256xi32, #tpu.memory_space<vmem>> -> memref<4x256xi32, #tpu.memory_space<vmem>>
        %dma_wait3A_366 = arith.constant 0 : i32
        %dma_wait3A_367 = arith.constant 0 : i32
        %dma_wait3A_368 = tpu.memref_slice %arg4[%dma_wait3A_366, %dma_wait3A_367] : memref<1280x256xi32, #tpu.memory_space<hbm>> -> memref<4x256xi32, #tpu.memory_space<hbm>>
        tpu.wait_dma2 semaphore(%arg16 : memref<!tpu.dma_semaphore, #tpu.memory_space<semaphore_mem>>) src(%dma_wait3A_368 : memref<4x256xi32, #tpu.memory_space<hbm>>) dst(%dma_wait3A_365 : memref<4x256xi32, #tpu.memory_space<vmem>>)
        %dma_start3A_369 = arith.constant 0 : i32
        %dma_start3A_370 = arith.constant 0 : i32
        %dma_start3A_371 = arith.constant 0 : i32
        %dma_start3A_372 = arith.constant 0 : i32
        %dma_start3A_373 = tpu.memref_slice %arg8[%dma_start3A_370, %dma_start3A_371, %dma_start3A_372] : memref<2x256x64xf32, #tpu.memory_space<vmem>> -> memref<1x256x64xf32, #tpu.memory_space<vmem>>
        %dma_start3A_374 = tpu.memref_squeeze %dma_start3A_373 : memref<1x256x64xf32, #tpu.memory_space<vmem>> -> memref<256x64xf32, #tpu.memory_space<vmem>>
        %dma_start3A_375 = arith.constant 0 : i32
        %dma_start3A_376 = tpu.memref_slice %arg6[%select_n3A_160, %dma_start3A_369, %dma_start3A_375] : memref<2x4x256xi32, #tpu.memory_space<vmem>> -> memref<1x1x256xi32, #tpu.memory_space<vmem>>
        %dma_start3A_377 = tpu.memref_squeeze %dma_start3A_376 : memref<1x1x256xi32, #tpu.memory_space<vmem>> -> memref<256xi32, #tpu.memory_space<vmem>>
        %dma_start3A_378 = arith.constant 0 : i32
        %dma_start3A_379 = arith.constant 0 : i32
        %dma_start3A_380 = tpu.memref_slice %arg9[%dma_start3A_378, %dma_start3A_379] : memref<10240x64xf32, #tpu.memory_space<vmem_shared>> -> memref<10240x64xf32, #tpu.memory_space<vmem_shared>>
        tpu.enqueue_indirect_dma source(%dma_start3A_380 : memref<10240x64xf32, #tpu.memory_space<vmem_shared>>) target(%dma_start3A_374 : memref<256x64xf32, #tpu.memory_space<vmem>>) offsets(%dma_start3A_377 : memref<256xi32, #tpu.memory_space<vmem>>) semaphore(%arg11 : memref<!tpu.dma_semaphore, #tpu.memory_space<semaphore_mem>>)
      } else {
      }
      %dma_start3A_329 = arith.constant 1 : i32
      %dma_start3A_330 = arith.constant 3 : i32
      %dma_start3A_331 = arith.constant 0 : i32
      %dma_start3A_332 = arith.constant 0 : i32
      %dma_start3A_333 = tpu.memref_slice %arg8[%dma_start3A_329, %dma_start3A_331, %dma_start3A_332] : memref<2x256x64xf32, #tpu.memory_space<vmem>> -> memref<1x256x64xf32, #tpu.memory_space<vmem>>
      %dma_start3A_334 = tpu.memref_squeeze %dma_start3A_333 : memref<1x256x64xf32, #tpu.memory_space<vmem>> -> memref<256x64xf32, #tpu.memory_space<vmem>>
      %dma_start3A_335 = arith.constant 0 : i32
      %dma_start3A_336 = tpu.memref_slice %arg7[%select_n3A_142, %dma_start3A_330, %dma_start3A_335] : memref<2x4x256xi32, #tpu.memory_space<vmem>> -> memref<1x1x256xi32, #tpu.memory_space<vmem>>
      %dma_start3A_337 = tpu.memref_squeeze %dma_start3A_336 : memref<1x1x256xi32, #tpu.memory_space<vmem>> -> memref<256xi32, #tpu.memory_space<vmem>>
      %dma_start3A_338 = arith.constant 0 : i32
      %dma_start3A_339 = arith.constant 0 : i32
      %dma_start3A_340 = tpu.memref_slice %arg10[%dma_start3A_338, %dma_start3A_339] : memref<10240x64xf32, #tpu.memory_space<vmem_shared>> -> memref<10240x64xf32, #tpu.memory_space<vmem_shared>>
      tpu.enqueue_indirect_dma source(%dma_start3A_334 : memref<256x64xf32, #tpu.memory_space<vmem>>) target(%dma_start3A_340 : memref<10240x64xf32, #tpu.memory_space<vmem_shared>>) offsets(%dma_start3A_337 : memref<256xi32, #tpu.memory_space<vmem>>) semaphore(%arg14 : memref<!tpu.dma_semaphore, #tpu.memory_space<semaphore_mem>>) {add = true}
    }
    %scan3A_47 = arith.constant 10 : i32
    %dma_wait3A = arith.constant 1 : i32
    %dma_wait3A_48 = arith.constant 0 : i32
    %dma_wait3A_49 = arith.constant 0 : i32
    %dma_wait3A_50 = arith.constant 0 : i32
    %dma_wait3A_51 = arith.constant 0 : i32
    %dma_wait3A_52 = tpu.memref_slice %arg8[%dma_wait3A, %dma_wait3A_50, %dma_wait3A_51] : memref<2x256x64xf32, #tpu.memory_space<vmem>> -> memref<1x256x64xf32, #tpu.memory_space<vmem>>
    %dma_wait3A_53 = tpu.memref_squeeze %dma_wait3A_52 : memref<1x256x64xf32, #tpu.memory_space<vmem>> -> memref<256x64xf32, #tpu.memory_space<vmem>>
    %dma_wait3A_54 = arith.constant 0 : i32
    %dma_wait3A_55 = tpu.memref_slice %arg7[%dma_wait3A_48, %dma_wait3A_49, %dma_wait3A_54] : memref<2x4x256xi32, #tpu.memory_space<vmem>> -> memref<1x1x256xi32, #tpu.memory_space<vmem>>
    %dma_wait3A_56 = tpu.memref_squeeze %dma_wait3A_55 : memref<1x1x256xi32, #tpu.memory_space<vmem>> -> memref<256xi32, #tpu.memory_space<vmem>>
    %dma_wait3A_57 = arith.constant 0 : i32
    %dma_wait3A_58 = arith.constant 0 : i32
    %dma_wait3A_59 = tpu.memref_slice %arg10[%dma_wait3A_57, %dma_wait3A_58] : memref<10240x64xf32, #tpu.memory_space<vmem_shared>> -> memref<10240x64xf32, #tpu.memory_space<vmem_shared>>
    tpu.wait_indirect_dma semaphore(%arg14 : memref<!tpu.dma_semaphore, #tpu.memory_space<semaphore_mem>>) src(%dma_wait3A_53 : memref<256x64xf32, #tpu.memory_space<vmem>>) dst(%dma_wait3A_59 : memref<10240x64xf32, #tpu.memory_space<vmem_shared>>)
    %barrier3A_60 = arith.constant 0 : index
    tpu.barrier barrier_id(%barrier3A_60)
    %mul3A_61 = arith.constant 640 : i32
    %mul3A_62 = arith.muli %arg1, %mul3A_61 : i32
    %mul3A_63 = arith.constant 640 : i32
    %mul3A_64 = arith.muli %arg1, %mul3A_63 : i32
    %run_scoped3A_65 = arith.constant 0 : i32
    "tpu.region"() ({
      %run_scoped3A_133 = tpu.sem_alloc : memref<!tpu.dma_semaphore, #tpu.memory_space<semaphore_mem>>
      %dma_start3A_134 = arith.constant 0 : i32
      %dma_start3A_135 = tpu.memref_slice %arg5[%arg0, %run_scoped3A_65, %mul3A_64, %dma_start3A_134] : memref<2x2x10240x64xf32, #tpu.memory_space<hbm>> -> memref<1x1x640x64xf32, #tpu.memory_space<hbm>>
      %dma_start3A_136 = tpu.memref_squeeze %dma_start3A_135 : memref<1x1x640x64xf32, #tpu.memory_space<hbm>> -> memref<640x64xf32, #tpu.memory_space<hbm>>
      %dma_start3A_137 = arith.constant 0 : i32
      %dma_start3A_138 = tpu.memref_slice %arg10[%mul3A_62, %dma_start3A_137] : memref<10240x64xf32, #tpu.memory_space<vmem_shared>> -> memref<640x64xf32, #tpu.memory_space<vmem_shared>>
      tpu.enqueue_dma source(%dma_start3A_138 : memref<640x64xf32, #tpu.memory_space<vmem_shared>>) target(%dma_start3A_136 : memref<640x64xf32, #tpu.memory_space<hbm>>) target_semaphore(%run_scoped3A_133 : memref<!tpu.dma_semaphore, #tpu.memory_space<semaphore_mem>>)
      %dma_wait3A_139 = arith.constant 0 : i32
      %dma_wait3A_140 = tpu.memref_slice %arg5[%arg0, %run_scoped3A_65, %mul3A_64, %dma_wait3A_139] : memref<2x2x10240x64xf32, #tpu.memory_space<hbm>> -> memref<1x1x640x64xf32, #tpu.memory_space<hbm>>
      %dma_wait3A_141 = tpu.memref_squeeze %dma_wait3A_140 : memref<1x1x640x64xf32, #tpu.memory_space<hbm>> -> memref<640x64xf32, #tpu.memory_space<hbm>>
      %dma_wait3A_142 = arith.constant 0 : i32
      %dma_wait3A_143 = tpu.memref_slice %arg10[%mul3A_62, %dma_wait3A_142] : memref<10240x64xf32, #tpu.memory_space<vmem_shared>> -> memref<640x64xf32, #tpu.memory_space<vmem_shared>>
      tpu.wait_dma2 semaphore(%run_scoped3A_133 : memref<!tpu.dma_semaphore, #tpu.memory_space<semaphore_mem>>) src(%dma_wait3A_143 : memref<640x64xf32, #tpu.memory_space<vmem_shared>>) dst(%dma_wait3A_141 : memref<640x64xf32, #tpu.memory_space<hbm>>)
      tpu.yield
    }) : () -> ()
    %mul3A_66 = arith.constant 640 : i32
    %mul3A_67 = arith.muli %arg1, %mul3A_66 : i32
    %mul3A_68 = arith.constant 640 : i32
    %mul3A_69 = arith.muli %arg1, %mul3A_68 : i32
    %run_scoped3A_70 = arith.constant 1 : i32
    "tpu.region"() ({
      %run_scoped3A_133 = tpu.sem_alloc : memref<!tpu.dma_semaphore, #tpu.memory_space<semaphore_mem>>
      %dma_start3A_134 = arith.constant 0 : i32
      %dma_start3A_135 = tpu.memref_slice %arg9[%mul3A_69, %dma_start3A_134] : memref<10240x64xf32, #tpu.memory_space<vmem_shared>> -> memref<640x64xf32, #tpu.memory_space<vmem_shared>>
      %dma_start3A_136 = arith.constant 0 : i32
      %dma_start3A_137 = tpu.memref_slice %arg2[%run_scoped3A_70, %mul3A_67, %dma_start3A_136] : memref<2x10240x64xf32, #tpu.memory_space<hbm>> -> memref<1x640x64xf32, #tpu.memory_space<hbm>>
      %dma_start3A_138 = tpu.memref_squeeze %dma_start3A_137 : memref<1x640x64xf32, #tpu.memory_space<hbm>> -> memref<640x64xf32, #tpu.memory_space<hbm>>
      tpu.enqueue_dma source(%dma_start3A_138 : memref<640x64xf32, #tpu.memory_space<hbm>>) target(%dma_start3A_135 : memref<640x64xf32, #tpu.memory_space<vmem_shared>>) target_semaphore(%run_scoped3A_133 : memref<!tpu.dma_semaphore, #tpu.memory_space<semaphore_mem>>)
      %dma_wait3A_139 = arith.constant 0 : i32
      %dma_wait3A_140 = tpu.memref_slice %arg9[%mul3A_69, %dma_wait3A_139] : memref<10240x64xf32, #tpu.memory_space<vmem_shared>> -> memref<640x64xf32, #tpu.memory_space<vmem_shared>>
      %dma_wait3A_141 = arith.constant 0 : i32
      %dma_wait3A_142 = tpu.memref_slice %arg2[%run_scoped3A_70, %mul3A_67, %dma_wait3A_141] : memref<2x10240x64xf32, #tpu.memory_space<hbm>> -> memref<1x640x64xf32, #tpu.memory_space<hbm>>
      %dma_wait3A_143 = tpu.memref_squeeze %dma_wait3A_142 : memref<1x640x64xf32, #tpu.memory_space<hbm>> -> memref<640x64xf32, #tpu.memory_space<hbm>>
      tpu.wait_dma2 semaphore(%run_scoped3A_133 : memref<!tpu.dma_semaphore, #tpu.memory_space<semaphore_mem>>) src(%dma_wait3A_143 : memref<640x64xf32, #tpu.memory_space<hbm>>) dst(%dma_wait3A_140 : memref<640x64xf32, #tpu.memory_space<vmem_shared>>)
      tpu.yield
    }) : () -> ()
    %scan3A_71 = arith.constant 0 : i32
    %scan3A_72 = arith.constant 0 : i32
    %scan3A_73 = arith.constant 256 : i32
    %scan3A_74 = arith.addi %scan3A_72, %scan3A_73 : i32
    %scan3A_75 = arith.constant 1 : i32
    scf.for %scan3A_133 = %scan3A_72 to %scan3A_74 step %scan3A_75  : i32 {
      %swap3A = arith.constant 0 : i32
      %swap3A_134 = arith.index_cast %swap3A : i32 to index
      %swap3A_135 = arith.index_cast %scan3A_133 : i32 to index
      %swap3A_136 = arith.constant 0 : index
      %swap3A_137 = tpu.vector_load %arg8[%swap3A_134, %swap3A_135, %swap3A_136] {strides = array<i32>} : memref<2x256x64xf32, #tpu.memory_space<vmem>>, vector<1x1x16xf32>,
      %swap3A_138 = vector.shape_cast %swap3A_137 : vector<1x1x16xf32> to vector<16xf32>
      %swap3A_139 = vector.shape_cast %broadcast_in_dim3A_3 : vector<16xf32> to vector<1x1x16xf32>
      tpu.vector_store %arg8[%swap3A_134, %swap3A_135, %swap3A_136], %swap3A_139 {strides = array<i32>} : memref<2x256x64xf32, #tpu.memory_space<vmem>>, vector<1x1x16xf32>,
      %swap3A_140 = arith.constant 0 : i32
      %swap3A_141 = arith.index_cast %swap3A_140 : i32 to index
      %swap3A_142 = arith.index_cast %scan3A_133 : i32 to index
      %swap3A_143 = arith.constant 16 : index
      %swap3A_144 = tpu.vector_load %arg8[%swap3A_141, %swap3A_142, %swap3A_143] {strides = array<i32>} : memref<2x256x64xf32, #tpu.memory_space<vmem>>, vector<1x1x16xf32>,
      %swap3A_145 = vector.shape_cast %swap3A_144 : vector<1x1x16xf32> to vector<16xf32>
      %swap3A_146 = vector.shape_cast %broadcast_in_dim3A_3 : vector<16xf32> to vector<1x1x16xf32>
      tpu.vector_store %arg8[%swap3A_141, %swap3A_142, %swap3A_143], %swap3A_146 {strides = array<i32>} : memref<2x256x64xf32, #tpu.memory_space<vmem>>, vector<1x1x16xf32>,
      %swap3A_147 = arith.constant 0 : i32
      %swap3A_148 = arith.index_cast %swap3A_147 : i32 to index
      %swap3A_149 = arith.index_cast %scan3A_133 : i32 to index
      %swap3A_150 = arith.constant 32 : index
      %swap3A_151 = tpu.vector_load %arg8[%swap3A_148, %swap3A_149, %swap3A_150] {strides = array<i32>} : memref<2x256x64xf32, #tpu.memory_space<vmem>>, vector<1x1x16xf32>,
      %swap3A_152 = vector.shape_cast %swap3A_151 : vector<1x1x16xf32> to vector<16xf32>
      %swap3A_153 = vector.shape_cast %broadcast_in_dim3A_3 : vector<16xf32> to vector<1x1x16xf32>
      tpu.vector_store %arg8[%swap3A_148, %swap3A_149, %swap3A_150], %swap3A_153 {strides = array<i32>} : memref<2x256x64xf32, #tpu.memory_space<vmem>>, vector<1x1x16xf32>,
      %swap3A_154 = arith.constant 0 : i32
      %swap3A_155 = arith.index_cast %swap3A_154 : i32 to index
      %swap3A_156 = arith.index_cast %scan3A_133 : i32 to index
      %swap3A_157 = arith.constant 48 : index
      %swap3A_158 = tpu.vector_load %arg8[%swap3A_155, %swap3A_156, %swap3A_157] {strides = array<i32>} : memref<2x256x64xf32, #tpu.memory_space<vmem>>, vector<1x1x16xf32>,
      %swap3A_159 = vector.shape_cast %swap3A_158 : vector<1x1x16xf32> to vector<16xf32>
      %swap3A_160 = vector.shape_cast %broadcast_in_dim3A_3 : vector<16xf32> to vector<1x1x16xf32>
      tpu.vector_store %arg8[%swap3A_155, %swap3A_156, %swap3A_157], %swap3A_160 {strides = array<i32>} : memref<2x256x64xf32, #tpu.memory_space<vmem>>, vector<1x1x16xf32>,
    }
    %scan3A_76 = arith.constant 256 : i32
    %mul3A_77 = arith.constant 640 : i32
    %mul3A_78 = arith.muli %arg1, %mul3A_77 : i32
    %add3A_79 = arith.constant 0 : i32
    %add3A_80 = arith.addi %mul3A_78, %add3A_79 : i32
    %run_scoped3A_81 = arith.constant 0 : i32
    "tpu.region"() ({
      %run_scoped3A_133 = tpu.sem_alloc : memref<!tpu.dma_semaphore, #tpu.memory_space<semaphore_mem>>
      %dma_start3A_134 = arith.constant 0 : i32
      %dma_start3A_135 = arith.constant 0 : i32
      %dma_start3A_136 = tpu.memref_slice %arg8[%run_scoped3A_81, %dma_start3A_134, %dma_start3A_135] : memref<2x256x64xf32, #tpu.memory_space<vmem>> -> memref<1x256x64xf32, #tpu.memory_space<vmem>>
      %dma_start3A_137 = tpu.memref_squeeze %dma_start3A_136 : memref<1x256x64xf32, #tpu.memory_space<vmem>> -> memref<256x64xf32, #tpu.memory_space<vmem>>
      %dma_start3A_138 = arith.constant 0 : i32
      %dma_start3A_139 = tpu.memref_slice %arg10[%add3A_80, %dma_start3A_138] : memref<10240x64xf32, #tpu.memory_space<vmem_shared>> -> memref<256x64xf32, #tpu.memory_space<vmem_shared>>
      %dma_start3A_140 = arith.constant 0 : i32
      %dma_start3A_141 = tpu.memref_slice %arg10[%add3A_80, %dma_start3A_140] : memref<10240x64xf32, #tpu.memory_space<vmem_shared>> -> memref<256x64xf32, #tpu.memory_space<vmem_shared>>
      %dma_start3A_142 = arith.constant 0 : i32
      %dma_start3A_143 = arith.constant 0 : i32
      %dma_start3A_144 = tpu.memref_slice %arg8[%run_scoped3A_81, %dma_start3A_142, %dma_start3A_143] : memref<2x256x64xf32, #tpu.memory_space<vmem>> -> memref<1x256x64xf32, #tpu.memory_space<vmem>>
      %dma_start3A_145 = tpu.memref_squeeze %dma_start3A_144 : memref<1x256x64xf32, #tpu.memory_space<vmem>> -> memref<256x64xf32, #tpu.memory_space<vmem>>
      tpu.enqueue_dma source(%dma_start3A_145 : memref<256x64xf32, #tpu.memory_space<vmem>>) target(%dma_start3A_141 : memref<256x64xf32, #tpu.memory_space<vmem_shared>>) target_semaphore(%run_scoped3A_133 : memref<!tpu.dma_semaphore, #tpu.memory_space<semaphore_mem>>)
      %dma_wait3A_146 = arith.constant 0 : i32
      %dma_wait3A_147 = arith.constant 0 : i32
      %dma_wait3A_148 = tpu.memref_slice %arg8[%run_scoped3A_81, %dma_wait3A_146, %dma_wait3A_147] : memref<2x256x64xf32, #tpu.memory_space<vmem>> -> memref<1x256x64xf32, #tpu.memory_space<vmem>>
      %dma_wait3A_149 = tpu.memref_squeeze %dma_wait3A_148 : memref<1x256x64xf32, #tpu.memory_space<vmem>> -> memref<256x64xf32, #tpu.memory_space<vmem>>
      %dma_wait3A_150 = arith.constant 0 : i32
      %dma_wait3A_151 = tpu.memref_slice %arg10[%add3A_80, %dma_wait3A_150] : memref<10240x64xf32, #tpu.memory_space<vmem_shared>> -> memref<256x64xf32, #tpu.memory_space<vmem_shared>>
      %dma_wait3A_152 = arith.constant 0 : i32
      %dma_wait3A_153 = tpu.memref_slice %arg10[%add3A_80, %dma_wait3A_152] : memref<10240x64xf32, #tpu.memory_space<vmem_shared>> -> memref<256x64xf32, #tpu.memory_space<vmem_shared>>
      %dma_wait3A_154 = arith.constant 0 : i32
      %dma_wait3A_155 = arith.constant 0 : i32
      %dma_wait3A_156 = tpu.memref_slice %arg8[%run_scoped3A_81, %dma_wait3A_154, %dma_wait3A_155] : memref<2x256x64xf32, #tpu.memory_space<vmem>> -> memref<1x256x64xf32, #tpu.memory_space<vmem>>
      %dma_wait3A_157 = tpu.memref_squeeze %dma_wait3A_156 : memref<1x256x64xf32, #tpu.memory_space<vmem>> -> memref<256x64xf32, #tpu.memory_space<vmem>>
      tpu.wait_dma2 semaphore(%run_scoped3A_133 : memref<!tpu.dma_semaphore, #tpu.memory_space<semaphore_mem>>) src(%dma_wait3A_157 : memref<256x64xf32, #tpu.memory_space<vmem>>) dst(%dma_wait3A_153 : memref<256x64xf32, #tpu.memory_space<vmem_shared>>)
      tpu.yield
    }) : () -> ()
    %mul3A_82 = arith.constant 640 : i32
    %mul3A_83 = arith.muli %arg1, %mul3A_82 : i32
    %add3A_84 = arith.constant 256 : i32
    %add3A_85 = arith.addi %mul3A_83, %add3A_84 : i32
    %run_scoped3A_86 = arith.constant 0 : i32
    "tpu.region"() ({
      %run_scoped3A_133 = tpu.sem_alloc : memref<!tpu.dma_semaphore, #tpu.memory_space<semaphore_mem>>
      %dma_start3A_134 = arith.constant 0 : i32
      %dma_start3A_135 = arith.constant 0 : i32
      %dma_start3A_136 = tpu.memref_slice %arg8[%run_scoped3A_86, %dma_start3A_134, %dma_start3A_135] : memref<2x256x64xf32, #tpu.memory_space<vmem>> -> memref<1x256x64xf32, #tpu.memory_space<vmem>>
      %dma_start3A_137 = tpu.memref_squeeze %dma_start3A_136 : memref<1x256x64xf32, #tpu.memory_space<vmem>> -> memref<256x64xf32, #tpu.memory_space<vmem>>
      %dma_start3A_138 = arith.constant 0 : i32
      %dma_start3A_139 = tpu.memref_slice %arg10[%add3A_85, %dma_start3A_138] : memref<10240x64xf32, #tpu.memory_space<vmem_shared>> -> memref<256x64xf32, #tpu.memory_space<vmem_shared>>
      %dma_start3A_140 = arith.constant 0 : i32
      %dma_start3A_141 = tpu.memref_slice %arg10[%add3A_85, %dma_start3A_140] : memref<10240x64xf32, #tpu.memory_space<vmem_shared>> -> memref<256x64xf32, #tpu.memory_space<vmem_shared>>
      %dma_start3A_142 = arith.constant 0 : i32
      %dma_start3A_143 = arith.constant 0 : i32
      %dma_start3A_144 = tpu.memref_slice %arg8[%run_scoped3A_86, %dma_start3A_142, %dma_start3A_143] : memref<2x256x64xf32, #tpu.memory_space<vmem>> -> memref<1x256x64xf32, #tpu.memory_space<vmem>>
      %dma_start3A_145 = tpu.memref_squeeze %dma_start3A_144 : memref<1x256x64xf32, #tpu.memory_space<vmem>> -> memref<256x64xf32, #tpu.memory_space<vmem>>
      tpu.enqueue_dma source(%dma_start3A_145 : memref<256x64xf32, #tpu.memory_space<vmem>>) target(%dma_start3A_141 : memref<256x64xf32, #tpu.memory_space<vmem_shared>>) target_semaphore(%run_scoped3A_133 : memref<!tpu.dma_semaphore, #tpu.memory_space<semaphore_mem>>)
      %dma_wait3A_146 = arith.constant 0 : i32
      %dma_wait3A_147 = arith.constant 0 : i32
      %dma_wait3A_148 = tpu.memref_slice %arg8[%run_scoped3A_86, %dma_wait3A_146, %dma_wait3A_147] : memref<2x256x64xf32, #tpu.memory_space<vmem>> -> memref<1x256x64xf32, #tpu.memory_space<vmem>>
      %dma_wait3A_149 = tpu.memref_squeeze %dma_wait3A_148 : memref<1x256x64xf32, #tpu.memory_space<vmem>> -> memref<256x64xf32, #tpu.memory_space<vmem>>
      %dma_wait3A_150 = arith.constant 0 : i32
      %dma_wait3A_151 = tpu.memref_slice %arg10[%add3A_85, %dma_wait3A_150] : memref<10240x64xf32, #tpu.memory_space<vmem_shared>> -> memref<256x64xf32, #tpu.memory_space<vmem_shared>>
      %dma_wait3A_152 = arith.constant 0 : i32
      %dma_wait3A_153 = tpu.memref_slice %arg10[%add3A_85, %dma_wait3A_152] : memref<10240x64xf32, #tpu.memory_space<vmem_shared>> -> memref<256x64xf32, #tpu.memory_space<vmem_shared>>
      %dma_wait3A_154 = arith.constant 0 : i32
      %dma_wait3A_155 = arith.constant 0 : i32
      %dma_wait3A_156 = tpu.memref_slice %arg8[%run_scoped3A_86, %dma_wait3A_154, %dma_wait3A_155] : memref<2x256x64xf32, #tpu.memory_space<vmem>> -> memref<1x256x64xf32, #tpu.memory_space<vmem>>
      %dma_wait3A_157 = tpu.memref_squeeze %dma_wait3A_156 : memref<1x256x64xf32, #tpu.memory_space<vmem>> -> memref<256x64xf32, #tpu.memory_space<vmem>>
      tpu.wait_dma2 semaphore(%run_scoped3A_133 : memref<!tpu.dma_semaphore, #tpu.memory_space<semaphore_mem>>) src(%dma_wait3A_157 : memref<256x64xf32, #tpu.memory_space<vmem>>) dst(%dma_wait3A_153 : memref<256x64xf32, #tpu.memory_space<vmem_shared>>)
      tpu.yield
    }) : () -> ()
    %mul3A_87 = arith.constant 640 : i32
    %mul3A_88 = arith.muli %arg1, %mul3A_87 : i32
    %add3A_89 = arith.constant 512 : i32
    %add3A_90 = arith.addi %mul3A_88, %add3A_89 : i32
    %run_scoped3A_91 = arith.constant 0 : i32
    "tpu.region"() ({
      %run_scoped3A_133 = tpu.sem_alloc : memref<!tpu.dma_semaphore, #tpu.memory_space<semaphore_mem>>
      %dma_start3A_134 = arith.constant 0 : i32
      %dma_start3A_135 = arith.constant 0 : i32
      %dma_start3A_136 = tpu.memref_slice %arg8[%run_scoped3A_91, %dma_start3A_134, %dma_start3A_135] : memref<2x256x64xf32, #tpu.memory_space<vmem>> -> memref<1x128x64xf32, #tpu.memory_space<vmem>>
      %dma_start3A_137 = tpu.memref_squeeze %dma_start3A_136 : memref<1x128x64xf32, #tpu.memory_space<vmem>> -> memref<128x64xf32, #tpu.memory_space<vmem>>
      %dma_start3A_138 = arith.constant 0 : i32
      %dma_start3A_139 = tpu.memref_slice %arg10[%add3A_90, %dma_start3A_138] : memref<10240x64xf32, #tpu.memory_space<vmem_shared>> -> memref<128x64xf32, #tpu.memory_space<vmem_shared>>
      %dma_start3A_140 = arith.constant 0 : i32
      %dma_start3A_141 = tpu.memref_slice %arg10[%add3A_90, %dma_start3A_140] : memref<10240x64xf32, #tpu.memory_space<vmem_shared>> -> memref<128x64xf32, #tpu.memory_space<vmem_shared>>
      %dma_start3A_142 = arith.constant 0 : i32
      %dma_start3A_143 = arith.constant 0 : i32
      %dma_start3A_144 = tpu.memref_slice %arg8[%run_scoped3A_91, %dma_start3A_142, %dma_start3A_143] : memref<2x256x64xf32, #tpu.memory_space<vmem>> -> memref<1x128x64xf32, #tpu.memory_space<vmem>>
      %dma_start3A_145 = tpu.memref_squeeze %dma_start3A_144 : memref<1x128x64xf32, #tpu.memory_space<vmem>> -> memref<128x64xf32, #tpu.memory_space<vmem>>
      tpu.enqueue_dma source(%dma_start3A_145 : memref<128x64xf32, #tpu.memory_space<vmem>>) target(%dma_start3A_141 : memref<128x64xf32, #tpu.memory_space<vmem_shared>>) target_semaphore(%run_scoped3A_133 : memref<!tpu.dma_semaphore, #tpu.memory_space<semaphore_mem>>)
      %dma_wait3A_146 = arith.constant 0 : i32
      %dma_wait3A_147 = arith.constant 0 : i32
      %dma_wait3A_148 = tpu.memref_slice %arg8[%run_scoped3A_91, %dma_wait3A_146, %dma_wait3A_147] : memref<2x256x64xf32, #tpu.memory_space<vmem>> -> memref<1x128x64xf32, #tpu.memory_space<vmem>>
      %dma_wait3A_149 = tpu.memref_squeeze %dma_wait3A_148 : memref<1x128x64xf32, #tpu.memory_space<vmem>> -> memref<128x64xf32, #tpu.memory_space<vmem>>
      %dma_wait3A_150 = arith.constant 0 : i32
      %dma_wait3A_151 = tpu.memref_slice %arg10[%add3A_90, %dma_wait3A_150] : memref<10240x64xf32, #tpu.memory_space<vmem_shared>> -> memref<128x64xf32, #tpu.memory_space<vmem_shared>>
      %dma_wait3A_152 = arith.constant 0 : i32
      %dma_wait3A_153 = tpu.memref_slice %arg10[%add3A_90, %dma_wait3A_152] : memref<10240x64xf32, #tpu.memory_space<vmem_shared>> -> memref<128x64xf32, #tpu.memory_space<vmem_shared>>
      %dma_wait3A_154 = arith.constant 0 : i32
      %dma_wait3A_155 = arith.constant 0 : i32
      %dma_wait3A_156 = tpu.memref_slice %arg8[%run_scoped3A_91, %dma_wait3A_154, %dma_wait3A_155] : memref<2x256x64xf32, #tpu.memory_space<vmem>> -> memref<1x128x64xf32, #tpu.memory_space<vmem>>
      %dma_wait3A_157 = tpu.memref_squeeze %dma_wait3A_156 : memref<1x128x64xf32, #tpu.memory_space<vmem>> -> memref<128x64xf32, #tpu.memory_space<vmem>>
      tpu.wait_dma2 semaphore(%run_scoped3A_133 : memref<!tpu.dma_semaphore, #tpu.memory_space<semaphore_mem>>) src(%dma_wait3A_157 : memref<128x64xf32, #tpu.memory_space<vmem>>) dst(%dma_wait3A_153 : memref<128x64xf32, #tpu.memory_space<vmem_shared>>)
      tpu.yield
    }) : () -> ()
    %run_scoped3A_92 = arith.constant 0 : i32
    "tpu.region"() ({
      %run_scoped3A_133 = tpu.sem_alloc : memref<!tpu.dma_semaphore, #tpu.memory_space<semaphore_mem>>
      %dma_start3A_134 = arith.constant 0 : i32
      %dma_start3A_135 = arith.constant 0 : i32
      %dma_start3A_136 = tpu.memref_slice %arg6[%run_scoped3A_92, %dma_start3A_134, %dma_start3A_135] : memref<2x4x256xi32, #tpu.memory_space<vmem>> -> memref<1x4x256xi32, #tpu.memory_space<vmem>>
      %dma_start3A_137 = tpu.memref_squeeze %dma_start3A_136 : memref<1x4x256xi32, #tpu.memory_space<vmem>> -> memref<4x256xi32, #tpu.memory_space<vmem>>
      %dma_start3A_138 = arith.constant 0 : i32
      %dma_start3A_139 = tpu.memref_slice %arg3[%mul3A_2, %dma_start3A_138] : memref<1280x256xi32, #tpu.memory_space<hbm>> -> memref<4x256xi32, #tpu.memory_space<hbm>>
      %dma_start3A_140 = arith.constant 0 : i32
      %dma_start3A_141 = arith.constant 0 : i32
      %dma_start3A_142 = tpu.memref_slice %arg6[%run_scoped3A_92, %dma_start3A_140, %dma_start3A_141] : memref<2x4x256xi32, #tpu.memory_space<vmem>> -> memref<1x4x256xi32, #tpu.memory_space<vmem>>
      %dma_start3A_143 = tpu.memref_squeeze %dma_start3A_142 : memref<1x4x256xi32, #tpu.memory_space<vmem>> -> memref<4x256xi32, #tpu.memory_space<vmem>>
      %dma_start3A_144 = arith.constant 0 : i32
      %dma_start3A_145 = tpu.memref_slice %arg3[%mul3A_2, %dma_start3A_144] : memref<1280x256xi32, #tpu.memory_space<hbm>> -> memref<4x256xi32, #tpu.memory_space<hbm>>
      tpu.enqueue_dma source(%dma_start3A_145 : memref<4x256xi32, #tpu.memory_space<hbm>>) target(%dma_start3A_143 : memref<4x256xi32, #tpu.memory_space<vmem>>) target_semaphore(%run_scoped3A_133 : memref<!tpu.dma_semaphore, #tpu.memory_space<semaphore_mem>>)
      %dma_wait3A_146 = arith.constant 0 : i32
      %dma_wait3A_147 = arith.constant 0 : i32
      %dma_wait3A_148 = tpu.memref_slice %arg6[%run_scoped3A_92, %dma_wait3A_146, %dma_wait3A_147] : memref<2x4x256xi32, #tpu.memory_space<vmem>> -> memref<1x4x256xi32, #tpu.memory_space<vmem>>
      %dma_wait3A_149 = tpu.memref_squeeze %dma_wait3A_148 : memref<1x4x256xi32, #tpu.memory_space<vmem>> -> memref<4x256xi32, #tpu.memory_space<vmem>>
      %dma_wait3A_150 = arith.constant 0 : i32
      %dma_wait3A_151 = tpu.memref_slice %arg3[%mul3A_2, %dma_wait3A_150] : memref<1280x256xi32, #tpu.memory_space<hbm>> -> memref<4x256xi32, #tpu.memory_space<hbm>>
      %dma_wait3A_152 = arith.constant 0 : i32
      %dma_wait3A_153 = arith.constant 0 : i32
      %dma_wait3A_154 = tpu.memref_slice %arg6[%run_scoped3A_92, %dma_wait3A_152, %dma_wait3A_153] : memref<2x4x256xi32, #tpu.memory_space<vmem>> -> memref<1x4x256xi32, #tpu.memory_space<vmem>>
      %dma_wait3A_155 = tpu.memref_squeeze %dma_wait3A_154 : memref<1x4x256xi32, #tpu.memory_space<vmem>> -> memref<4x256xi32, #tpu.memory_space<vmem>>
      %dma_wait3A_156 = arith.constant 0 : i32
      %dma_wait3A_157 = tpu.memref_slice %arg3[%mul3A_2, %dma_wait3A_156] : memref<1280x256xi32, #tpu.memory_space<hbm>> -> memref<4x256xi32, #tpu.memory_space<hbm>>
      tpu.wait_dma2 semaphore(%run_scoped3A_133 : memref<!tpu.dma_semaphore, #tpu.memory_space<semaphore_mem>>) src(%dma_wait3A_157 : memref<4x256xi32, #tpu.memory_space<hbm>>) dst(%dma_wait3A_155 : memref<4x256xi32, #tpu.memory_space<vmem>>)
      tpu.yield
    }) : () -> ()
    %run_scoped3A_93 = arith.constant 0 : i32
    "tpu.region"() ({
      %run_scoped3A_133 = tpu.sem_alloc : memref<!tpu.dma_semaphore, #tpu.memory_space<semaphore_mem>>
      %dma_start3A_134 = arith.constant 0 : i32
      %dma_start3A_135 = arith.constant 0 : i32
      %dma_start3A_136 = tpu.memref_slice %arg7[%run_scoped3A_93, %dma_start3A_134, %dma_start3A_135] : memref<2x4x256xi32, #tpu.memory_space<vmem>> -> memref<1x4x256xi32, #tpu.memory_space<vmem>>
      %dma_start3A_137 = tpu.memref_squeeze %dma_start3A_136 : memref<1x4x256xi32, #tpu.memory_space<vmem>> -> memref<4x256xi32, #tpu.memory_space<vmem>>
      %dma_start3A_138 = arith.constant 0 : i32
      %dma_start3A_139 = tpu.memref_slice %arg4[%mul3A_2, %dma_start3A_138] : memref<1280x256xi32, #tpu.memory_space<hbm>> -> memref<4x256xi32, #tpu.memory_space<hbm>>
      %dma_start3A_140 = arith.constant 0 : i32
      %dma_start3A_141 = arith.constant 0 : i32
      %dma_start3A_142 = tpu.memref_slice %arg7[%run_scoped3A_93, %dma_start3A_140, %dma_start3A_141] : memref<2x4x256xi32, #tpu.memory_space<vmem>> -> memref<1x4x256xi32, #tpu.memory_space<vmem>>
      %dma_start3A_143 = tpu.memref_squeeze %dma_start3A_142 : memref<1x4x256xi32, #tpu.memory_space<vmem>> -> memref<4x256xi32, #tpu.memory_space<vmem>>
      %dma_start3A_144 = arith.constant 0 : i32
      %dma_start3A_145 = tpu.memref_slice %arg4[%mul3A_2, %dma_start3A_144] : memref<1280x256xi32, #tpu.memory_space<hbm>> -> memref<4x256xi32, #tpu.memory_space<hbm>>
      tpu.enqueue_dma source(%dma_start3A_145 : memref<4x256xi32, #tpu.memory_space<hbm>>) target(%dma_start3A_143 : memref<4x256xi32, #tpu.memory_space<vmem>>) target_semaphore(%run_scoped3A_133 : memref<!tpu.dma_semaphore, #tpu.memory_space<semaphore_mem>>)
      %dma_wait3A_146 = arith.constant 0 : i32
      %dma_wait3A_147 = arith.constant 0 : i32
      %dma_wait3A_148 = tpu.memref_slice %arg7[%run_scoped3A_93, %dma_wait3A_146, %dma_wait3A_147] : memref<2x4x256xi32, #tpu.memory_space<vmem>> -> memref<1x4x256xi32, #tpu.memory_space<vmem>>
      %dma_wait3A_149 = tpu.memref_squeeze %dma_wait3A_148 : memref<1x4x256xi32, #tpu.memory_space<vmem>> -> memref<4x256xi32, #tpu.memory_space<vmem>>
      %dma_wait3A_150 = arith.constant 0 : i32
      %dma_wait3A_151 = tpu.memref_slice %arg4[%mul3A_2, %dma_wait3A_150] : memref<1280x256xi32, #tpu.memory_space<hbm>> -> memref<4x256xi32, #tpu.memory_space<hbm>>
      %dma_wait3A_152 = arith.constant 0 : i32
      %dma_wait3A_153 = arith.constant 0 : i32
      %dma_wait3A_154 = tpu.memref_slice %arg7[%run_scoped3A_93, %dma_wait3A_152, %dma_wait3A_153] : memref<2x4x256xi32, #tpu.memory_space<vmem>> -> memref<1x4x256xi32, #tpu.memory_space<vmem>>
      %dma_wait3A_155 = tpu.memref_squeeze %dma_wait3A_154 : memref<1x4x256xi32, #tpu.memory_space<vmem>> -> memref<4x256xi32, #tpu.memory_space<vmem>>
      %dma_wait3A_156 = arith.constant 0 : i32
      %dma_wait3A_157 = tpu.memref_slice %arg4[%mul3A_2, %dma_wait3A_156] : memref<1280x256xi32, #tpu.memory_space<hbm>> -> memref<4x256xi32, #tpu.memory_space<hbm>>
      tpu.wait_dma2 semaphore(%run_scoped3A_133 : memref<!tpu.dma_semaphore, #tpu.memory_space<semaphore_mem>>) src(%dma_wait3A_157 : memref<4x256xi32, #tpu.memory_space<hbm>>) dst(%dma_wait3A_155 : memref<4x256xi32, #tpu.memory_space<vmem>>)
      tpu.yield
    }) : () -> ()
    %barrier3A_94 = arith.constant 0 : index
    tpu.barrier barrier_id(%barrier3A_94)
    %dma_start3A_95 = arith.constant 0 : i32
    %dma_start3A_96 = arith.constant 0 : i32
    %dma_start3A_97 = arith.constant 0 : i32
    %dma_start3A_98 = arith.constant 0 : i32
    %dma_start3A_99 = arith.constant 0 : i32
    %dma_start3A_100 = tpu.memref_slice %arg8[%dma_start3A_97, %dma_start3A_98, %dma_start3A_99] : memref<2x256x64xf32, #tpu.memory_space<vmem>> -> memref<1x256x64xf32, #tpu.memory_space<vmem>>
    %dma_start3A_101 = tpu.memref_squeeze %dma_start3A_100 : memref<1x256x64xf32, #tpu.memory_space<vmem>> -> memref<256x64xf32, #tpu.memory_space<vmem>>
    %dma_start3A_102 = arith.constant 0 : i32
    %dma_start3A_103 = tpu.memref_slice %arg6[%dma_start3A_95, %dma_start3A_96, %dma_start3A_102] : memref<2x4x256xi32, #tpu.memory_space<vmem>> -> memref<1x1x256xi32, #tpu.memory_space<vmem>>
    %dma_start3A_104 = tpu.memref_squeeze %dma_start3A_103 : memref<1x1x256xi32, #tpu.memory_space<vmem>> -> memref<256xi32, #tpu.memory_space<vmem>>
    %dma_start3A_105 = arith.constant 0 : i32
    %dma_start3A_106 = arith.constant 0 : i32
    %dma_start3A_107 = tpu.memref_slice %arg9[%dma_start3A_105, %dma_start3A_106] : memref<10240x64xf32, #tpu.memory_space<vmem_shared>> -> memref<10240x64xf32, #tpu.memory_space<vmem_shared>>
    tpu.enqueue_indirect_dma source(%dma_start3A_107 : memref<10240x64xf32, #tpu.memory_space<vmem_shared>>) target(%dma_start3A_101 : memref<256x64xf32, #tpu.memory_space<vmem>>) offsets(%dma_start3A_104 : memref<256xi32, #tpu.memory_space<vmem>>) semaphore(%arg11 : memref<!tpu.dma_semaphore, #tpu.memory_space<semaphore_mem>>)
    %scan3A_108 = arith.constant 0 : i32
    %scan3A_109 = arith.constant 0 : i32
    %scan3A_110 = arith.constant 10 : i32
    %scan3A_111 = arith.addi %scan3A_109, %scan3A_110 : i32
    %scan3A_112 = arith.constant 1 : i32
    scf.for %scan3A_133 = %scan3A_109 to %scan3A_111 step %scan3A_112  : i32 {
      %jit3A = arith.constant 2 : i32
      %eq3A = arith.constant 0 : i32
      %eq3A_134 = arith.cmpi eq, %jit3A, %eq3A : i32
      %jit3A_135 = arith.constant 1 : i32
      %select_n3A = arith.select %eq3A_134, %jit3A_135, %jit3A : i32
      %rem3A = arith.remsi %scan3A_133, %select_n3A : i32
      %ne3A = arith.constant 0 : i32
      %ne3A_136 = arith.cmpi ne, %rem3A, %ne3A : i32
      %lt3A = arith.constant 0 : i32
      %lt3A_137 = arith.cmpi slt, %rem3A, %lt3A : i32
      %lt3A_138 = arith.constant 0 : i32
      %lt3A_139 = arith.cmpi slt, %select_n3A, %lt3A_138 : i32
      %ne3A_140 = arith.xori %lt3A_137, %lt3A_139 : i1
      %and3A = arith.andi %ne3A_140, %ne3A_136 : i1
      %add3A_141 = arith.addi %rem3A, %select_n3A : i32
      %select_n3A_142 = arith.select %and3A, %add3A_141, %rem3A : i32
      %add3A_143 = arith.constant 1 : i32
      %add3A_144 = arith.addi %scan3A_133, %add3A_143 : i32
      %jit3A_145 = arith.constant 2 : i32
      %eq3A_146 = arith.constant 0 : i32
      %eq3A_147 = arith.cmpi eq, %jit3A_145, %eq3A_146 : i32
      %jit3A_148 = arith.constant 1 : i32
      %select_n3A_149 = arith.select %eq3A_147, %jit3A_148, %jit3A_145 : i32
      %rem3A_150 = arith.remsi %add3A_144, %select_n3A_149 : i32
      %ne3A_151 = arith.constant 0 : i32
      %ne3A_152 = arith.cmpi ne, %rem3A_150, %ne3A_151 : i32
      %lt3A_153 = arith.constant 0 : i32
      %lt3A_154 = arith.cmpi slt, %rem3A_150, %lt3A_153 : i32
      %lt3A_155 = arith.constant 0 : i32
      %lt3A_156 = arith.cmpi slt, %select_n3A_149, %lt3A_155 : i32
      %ne3A_157 = arith.xori %lt3A_154, %lt3A_156 : i1
      %and3A_158 = arith.andi %ne3A_157, %ne3A_152 : i1
      %add3A_159 = arith.addi %rem3A_150, %select_n3A_149 : i32
      %select_n3A_160 = arith.select %and3A_158, %add3A_159, %rem3A_150 : i32
      %dma_wait3A_161 = arith.constant 0 : i32
      %dma_wait3A_162 = arith.constant 0 : i32
      %dma_wait3A_163 = arith.constant 0 : i32
      %dma_wait3A_164 = arith.constant 0 : i32
      %dma_wait3A_165 = tpu.memref_slice %arg8[%dma_wait3A_162, %dma_wait3A_163, %dma_wait3A_164] : memref<2x256x64xf32, #tpu.memory_space<vmem>> -> memref<1x256x64xf32, #tpu.memory_space<vmem>>
      %dma_wait3A_166 = tpu.memref_squeeze %dma_wait3A_165 : memref<1x256x64xf32, #tpu.memory_space<vmem>> -> memref<256x64xf32, #tpu.memory_space<vmem>>
      %dma_wait3A_167 = arith.constant 0 : i32
      %dma_wait3A_168 = tpu.memref_slice %arg6[%select_n3A_142, %dma_wait3A_161, %dma_wait3A_167] : memref<2x4x256xi32, #tpu.memory_space<vmem>> -> memref<1x1x256xi32, #tpu.memory_space<vmem>>
      %dma_wait3A_169 = tpu.memref_squeeze %dma_wait3A_168 : memref<1x1x256xi32, #tpu.memory_space<vmem>> -> memref<256xi32, #tpu.memory_space<vmem>>
      %dma_wait3A_170 = arith.constant 0 : i32
      %dma_wait3A_171 = arith.constant 0 : i32
      %dma_wait3A_172 = tpu.memref_slice %arg9[%dma_wait3A_170, %dma_wait3A_171] : memref<10240x64xf32, #tpu.memory_space<vmem_shared>> -> memref<10240x64xf32, #tpu.memory_space<vmem_shared>>
      tpu.wait_indirect_dma semaphore(%arg11 : memref<!tpu.dma_semaphore, #tpu.memory_space<semaphore_mem>>) src(%dma_wait3A_172 : memref<10240x64xf32, #tpu.memory_space<vmem_shared>>) dst(%dma_wait3A_166 : memref<256x64xf32, #tpu.memory_space<vmem>>)
      %ge3A = arith.constant 1 : i32
      %ge3A_173 = arith.cmpi sge, %scan3A_133, %ge3A : i32
      %convert_element_type3A = arith.extui %ge3A_173 : i1 to i32
      %cond3A = arith.constant 0 : i32
      %cond3A_174 = arith.cmpi ne, %convert_element_type3A, %cond3A : i32
      scf.if %cond3A_174 {
        %dma_wait3A_341 = arith.constant 1 : i32
        %dma_wait3A_342 = arith.constant 0 : i32
        %dma_wait3A_343 = arith.constant 0 : i32
        %dma_wait3A_344 = arith.constant 0 : i32
        %dma_wait3A_345 = tpu.memref_slice %arg8[%dma_wait3A_341, %dma_wait3A_343, %dma_wait3A_344] : memref<2x256x64xf32, #tpu.memory_space<vmem>> -> memref<1x256x64xf32, #tpu.memory_space<vmem>>
        %dma_wait3A_346 = tpu.memref_squeeze %dma_wait3A_345 : memref<1x256x64xf32, #tpu.memory_space<vmem>> -> memref<256x64xf32, #tpu.memory_space<vmem>>
        %dma_wait3A_347 = arith.constant 0 : i32
        %dma_wait3A_348 = tpu.memref_slice %arg7[%select_n3A_142, %dma_wait3A_342, %dma_wait3A_347] : memref<2x4x256xi32, #tpu.memory_space<vmem>> -> memref<1x1x256xi32, #tpu.memory_space<vmem>>
        %dma_wait3A_349 = tpu.memref_squeeze %dma_wait3A_348 : memref<1x1x256xi32, #tpu.memory_space<vmem>> -> memref<256xi32, #tpu.memory_space<vmem>>
        %dma_wait3A_350 = arith.constant 0 : i32
        %dma_wait3A_351 = arith.constant 0 : i32
        %dma_wait3A_352 = tpu.memref_slice %arg10[%dma_wait3A_350, %dma_wait3A_351] : memref<10240x64xf32, #tpu.memory_space<vmem_shared>> -> memref<10240x64xf32, #tpu.memory_space<vmem_shared>>
        tpu.wait_indirect_dma semaphore(%arg14 : memref<!tpu.dma_semaphore, #tpu.memory_space<semaphore_mem>>) src(%dma_wait3A_346 : memref<256x64xf32, #tpu.memory_space<vmem>>) dst(%dma_wait3A_352 : memref<10240x64xf32, #tpu.memory_space<vmem_shared>>)
      } else {
      }
      %lt3A_175 = arith.constant 9 : i32
      %lt3A_176 = arith.cmpi slt, %scan3A_133, %lt3A_175 : i32
      %convert_element_type3A_177 = arith.extui %lt3A_176 : i1 to i32
      %cond3A_178 = arith.constant 0 : i32
      %cond3A_179 = arith.cmpi ne, %convert_element_type3A_177, %cond3A_178 : i32
      scf.if %cond3A_179 {
        %add3A_341 = arith.constant 1 : i32
        %add3A_342 = arith.addi %scan3A_133, %add3A_341 : i32
        %mul3A_343 = arith.constant 4 : i32
        %mul3A_344 = arith.muli %add3A_342, %mul3A_343 : i32
        %add3A_345 = arith.addi %mul3A_2, %mul3A_344 : i32
        %dma_start3A_346 = arith.constant 0 : i32
        %dma_start3A_347 = arith.constant 0 : i32
        %dma_start3A_348 = tpu.memref_slice %arg6[%select_n3A_160, %dma_start3A_346, %dma_start3A_347] : memref<2x4x256xi32, #tpu.memory_space<vmem>> -> memref<1x4x256xi32, #tpu.memory_space<vmem>>
        %dma_start3A_349 = tpu.memref_squeeze %dma_start3A_348 : memref<1x4x256xi32, #tpu.memory_space<vmem>> -> memref<4x256xi32, #tpu.memory_space<vmem>>
        %dma_start3A_350 = arith.constant 0 : i32
        %dma_start3A_351 = tpu.memref_slice %arg3[%add3A_345, %dma_start3A_350] : memref<1280x256xi32, #tpu.memory_space<hbm>> -> memref<4x256xi32, #tpu.memory_space<hbm>>
        %dma_start3A_352 = arith.constant 0 : i32
        %dma_start3A_353 = arith.constant 0 : i32
        %dma_start3A_354 = tpu.memref_slice %arg6[%select_n3A_160, %dma_start3A_352, %dma_start3A_353] : memref<2x4x256xi32, #tpu.memory_space<vmem>> -> memref<1x4x256xi32, #tpu.memory_space<vmem>>
        %dma_start3A_355 = tpu.memref_squeeze %dma_start3A_354 : memref<1x4x256xi32, #tpu.memory_space<vmem>> -> memref<4x256xi32, #tpu.memory_space<vmem>>
        %dma_start3A_356 = arith.constant 0 : i32
        %dma_start3A_357 = tpu.memref_slice %arg3[%add3A_345, %dma_start3A_356] : memref<1280x256xi32, #tpu.memory_space<hbm>> -> memref<4x256xi32, #tpu.memory_space<hbm>>
        tpu.enqueue_dma source(%dma_start3A_357 : memref<4x256xi32, #tpu.memory_space<hbm>>) target(%dma_start3A_355 : memref<4x256xi32, #tpu.memory_space<vmem>>) target_semaphore(%arg15 : memref<!tpu.dma_semaphore, #tpu.memory_space<semaphore_mem>>)
        %add3A_358 = arith.constant 1 : i32
        %add3A_359 = arith.addi %scan3A_133, %add3A_358 : i32
        %mul3A_360 = arith.constant 4 : i32
        %mul3A_361 = arith.muli %add3A_359, %mul3A_360 : i32
        %add3A_362 = arith.addi %mul3A_2, %mul3A_361 : i32
        %dma_start3A_363 = arith.constant 0 : i32
        %dma_start3A_364 = arith.constant 0 : i32
        %dma_start3A_365 = tpu.memref_slice %arg7[%select_n3A_160, %dma_start3A_363, %dma_start3A_364] : memref<2x4x256xi32, #tpu.memory_space<vmem>> -> memref<1x4x256xi32, #tpu.memory_space<vmem>>
        %dma_start3A_366 = tpu.memref_squeeze %dma_start3A_365 : memref<1x4x256xi32, #tpu.memory_space<vmem>> -> memref<4x256xi32, #tpu.memory_space<vmem>>
        %dma_start3A_367 = arith.constant 0 : i32
        %dma_start3A_368 = tpu.memref_slice %arg4[%add3A_362, %dma_start3A_367] : memref<1280x256xi32, #tpu.memory_space<hbm>> -> memref<4x256xi32, #tpu.memory_space<hbm>>
        %dma_start3A_369 = arith.constant 0 : i32
        %dma_start3A_370 = arith.constant 0 : i32
        %dma_start3A_371 = tpu.memref_slice %arg7[%select_n3A_160, %dma_start3A_369, %dma_start3A_370] : memref<2x4x256xi32, #tpu.memory_space<vmem>> -> memref<1x4x256xi32, #tpu.memory_space<vmem>>
        %dma_start3A_372 = tpu.memref_squeeze %dma_start3A_371 : memref<1x4x256xi32, #tpu.memory_space<vmem>> -> memref<4x256xi32, #tpu.memory_space<vmem>>
        %dma_start3A_373 = arith.constant 0 : i32
        %dma_start3A_374 = tpu.memref_slice %arg4[%add3A_362, %dma_start3A_373] : memref<1280x256xi32, #tpu.memory_space<hbm>> -> memref<4x256xi32, #tpu.memory_space<hbm>>
        tpu.enqueue_dma source(%dma_start3A_374 : memref<4x256xi32, #tpu.memory_space<hbm>>) target(%dma_start3A_372 : memref<4x256xi32, #tpu.memory_space<vmem>>) target_semaphore(%arg16 : memref<!tpu.dma_semaphore, #tpu.memory_space<semaphore_mem>>)
      } else {
      }
      %dma_start3A_180 = arith.constant 1 : i32
      %dma_start3A_181 = arith.constant 1 : i32
      %dma_start3A_182 = arith.constant 0 : i32
      %dma_start3A_183 = arith.constant 0 : i32
      %dma_start3A_184 = tpu.memref_slice %arg8[%dma_start3A_181, %dma_start3A_182, %dma_start3A_183] : memref<2x256x64xf32, #tpu.memory_space<vmem>> -> memref<1x256x64xf32, #tpu.memory_space<vmem>>
      %dma_start3A_185 = tpu.memref_squeeze %dma_start3A_184 : memref<1x256x64xf32, #tpu.memory_space<vmem>> -> memref<256x64xf32, #tpu.memory_space<vmem>>
      %dma_start3A_186 = arith.constant 0 : i32
      %dma_start3A_187 = tpu.memref_slice %arg6[%select_n3A_142, %dma_start3A_180, %dma_start3A_186] : memref<2x4x256xi32, #tpu.memory_space<vmem>> -> memref<1x1x256xi32, #tpu.memory_space<vmem>>
      %dma_start3A_188 = tpu.memref_squeeze %dma_start3A_187 : memref<1x1x256xi32, #tpu.memory_space<vmem>> -> memref<256xi32, #tpu.memory_space<vmem>>
      %dma_start3A_189 = arith.constant 0 : i32
      %dma_start3A_190 = arith.constant 0 : i32
      %dma_start3A_191 = tpu.memref_slice %arg9[%dma_start3A_189, %dma_start3A_190] : memref<10240x64xf32, #tpu.memory_space<vmem_shared>> -> memref<10240x64xf32, #tpu.memory_space<vmem_shared>>
      tpu.enqueue_indirect_dma source(%dma_start3A_191 : memref<10240x64xf32, #tpu.memory_space<vmem_shared>>) target(%dma_start3A_185 : memref<256x64xf32, #tpu.memory_space<vmem>>) offsets(%dma_start3A_188 : memref<256xi32, #tpu.memory_space<vmem>>) semaphore(%arg12 : memref<!tpu.dma_semaphore, #tpu.memory_space<semaphore_mem>>)
      %dma_start3A_192 = arith.constant 0 : i32
      %dma_start3A_193 = arith.constant 0 : i32
      %dma_start3A_194 = arith.constant 0 : i32
      %dma_start3A_195 = arith.constant 0 : i32
      %dma_start3A_196 = tpu.memref_slice %arg8[%dma_start3A_192, %dma_start3A_194, %dma_start3A_195] : memref<2x256x64xf32, #tpu.memory_space<vmem>> -> memref<1x256x64xf32, #tpu.memory_space<vmem>>
      %dma_start3A_197 = tpu.memref_squeeze %dma_start3A_196 : memref<1x256x64xf32, #tpu.memory_space<vmem>> -> memref<256x64xf32, #tpu.memory_space<vmem>>
      %dma_start3A_198 = arith.constant 0 : i32
      %dma_start3A_199 = tpu.memref_slice %arg7[%select_n3A_142, %dma_start3A_193, %dma_start3A_198] : memref<2x4x256xi32, #tpu.memory_space<vmem>> -> memref<1x1x256xi32, #tpu.memory_space<vmem>>
      %dma_start3A_200 = tpu.memref_squeeze %dma_start3A_199 : memref<1x1x256xi32, #tpu.memory_space<vmem>> -> memref<256xi32, #tpu.memory_space<vmem>>
      %dma_start3A_201 = arith.constant 0 : i32
      %dma_start3A_202 = arith.constant 0 : i32
      %dma_start3A_203 = tpu.memref_slice %arg10[%dma_start3A_201, %dma_start3A_202] : memref<10240x64xf32, #tpu.memory_space<vmem_shared>> -> memref<10240x64xf32, #tpu.memory_space<vmem_shared>>
      tpu.enqueue_indirect_dma source(%dma_start3A_197 : memref<256x64xf32, #tpu.memory_space<vmem>>) target(%dma_start3A_203 : memref<10240x64xf32, #tpu.memory_space<vmem_shared>>) offsets(%dma_start3A_200 : memref<256xi32, #tpu.memory_space<vmem>>) semaphore(%arg13 : memref<!tpu.dma_semaphore, #tpu.memory_space<semaphore_mem>>) {add = true}
      %dma_wait3A_204 = arith.constant 1 : i32
      %dma_wait3A_205 = arith.constant 1 : i32
      %dma_wait3A_206 = arith.constant 0 : i32
      %dma_wait3A_207 = arith.constant 0 : i32
      %dma_wait3A_208 = tpu.memref_slice %arg8[%dma_wait3A_205, %dma_wait3A_206, %dma_wait3A_207] : memref<2x256x64xf32, #tpu.memory_space<vmem>> -> memref<1x256x64xf32, #tpu.memory_space<vmem>>
      %dma_wait3A_209 = tpu.memref_squeeze %dma_wait3A_208 : memref<1x256x64xf32, #tpu.memory_space<vmem>> -> memref<256x64xf32, #tpu.memory_space<vmem>>
      %dma_wait3A_210 = arith.constant 0 : i32
      %dma_wait3A_211 = tpu.memref_slice %arg6[%select_n3A_142, %dma_wait3A_204, %dma_wait3A_210] : memref<2x4x256xi32, #tpu.memory_space<vmem>> -> memref<1x1x256xi32, #tpu.memory_space<vmem>>
      %dma_wait3A_212 = tpu.memref_squeeze %dma_wait3A_211 : memref<1x1x256xi32, #tpu.memory_space<vmem>> -> memref<256xi32, #tpu.memory_space<vmem>>
      %dma_wait3A_213 = arith.constant 0 : i32
      %dma_wait3A_214 = arith.constant 0 : i32
      %dma_wait3A_215 = tpu.memref_slice %arg9[%dma_wait3A_213, %dma_wait3A_214] : memref<10240x64xf32, #tpu.memory_space<vmem_shared>> -> memref<10240x64xf32, #tpu.memory_space<vmem_shared>>
      tpu.wait_indirect_dma semaphore(%arg12 : memref<!tpu.dma_semaphore, #tpu.memory_space<semaphore_mem>>) src(%dma_wait3A_215 : memref<10240x64xf32, #tpu.memory_space<vmem_shared>>) dst(%dma_wait3A_209 : memref<256x64xf32, #tpu.memory_space<vmem>>)
      %dma_wait3A_216 = arith.constant 0 : i32
      %dma_wait3A_217 = arith.constant 0 : i32
      %dma_wait3A_218 = arith.constant 0 : i32
      %dma_wait3A_219 = arith.constant 0 : i32
      %dma_wait3A_220 = tpu.memref_slice %arg8[%dma_wait3A_216, %dma_wait3A_218, %dma_wait3A_219] : memref<2x256x64xf32, #tpu.memory_space<vmem>> -> memref<1x256x64xf32, #tpu.memory_space<vmem>>
      %dma_wait3A_221 = tpu.memref_squeeze %dma_wait3A_220 : memref<1x256x64xf32, #tpu.memory_space<vmem>> -> memref<256x64xf32, #tpu.memory_space<vmem>>
      %dma_wait3A_222 = arith.constant 0 : i32
      %dma_wait3A_223 = tpu.memref_slice %arg7[%select_n3A_142, %dma_wait3A_217, %dma_wait3A_222] : memref<2x4x256xi32, #tpu.memory_space<vmem>> -> memref<1x1x256xi32, #tpu.memory_space<vmem>>
      %dma_wait3A_224 = tpu.memref_squeeze %dma_wait3A_223 : memref<1x1x256xi32, #tpu.memory_space<vmem>> -> memref<256xi32, #tpu.memory_space<vmem>>
      %dma_wait3A_225 = arith.constant 0 : i32
      %dma_wait3A_226 = arith.constant 0 : i32
      %dma_wait3A_227 = tpu.memref_slice %arg10[%dma_wait3A_225, %dma_wait3A_226] : memref<10240x64xf32, #tpu.memory_space<vmem_shared>> -> memref<10240x64xf32, #tpu.memory_space<vmem_shared>>
      tpu.wait_indirect_dma semaphore(%arg13 : memref<!tpu.dma_semaphore, #tpu.memory_space<semaphore_mem>>) src(%dma_wait3A_221 : memref<256x64xf32, #tpu.memory_space<vmem>>) dst(%dma_wait3A_227 : memref<10240x64xf32, #tpu.memory_space<vmem_shared>>)
      %dma_start3A_228 = arith.constant 2 : i32
      %dma_start3A_229 = arith.constant 0 : i32
      %dma_start3A_230 = arith.constant 0 : i32
      %dma_start3A_231 = arith.constant 0 : i32
      %dma_start3A_232 = tpu.memref_slice %arg8[%dma_start3A_229, %dma_start3A_230, %dma_start3A_231] : memref<2x256x64xf32, #tpu.memory_space<vmem>> -> memref<1x256x64xf32, #tpu.memory_space<vmem>>
      %dma_start3A_233 = tpu.memref_squeeze %dma_start3A_232 : memref<1x256x64xf32, #tpu.memory_space<vmem>> -> memref<256x64xf32, #tpu.memory_space<vmem>>
      %dma_start3A_234 = arith.constant 0 : i32
      %dma_start3A_235 = tpu.memref_slice %arg6[%select_n3A_142, %dma_start3A_228, %dma_start3A_234] : memref<2x4x256xi32, #tpu.memory_space<vmem>> -> memref<1x1x256xi32, #tpu.memory_space<vmem>>
      %dma_start3A_236 = tpu.memref_squeeze %dma_start3A_235 : memref<1x1x256xi32, #tpu.memory_space<vmem>> -> memref<256xi32, #tpu.memory_space<vmem>>
      %dma_start3A_237 = arith.constant 0 : i32
      %dma_start3A_238 = arith.constant 0 : i32
      %dma_start3A_239 = tpu.memref_slice %arg9[%dma_start3A_237, %dma_start3A_238] : memref<10240x64xf32, #tpu.memory_space<vmem_shared>> -> memref<10240x64xf32, #tpu.memory_space<vmem_shared>>
      tpu.enqueue_indirect_dma source(%dma_start3A_239 : memref<10240x64xf32, #tpu.memory_space<vmem_shared>>) target(%dma_start3A_233 : memref<256x64xf32, #tpu.memory_space<vmem>>) offsets(%dma_start3A_236 : memref<256xi32, #tpu.memory_space<vmem>>) semaphore(%arg11 : memref<!tpu.dma_semaphore, #tpu.memory_space<semaphore_mem>>)
      %dma_start3A_240 = arith.constant 1 : i32
      %dma_start3A_241 = arith.constant 1 : i32
      %dma_start3A_242 = arith.constant 0 : i32
      %dma_start3A_243 = arith.constant 0 : i32
      %dma_start3A_244 = tpu.memref_slice %arg8[%dma_start3A_240, %dma_start3A_242, %dma_start3A_243] : memref<2x256x64xf32, #tpu.memory_space<vmem>> -> memref<1x256x64xf32, #tpu.memory_space<vmem>>
      %dma_start3A_245 = tpu.memref_squeeze %dma_start3A_244 : memref<1x256x64xf32, #tpu.memory_space<vmem>> -> memref<256x64xf32, #tpu.memory_space<vmem>>
      %dma_start3A_246 = arith.constant 0 : i32
      %dma_start3A_247 = tpu.memref_slice %arg7[%select_n3A_142, %dma_start3A_241, %dma_start3A_246] : memref<2x4x256xi32, #tpu.memory_space<vmem>> -> memref<1x1x256xi32, #tpu.memory_space<vmem>>
      %dma_start3A_248 = tpu.memref_squeeze %dma_start3A_247 : memref<1x1x256xi32, #tpu.memory_space<vmem>> -> memref<256xi32, #tpu.memory_space<vmem>>
      %dma_start3A_249 = arith.constant 0 : i32
      %dma_start3A_250 = arith.constant 0 : i32
      %dma_start3A_251 = tpu.memref_slice %arg10[%dma_start3A_249, %dma_start3A_250] : memref<10240x64xf32, #tpu.memory_space<vmem_shared>> -> memref<10240x64xf32, #tpu.memory_space<vmem_shared>>
      tpu.enqueue_indirect_dma source(%dma_start3A_245 : memref<256x64xf32, #tpu.memory_space<vmem>>) target(%dma_start3A_251 : memref<10240x64xf32, #tpu.memory_space<vmem_shared>>) offsets(%dma_start3A_248 : memref<256xi32, #tpu.memory_space<vmem>>) semaphore(%arg14 : memref<!tpu.dma_semaphore, #tpu.memory_space<semaphore_mem>>) {add = true}
      %dma_wait3A_252 = arith.constant 2 : i32
      %dma_wait3A_253 = arith.constant 0 : i32
      %dma_wait3A_254 = arith.constant 0 : i32
      %dma_wait3A_255 = arith.constant 0 : i32
      %dma_wait3A_256 = tpu.memref_slice %arg8[%dma_wait3A_253, %dma_wait3A_254, %dma_wait3A_255] : memref<2x256x64xf32, #tpu.memory_space<vmem>> -> memref<1x256x64xf32, #tpu.memory_space<vmem>>
      %dma_wait3A_257 = tpu.memref_squeeze %dma_wait3A_256 : memref<1x256x64xf32, #tpu.memory_space<vmem>> -> memref<256x64xf32, #tpu.memory_space<vmem>>
      %dma_wait3A_258 = arith.constant 0 : i32
      %dma_wait3A_259 = tpu.memref_slice %arg6[%select_n3A_142, %dma_wait3A_252, %dma_wait3A_258] : memref<2x4x256xi32, #tpu.memory_space<vmem>> -> memref<1x1x256xi32, #tpu.memory_space<vmem>>
      %dma_wait3A_260 = tpu.memref_squeeze %dma_wait3A_259 : memref<1x1x256xi32, #tpu.memory_space<vmem>> -> memref<256xi32, #tpu.memory_space<vmem>>
      %dma_wait3A_261 = arith.constant 0 : i32
      %dma_wait3A_262 = arith.constant 0 : i32
      %dma_wait3A_263 = tpu.memref_slice %arg9[%dma_wait3A_261, %dma_wait3A_262] : memref<10240x64xf32, #tpu.memory_space<vmem_shared>> -> memref<10240x64xf32, #tpu.memory_space<vmem_shared>>
      tpu.wait_indirect_dma semaphore(%arg11 : memref<!tpu.dma_semaphore, #tpu.memory_space<semaphore_mem>>) src(%dma_wait3A_263 : memref<10240x64xf32, #tpu.memory_space<vmem_shared>>) dst(%dma_wait3A_257 : memref<256x64xf32, #tpu.memory_space<vmem>>)
      %dma_wait3A_264 = arith.constant 1 : i32
      %dma_wait3A_265 = arith.constant 0 : i32
      %dma_wait3A_266 = arith.constant 0 : i32
      %dma_wait3A_267 = arith.constant 0 : i32
      %dma_wait3A_268 = tpu.memref_slice %arg8[%dma_wait3A_264, %dma_wait3A_266, %dma_wait3A_267] : memref<2x256x64xf32, #tpu.memory_space<vmem>> -> memref<1x256x64xf32, #tpu.memory_space<vmem>>
      %dma_wait3A_269 = tpu.memref_squeeze %dma_wait3A_268 : memref<1x256x64xf32, #tpu.memory_space<vmem>> -> memref<256x64xf32, #tpu.memory_space<vmem>>
      %dma_wait3A_270 = arith.constant 0 : i32
      %dma_wait3A_271 = tpu.memref_slice %arg7[%select_n3A_142, %dma_wait3A_265, %dma_wait3A_270] : memref<2x4x256xi32, #tpu.memory_space<vmem>> -> memref<1x1x256xi32, #tpu.memory_space<vmem>>
      %dma_wait3A_272 = tpu.memref_squeeze %dma_wait3A_271 : memref<1x1x256xi32, #tpu.memory_space<vmem>> -> memref<256xi32, #tpu.memory_space<vmem>>
      %dma_wait3A_273 = arith.constant 0 : i32
      %dma_wait3A_274 = arith.constant 0 : i32
      %dma_wait3A_275 = tpu.memref_slice %arg10[%dma_wait3A_273, %dma_wait3A_274] : memref<10240x64xf32, #tpu.memory_space<vmem_shared>> -> memref<10240x64xf32, #tpu.memory_space<vmem_shared>>
      tpu.wait_indirect_dma semaphore(%arg14 : memref<!tpu.dma_semaphore, #tpu.memory_space<semaphore_mem>>) src(%dma_wait3A_269 : memref<256x64xf32, #tpu.memory_space<vmem>>) dst(%dma_wait3A_275 : memref<10240x64xf32, #tpu.memory_space<vmem_shared>>)
      %dma_start3A_276 = arith.constant 3 : i32
      %dma_start3A_277 = arith.constant 1 : i32
      %dma_start3A_278 = arith.constant 0 : i32
      %dma_start3A_279 = arith.constant 0 : i32
      %dma_start3A_280 = tpu.memref_slice %arg8[%dma_start3A_277, %dma_start3A_278, %dma_start3A_279] : memref<2x256x64xf32, #tpu.memory_space<vmem>> -> memref<1x256x64xf32, #tpu.memory_space<vmem>>
      %dma_start3A_281 = tpu.memref_squeeze %dma_start3A_280 : memref<1x256x64xf32, #tpu.memory_space<vmem>> -> memref<256x64xf32, #tpu.memory_space<vmem>>
      %dma_start3A_282 = arith.constant 0 : i32
      %dma_start3A_283 = tpu.memref_slice %arg6[%select_n3A_142, %dma_start3A_276, %dma_start3A_282] : memref<2x4x256xi32, #tpu.memory_space<vmem>> -> memref<1x1x256xi32, #tpu.memory_space<vmem>>
      %dma_start3A_284 = tpu.memref_squeeze %dma_start3A_283 : memref<1x1x256xi32, #tpu.memory_space<vmem>> -> memref<256xi32, #tpu.memory_space<vmem>>
      %dma_start3A_285 = arith.constant 0 : i32
      %dma_start3A_286 = arith.constant 0 : i32
      %dma_start3A_287 = tpu.memref_slice %arg9[%dma_start3A_285, %dma_start3A_286] : memref<10240x64xf32, #tpu.memory_space<vmem_shared>> -> memref<10240x64xf32, #tpu.memory_space<vmem_shared>>
      tpu.enqueue_indirect_dma source(%dma_start3A_287 : memref<10240x64xf32, #tpu.memory_space<vmem_shared>>) target(%dma_start3A_281 : memref<256x64xf32, #tpu.memory_space<vmem>>) offsets(%dma_start3A_284 : memref<256xi32, #tpu.memory_space<vmem>>) semaphore(%arg12 : memref<!tpu.dma_semaphore, #tpu.memory_space<semaphore_mem>>)
      %dma_start3A_288 = arith.constant 0 : i32
      %dma_start3A_289 = arith.constant 2 : i32
      %dma_start3A_290 = arith.constant 0 : i32
      %dma_start3A_291 = arith.constant 0 : i32
      %dma_start3A_292 = tpu.memref_slice %arg8[%dma_start3A_288, %dma_start3A_290, %dma_start3A_291] : memref<2x256x64xf32, #tpu.memory_space<vmem>> -> memref<1x256x64xf32, #tpu.memory_space<vmem>>
      %dma_start3A_293 = tpu.memref_squeeze %dma_start3A_292 : memref<1x256x64xf32, #tpu.memory_space<vmem>> -> memref<256x64xf32, #tpu.memory_space<vmem>>
      %dma_start3A_294 = arith.constant 0 : i32
      %dma_start3A_295 = tpu.memref_slice %arg7[%select_n3A_142, %dma_start3A_289, %dma_start3A_294] : memref<2x4x256xi32, #tpu.memory_space<vmem>> -> memref<1x1x256xi32, #tpu.memory_space<vmem>>
      %dma_start3A_296 = tpu.memref_squeeze %dma_start3A_295 : memref<1x1x256xi32, #tpu.memory_space<vmem>> -> memref<256xi32, #tpu.memory_space<vmem>>
      %dma_start3A_297 = arith.constant 0 : i32
      %dma_start3A_298 = arith.constant 0 : i32
      %dma_start3A_299 = tpu.memref_slice %arg10[%dma_start3A_297, %dma_start3A_298] : memref<10240x64xf32, #tpu.memory_space<vmem_shared>> -> memref<10240x64xf32, #tpu.memory_space<vmem_shared>>
      tpu.enqueue_indirect_dma source(%dma_start3A_293 : memref<256x64xf32, #tpu.memory_space<vmem>>) target(%dma_start3A_299 : memref<10240x64xf32, #tpu.memory_space<vmem_shared>>) offsets(%dma_start3A_296 : memref<256xi32, #tpu.memory_space<vmem>>) semaphore(%arg13 : memref<!tpu.dma_semaphore, #tpu.memory_space<semaphore_mem>>) {add = true}
      %dma_wait3A_300 = arith.constant 3 : i32
      %dma_wait3A_301 = arith.constant 1 : i32
      %dma_wait3A_302 = arith.constant 0 : i32
      %dma_wait3A_303 = arith.constant 0 : i32
      %dma_wait3A_304 = tpu.memref_slice %arg8[%dma_wait3A_301, %dma_wait3A_302, %dma_wait3A_303] : memref<2x256x64xf32, #tpu.memory_space<vmem>> -> memref<1x256x64xf32, #tpu.memory_space<vmem>>
      %dma_wait3A_305 = tpu.memref_squeeze %dma_wait3A_304 : memref<1x256x64xf32, #tpu.memory_space<vmem>> -> memref<256x64xf32, #tpu.memory_space<vmem>>
      %dma_wait3A_306 = arith.constant 0 : i32
      %dma_wait3A_307 = tpu.memref_slice %arg6[%select_n3A_142, %dma_wait3A_300, %dma_wait3A_306] : memref<2x4x256xi32, #tpu.memory_space<vmem>> -> memref<1x1x256xi32, #tpu.memory_space<vmem>>
      %dma_wait3A_308 = tpu.memref_squeeze %dma_wait3A_307 : memref<1x1x256xi32, #tpu.memory_space<vmem>> -> memref<256xi32, #tpu.memory_space<vmem>>
      %dma_wait3A_309 = arith.constant 0 : i32
      %dma_wait3A_310 = arith.constant 0 : i32
      %dma_wait3A_311 = tpu.memref_slice %arg9[%dma_wait3A_309, %dma_wait3A_310] : memref<10240x64xf32, #tpu.memory_space<vmem_shared>> -> memref<10240x64xf32, #tpu.memory_space<vmem_shared>>
      tpu.wait_indirect_dma semaphore(%arg12 : memref<!tpu.dma_semaphore, #tpu.memory_space<semaphore_mem>>) src(%dma_wait3A_311 : memref<10240x64xf32, #tpu.memory_space<vmem_shared>>) dst(%dma_wait3A_305 : memref<256x64xf32, #tpu.memory_space<vmem>>)
      %dma_wait3A_312 = arith.constant 0 : i32
      %dma_wait3A_313 = arith.constant 0 : i32
      %dma_wait3A_314 = arith.constant 0 : i32
      %dma_wait3A_315 = arith.constant 0 : i32
      %dma_wait3A_316 = tpu.memref_slice %arg8[%dma_wait3A_312, %dma_wait3A_314, %dma_wait3A_315] : memref<2x256x64xf32, #tpu.memory_space<vmem>> -> memref<1x256x64xf32, #tpu.memory_space<vmem>>
      %dma_wait3A_317 = tpu.memref_squeeze %dma_wait3A_316 : memref<1x256x64xf32, #tpu.memory_space<vmem>> -> memref<256x64xf32, #tpu.memory_space<vmem>>
      %dma_wait3A_318 = arith.constant 0 : i32
      %dma_wait3A_319 = tpu.memref_slice %arg7[%select_n3A_142, %dma_wait3A_313, %dma_wait3A_318] : memref<2x4x256xi32, #tpu.memory_space<vmem>> -> memref<1x1x256xi32, #tpu.memory_space<vmem>>
      %dma_wait3A_320 = tpu.memref_squeeze %dma_wait3A_319 : memref<1x1x256xi32, #tpu.memory_space<vmem>> -> memref<256xi32, #tpu.memory_space<vmem>>
      %dma_wait3A_321 = arith.constant 0 : i32
      %dma_wait3A_322 = arith.constant 0 : i32
      %dma_wait3A_323 = tpu.memref_slice %arg10[%dma_wait3A_321, %dma_wait3A_322] : memref<10240x64xf32, #tpu.memory_space<vmem_shared>> -> memref<10240x64xf32, #tpu.memory_space<vmem_shared>>
      tpu.wait_indirect_dma semaphore(%arg13 : memref<!tpu.dma_semaphore, #tpu.memory_space<semaphore_mem>>) src(%dma_wait3A_317 : memref<256x64xf32, #tpu.memory_space<vmem>>) dst(%dma_wait3A_323 : memref<10240x64xf32, #tpu.memory_space<vmem_shared>>)
      %lt3A_324 = arith.constant 9 : i32
      %lt3A_325 = arith.cmpi slt, %scan3A_133, %lt3A_324 : i32
      %convert_element_type3A_326 = arith.extui %lt3A_325 : i1 to i32
      %cond3A_327 = arith.constant 0 : i32
      %cond3A_328 = arith.cmpi ne, %convert_element_type3A_326, %cond3A_327 : i32
      scf.if %cond3A_328 {
        %dma_wait3A_341 = arith.constant 0 : i32
        %dma_wait3A_342 = arith.constant 0 : i32
        %dma_wait3A_343 = tpu.memref_slice %arg6[%select_n3A_160, %dma_wait3A_341, %dma_wait3A_342] : memref<2x4x256xi32, #tpu.memory_space<vmem>> -> memref<1x4x256xi32, #tpu.memory_space<vmem>>
        %dma_wait3A_344 = tpu.memref_squeeze %dma_wait3A_343 : memref<1x4x256xi32, #tpu.memory_space<vmem>> -> memref<4x256xi32, #tpu.memory_space<vmem>>
        %dma_wait3A_345 = arith.constant 0 : i32
        %dma_wait3A_346 = arith.constant 0 : i32
        %dma_wait3A_347 = tpu.memref_slice %arg3[%dma_wait3A_345, %dma_wait3A_346] : memref<1280x256xi32, #tpu.memory_space<hbm>> -> memref<4x256xi32, #tpu.memory_space<hbm>>
        %dma_wait3A_348 = arith.constant 0 : i32
        %dma_wait3A_349 = arith.constant 0 : i32
        %dma_wait3A_350 = tpu.memref_slice %arg6[%select_n3A_160, %dma_wait3A_348, %dma_wait3A_349] : memref<2x4x256xi32, #tpu.memory_space<vmem>> -> memref<1x4x256xi32, #tpu.memory_space<vmem>>
        %dma_wait3A_351 = tpu.memref_squeeze %dma_wait3A_350 : memref<1x4x256xi32, #tpu.memory_space<vmem>> -> memref<4x256xi32, #tpu.memory_space<vmem>>
        %dma_wait3A_352 = arith.constant 0 : i32
        %dma_wait3A_353 = arith.constant 0 : i32
        %dma_wait3A_354 = tpu.memref_slice %arg3[%dma_wait3A_352, %dma_wait3A_353] : memref<1280x256xi32, #tpu.memory_space<hbm>> -> memref<4x256xi32, #tpu.memory_space<hbm>>
        tpu.wait_dma2 semaphore(%arg15 : memref<!tpu.dma_semaphore, #tpu.memory_space<semaphore_mem>>) src(%dma_wait3A_354 : memref<4x256xi32, #tpu.memory_space<hbm>>) dst(%dma_wait3A_351 : memref<4x256xi32, #tpu.memory_space<vmem>>)
        %dma_wait3A_355 = arith.constant 0 : i32
        %dma_wait3A_356 = arith.constant 0 : i32
        %dma_wait3A_357 = tpu.memref_slice %arg7[%select_n3A_160, %dma_wait3A_355, %dma_wait3A_356] : memref<2x4x256xi32, #tpu.memory_space<vmem>> -> memref<1x4x256xi32, #tpu.memory_space<vmem>>
        %dma_wait3A_358 = tpu.memref_squeeze %dma_wait3A_357 : memref<1x4x256xi32, #tpu.memory_space<vmem>> -> memref<4x256xi32, #tpu.memory_space<vmem>>
        %dma_wait3A_359 = arith.constant 0 : i32
        %dma_wait3A_360 = arith.constant 0 : i32
        %dma_wait3A_361 = tpu.memref_slice %arg4[%dma_wait3A_359, %dma_wait3A_360] : memref<1280x256xi32, #tpu.memory_space<hbm>> -> memref<4x256xi32, #tpu.memory_space<hbm>>
        %dma_wait3A_362 = arith.constant 0 : i32
        %dma_wait3A_363 = arith.constant 0 : i32
        %dma_wait3A_364 = tpu.memref_slice %arg7[%select_n3A_160, %dma_wait3A_362, %dma_wait3A_363] : memref<2x4x256xi32, #tpu.memory_space<vmem>> -> memref<1x4x256xi32, #tpu.memory_space<vmem>>
        %dma_wait3A_365 = tpu.memref_squeeze %dma_wait3A_364 : memref<1x4x256xi32, #tpu.memory_space<vmem>> -> memref<4x256xi32, #tpu.memory_space<vmem>>
        %dma_wait3A_366 = arith.constant 0 : i32
        %dma_wait3A_367 = arith.constant 0 : i32
        %dma_wait3A_368 = tpu.memref_slice %arg4[%dma_wait3A_366, %dma_wait3A_367] : memref<1280x256xi32, #tpu.memory_space<hbm>> -> memref<4x256xi32, #tpu.memory_space<hbm>>
        tpu.wait_dma2 semaphore(%arg16 : memref<!tpu.dma_semaphore, #tpu.memory_space<semaphore_mem>>) src(%dma_wait3A_368 : memref<4x256xi32, #tpu.memory_space<hbm>>) dst(%dma_wait3A_365 : memref<4x256xi32, #tpu.memory_space<vmem>>)
        %dma_start3A_369 = arith.constant 0 : i32
        %dma_start3A_370 = arith.constant 0 : i32
        %dma_start3A_371 = arith.constant 0 : i32
        %dma_start3A_372 = arith.constant 0 : i32
        %dma_start3A_373 = tpu.memref_slice %arg8[%dma_start3A_370, %dma_start3A_371, %dma_start3A_372] : memref<2x256x64xf32, #tpu.memory_space<vmem>> -> memref<1x256x64xf32, #tpu.memory_space<vmem>>
        %dma_start3A_374 = tpu.memref_squeeze %dma_start3A_373 : memref<1x256x64xf32, #tpu.memory_space<vmem>> -> memref<256x64xf32, #tpu.memory_space<vmem>>
        %dma_start3A_375 = arith.constant 0 : i32
        %dma_start3A_376 = tpu.memref_slice %arg6[%select_n3A_160, %dma_start3A_369, %dma_start3A_375] : memref<2x4x256xi32, #tpu.memory_space<vmem>> -> memref<1x1x256xi32, #tpu.memory_space<vmem>>
        %dma_start3A_377 = tpu.memref_squeeze %dma_start3A_376 : memref<1x1x256xi32, #tpu.memory_space<vmem>> -> memref<256xi32, #tpu.memory_space<vmem>>
        %dma_start3A_378 = arith.constant 0 : i32
        %dma_start3A_379 = arith.constant 0 : i32
        %dma_start3A_380 = tpu.memref_slice %arg9[%dma_start3A_378, %dma_start3A_379] : memref<10240x64xf32, #tpu.memory_space<vmem_shared>> -> memref<10240x64xf32, #tpu.memory_space<vmem_shared>>
        tpu.enqueue_indirect_dma source(%dma_start3A_380 : memref<10240x64xf32, #tpu.memory_space<vmem_shared>>) target(%dma_start3A_374 : memref<256x64xf32, #tpu.memory_space<vmem>>) offsets(%dma_start3A_377 : memref<256xi32, #tpu.memory_space<vmem>>) semaphore(%arg11 : memref<!tpu.dma_semaphore, #tpu.memory_space<semaphore_mem>>)
      } else {
      }
      %dma_start3A_329 = arith.constant 1 : i32
      %dma_start3A_330 = arith.constant 3 : i32
      %dma_start3A_331 = arith.constant 0 : i32
      %dma_start3A_332 = arith.constant 0 : i32
      %dma_start3A_333 = tpu.memref_slice %arg8[%dma_start3A_329, %dma_start3A_331, %dma_start3A_332] : memref<2x256x64xf32, #tpu.memory_space<vmem>> -> memref<1x256x64xf32, #tpu.memory_space<vmem>>
      %dma_start3A_334 = tpu.memref_squeeze %dma_start3A_333 : memref<1x256x64xf32, #tpu.memory_space<vmem>> -> memref<256x64xf32, #tpu.memory_space<vmem>>
      %dma_start3A_335 = arith.constant 0 : i32
      %dma_start3A_336 = tpu.memref_slice %arg7[%select_n3A_142, %dma_start3A_330, %dma_start3A_335] : memref<2x4x256xi32, #tpu.memory_space<vmem>> -> memref<1x1x256xi32, #tpu.memory_space<vmem>>
      %dma_start3A_337 = tpu.memref_squeeze %dma_start3A_336 : memref<1x1x256xi32, #tpu.memory_space<vmem>> -> memref<256xi32, #tpu.memory_space<vmem>>
      %dma_start3A_338 = arith.constant 0 : i32
      %dma_start3A_339 = arith.constant 0 : i32
      %dma_start3A_340 = tpu.memref_slice %arg10[%dma_start3A_338, %dma_start3A_339] : memref<10240x64xf32, #tpu.memory_space<vmem_shared>> -> memref<10240x64xf32, #tpu.memory_space<vmem_shared>>
      tpu.enqueue_indirect_dma source(%dma_start3A_334 : memref<256x64xf32, #tpu.memory_space<vmem>>) target(%dma_start3A_340 : memref<10240x64xf32, #tpu.memory_space<vmem_shared>>) offsets(%dma_start3A_337 : memref<256xi32, #tpu.memory_space<vmem>>) semaphore(%arg14 : memref<!tpu.dma_semaphore, #tpu.memory_space<semaphore_mem>>) {add = true}
    }
    %scan3A_113 = arith.constant 10 : i32
    %dma_wait3A_114 = arith.constant 1 : i32
    %dma_wait3A_115 = arith.constant 0 : i32
    %dma_wait3A_116 = arith.constant 0 : i32
    %dma_wait3A_117 = arith.constant 0 : i32
    %dma_wait3A_118 = arith.constant 0 : i32
    %dma_wait3A_119 = tpu.memref_slice %arg8[%dma_wait3A_114, %dma_wait3A_117, %dma_wait3A_118] : memref<2x256x64xf32, #tpu.memory_space<vmem>> -> memref<1x256x64xf32, #tpu.memory_space<vmem>>
    %dma_wait3A_120 = tpu.memref_squeeze %dma_wait3A_119 : memref<1x256x64xf32, #tpu.memory_space<vmem>> -> memref<256x64xf32, #tpu.memory_space<vmem>>
    %dma_wait3A_121 = arith.constant 0 : i32
    %dma_wait3A_122 = tpu.memref_slice %arg7[%dma_wait3A_115, %dma_wait3A_116, %dma_wait3A_121] : memref<2x4x256xi32, #tpu.memory_space<vmem>> -> memref<1x1x256xi32, #tpu.memory_space<vmem>>
    %dma_wait3A_123 = tpu.memref_squeeze %dma_wait3A_122 : memref<1x1x256xi32, #tpu.memory_space<vmem>> -> memref<256xi32, #tpu.memory_space<vmem>>
    %dma_wait3A_124 = arith.constant 0 : i32
    %dma_wait3A_125 = arith.constant 0 : i32
    %dma_wait3A_126 = tpu.memref_slice %arg10[%dma_wait3A_124, %dma_wait3A_125] : memref<10240x64xf32, #tpu.memory_space<vmem_shared>> -> memref<10240x64xf32, #tpu.memory_space<vmem_shared>>
    tpu.wait_indirect_dma semaphore(%arg14 : memref<!tpu.dma_semaphore, #tpu.memory_space<semaphore_mem>>) src(%dma_wait3A_120 : memref<256x64xf32, #tpu.memory_space<vmem>>) dst(%dma_wait3A_126 : memref<10240x64xf32, #tpu.memory_space<vmem_shared>>)
    %barrier3A_127 = arith.constant 0 : index
    tpu.barrier barrier_id(%barrier3A_127)
    %mul3A_128 = arith.constant 640 : i32
    %mul3A_129 = arith.muli %arg1, %mul3A_128 : i32
    %mul3A_130 = arith.constant 640 : i32
    %mul3A_131 = arith.muli %arg1, %mul3A_130 : i32
    %run_scoped3A_132 = arith.constant 1 : i32
    "tpu.region"() ({
      %run_scoped3A_133 = tpu.sem_alloc : memref<!tpu.dma_semaphore, #tpu.memory_space<semaphore_mem>>
      %dma_start3A_134 = arith.constant 0 : i32
      %dma_start3A_135 = tpu.memref_slice %arg5[%arg0, %run_scoped3A_132, %mul3A_131, %dma_start3A_134] : memref<2x2x10240x64xf32, #tpu.memory_space<hbm>> -> memref<1x1x640x64xf32, #tpu.memory_space<hbm>>
      %dma_start3A_136 = tpu.memref_squeeze %dma_start3A_135 : memref<1x1x640x64xf32, #tpu.memory_space<hbm>> -> memref<640x64xf32, #tpu.memory_space<hbm>>
      %dma_start3A_137 = arith.constant 0 : i32
      %dma_start3A_138 = tpu.memref_slice %arg10[%mul3A_129, %dma_start3A_137] : memref<10240x64xf32, #tpu.memory_space<vmem_shared>> -> memref<640x64xf32, #tpu.memory_space<vmem_shared>>
      tpu.enqueue_dma source(%dma_start3A_138 : memref<640x64xf32, #tpu.memory_space<vmem_shared>>) target(%dma_start3A_136 : memref<640x64xf32, #tpu.memory_space<hbm>>) target_semaphore(%run_scoped3A_133 : memref<!tpu.dma_semaphore, #tpu.memory_space<semaphore_mem>>)
      %dma_wait3A_139 = arith.constant 0 : i32
      %dma_wait3A_140 = tpu.memref_slice %arg5[%arg0, %run_scoped3A_132, %mul3A_131, %dma_wait3A_139] : memref<2x2x10240x64xf32, #tpu.memory_space<hbm>> -> memref<1x1x640x64xf32, #tpu.memory_space<hbm>>
      %dma_wait3A_141 = tpu.memref_squeeze %dma_wait3A_140 : memref<1x1x640x64xf32, #tpu.memory_space<hbm>> -> memref<640x64xf32, #tpu.memory_space<hbm>>
      %dma_wait3A_142 = arith.constant 0 : i32
      %dma_wait3A_143 = tpu.memref_slice %arg10[%mul3A_129, %dma_wait3A_142] : memref<10240x64xf32, #tpu.memory_space<vmem_shared>> -> memref<640x64xf32, #tpu.memory_space<vmem_shared>>
      tpu.wait_dma2 semaphore(%run_scoped3A_133 : memref<!tpu.dma_semaphore, #tpu.memory_space<semaphore_mem>>) src(%dma_wait3A_143 : memref<640x64xf32, #tpu.memory_space<vmem_shared>>) dst(%dma_wait3A_141 : memref<640x64xf32, #tpu.memory_space<hbm>>)
      tpu.yield
    }) : () -> ()
    return
  }
}

#map = affine_map<(d0, d1) -> (0, 0, 0)>
#map1 = affine_map<(d0, d1) -> (0, 0)>
#map2 = affine_map<(d0, d1) -> (0, 0, 0, 0)>
module attributes {stable_mosaic.version = 14 : i64} {
  func.func @_seg2_body(%arg0: i32, %arg1: i32, %arg2: memref<2x10240x64xf32, #tpu.memory_space<hbm>>, %arg3: memref<1280x256xi32, #tpu.memory_space<hbm>>, %arg4: memref<1280x256xi32, #tpu.memory_space<hbm>>, %arg5: memref<2x2x10240x64xf32, #tpu.memory_space<hbm>>, %arg6: memref<2x4x256xi32, #tpu.memory_space<vmem>>, %arg7: memref<2x4x256xi32, #tpu.memory_space<vmem>>, %arg8: memref<2x256x64xf32, #tpu.memory_space<vmem>>, %arg9: memref<10240x64xf32, #tpu.memory_space<vmem_shared>>, %arg10: memref<10240x64xf32, #tpu.memory_space<vmem_shared>>, %arg11: memref<!tpu.dma_semaphore, #tpu.memory_space<semaphore_mem>>, %arg12: memref<!tpu.dma_semaphore, #tpu.memory_space<semaphore_mem>>, %arg13: memref<!tpu.dma_semaphore, #tpu.memory_space<semaphore_mem>>, %arg14: memref<!tpu.dma_semaphore, #tpu.memory_space<semaphore_mem>>, %arg15: memref<!tpu.dma_semaphore, #tpu.memory_space<semaphore_mem>>, %arg16: memref<!tpu.dma_semaphore, #tpu.memory_space<semaphore_mem>>) attributes {dimension_semantics = [#tpu.dimension_semantics<core_parallel>, #tpu.dimension_semantics<subcore_parallel>], iteration_bounds = array<i64: 2, 16>, scalar_prefetch = 0 : i64, scratch_operands = 11 : i64, tpu.core_type = #tpu.core_type<sc_vector_subcore>, window_params = [{transform_indices = #map}, {transform_indices = #map1}, {transform_indices = #map1}, {transform_indices = #map2}]} {
    %mul3A = arith.constant 2 : i32
    %mul3A_0 = arith.muli %arg1, %mul3A : i32
    %add3A = arith.addi %mul3A_0, %arg0 : i32
    %mul3A_1 = arith.constant 40 : i32
    %mul3A_2 = arith.muli %add3A, %mul3A_1 : i32
    %broadcast_in_dim3A = arith.constant 0.000000e+00 : f32
    %broadcast_in_dim3A_3 = vector.broadcast %broadcast_in_dim3A : f32 to vector<16xf32>
    %mul3A_4 = arith.constant 640 : i32
    %mul3A_5 = arith.muli %arg1, %mul3A_4 : i32
    %mul3A_6 = arith.constant 640 : i32
    %mul3A_7 = arith.muli %arg1, %mul3A_6 : i32
    %run_scoped3A = arith.constant 0 : i32
    "tpu.region"() ({
      %run_scoped3A_133 = tpu.sem_alloc : memref<!tpu.dma_semaphore, #tpu.memory_space<semaphore_mem>>
      %dma_start3A_134 = arith.constant 0 : i32
      %dma_start3A_135 = tpu.memref_slice %arg9[%mul3A_7, %dma_start3A_134] : memref<10240x64xf32, #tpu.memory_space<vmem_shared>> -> memref<640x64xf32, #tpu.memory_space<vmem_shared>>
      %dma_start3A_136 = arith.constant 0 : i32
      %dma_start3A_137 = tpu.memref_slice %arg2[%run_scoped3A, %mul3A_5, %dma_start3A_136] : memref<2x10240x64xf32, #tpu.memory_space<hbm>> -> memref<1x640x64xf32, #tpu.memory_space<hbm>>
      %dma_start3A_138 = tpu.memref_squeeze %dma_start3A_137 : memref<1x640x64xf32, #tpu.memory_space<hbm>> -> memref<640x64xf32, #tpu.memory_space<hbm>>
      tpu.enqueue_dma source(%dma_start3A_138 : memref<640x64xf32, #tpu.memory_space<hbm>>) target(%dma_start3A_135 : memref<640x64xf32, #tpu.memory_space<vmem_shared>>) target_semaphore(%run_scoped3A_133 : memref<!tpu.dma_semaphore, #tpu.memory_space<semaphore_mem>>)
      %dma_wait3A_139 = arith.constant 0 : i32
      %dma_wait3A_140 = tpu.memref_slice %arg9[%mul3A_7, %dma_wait3A_139] : memref<10240x64xf32, #tpu.memory_space<vmem_shared>> -> memref<640x64xf32, #tpu.memory_space<vmem_shared>>
      %dma_wait3A_141 = arith.constant 0 : i32
      %dma_wait3A_142 = tpu.memref_slice %arg2[%run_scoped3A, %mul3A_5, %dma_wait3A_141] : memref<2x10240x64xf32, #tpu.memory_space<hbm>> -> memref<1x640x64xf32, #tpu.memory_space<hbm>>
      %dma_wait3A_143 = tpu.memref_squeeze %dma_wait3A_142 : memref<1x640x64xf32, #tpu.memory_space<hbm>> -> memref<640x64xf32, #tpu.memory_space<hbm>>
      tpu.wait_dma2 semaphore(%run_scoped3A_133 : memref<!tpu.dma_semaphore, #tpu.memory_space<semaphore_mem>>) src(%dma_wait3A_143 : memref<640x64xf32, #tpu.memory_space<hbm>>) dst(%dma_wait3A_140 : memref<640x64xf32, #tpu.memory_space<vmem_shared>>)
      tpu.yield
    }) : () -> ()
    %scan3A = arith.constant 0 : i32
    %scan3A_8 = arith.constant 0 : i32
    %scan3A_9 = arith.constant 256 : i32
    %scan3A_10 = arith.addi %scan3A_8, %scan3A_9 : i32
    %scan3A_11 = arith.constant 1 : i32
    scf.for %scan3A_133 = %scan3A_8 to %scan3A_10 step %scan3A_11  : i32 {
      %swap3A = arith.constant 0 : i32
      %swap3A_134 = arith.index_cast %swap3A : i32 to index
      %swap3A_135 = arith.index_cast %scan3A_133 : i32 to index
      %swap3A_136 = arith.constant 0 : index
      %swap3A_137 = tpu.vector_load %arg8[%swap3A_134, %swap3A_135, %swap3A_136] {strides = array<i32>} : memref<2x256x64xf32, #tpu.memory_space<vmem>>, vector<1x1x16xf32>,
      %swap3A_138 = vector.shape_cast %swap3A_137 : vector<1x1x16xf32> to vector<16xf32>
      %swap3A_139 = vector.shape_cast %broadcast_in_dim3A_3 : vector<16xf32> to vector<1x1x16xf32>
      tpu.vector_store %arg8[%swap3A_134, %swap3A_135, %swap3A_136], %swap3A_139 {strides = array<i32>} : memref<2x256x64xf32, #tpu.memory_space<vmem>>, vector<1x1x16xf32>,
      %swap3A_140 = arith.constant 0 : i32
      %swap3A_141 = arith.index_cast %swap3A_140 : i32 to index
      %swap3A_142 = arith.index_cast %scan3A_133 : i32 to index
      %swap3A_143 = arith.constant 16 : index
      %swap3A_144 = tpu.vector_load %arg8[%swap3A_141, %swap3A_142, %swap3A_143] {strides = array<i32>} : memref<2x256x64xf32, #tpu.memory_space<vmem>>, vector<1x1x16xf32>,
      %swap3A_145 = vector.shape_cast %swap3A_144 : vector<1x1x16xf32> to vector<16xf32>
      %swap3A_146 = vector.shape_cast %broadcast_in_dim3A_3 : vector<16xf32> to vector<1x1x16xf32>
      tpu.vector_store %arg8[%swap3A_141, %swap3A_142, %swap3A_143], %swap3A_146 {strides = array<i32>} : memref<2x256x64xf32, #tpu.memory_space<vmem>>, vector<1x1x16xf32>,
      %swap3A_147 = arith.constant 0 : i32
      %swap3A_148 = arith.index_cast %swap3A_147 : i32 to index
      %swap3A_149 = arith.index_cast %scan3A_133 : i32 to index
      %swap3A_150 = arith.constant 32 : index
      %swap3A_151 = tpu.vector_load %arg8[%swap3A_148, %swap3A_149, %swap3A_150] {strides = array<i32>} : memref<2x256x64xf32, #tpu.memory_space<vmem>>, vector<1x1x16xf32>,
      %swap3A_152 = vector.shape_cast %swap3A_151 : vector<1x1x16xf32> to vector<16xf32>
      %swap3A_153 = vector.shape_cast %broadcast_in_dim3A_3 : vector<16xf32> to vector<1x1x16xf32>
      tpu.vector_store %arg8[%swap3A_148, %swap3A_149, %swap3A_150], %swap3A_153 {strides = array<i32>} : memref<2x256x64xf32, #tpu.memory_space<vmem>>, vector<1x1x16xf32>,
      %swap3A_154 = arith.constant 0 : i32
      %swap3A_155 = arith.index_cast %swap3A_154 : i32 to index
      %swap3A_156 = arith.index_cast %scan3A_133 : i32 to index
      %swap3A_157 = arith.constant 48 : index
      %swap3A_158 = tpu.vector_load %arg8[%swap3A_155, %swap3A_156, %swap3A_157] {strides = array<i32>} : memref<2x256x64xf32, #tpu.memory_space<vmem>>, vector<1x1x16xf32>,
      %swap3A_159 = vector.shape_cast %swap3A_158 : vector<1x1x16xf32> to vector<16xf32>
      %swap3A_160 = vector.shape_cast %broadcast_in_dim3A_3 : vector<16xf32> to vector<1x1x16xf32>
      tpu.vector_store %arg8[%swap3A_155, %swap3A_156, %swap3A_157], %swap3A_160 {strides = array<i32>} : memref<2x256x64xf32, #tpu.memory_space<vmem>>, vector<1x1x16xf32>,
    }
    %scan3A_12 = arith.constant 256 : i32
    %mul3A_13 = arith.constant 640 : i32
    %mul3A_14 = arith.muli %arg1, %mul3A_13 : i32
    %add3A_15 = arith.constant 0 : i32
    %add3A_16 = arith.addi %mul3A_14, %add3A_15 : i32
    %run_scoped3A_17 = arith.constant 0 : i32
    "tpu.region"() ({
      %run_scoped3A_133 = tpu.sem_alloc : memref<!tpu.dma_semaphore, #tpu.memory_space<semaphore_mem>>
      %dma_start3A_134 = arith.constant 0 : i32
      %dma_start3A_135 = arith.constant 0 : i32
      %dma_start3A_136 = tpu.memref_slice %arg8[%run_scoped3A_17, %dma_start3A_134, %dma_start3A_135] : memref<2x256x64xf32, #tpu.memory_space<vmem>> -> memref<1x256x64xf32, #tpu.memory_space<vmem>>
      %dma_start3A_137 = tpu.memref_squeeze %dma_start3A_136 : memref<1x256x64xf32, #tpu.memory_space<vmem>> -> memref<256x64xf32, #tpu.memory_space<vmem>>
      %dma_start3A_138 = arith.constant 0 : i32
      %dma_start3A_139 = tpu.memref_slice %arg10[%add3A_16, %dma_start3A_138] : memref<10240x64xf32, #tpu.memory_space<vmem_shared>> -> memref<256x64xf32, #tpu.memory_space<vmem_shared>>
      %dma_start3A_140 = arith.constant 0 : i32
      %dma_start3A_141 = tpu.memref_slice %arg10[%add3A_16, %dma_start3A_140] : memref<10240x64xf32, #tpu.memory_space<vmem_shared>> -> memref<256x64xf32, #tpu.memory_space<vmem_shared>>
      %dma_start3A_142 = arith.constant 0 : i32
      %dma_start3A_143 = arith.constant 0 : i32
      %dma_start3A_144 = tpu.memref_slice %arg8[%run_scoped3A_17, %dma_start3A_142, %dma_start3A_143] : memref<2x256x64xf32, #tpu.memory_space<vmem>> -> memref<1x256x64xf32, #tpu.memory_space<vmem>>
      %dma_start3A_145 = tpu.memref_squeeze %dma_start3A_144 : memref<1x256x64xf32, #tpu.memory_space<vmem>> -> memref<256x64xf32, #tpu.memory_space<vmem>>
      tpu.enqueue_dma source(%dma_start3A_145 : memref<256x64xf32, #tpu.memory_space<vmem>>) target(%dma_start3A_141 : memref<256x64xf32, #tpu.memory_space<vmem_shared>>) target_semaphore(%run_scoped3A_133 : memref<!tpu.dma_semaphore, #tpu.memory_space<semaphore_mem>>)
      %dma_wait3A_146 = arith.constant 0 : i32
      %dma_wait3A_147 = arith.constant 0 : i32
      %dma_wait3A_148 = tpu.memref_slice %arg8[%run_scoped3A_17, %dma_wait3A_146, %dma_wait3A_147] : memref<2x256x64xf32, #tpu.memory_space<vmem>> -> memref<1x256x64xf32, #tpu.memory_space<vmem>>
      %dma_wait3A_149 = tpu.memref_squeeze %dma_wait3A_148 : memref<1x256x64xf32, #tpu.memory_space<vmem>> -> memref<256x64xf32, #tpu.memory_space<vmem>>
      %dma_wait3A_150 = arith.constant 0 : i32
      %dma_wait3A_151 = tpu.memref_slice %arg10[%add3A_16, %dma_wait3A_150] : memref<10240x64xf32, #tpu.memory_space<vmem_shared>> -> memref<256x64xf32, #tpu.memory_space<vmem_shared>>
      %dma_wait3A_152 = arith.constant 0 : i32
      %dma_wait3A_153 = tpu.memref_slice %arg10[%add3A_16, %dma_wait3A_152] : memref<10240x64xf32, #tpu.memory_space<vmem_shared>> -> memref<256x64xf32, #tpu.memory_space<vmem_shared>>
      %dma_wait3A_154 = arith.constant 0 : i32
      %dma_wait3A_155 = arith.constant 0 : i32
      %dma_wait3A_156 = tpu.memref_slice %arg8[%run_scoped3A_17, %dma_wait3A_154, %dma_wait3A_155] : memref<2x256x64xf32, #tpu.memory_space<vmem>> -> memref<1x256x64xf32, #tpu.memory_space<vmem>>
      %dma_wait3A_157 = tpu.memref_squeeze %dma_wait3A_156 : memref<1x256x64xf32, #tpu.memory_space<vmem>> -> memref<256x64xf32, #tpu.memory_space<vmem>>
      tpu.wait_dma2 semaphore(%run_scoped3A_133 : memref<!tpu.dma_semaphore, #tpu.memory_space<semaphore_mem>>) src(%dma_wait3A_157 : memref<256x64xf32, #tpu.memory_space<vmem>>) dst(%dma_wait3A_153 : memref<256x64xf32, #tpu.memory_space<vmem_shared>>)
      tpu.yield
    }) : () -> ()
    %mul3A_18 = arith.constant 640 : i32
    %mul3A_19 = arith.muli %arg1, %mul3A_18 : i32
    %add3A_20 = arith.constant 256 : i32
    %add3A_21 = arith.addi %mul3A_19, %add3A_20 : i32
    %run_scoped3A_22 = arith.constant 0 : i32
    "tpu.region"() ({
      %run_scoped3A_133 = tpu.sem_alloc : memref<!tpu.dma_semaphore, #tpu.memory_space<semaphore_mem>>
      %dma_start3A_134 = arith.constant 0 : i32
      %dma_start3A_135 = arith.constant 0 : i32
      %dma_start3A_136 = tpu.memref_slice %arg8[%run_scoped3A_22, %dma_start3A_134, %dma_start3A_135] : memref<2x256x64xf32, #tpu.memory_space<vmem>> -> memref<1x256x64xf32, #tpu.memory_space<vmem>>
      %dma_start3A_137 = tpu.memref_squeeze %dma_start3A_136 : memref<1x256x64xf32, #tpu.memory_space<vmem>> -> memref<256x64xf32, #tpu.memory_space<vmem>>
      %dma_start3A_138 = arith.constant 0 : i32
      %dma_start3A_139 = tpu.memref_slice %arg10[%add3A_21, %dma_start3A_138] : memref<10240x64xf32, #tpu.memory_space<vmem_shared>> -> memref<256x64xf32, #tpu.memory_space<vmem_shared>>
      %dma_start3A_140 = arith.constant 0 : i32
      %dma_start3A_141 = tpu.memref_slice %arg10[%add3A_21, %dma_start3A_140] : memref<10240x64xf32, #tpu.memory_space<vmem_shared>> -> memref<256x64xf32, #tpu.memory_space<vmem_shared>>
      %dma_start3A_142 = arith.constant 0 : i32
      %dma_start3A_143 = arith.constant 0 : i32
      %dma_start3A_144 = tpu.memref_slice %arg8[%run_scoped3A_22, %dma_start3A_142, %dma_start3A_143] : memref<2x256x64xf32, #tpu.memory_space<vmem>> -> memref<1x256x64xf32, #tpu.memory_space<vmem>>
      %dma_start3A_145 = tpu.memref_squeeze %dma_start3A_144 : memref<1x256x64xf32, #tpu.memory_space<vmem>> -> memref<256x64xf32, #tpu.memory_space<vmem>>
      tpu.enqueue_dma source(%dma_start3A_145 : memref<256x64xf32, #tpu.memory_space<vmem>>) target(%dma_start3A_141 : memref<256x64xf32, #tpu.memory_space<vmem_shared>>) target_semaphore(%run_scoped3A_133 : memref<!tpu.dma_semaphore, #tpu.memory_space<semaphore_mem>>)
      %dma_wait3A_146 = arith.constant 0 : i32
      %dma_wait3A_147 = arith.constant 0 : i32
      %dma_wait3A_148 = tpu.memref_slice %arg8[%run_scoped3A_22, %dma_wait3A_146, %dma_wait3A_147] : memref<2x256x64xf32, #tpu.memory_space<vmem>> -> memref<1x256x64xf32, #tpu.memory_space<vmem>>
      %dma_wait3A_149 = tpu.memref_squeeze %dma_wait3A_148 : memref<1x256x64xf32, #tpu.memory_space<vmem>> -> memref<256x64xf32, #tpu.memory_space<vmem>>
      %dma_wait3A_150 = arith.constant 0 : i32
      %dma_wait3A_151 = tpu.memref_slice %arg10[%add3A_21, %dma_wait3A_150] : memref<10240x64xf32, #tpu.memory_space<vmem_shared>> -> memref<256x64xf32, #tpu.memory_space<vmem_shared>>
      %dma_wait3A_152 = arith.constant 0 : i32
      %dma_wait3A_153 = tpu.memref_slice %arg10[%add3A_21, %dma_wait3A_152] : memref<10240x64xf32, #tpu.memory_space<vmem_shared>> -> memref<256x64xf32, #tpu.memory_space<vmem_shared>>
      %dma_wait3A_154 = arith.constant 0 : i32
      %dma_wait3A_155 = arith.constant 0 : i32
      %dma_wait3A_156 = tpu.memref_slice %arg8[%run_scoped3A_22, %dma_wait3A_154, %dma_wait3A_155] : memref<2x256x64xf32, #tpu.memory_space<vmem>> -> memref<1x256x64xf32, #tpu.memory_space<vmem>>
      %dma_wait3A_157 = tpu.memref_squeeze %dma_wait3A_156 : memref<1x256x64xf32, #tpu.memory_space<vmem>> -> memref<256x64xf32, #tpu.memory_space<vmem>>
      tpu.wait_dma2 semaphore(%run_scoped3A_133 : memref<!tpu.dma_semaphore, #tpu.memory_space<semaphore_mem>>) src(%dma_wait3A_157 : memref<256x64xf32, #tpu.memory_space<vmem>>) dst(%dma_wait3A_153 : memref<256x64xf32, #tpu.memory_space<vmem_shared>>)
      tpu.yield
    }) : () -> ()
    %mul3A_23 = arith.constant 640 : i32
    %mul3A_24 = arith.muli %arg1, %mul3A_23 : i32
    %add3A_25 = arith.constant 512 : i32
    %add3A_26 = arith.addi %mul3A_24, %add3A_25 : i32
    %run_scoped3A_27 = arith.constant 0 : i32
    "tpu.region"() ({
      %run_scoped3A_133 = tpu.sem_alloc : memref<!tpu.dma_semaphore, #tpu.memory_space<semaphore_mem>>
      %dma_start3A_134 = arith.constant 0 : i32
      %dma_start3A_135 = arith.constant 0 : i32
      %dma_start3A_136 = tpu.memref_slice %arg8[%run_scoped3A_27, %dma_start3A_134, %dma_start3A_135] : memref<2x256x64xf32, #tpu.memory_space<vmem>> -> memref<1x128x64xf32, #tpu.memory_space<vmem>>
      %dma_start3A_137 = tpu.memref_squeeze %dma_start3A_136 : memref<1x128x64xf32, #tpu.memory_space<vmem>> -> memref<128x64xf32, #tpu.memory_space<vmem>>
      %dma_start3A_138 = arith.constant 0 : i32
      %dma_start3A_139 = tpu.memref_slice %arg10[%add3A_26, %dma_start3A_138] : memref<10240x64xf32, #tpu.memory_space<vmem_shared>> -> memref<128x64xf32, #tpu.memory_space<vmem_shared>>
      %dma_start3A_140 = arith.constant 0 : i32
      %dma_start3A_141 = tpu.memref_slice %arg10[%add3A_26, %dma_start3A_140] : memref<10240x64xf32, #tpu.memory_space<vmem_shared>> -> memref<128x64xf32, #tpu.memory_space<vmem_shared>>
      %dma_start3A_142 = arith.constant 0 : i32
      %dma_start3A_143 = arith.constant 0 : i32
      %dma_start3A_144 = tpu.memref_slice %arg8[%run_scoped3A_27, %dma_start3A_142, %dma_start3A_143] : memref<2x256x64xf32, #tpu.memory_space<vmem>> -> memref<1x128x64xf32, #tpu.memory_space<vmem>>
      %dma_start3A_145 = tpu.memref_squeeze %dma_start3A_144 : memref<1x128x64xf32, #tpu.memory_space<vmem>> -> memref<128x64xf32, #tpu.memory_space<vmem>>
      tpu.enqueue_dma source(%dma_start3A_145 : memref<128x64xf32, #tpu.memory_space<vmem>>) target(%dma_start3A_141 : memref<128x64xf32, #tpu.memory_space<vmem_shared>>) target_semaphore(%run_scoped3A_133 : memref<!tpu.dma_semaphore, #tpu.memory_space<semaphore_mem>>)
      %dma_wait3A_146 = arith.constant 0 : i32
      %dma_wait3A_147 = arith.constant 0 : i32
      %dma_wait3A_148 = tpu.memref_slice %arg8[%run_scoped3A_27, %dma_wait3A_146, %dma_wait3A_147] : memref<2x256x64xf32, #tpu.memory_space<vmem>> -> memref<1x128x64xf32, #tpu.memory_space<vmem>>
      %dma_wait3A_149 = tpu.memref_squeeze %dma_wait3A_148 : memref<1x128x64xf32, #tpu.memory_space<vmem>> -> memref<128x64xf32, #tpu.memory_space<vmem>>
      %dma_wait3A_150 = arith.constant 0 : i32
      %dma_wait3A_151 = tpu.memref_slice %arg10[%add3A_26, %dma_wait3A_150] : memref<10240x64xf32, #tpu.memory_space<vmem_shared>> -> memref<128x64xf32, #tpu.memory_space<vmem_shared>>
      %dma_wait3A_152 = arith.constant 0 : i32
      %dma_wait3A_153 = tpu.memref_slice %arg10[%add3A_26, %dma_wait3A_152] : memref<10240x64xf32, #tpu.memory_space<vmem_shared>> -> memref<128x64xf32, #tpu.memory_space<vmem_shared>>
      %dma_wait3A_154 = arith.constant 0 : i32
      %dma_wait3A_155 = arith.constant 0 : i32
      %dma_wait3A_156 = tpu.memref_slice %arg8[%run_scoped3A_27, %dma_wait3A_154, %dma_wait3A_155] : memref<2x256x64xf32, #tpu.memory_space<vmem>> -> memref<1x128x64xf32, #tpu.memory_space<vmem>>
      %dma_wait3A_157 = tpu.memref_squeeze %dma_wait3A_156 : memref<1x128x64xf32, #tpu.memory_space<vmem>> -> memref<128x64xf32, #tpu.memory_space<vmem>>
      tpu.wait_dma2 semaphore(%run_scoped3A_133 : memref<!tpu.dma_semaphore, #tpu.memory_space<semaphore_mem>>) src(%dma_wait3A_157 : memref<128x64xf32, #tpu.memory_space<vmem>>) dst(%dma_wait3A_153 : memref<128x64xf32, #tpu.memory_space<vmem_shared>>)
      tpu.yield
    }) : () -> ()
    %run_scoped3A_28 = arith.constant 0 : i32
    "tpu.region"() ({
      %run_scoped3A_133 = tpu.sem_alloc : memref<!tpu.dma_semaphore, #tpu.memory_space<semaphore_mem>>
      %dma_start3A_134 = arith.constant 0 : i32
      %dma_start3A_135 = arith.constant 0 : i32
      %dma_start3A_136 = tpu.memref_slice %arg6[%run_scoped3A_28, %dma_start3A_134, %dma_start3A_135] : memref<2x4x256xi32, #tpu.memory_space<vmem>> -> memref<1x4x256xi32, #tpu.memory_space<vmem>>
      %dma_start3A_137 = tpu.memref_squeeze %dma_start3A_136 : memref<1x4x256xi32, #tpu.memory_space<vmem>> -> memref<4x256xi32, #tpu.memory_space<vmem>>
      %dma_start3A_138 = arith.constant 0 : i32
      %dma_start3A_139 = tpu.memref_slice %arg3[%mul3A_2, %dma_start3A_138] : memref<1280x256xi32, #tpu.memory_space<hbm>> -> memref<4x256xi32, #tpu.memory_space<hbm>>
      %dma_start3A_140 = arith.constant 0 : i32
      %dma_start3A_141 = arith.constant 0 : i32
      %dma_start3A_142 = tpu.memref_slice %arg6[%run_scoped3A_28, %dma_start3A_140, %dma_start3A_141] : memref<2x4x256xi32, #tpu.memory_space<vmem>> -> memref<1x4x256xi32, #tpu.memory_space<vmem>>
      %dma_start3A_143 = tpu.memref_squeeze %dma_start3A_142 : memref<1x4x256xi32, #tpu.memory_space<vmem>> -> memref<4x256xi32, #tpu.memory_space<vmem>>
      %dma_start3A_144 = arith.constant 0 : i32
      %dma_start3A_145 = tpu.memref_slice %arg3[%mul3A_2, %dma_start3A_144] : memref<1280x256xi32, #tpu.memory_space<hbm>> -> memref<4x256xi32, #tpu.memory_space<hbm>>
      tpu.enqueue_dma source(%dma_start3A_145 : memref<4x256xi32, #tpu.memory_space<hbm>>) target(%dma_start3A_143 : memref<4x256xi32, #tpu.memory_space<vmem>>) target_semaphore(%run_scoped3A_133 : memref<!tpu.dma_semaphore, #tpu.memory_space<semaphore_mem>>)
      %dma_wait3A_146 = arith.constant 0 : i32
      %dma_wait3A_147 = arith.constant 0 : i32
      %dma_wait3A_148 = tpu.memref_slice %arg6[%run_scoped3A_28, %dma_wait3A_146, %dma_wait3A_147] : memref<2x4x256xi32, #tpu.memory_space<vmem>> -> memref<1x4x256xi32, #tpu.memory_space<vmem>>
      %dma_wait3A_149 = tpu.memref_squeeze %dma_wait3A_148 : memref<1x4x256xi32, #tpu.memory_space<vmem>> -> memref<4x256xi32, #tpu.memory_space<vmem>>
      %dma_wait3A_150 = arith.constant 0 : i32
      %dma_wait3A_151 = tpu.memref_slice %arg3[%mul3A_2, %dma_wait3A_150] : memref<1280x256xi32, #tpu.memory_space<hbm>> -> memref<4x256xi32, #tpu.memory_space<hbm>>
      %dma_wait3A_152 = arith.constant 0 : i32
      %dma_wait3A_153 = arith.constant 0 : i32
      %dma_wait3A_154 = tpu.memref_slice %arg6[%run_scoped3A_28, %dma_wait3A_152, %dma_wait3A_153] : memref<2x4x256xi32, #tpu.memory_space<vmem>> -> memref<1x4x256xi32, #tpu.memory_space<vmem>>
      %dma_wait3A_155 = tpu.memref_squeeze %dma_wait3A_154 : memref<1x4x256xi32, #tpu.memory_space<vmem>> -> memref<4x256xi32, #tpu.memory_space<vmem>>
      %dma_wait3A_156 = arith.constant 0 : i32
      %dma_wait3A_157 = tpu.memref_slice %arg3[%mul3A_2, %dma_wait3A_156] : memref<1280x256xi32, #tpu.memory_space<hbm>> -> memref<4x256xi32, #tpu.memory_space<hbm>>
      tpu.wait_dma2 semaphore(%run_scoped3A_133 : memref<!tpu.dma_semaphore, #tpu.memory_space<semaphore_mem>>) src(%dma_wait3A_157 : memref<4x256xi32, #tpu.memory_space<hbm>>) dst(%dma_wait3A_155 : memref<4x256xi32, #tpu.memory_space<vmem>>)
      tpu.yield
    }) : () -> ()
    %run_scoped3A_29 = arith.constant 0 : i32
    "tpu.region"() ({
      %run_scoped3A_133 = tpu.sem_alloc : memref<!tpu.dma_semaphore, #tpu.memory_space<semaphore_mem>>
      %dma_start3A_134 = arith.constant 0 : i32
      %dma_start3A_135 = arith.constant 0 : i32
      %dma_start3A_136 = tpu.memref_slice %arg7[%run_scoped3A_29, %dma_start3A_134, %dma_start3A_135] : memref<2x4x256xi32, #tpu.memory_space<vmem>> -> memref<1x4x256xi32, #tpu.memory_space<vmem>>
      %dma_start3A_137 = tpu.memref_squeeze %dma_start3A_136 : memref<1x4x256xi32, #tpu.memory_space<vmem>> -> memref<4x256xi32, #tpu.memory_space<vmem>>
      %dma_start3A_138 = arith.constant 0 : i32
      %dma_start3A_139 = tpu.memref_slice %arg4[%mul3A_2, %dma_start3A_138] : memref<1280x256xi32, #tpu.memory_space<hbm>> -> memref<4x256xi32, #tpu.memory_space<hbm>>
      %dma_start3A_140 = arith.constant 0 : i32
      %dma_start3A_141 = arith.constant 0 : i32
      %dma_start3A_142 = tpu.memref_slice %arg7[%run_scoped3A_29, %dma_start3A_140, %dma_start3A_141] : memref<2x4x256xi32, #tpu.memory_space<vmem>> -> memref<1x4x256xi32, #tpu.memory_space<vmem>>
      %dma_start3A_143 = tpu.memref_squeeze %dma_start3A_142 : memref<1x4x256xi32, #tpu.memory_space<vmem>> -> memref<4x256xi32, #tpu.memory_space<vmem>>
      %dma_start3A_144 = arith.constant 0 : i32
      %dma_start3A_145 = tpu.memref_slice %arg4[%mul3A_2, %dma_start3A_144] : memref<1280x256xi32, #tpu.memory_space<hbm>> -> memref<4x256xi32, #tpu.memory_space<hbm>>
      tpu.enqueue_dma source(%dma_start3A_145 : memref<4x256xi32, #tpu.memory_space<hbm>>) target(%dma_start3A_143 : memref<4x256xi32, #tpu.memory_space<vmem>>) target_semaphore(%run_scoped3A_133 : memref<!tpu.dma_semaphore, #tpu.memory_space<semaphore_mem>>)
      %dma_wait3A_146 = arith.constant 0 : i32
      %dma_wait3A_147 = arith.constant 0 : i32
      %dma_wait3A_148 = tpu.memref_slice %arg7[%run_scoped3A_29, %dma_wait3A_146, %dma_wait3A_147] : memref<2x4x256xi32, #tpu.memory_space<vmem>> -> memref<1x4x256xi32, #tpu.memory_space<vmem>>
      %dma_wait3A_149 = tpu.memref_squeeze %dma_wait3A_148 : memref<1x4x256xi32, #tpu.memory_space<vmem>> -> memref<4x256xi32, #tpu.memory_space<vmem>>
      %dma_wait3A_150 = arith.constant 0 : i32
      %dma_wait3A_151 = tpu.memref_slice %arg4[%mul3A_2, %dma_wait3A_150] : memref<1280x256xi32, #tpu.memory_space<hbm>> -> memref<4x256xi32, #tpu.memory_space<hbm>>
      %dma_wait3A_152 = arith.constant 0 : i32
      %dma_wait3A_153 = arith.constant 0 : i32
      %dma_wait3A_154 = tpu.memref_slice %arg7[%run_scoped3A_29, %dma_wait3A_152, %dma_wait3A_153] : memref<2x4x256xi32, #tpu.memory_space<vmem>> -> memref<1x4x256xi32, #tpu.memory_space<vmem>>
      %dma_wait3A_155 = tpu.memref_squeeze %dma_wait3A_154 : memref<1x4x256xi32, #tpu.memory_space<vmem>> -> memref<4x256xi32, #tpu.memory_space<vmem>>
      %dma_wait3A_156 = arith.constant 0 : i32
      %dma_wait3A_157 = tpu.memref_slice %arg4[%mul3A_2, %dma_wait3A_156] : memref<1280x256xi32, #tpu.memory_space<hbm>> -> memref<4x256xi32, #tpu.memory_space<hbm>>
      tpu.wait_dma2 semaphore(%run_scoped3A_133 : memref<!tpu.dma_semaphore, #tpu.memory_space<semaphore_mem>>) src(%dma_wait3A_157 : memref<4x256xi32, #tpu.memory_space<hbm>>) dst(%dma_wait3A_155 : memref<4x256xi32, #tpu.memory_space<vmem>>)
      tpu.yield
    }) : () -> ()
    %barrier3A = arith.constant 0 : index
    tpu.barrier barrier_id(%barrier3A)
    %dma_start3A = arith.constant 0 : i32
    %dma_start3A_30 = arith.constant 0 : i32
    %dma_start3A_31 = arith.constant 0 : i32
    %dma_start3A_32 = arith.constant 0 : i32
    %dma_start3A_33 = arith.constant 0 : i32
    %dma_start3A_34 = tpu.memref_slice %arg8[%dma_start3A_31, %dma_start3A_32, %dma_start3A_33] : memref<2x256x64xf32, #tpu.memory_space<vmem>> -> memref<1x256x64xf32, #tpu.memory_space<vmem>>
    %dma_start3A_35 = tpu.memref_squeeze %dma_start3A_34 : memref<1x256x64xf32, #tpu.memory_space<vmem>> -> memref<256x64xf32, #tpu.memory_space<vmem>>
    %dma_start3A_36 = arith.constant 0 : i32
    %dma_start3A_37 = tpu.memref_slice %arg6[%dma_start3A, %dma_start3A_30, %dma_start3A_36] : memref<2x4x256xi32, #tpu.memory_space<vmem>> -> memref<1x1x256xi32, #tpu.memory_space<vmem>>
    %dma_start3A_38 = tpu.memref_squeeze %dma_start3A_37 : memref<1x1x256xi32, #tpu.memory_space<vmem>> -> memref<256xi32, #tpu.memory_space<vmem>>
    %dma_start3A_39 = arith.constant 0 : i32
    %dma_start3A_40 = arith.constant 0 : i32
    %dma_start3A_41 = tpu.memref_slice %arg9[%dma_start3A_39, %dma_start3A_40] : memref<10240x64xf32, #tpu.memory_space<vmem_shared>> -> memref<10240x64xf32, #tpu.memory_space<vmem_shared>>
    tpu.enqueue_indirect_dma source(%dma_start3A_41 : memref<10240x64xf32, #tpu.memory_space<vmem_shared>>) target(%dma_start3A_35 : memref<256x64xf32, #tpu.memory_space<vmem>>) offsets(%dma_start3A_38 : memref<256xi32, #tpu.memory_space<vmem>>) semaphore(%arg11 : memref<!tpu.dma_semaphore, #tpu.memory_space<semaphore_mem>>)
    %scan3A_42 = arith.constant 0 : i32
    %scan3A_43 = arith.constant 0 : i32
    %scan3A_44 = arith.constant 10 : i32
    %scan3A_45 = arith.addi %scan3A_43, %scan3A_44 : i32
    %scan3A_46 = arith.constant 1 : i32
    scf.for %scan3A_133 = %scan3A_43 to %scan3A_45 step %scan3A_46  : i32 {
      %jit3A = arith.constant 2 : i32
      %eq3A = arith.constant 0 : i32
      %eq3A_134 = arith.cmpi eq, %jit3A, %eq3A : i32
      %jit3A_135 = arith.constant 1 : i32
      %select_n3A = arith.select %eq3A_134, %jit3A_135, %jit3A : i32
      %rem3A = arith.remsi %scan3A_133, %select_n3A : i32
      %ne3A = arith.constant 0 : i32
      %ne3A_136 = arith.cmpi ne, %rem3A, %ne3A : i32
      %lt3A = arith.constant 0 : i32
      %lt3A_137 = arith.cmpi slt, %rem3A, %lt3A : i32
      %lt3A_138 = arith.constant 0 : i32
      %lt3A_139 = arith.cmpi slt, %select_n3A, %lt3A_138 : i32
      %ne3A_140 = arith.xori %lt3A_137, %lt3A_139 : i1
      %and3A = arith.andi %ne3A_140, %ne3A_136 : i1
      %add3A_141 = arith.addi %rem3A, %select_n3A : i32
      %select_n3A_142 = arith.select %and3A, %add3A_141, %rem3A : i32
      %add3A_143 = arith.constant 1 : i32
      %add3A_144 = arith.addi %scan3A_133, %add3A_143 : i32
      %jit3A_145 = arith.constant 2 : i32
      %eq3A_146 = arith.constant 0 : i32
      %eq3A_147 = arith.cmpi eq, %jit3A_145, %eq3A_146 : i32
      %jit3A_148 = arith.constant 1 : i32
      %select_n3A_149 = arith.select %eq3A_147, %jit3A_148, %jit3A_145 : i32
      %rem3A_150 = arith.remsi %add3A_144, %select_n3A_149 : i32
      %ne3A_151 = arith.constant 0 : i32
      %ne3A_152 = arith.cmpi ne, %rem3A_150, %ne3A_151 : i32
      %lt3A_153 = arith.constant 0 : i32
      %lt3A_154 = arith.cmpi slt, %rem3A_150, %lt3A_153 : i32
      %lt3A_155 = arith.constant 0 : i32
      %lt3A_156 = arith.cmpi slt, %select_n3A_149, %lt3A_155 : i32
      %ne3A_157 = arith.xori %lt3A_154, %lt3A_156 : i1
      %and3A_158 = arith.andi %ne3A_157, %ne3A_152 : i1
      %add3A_159 = arith.addi %rem3A_150, %select_n3A_149 : i32
      %select_n3A_160 = arith.select %and3A_158, %add3A_159, %rem3A_150 : i32
      %dma_wait3A_161 = arith.constant 0 : i32
      %dma_wait3A_162 = arith.constant 0 : i32
      %dma_wait3A_163 = arith.constant 0 : i32
      %dma_wait3A_164 = arith.constant 0 : i32
      %dma_wait3A_165 = tpu.memref_slice %arg8[%dma_wait3A_162, %dma_wait3A_163, %dma_wait3A_164] : memref<2x256x64xf32, #tpu.memory_space<vmem>> -> memref<1x256x64xf32, #tpu.memory_space<vmem>>
      %dma_wait3A_166 = tpu.memref_squeeze %dma_wait3A_165 : memref<1x256x64xf32, #tpu.memory_space<vmem>> -> memref<256x64xf32, #tpu.memory_space<vmem>>
      %dma_wait3A_167 = arith.constant 0 : i32
      %dma_wait3A_168 = tpu.memref_slice %arg6[%select_n3A_142, %dma_wait3A_161, %dma_wait3A_167] : memref<2x4x256xi32, #tpu.memory_space<vmem>> -> memref<1x1x256xi32, #tpu.memory_space<vmem>>
      %dma_wait3A_169 = tpu.memref_squeeze %dma_wait3A_168 : memref<1x1x256xi32, #tpu.memory_space<vmem>> -> memref<256xi32, #tpu.memory_space<vmem>>
      %dma_wait3A_170 = arith.constant 0 : i32
      %dma_wait3A_171 = arith.constant 0 : i32
      %dma_wait3A_172 = tpu.memref_slice %arg9[%dma_wait3A_170, %dma_wait3A_171] : memref<10240x64xf32, #tpu.memory_space<vmem_shared>> -> memref<10240x64xf32, #tpu.memory_space<vmem_shared>>
      tpu.wait_indirect_dma semaphore(%arg11 : memref<!tpu.dma_semaphore, #tpu.memory_space<semaphore_mem>>) src(%dma_wait3A_172 : memref<10240x64xf32, #tpu.memory_space<vmem_shared>>) dst(%dma_wait3A_166 : memref<256x64xf32, #tpu.memory_space<vmem>>)
      %ge3A = arith.constant 1 : i32
      %ge3A_173 = arith.cmpi sge, %scan3A_133, %ge3A : i32
      %convert_element_type3A = arith.extui %ge3A_173 : i1 to i32
      %cond3A = arith.constant 0 : i32
      %cond3A_174 = arith.cmpi ne, %convert_element_type3A, %cond3A : i32
      scf.if %cond3A_174 {
        %dma_wait3A_341 = arith.constant 1 : i32
        %dma_wait3A_342 = arith.constant 0 : i32
        %dma_wait3A_343 = arith.constant 0 : i32
        %dma_wait3A_344 = arith.constant 0 : i32
        %dma_wait3A_345 = tpu.memref_slice %arg8[%dma_wait3A_341, %dma_wait3A_343, %dma_wait3A_344] : memref<2x256x64xf32, #tpu.memory_space<vmem>> -> memref<1x256x64xf32, #tpu.memory_space<vmem>>
        %dma_wait3A_346 = tpu.memref_squeeze %dma_wait3A_345 : memref<1x256x64xf32, #tpu.memory_space<vmem>> -> memref<256x64xf32, #tpu.memory_space<vmem>>
        %dma_wait3A_347 = arith.constant 0 : i32
        %dma_wait3A_348 = tpu.memref_slice %arg7[%select_n3A_142, %dma_wait3A_342, %dma_wait3A_347] : memref<2x4x256xi32, #tpu.memory_space<vmem>> -> memref<1x1x256xi32, #tpu.memory_space<vmem>>
        %dma_wait3A_349 = tpu.memref_squeeze %dma_wait3A_348 : memref<1x1x256xi32, #tpu.memory_space<vmem>> -> memref<256xi32, #tpu.memory_space<vmem>>
        %dma_wait3A_350 = arith.constant 0 : i32
        %dma_wait3A_351 = arith.constant 0 : i32
        %dma_wait3A_352 = tpu.memref_slice %arg10[%dma_wait3A_350, %dma_wait3A_351] : memref<10240x64xf32, #tpu.memory_space<vmem_shared>> -> memref<10240x64xf32, #tpu.memory_space<vmem_shared>>
        tpu.wait_indirect_dma semaphore(%arg14 : memref<!tpu.dma_semaphore, #tpu.memory_space<semaphore_mem>>) src(%dma_wait3A_346 : memref<256x64xf32, #tpu.memory_space<vmem>>) dst(%dma_wait3A_352 : memref<10240x64xf32, #tpu.memory_space<vmem_shared>>)
      } else {
      }
      %lt3A_175 = arith.constant 9 : i32
      %lt3A_176 = arith.cmpi slt, %scan3A_133, %lt3A_175 : i32
      %convert_element_type3A_177 = arith.extui %lt3A_176 : i1 to i32
      %cond3A_178 = arith.constant 0 : i32
      %cond3A_179 = arith.cmpi ne, %convert_element_type3A_177, %cond3A_178 : i32
      scf.if %cond3A_179 {
        %add3A_341 = arith.constant 1 : i32
        %add3A_342 = arith.addi %scan3A_133, %add3A_341 : i32
        %mul3A_343 = arith.constant 4 : i32
        %mul3A_344 = arith.muli %add3A_342, %mul3A_343 : i32
        %add3A_345 = arith.addi %mul3A_2, %mul3A_344 : i32
        %dma_start3A_346 = arith.constant 0 : i32
        %dma_start3A_347 = arith.constant 0 : i32
        %dma_start3A_348 = tpu.memref_slice %arg6[%select_n3A_160, %dma_start3A_346, %dma_start3A_347] : memref<2x4x256xi32, #tpu.memory_space<vmem>> -> memref<1x4x256xi32, #tpu.memory_space<vmem>>
        %dma_start3A_349 = tpu.memref_squeeze %dma_start3A_348 : memref<1x4x256xi32, #tpu.memory_space<vmem>> -> memref<4x256xi32, #tpu.memory_space<vmem>>
        %dma_start3A_350 = arith.constant 0 : i32
        %dma_start3A_351 = tpu.memref_slice %arg3[%add3A_345, %dma_start3A_350] : memref<1280x256xi32, #tpu.memory_space<hbm>> -> memref<4x256xi32, #tpu.memory_space<hbm>>
        %dma_start3A_352 = arith.constant 0 : i32
        %dma_start3A_353 = arith.constant 0 : i32
        %dma_start3A_354 = tpu.memref_slice %arg6[%select_n3A_160, %dma_start3A_352, %dma_start3A_353] : memref<2x4x256xi32, #tpu.memory_space<vmem>> -> memref<1x4x256xi32, #tpu.memory_space<vmem>>
        %dma_start3A_355 = tpu.memref_squeeze %dma_start3A_354 : memref<1x4x256xi32, #tpu.memory_space<vmem>> -> memref<4x256xi32, #tpu.memory_space<vmem>>
        %dma_start3A_356 = arith.constant 0 : i32
        %dma_start3A_357 = tpu.memref_slice %arg3[%add3A_345, %dma_start3A_356] : memref<1280x256xi32, #tpu.memory_space<hbm>> -> memref<4x256xi32, #tpu.memory_space<hbm>>
        tpu.enqueue_dma source(%dma_start3A_357 : memref<4x256xi32, #tpu.memory_space<hbm>>) target(%dma_start3A_355 : memref<4x256xi32, #tpu.memory_space<vmem>>) target_semaphore(%arg15 : memref<!tpu.dma_semaphore, #tpu.memory_space<semaphore_mem>>)
        %add3A_358 = arith.constant 1 : i32
        %add3A_359 = arith.addi %scan3A_133, %add3A_358 : i32
        %mul3A_360 = arith.constant 4 : i32
        %mul3A_361 = arith.muli %add3A_359, %mul3A_360 : i32
        %add3A_362 = arith.addi %mul3A_2, %mul3A_361 : i32
        %dma_start3A_363 = arith.constant 0 : i32
        %dma_start3A_364 = arith.constant 0 : i32
        %dma_start3A_365 = tpu.memref_slice %arg7[%select_n3A_160, %dma_start3A_363, %dma_start3A_364] : memref<2x4x256xi32, #tpu.memory_space<vmem>> -> memref<1x4x256xi32, #tpu.memory_space<vmem>>
        %dma_start3A_366 = tpu.memref_squeeze %dma_start3A_365 : memref<1x4x256xi32, #tpu.memory_space<vmem>> -> memref<4x256xi32, #tpu.memory_space<vmem>>
        %dma_start3A_367 = arith.constant 0 : i32
        %dma_start3A_368 = tpu.memref_slice %arg4[%add3A_362, %dma_start3A_367] : memref<1280x256xi32, #tpu.memory_space<hbm>> -> memref<4x256xi32, #tpu.memory_space<hbm>>
        %dma_start3A_369 = arith.constant 0 : i32
        %dma_start3A_370 = arith.constant 0 : i32
        %dma_start3A_371 = tpu.memref_slice %arg7[%select_n3A_160, %dma_start3A_369, %dma_start3A_370] : memref<2x4x256xi32, #tpu.memory_space<vmem>> -> memref<1x4x256xi32, #tpu.memory_space<vmem>>
        %dma_start3A_372 = tpu.memref_squeeze %dma_start3A_371 : memref<1x4x256xi32, #tpu.memory_space<vmem>> -> memref<4x256xi32, #tpu.memory_space<vmem>>
        %dma_start3A_373 = arith.constant 0 : i32
        %dma_start3A_374 = tpu.memref_slice %arg4[%add3A_362, %dma_start3A_373] : memref<1280x256xi32, #tpu.memory_space<hbm>> -> memref<4x256xi32, #tpu.memory_space<hbm>>
        tpu.enqueue_dma source(%dma_start3A_374 : memref<4x256xi32, #tpu.memory_space<hbm>>) target(%dma_start3A_372 : memref<4x256xi32, #tpu.memory_space<vmem>>) target_semaphore(%arg16 : memref<!tpu.dma_semaphore, #tpu.memory_space<semaphore_mem>>)
      } else {
      }
      %dma_start3A_180 = arith.constant 1 : i32
      %dma_start3A_181 = arith.constant 1 : i32
      %dma_start3A_182 = arith.constant 0 : i32
      %dma_start3A_183 = arith.constant 0 : i32
      %dma_start3A_184 = tpu.memref_slice %arg8[%dma_start3A_181, %dma_start3A_182, %dma_start3A_183] : memref<2x256x64xf32, #tpu.memory_space<vmem>> -> memref<1x256x64xf32, #tpu.memory_space<vmem>>
      %dma_start3A_185 = tpu.memref_squeeze %dma_start3A_184 : memref<1x256x64xf32, #tpu.memory_space<vmem>> -> memref<256x64xf32, #tpu.memory_space<vmem>>
      %dma_start3A_186 = arith.constant 0 : i32
      %dma_start3A_187 = tpu.memref_slice %arg6[%select_n3A_142, %dma_start3A_180, %dma_start3A_186] : memref<2x4x256xi32, #tpu.memory_space<vmem>> -> memref<1x1x256xi32, #tpu.memory_space<vmem>>
      %dma_start3A_188 = tpu.memref_squeeze %dma_start3A_187 : memref<1x1x256xi32, #tpu.memory_space<vmem>> -> memref<256xi32, #tpu.memory_space<vmem>>
      %dma_start3A_189 = arith.constant 0 : i32
      %dma_start3A_190 = arith.constant 0 : i32
      %dma_start3A_191 = tpu.memref_slice %arg9[%dma_start3A_189, %dma_start3A_190] : memref<10240x64xf32, #tpu.memory_space<vmem_shared>> -> memref<10240x64xf32, #tpu.memory_space<vmem_shared>>
      tpu.enqueue_indirect_dma source(%dma_start3A_191 : memref<10240x64xf32, #tpu.memory_space<vmem_shared>>) target(%dma_start3A_185 : memref<256x64xf32, #tpu.memory_space<vmem>>) offsets(%dma_start3A_188 : memref<256xi32, #tpu.memory_space<vmem>>) semaphore(%arg12 : memref<!tpu.dma_semaphore, #tpu.memory_space<semaphore_mem>>)
      %dma_start3A_192 = arith.constant 0 : i32
      %dma_start3A_193 = arith.constant 0 : i32
      %dma_start3A_194 = arith.constant 0 : i32
      %dma_start3A_195 = arith.constant 0 : i32
      %dma_start3A_196 = tpu.memref_slice %arg8[%dma_start3A_192, %dma_start3A_194, %dma_start3A_195] : memref<2x256x64xf32, #tpu.memory_space<vmem>> -> memref<1x256x64xf32, #tpu.memory_space<vmem>>
      %dma_start3A_197 = tpu.memref_squeeze %dma_start3A_196 : memref<1x256x64xf32, #tpu.memory_space<vmem>> -> memref<256x64xf32, #tpu.memory_space<vmem>>
      %dma_start3A_198 = arith.constant 0 : i32
      %dma_start3A_199 = tpu.memref_slice %arg7[%select_n3A_142, %dma_start3A_193, %dma_start3A_198] : memref<2x4x256xi32, #tpu.memory_space<vmem>> -> memref<1x1x256xi32, #tpu.memory_space<vmem>>
      %dma_start3A_200 = tpu.memref_squeeze %dma_start3A_199 : memref<1x1x256xi32, #tpu.memory_space<vmem>> -> memref<256xi32, #tpu.memory_space<vmem>>
      %dma_start3A_201 = arith.constant 0 : i32
      %dma_start3A_202 = arith.constant 0 : i32
      %dma_start3A_203 = tpu.memref_slice %arg10[%dma_start3A_201, %dma_start3A_202] : memref<10240x64xf32, #tpu.memory_space<vmem_shared>> -> memref<10240x64xf32, #tpu.memory_space<vmem_shared>>
      tpu.enqueue_indirect_dma source(%dma_start3A_197 : memref<256x64xf32, #tpu.memory_space<vmem>>) target(%dma_start3A_203 : memref<10240x64xf32, #tpu.memory_space<vmem_shared>>) offsets(%dma_start3A_200 : memref<256xi32, #tpu.memory_space<vmem>>) semaphore(%arg13 : memref<!tpu.dma_semaphore, #tpu.memory_space<semaphore_mem>>) {add = true}
      %dma_wait3A_204 = arith.constant 1 : i32
      %dma_wait3A_205 = arith.constant 1 : i32
      %dma_wait3A_206 = arith.constant 0 : i32
      %dma_wait3A_207 = arith.constant 0 : i32
      %dma_wait3A_208 = tpu.memref_slice %arg8[%dma_wait3A_205, %dma_wait3A_206, %dma_wait3A_207] : memref<2x256x64xf32, #tpu.memory_space<vmem>> -> memref<1x256x64xf32, #tpu.memory_space<vmem>>
      %dma_wait3A_209 = tpu.memref_squeeze %dma_wait3A_208 : memref<1x256x64xf32, #tpu.memory_space<vmem>> -> memref<256x64xf32, #tpu.memory_space<vmem>>
      %dma_wait3A_210 = arith.constant 0 : i32
      %dma_wait3A_211 = tpu.memref_slice %arg6[%select_n3A_142, %dma_wait3A_204, %dma_wait3A_210] : memref<2x4x256xi32, #tpu.memory_space<vmem>> -> memref<1x1x256xi32, #tpu.memory_space<vmem>>
      %dma_wait3A_212 = tpu.memref_squeeze %dma_wait3A_211 : memref<1x1x256xi32, #tpu.memory_space<vmem>> -> memref<256xi32, #tpu.memory_space<vmem>>
      %dma_wait3A_213 = arith.constant 0 : i32
      %dma_wait3A_214 = arith.constant 0 : i32
      %dma_wait3A_215 = tpu.memref_slice %arg9[%dma_wait3A_213, %dma_wait3A_214] : memref<10240x64xf32, #tpu.memory_space<vmem_shared>> -> memref<10240x64xf32, #tpu.memory_space<vmem_shared>>
      tpu.wait_indirect_dma semaphore(%arg12 : memref<!tpu.dma_semaphore, #tpu.memory_space<semaphore_mem>>) src(%dma_wait3A_215 : memref<10240x64xf32, #tpu.memory_space<vmem_shared>>) dst(%dma_wait3A_209 : memref<256x64xf32, #tpu.memory_space<vmem>>)
      %dma_wait3A_216 = arith.constant 0 : i32
      %dma_wait3A_217 = arith.constant 0 : i32
      %dma_wait3A_218 = arith.constant 0 : i32
      %dma_wait3A_219 = arith.constant 0 : i32
      %dma_wait3A_220 = tpu.memref_slice %arg8[%dma_wait3A_216, %dma_wait3A_218, %dma_wait3A_219] : memref<2x256x64xf32, #tpu.memory_space<vmem>> -> memref<1x256x64xf32, #tpu.memory_space<vmem>>
      %dma_wait3A_221 = tpu.memref_squeeze %dma_wait3A_220 : memref<1x256x64xf32, #tpu.memory_space<vmem>> -> memref<256x64xf32, #tpu.memory_space<vmem>>
      %dma_wait3A_222 = arith.constant 0 : i32
      %dma_wait3A_223 = tpu.memref_slice %arg7[%select_n3A_142, %dma_wait3A_217, %dma_wait3A_222] : memref<2x4x256xi32, #tpu.memory_space<vmem>> -> memref<1x1x256xi32, #tpu.memory_space<vmem>>
      %dma_wait3A_224 = tpu.memref_squeeze %dma_wait3A_223 : memref<1x1x256xi32, #tpu.memory_space<vmem>> -> memref<256xi32, #tpu.memory_space<vmem>>
      %dma_wait3A_225 = arith.constant 0 : i32
      %dma_wait3A_226 = arith.constant 0 : i32
      %dma_wait3A_227 = tpu.memref_slice %arg10[%dma_wait3A_225, %dma_wait3A_226] : memref<10240x64xf32, #tpu.memory_space<vmem_shared>> -> memref<10240x64xf32, #tpu.memory_space<vmem_shared>>
      tpu.wait_indirect_dma semaphore(%arg13 : memref<!tpu.dma_semaphore, #tpu.memory_space<semaphore_mem>>) src(%dma_wait3A_221 : memref<256x64xf32, #tpu.memory_space<vmem>>) dst(%dma_wait3A_227 : memref<10240x64xf32, #tpu.memory_space<vmem_shared>>)
      %dma_start3A_228 = arith.constant 2 : i32
      %dma_start3A_229 = arith.constant 0 : i32
      %dma_start3A_230 = arith.constant 0 : i32
      %dma_start3A_231 = arith.constant 0 : i32
      %dma_start3A_232 = tpu.memref_slice %arg8[%dma_start3A_229, %dma_start3A_230, %dma_start3A_231] : memref<2x256x64xf32, #tpu.memory_space<vmem>> -> memref<1x256x64xf32, #tpu.memory_space<vmem>>
      %dma_start3A_233 = tpu.memref_squeeze %dma_start3A_232 : memref<1x256x64xf32, #tpu.memory_space<vmem>> -> memref<256x64xf32, #tpu.memory_space<vmem>>
      %dma_start3A_234 = arith.constant 0 : i32
      %dma_start3A_235 = tpu.memref_slice %arg6[%select_n3A_142, %dma_start3A_228, %dma_start3A_234] : memref<2x4x256xi32, #tpu.memory_space<vmem>> -> memref<1x1x256xi32, #tpu.memory_space<vmem>>
      %dma_start3A_236 = tpu.memref_squeeze %dma_start3A_235 : memref<1x1x256xi32, #tpu.memory_space<vmem>> -> memref<256xi32, #tpu.memory_space<vmem>>
      %dma_start3A_237 = arith.constant 0 : i32
      %dma_start3A_238 = arith.constant 0 : i32
      %dma_start3A_239 = tpu.memref_slice %arg9[%dma_start3A_237, %dma_start3A_238] : memref<10240x64xf32, #tpu.memory_space<vmem_shared>> -> memref<10240x64xf32, #tpu.memory_space<vmem_shared>>
      tpu.enqueue_indirect_dma source(%dma_start3A_239 : memref<10240x64xf32, #tpu.memory_space<vmem_shared>>) target(%dma_start3A_233 : memref<256x64xf32, #tpu.memory_space<vmem>>) offsets(%dma_start3A_236 : memref<256xi32, #tpu.memory_space<vmem>>) semaphore(%arg11 : memref<!tpu.dma_semaphore, #tpu.memory_space<semaphore_mem>>)
      %dma_start3A_240 = arith.constant 1 : i32
      %dma_start3A_241 = arith.constant 1 : i32
      %dma_start3A_242 = arith.constant 0 : i32
      %dma_start3A_243 = arith.constant 0 : i32
      %dma_start3A_244 = tpu.memref_slice %arg8[%dma_start3A_240, %dma_start3A_242, %dma_start3A_243] : memref<2x256x64xf32, #tpu.memory_space<vmem>> -> memref<1x256x64xf32, #tpu.memory_space<vmem>>
      %dma_start3A_245 = tpu.memref_squeeze %dma_start3A_244 : memref<1x256x64xf32, #tpu.memory_space<vmem>> -> memref<256x64xf32, #tpu.memory_space<vmem>>
      %dma_start3A_246 = arith.constant 0 : i32
      %dma_start3A_247 = tpu.memref_slice %arg7[%select_n3A_142, %dma_start3A_241, %dma_start3A_246] : memref<2x4x256xi32, #tpu.memory_space<vmem>> -> memref<1x1x256xi32, #tpu.memory_space<vmem>>
      %dma_start3A_248 = tpu.memref_squeeze %dma_start3A_247 : memref<1x1x256xi32, #tpu.memory_space<vmem>> -> memref<256xi32, #tpu.memory_space<vmem>>
      %dma_start3A_249 = arith.constant 0 : i32
      %dma_start3A_250 = arith.constant 0 : i32
      %dma_start3A_251 = tpu.memref_slice %arg10[%dma_start3A_249, %dma_start3A_250] : memref<10240x64xf32, #tpu.memory_space<vmem_shared>> -> memref<10240x64xf32, #tpu.memory_space<vmem_shared>>
      tpu.enqueue_indirect_dma source(%dma_start3A_245 : memref<256x64xf32, #tpu.memory_space<vmem>>) target(%dma_start3A_251 : memref<10240x64xf32, #tpu.memory_space<vmem_shared>>) offsets(%dma_start3A_248 : memref<256xi32, #tpu.memory_space<vmem>>) semaphore(%arg14 : memref<!tpu.dma_semaphore, #tpu.memory_space<semaphore_mem>>) {add = true}
      %dma_wait3A_252 = arith.constant 2 : i32
      %dma_wait3A_253 = arith.constant 0 : i32
      %dma_wait3A_254 = arith.constant 0 : i32
      %dma_wait3A_255 = arith.constant 0 : i32
      %dma_wait3A_256 = tpu.memref_slice %arg8[%dma_wait3A_253, %dma_wait3A_254, %dma_wait3A_255] : memref<2x256x64xf32, #tpu.memory_space<vmem>> -> memref<1x256x64xf32, #tpu.memory_space<vmem>>
      %dma_wait3A_257 = tpu.memref_squeeze %dma_wait3A_256 : memref<1x256x64xf32, #tpu.memory_space<vmem>> -> memref<256x64xf32, #tpu.memory_space<vmem>>
      %dma_wait3A_258 = arith.constant 0 : i32
      %dma_wait3A_259 = tpu.memref_slice %arg6[%select_n3A_142, %dma_wait3A_252, %dma_wait3A_258] : memref<2x4x256xi32, #tpu.memory_space<vmem>> -> memref<1x1x256xi32, #tpu.memory_space<vmem>>
      %dma_wait3A_260 = tpu.memref_squeeze %dma_wait3A_259 : memref<1x1x256xi32, #tpu.memory_space<vmem>> -> memref<256xi32, #tpu.memory_space<vmem>>
      %dma_wait3A_261 = arith.constant 0 : i32
      %dma_wait3A_262 = arith.constant 0 : i32
      %dma_wait3A_263 = tpu.memref_slice %arg9[%dma_wait3A_261, %dma_wait3A_262] : memref<10240x64xf32, #tpu.memory_space<vmem_shared>> -> memref<10240x64xf32, #tpu.memory_space<vmem_shared>>
      tpu.wait_indirect_dma semaphore(%arg11 : memref<!tpu.dma_semaphore, #tpu.memory_space<semaphore_mem>>) src(%dma_wait3A_263 : memref<10240x64xf32, #tpu.memory_space<vmem_shared>>) dst(%dma_wait3A_257 : memref<256x64xf32, #tpu.memory_space<vmem>>)
      %dma_wait3A_264 = arith.constant 1 : i32
      %dma_wait3A_265 = arith.constant 0 : i32
      %dma_wait3A_266 = arith.constant 0 : i32
      %dma_wait3A_267 = arith.constant 0 : i32
      %dma_wait3A_268 = tpu.memref_slice %arg8[%dma_wait3A_264, %dma_wait3A_266, %dma_wait3A_267] : memref<2x256x64xf32, #tpu.memory_space<vmem>> -> memref<1x256x64xf32, #tpu.memory_space<vmem>>
      %dma_wait3A_269 = tpu.memref_squeeze %dma_wait3A_268 : memref<1x256x64xf32, #tpu.memory_space<vmem>> -> memref<256x64xf32, #tpu.memory_space<vmem>>
      %dma_wait3A_270 = arith.constant 0 : i32
      %dma_wait3A_271 = tpu.memref_slice %arg7[%select_n3A_142, %dma_wait3A_265, %dma_wait3A_270] : memref<2x4x256xi32, #tpu.memory_space<vmem>> -> memref<1x1x256xi32, #tpu.memory_space<vmem>>
      %dma_wait3A_272 = tpu.memref_squeeze %dma_wait3A_271 : memref<1x1x256xi32, #tpu.memory_space<vmem>> -> memref<256xi32, #tpu.memory_space<vmem>>
      %dma_wait3A_273 = arith.constant 0 : i32
      %dma_wait3A_274 = arith.constant 0 : i32
      %dma_wait3A_275 = tpu.memref_slice %arg10[%dma_wait3A_273, %dma_wait3A_274] : memref<10240x64xf32, #tpu.memory_space<vmem_shared>> -> memref<10240x64xf32, #tpu.memory_space<vmem_shared>>
      tpu.wait_indirect_dma semaphore(%arg14 : memref<!tpu.dma_semaphore, #tpu.memory_space<semaphore_mem>>) src(%dma_wait3A_269 : memref<256x64xf32, #tpu.memory_space<vmem>>) dst(%dma_wait3A_275 : memref<10240x64xf32, #tpu.memory_space<vmem_shared>>)
      %dma_start3A_276 = arith.constant 3 : i32
      %dma_start3A_277 = arith.constant 1 : i32
      %dma_start3A_278 = arith.constant 0 : i32
      %dma_start3A_279 = arith.constant 0 : i32
      %dma_start3A_280 = tpu.memref_slice %arg8[%dma_start3A_277, %dma_start3A_278, %dma_start3A_279] : memref<2x256x64xf32, #tpu.memory_space<vmem>> -> memref<1x256x64xf32, #tpu.memory_space<vmem>>
      %dma_start3A_281 = tpu.memref_squeeze %dma_start3A_280 : memref<1x256x64xf32, #tpu.memory_space<vmem>> -> memref<256x64xf32, #tpu.memory_space<vmem>>
      %dma_start3A_282 = arith.constant 0 : i32
      %dma_start3A_283 = tpu.memref_slice %arg6[%select_n3A_142, %dma_start3A_276, %dma_start3A_282] : memref<2x4x256xi32, #tpu.memory_space<vmem>> -> memref<1x1x256xi32, #tpu.memory_space<vmem>>
      %dma_start3A_284 = tpu.memref_squeeze %dma_start3A_283 : memref<1x1x256xi32, #tpu.memory_space<vmem>> -> memref<256xi32, #tpu.memory_space<vmem>>
      %dma_start3A_285 = arith.constant 0 : i32
      %dma_start3A_286 = arith.constant 0 : i32
      %dma_start3A_287 = tpu.memref_slice %arg9[%dma_start3A_285, %dma_start3A_286] : memref<10240x64xf32, #tpu.memory_space<vmem_shared>> -> memref<10240x64xf32, #tpu.memory_space<vmem_shared>>
      tpu.enqueue_indirect_dma source(%dma_start3A_287 : memref<10240x64xf32, #tpu.memory_space<vmem_shared>>) target(%dma_start3A_281 : memref<256x64xf32, #tpu.memory_space<vmem>>) offsets(%dma_start3A_284 : memref<256xi32, #tpu.memory_space<vmem>>) semaphore(%arg12 : memref<!tpu.dma_semaphore, #tpu.memory_space<semaphore_mem>>)
      %dma_start3A_288 = arith.constant 0 : i32
      %dma_start3A_289 = arith.constant 2 : i32
      %dma_start3A_290 = arith.constant 0 : i32
      %dma_start3A_291 = arith.constant 0 : i32
      %dma_start3A_292 = tpu.memref_slice %arg8[%dma_start3A_288, %dma_start3A_290, %dma_start3A_291] : memref<2x256x64xf32, #tpu.memory_space<vmem>> -> memref<1x256x64xf32, #tpu.memory_space<vmem>>
      %dma_start3A_293 = tpu.memref_squeeze %dma_start3A_292 : memref<1x256x64xf32, #tpu.memory_space<vmem>> -> memref<256x64xf32, #tpu.memory_space<vmem>>
      %dma_start3A_294 = arith.constant 0 : i32
      %dma_start3A_295 = tpu.memref_slice %arg7[%select_n3A_142, %dma_start3A_289, %dma_start3A_294] : memref<2x4x256xi32, #tpu.memory_space<vmem>> -> memref<1x1x256xi32, #tpu.memory_space<vmem>>
      %dma_start3A_296 = tpu.memref_squeeze %dma_start3A_295 : memref<1x1x256xi32, #tpu.memory_space<vmem>> -> memref<256xi32, #tpu.memory_space<vmem>>
      %dma_start3A_297 = arith.constant 0 : i32
      %dma_start3A_298 = arith.constant 0 : i32
      %dma_start3A_299 = tpu.memref_slice %arg10[%dma_start3A_297, %dma_start3A_298] : memref<10240x64xf32, #tpu.memory_space<vmem_shared>> -> memref<10240x64xf32, #tpu.memory_space<vmem_shared>>
      tpu.enqueue_indirect_dma source(%dma_start3A_293 : memref<256x64xf32, #tpu.memory_space<vmem>>) target(%dma_start3A_299 : memref<10240x64xf32, #tpu.memory_space<vmem_shared>>) offsets(%dma_start3A_296 : memref<256xi32, #tpu.memory_space<vmem>>) semaphore(%arg13 : memref<!tpu.dma_semaphore, #tpu.memory_space<semaphore_mem>>) {add = true}
      %dma_wait3A_300 = arith.constant 3 : i32
      %dma_wait3A_301 = arith.constant 1 : i32
      %dma_wait3A_302 = arith.constant 0 : i32
      %dma_wait3A_303 = arith.constant 0 : i32
      %dma_wait3A_304 = tpu.memref_slice %arg8[%dma_wait3A_301, %dma_wait3A_302, %dma_wait3A_303] : memref<2x256x64xf32, #tpu.memory_space<vmem>> -> memref<1x256x64xf32, #tpu.memory_space<vmem>>
      %dma_wait3A_305 = tpu.memref_squeeze %dma_wait3A_304 : memref<1x256x64xf32, #tpu.memory_space<vmem>> -> memref<256x64xf32, #tpu.memory_space<vmem>>
      %dma_wait3A_306 = arith.constant 0 : i32
      %dma_wait3A_307 = tpu.memref_slice %arg6[%select_n3A_142, %dma_wait3A_300, %dma_wait3A_306] : memref<2x4x256xi32, #tpu.memory_space<vmem>> -> memref<1x1x256xi32, #tpu.memory_space<vmem>>
      %dma_wait3A_308 = tpu.memref_squeeze %dma_wait3A_307 : memref<1x1x256xi32, #tpu.memory_space<vmem>> -> memref<256xi32, #tpu.memory_space<vmem>>
      %dma_wait3A_309 = arith.constant 0 : i32
      %dma_wait3A_310 = arith.constant 0 : i32
      %dma_wait3A_311 = tpu.memref_slice %arg9[%dma_wait3A_309, %dma_wait3A_310] : memref<10240x64xf32, #tpu.memory_space<vmem_shared>> -> memref<10240x64xf32, #tpu.memory_space<vmem_shared>>
      tpu.wait_indirect_dma semaphore(%arg12 : memref<!tpu.dma_semaphore, #tpu.memory_space<semaphore_mem>>) src(%dma_wait3A_311 : memref<10240x64xf32, #tpu.memory_space<vmem_shared>>) dst(%dma_wait3A_305 : memref<256x64xf32, #tpu.memory_space<vmem>>)
      %dma_wait3A_312 = arith.constant 0 : i32
      %dma_wait3A_313 = arith.constant 0 : i32
      %dma_wait3A_314 = arith.constant 0 : i32
      %dma_wait3A_315 = arith.constant 0 : i32
      %dma_wait3A_316 = tpu.memref_slice %arg8[%dma_wait3A_312, %dma_wait3A_314, %dma_wait3A_315] : memref<2x256x64xf32, #tpu.memory_space<vmem>> -> memref<1x256x64xf32, #tpu.memory_space<vmem>>
      %dma_wait3A_317 = tpu.memref_squeeze %dma_wait3A_316 : memref<1x256x64xf32, #tpu.memory_space<vmem>> -> memref<256x64xf32, #tpu.memory_space<vmem>>
      %dma_wait3A_318 = arith.constant 0 : i32
      %dma_wait3A_319 = tpu.memref_slice %arg7[%select_n3A_142, %dma_wait3A_313, %dma_wait3A_318] : memref<2x4x256xi32, #tpu.memory_space<vmem>> -> memref<1x1x256xi32, #tpu.memory_space<vmem>>
      %dma_wait3A_320 = tpu.memref_squeeze %dma_wait3A_319 : memref<1x1x256xi32, #tpu.memory_space<vmem>> -> memref<256xi32, #tpu.memory_space<vmem>>
      %dma_wait3A_321 = arith.constant 0 : i32
      %dma_wait3A_322 = arith.constant 0 : i32
      %dma_wait3A_323 = tpu.memref_slice %arg10[%dma_wait3A_321, %dma_wait3A_322] : memref<10240x64xf32, #tpu.memory_space<vmem_shared>> -> memref<10240x64xf32, #tpu.memory_space<vmem_shared>>
      tpu.wait_indirect_dma semaphore(%arg13 : memref<!tpu.dma_semaphore, #tpu.memory_space<semaphore_mem>>) src(%dma_wait3A_317 : memref<256x64xf32, #tpu.memory_space<vmem>>) dst(%dma_wait3A_323 : memref<10240x64xf32, #tpu.memory_space<vmem_shared>>)
      %lt3A_324 = arith.constant 9 : i32
      %lt3A_325 = arith.cmpi slt, %scan3A_133, %lt3A_324 : i32
      %convert_element_type3A_326 = arith.extui %lt3A_325 : i1 to i32
      %cond3A_327 = arith.constant 0 : i32
      %cond3A_328 = arith.cmpi ne, %convert_element_type3A_326, %cond3A_327 : i32
      scf.if %cond3A_328 {
        %dma_wait3A_341 = arith.constant 0 : i32
        %dma_wait3A_342 = arith.constant 0 : i32
        %dma_wait3A_343 = tpu.memref_slice %arg6[%select_n3A_160, %dma_wait3A_341, %dma_wait3A_342] : memref<2x4x256xi32, #tpu.memory_space<vmem>> -> memref<1x4x256xi32, #tpu.memory_space<vmem>>
        %dma_wait3A_344 = tpu.memref_squeeze %dma_wait3A_343 : memref<1x4x256xi32, #tpu.memory_space<vmem>> -> memref<4x256xi32, #tpu.memory_space<vmem>>
        %dma_wait3A_345 = arith.constant 0 : i32
        %dma_wait3A_346 = arith.constant 0 : i32
        %dma_wait3A_347 = tpu.memref_slice %arg3[%dma_wait3A_345, %dma_wait3A_346] : memref<1280x256xi32, #tpu.memory_space<hbm>> -> memref<4x256xi32, #tpu.memory_space<hbm>>
        %dma_wait3A_348 = arith.constant 0 : i32
        %dma_wait3A_349 = arith.constant 0 : i32
        %dma_wait3A_350 = tpu.memref_slice %arg6[%select_n3A_160, %dma_wait3A_348, %dma_wait3A_349] : memref<2x4x256xi32, #tpu.memory_space<vmem>> -> memref<1x4x256xi32, #tpu.memory_space<vmem>>
        %dma_wait3A_351 = tpu.memref_squeeze %dma_wait3A_350 : memref<1x4x256xi32, #tpu.memory_space<vmem>> -> memref<4x256xi32, #tpu.memory_space<vmem>>
        %dma_wait3A_352 = arith.constant 0 : i32
        %dma_wait3A_353 = arith.constant 0 : i32
        %dma_wait3A_354 = tpu.memref_slice %arg3[%dma_wait3A_352, %dma_wait3A_353] : memref<1280x256xi32, #tpu.memory_space<hbm>> -> memref<4x256xi32, #tpu.memory_space<hbm>>
        tpu.wait_dma2 semaphore(%arg15 : memref<!tpu.dma_semaphore, #tpu.memory_space<semaphore_mem>>) src(%dma_wait3A_354 : memref<4x256xi32, #tpu.memory_space<hbm>>) dst(%dma_wait3A_351 : memref<4x256xi32, #tpu.memory_space<vmem>>)
        %dma_wait3A_355 = arith.constant 0 : i32
        %dma_wait3A_356 = arith.constant 0 : i32
        %dma_wait3A_357 = tpu.memref_slice %arg7[%select_n3A_160, %dma_wait3A_355, %dma_wait3A_356] : memref<2x4x256xi32, #tpu.memory_space<vmem>> -> memref<1x4x256xi32, #tpu.memory_space<vmem>>
        %dma_wait3A_358 = tpu.memref_squeeze %dma_wait3A_357 : memref<1x4x256xi32, #tpu.memory_space<vmem>> -> memref<4x256xi32, #tpu.memory_space<vmem>>
        %dma_wait3A_359 = arith.constant 0 : i32
        %dma_wait3A_360 = arith.constant 0 : i32
        %dma_wait3A_361 = tpu.memref_slice %arg4[%dma_wait3A_359, %dma_wait3A_360] : memref<1280x256xi32, #tpu.memory_space<hbm>> -> memref<4x256xi32, #tpu.memory_space<hbm>>
        %dma_wait3A_362 = arith.constant 0 : i32
        %dma_wait3A_363 = arith.constant 0 : i32
        %dma_wait3A_364 = tpu.memref_slice %arg7[%select_n3A_160, %dma_wait3A_362, %dma_wait3A_363] : memref<2x4x256xi32, #tpu.memory_space<vmem>> -> memref<1x4x256xi32, #tpu.memory_space<vmem>>
        %dma_wait3A_365 = tpu.memref_squeeze %dma_wait3A_364 : memref<1x4x256xi32, #tpu.memory_space<vmem>> -> memref<4x256xi32, #tpu.memory_space<vmem>>
        %dma_wait3A_366 = arith.constant 0 : i32
        %dma_wait3A_367 = arith.constant 0 : i32
        %dma_wait3A_368 = tpu.memref_slice %arg4[%dma_wait3A_366, %dma_wait3A_367] : memref<1280x256xi32, #tpu.memory_space<hbm>> -> memref<4x256xi32, #tpu.memory_space<hbm>>
        tpu.wait_dma2 semaphore(%arg16 : memref<!tpu.dma_semaphore, #tpu.memory_space<semaphore_mem>>) src(%dma_wait3A_368 : memref<4x256xi32, #tpu.memory_space<hbm>>) dst(%dma_wait3A_365 : memref<4x256xi32, #tpu.memory_space<vmem>>)
        %dma_start3A_369 = arith.constant 0 : i32
        %dma_start3A_370 = arith.constant 0 : i32
        %dma_start3A_371 = arith.constant 0 : i32
        %dma_start3A_372 = arith.constant 0 : i32
        %dma_start3A_373 = tpu.memref_slice %arg8[%dma_start3A_370, %dma_start3A_371, %dma_start3A_372] : memref<2x256x64xf32, #tpu.memory_space<vmem>> -> memref<1x256x64xf32, #tpu.memory_space<vmem>>
        %dma_start3A_374 = tpu.memref_squeeze %dma_start3A_373 : memref<1x256x64xf32, #tpu.memory_space<vmem>> -> memref<256x64xf32, #tpu.memory_space<vmem>>
        %dma_start3A_375 = arith.constant 0 : i32
        %dma_start3A_376 = tpu.memref_slice %arg6[%select_n3A_160, %dma_start3A_369, %dma_start3A_375] : memref<2x4x256xi32, #tpu.memory_space<vmem>> -> memref<1x1x256xi32, #tpu.memory_space<vmem>>
        %dma_start3A_377 = tpu.memref_squeeze %dma_start3A_376 : memref<1x1x256xi32, #tpu.memory_space<vmem>> -> memref<256xi32, #tpu.memory_space<vmem>>
        %dma_start3A_378 = arith.constant 0 : i32
        %dma_start3A_379 = arith.constant 0 : i32
        %dma_start3A_380 = tpu.memref_slice %arg9[%dma_start3A_378, %dma_start3A_379] : memref<10240x64xf32, #tpu.memory_space<vmem_shared>> -> memref<10240x64xf32, #tpu.memory_space<vmem_shared>>
        tpu.enqueue_indirect_dma source(%dma_start3A_380 : memref<10240x64xf32, #tpu.memory_space<vmem_shared>>) target(%dma_start3A_374 : memref<256x64xf32, #tpu.memory_space<vmem>>) offsets(%dma_start3A_377 : memref<256xi32, #tpu.memory_space<vmem>>) semaphore(%arg11 : memref<!tpu.dma_semaphore, #tpu.memory_space<semaphore_mem>>)
      } else {
      }
      %dma_start3A_329 = arith.constant 1 : i32
      %dma_start3A_330 = arith.constant 3 : i32
      %dma_start3A_331 = arith.constant 0 : i32
      %dma_start3A_332 = arith.constant 0 : i32
      %dma_start3A_333 = tpu.memref_slice %arg8[%dma_start3A_329, %dma_start3A_331, %dma_start3A_332] : memref<2x256x64xf32, #tpu.memory_space<vmem>> -> memref<1x256x64xf32, #tpu.memory_space<vmem>>
      %dma_start3A_334 = tpu.memref_squeeze %dma_start3A_333 : memref<1x256x64xf32, #tpu.memory_space<vmem>> -> memref<256x64xf32, #tpu.memory_space<vmem>>
      %dma_start3A_335 = arith.constant 0 : i32
      %dma_start3A_336 = tpu.memref_slice %arg7[%select_n3A_142, %dma_start3A_330, %dma_start3A_335] : memref<2x4x256xi32, #tpu.memory_space<vmem>> -> memref<1x1x256xi32, #tpu.memory_space<vmem>>
      %dma_start3A_337 = tpu.memref_squeeze %dma_start3A_336 : memref<1x1x256xi32, #tpu.memory_space<vmem>> -> memref<256xi32, #tpu.memory_space<vmem>>
      %dma_start3A_338 = arith.constant 0 : i32
      %dma_start3A_339 = arith.constant 0 : i32
      %dma_start3A_340 = tpu.memref_slice %arg10[%dma_start3A_338, %dma_start3A_339] : memref<10240x64xf32, #tpu.memory_space<vmem_shared>> -> memref<10240x64xf32, #tpu.memory_space<vmem_shared>>
      tpu.enqueue_indirect_dma source(%dma_start3A_334 : memref<256x64xf32, #tpu.memory_space<vmem>>) target(%dma_start3A_340 : memref<10240x64xf32, #tpu.memory_space<vmem_shared>>) offsets(%dma_start3A_337 : memref<256xi32, #tpu.memory_space<vmem>>) semaphore(%arg14 : memref<!tpu.dma_semaphore, #tpu.memory_space<semaphore_mem>>) {add = true}
    }
    %scan3A_47 = arith.constant 10 : i32
    %dma_wait3A = arith.constant 1 : i32
    %dma_wait3A_48 = arith.constant 0 : i32
    %dma_wait3A_49 = arith.constant 0 : i32
    %dma_wait3A_50 = arith.constant 0 : i32
    %dma_wait3A_51 = arith.constant 0 : i32
    %dma_wait3A_52 = tpu.memref_slice %arg8[%dma_wait3A, %dma_wait3A_50, %dma_wait3A_51] : memref<2x256x64xf32, #tpu.memory_space<vmem>> -> memref<1x256x64xf32, #tpu.memory_space<vmem>>
    %dma_wait3A_53 = tpu.memref_squeeze %dma_wait3A_52 : memref<1x256x64xf32, #tpu.memory_space<vmem>> -> memref<256x64xf32, #tpu.memory_space<vmem>>
    %dma_wait3A_54 = arith.constant 0 : i32
    %dma_wait3A_55 = tpu.memref_slice %arg7[%dma_wait3A_48, %dma_wait3A_49, %dma_wait3A_54] : memref<2x4x256xi32, #tpu.memory_space<vmem>> -> memref<1x1x256xi32, #tpu.memory_space<vmem>>
    %dma_wait3A_56 = tpu.memref_squeeze %dma_wait3A_55 : memref<1x1x256xi32, #tpu.memory_space<vmem>> -> memref<256xi32, #tpu.memory_space<vmem>>
    %dma_wait3A_57 = arith.constant 0 : i32
    %dma_wait3A_58 = arith.constant 0 : i32
    %dma_wait3A_59 = tpu.memref_slice %arg10[%dma_wait3A_57, %dma_wait3A_58] : memref<10240x64xf32, #tpu.memory_space<vmem_shared>> -> memref<10240x64xf32, #tpu.memory_space<vmem_shared>>
    tpu.wait_indirect_dma semaphore(%arg14 : memref<!tpu.dma_semaphore, #tpu.memory_space<semaphore_mem>>) src(%dma_wait3A_53 : memref<256x64xf32, #tpu.memory_space<vmem>>) dst(%dma_wait3A_59 : memref<10240x64xf32, #tpu.memory_space<vmem_shared>>)
    %barrier3A_60 = arith.constant 0 : index
    tpu.barrier barrier_id(%barrier3A_60)
    %mul3A_61 = arith.constant 640 : i32
    %mul3A_62 = arith.muli %arg1, %mul3A_61 : i32
    %mul3A_63 = arith.constant 640 : i32
    %mul3A_64 = arith.muli %arg1, %mul3A_63 : i32
    %run_scoped3A_65 = arith.constant 0 : i32
    "tpu.region"() ({
      %run_scoped3A_133 = tpu.sem_alloc : memref<!tpu.dma_semaphore, #tpu.memory_space<semaphore_mem>>
      %dma_start3A_134 = arith.constant 0 : i32
      %dma_start3A_135 = tpu.memref_slice %arg5[%arg0, %run_scoped3A_65, %mul3A_64, %dma_start3A_134] : memref<2x2x10240x64xf32, #tpu.memory_space<hbm>> -> memref<1x1x640x64xf32, #tpu.memory_space<hbm>>
      %dma_start3A_136 = tpu.memref_squeeze %dma_start3A_135 : memref<1x1x640x64xf32, #tpu.memory_space<hbm>> -> memref<640x64xf32, #tpu.memory_space<hbm>>
      %dma_start3A_137 = arith.constant 0 : i32
      %dma_start3A_138 = tpu.memref_slice %arg10[%mul3A_62, %dma_start3A_137] : memref<10240x64xf32, #tpu.memory_space<vmem_shared>> -> memref<640x64xf32, #tpu.memory_space<vmem_shared>>
      tpu.enqueue_dma source(%dma_start3A_138 : memref<640x64xf32, #tpu.memory_space<vmem_shared>>) target(%dma_start3A_136 : memref<640x64xf32, #tpu.memory_space<hbm>>) target_semaphore(%run_scoped3A_133 : memref<!tpu.dma_semaphore, #tpu.memory_space<semaphore_mem>>)
      %dma_wait3A_139 = arith.constant 0 : i32
      %dma_wait3A_140 = tpu.memref_slice %arg5[%arg0, %run_scoped3A_65, %mul3A_64, %dma_wait3A_139] : memref<2x2x10240x64xf32, #tpu.memory_space<hbm>> -> memref<1x1x640x64xf32, #tpu.memory_space<hbm>>
      %dma_wait3A_141 = tpu.memref_squeeze %dma_wait3A_140 : memref<1x1x640x64xf32, #tpu.memory_space<hbm>> -> memref<640x64xf32, #tpu.memory_space<hbm>>
      %dma_wait3A_142 = arith.constant 0 : i32
      %dma_wait3A_143 = tpu.memref_slice %arg10[%mul3A_62, %dma_wait3A_142] : memref<10240x64xf32, #tpu.memory_space<vmem_shared>> -> memref<640x64xf32, #tpu.memory_space<vmem_shared>>
      tpu.wait_dma2 semaphore(%run_scoped3A_133 : memref<!tpu.dma_semaphore, #tpu.memory_space<semaphore_mem>>) src(%dma_wait3A_143 : memref<640x64xf32, #tpu.memory_space<vmem_shared>>) dst(%dma_wait3A_141 : memref<640x64xf32, #tpu.memory_space<hbm>>)
      tpu.yield
    }) : () -> ()
    %mul3A_66 = arith.constant 640 : i32
    %mul3A_67 = arith.muli %arg1, %mul3A_66 : i32
    %mul3A_68 = arith.constant 640 : i32
    %mul3A_69 = arith.muli %arg1, %mul3A_68 : i32
    %run_scoped3A_70 = arith.constant 1 : i32
    "tpu.region"() ({
      %run_scoped3A_133 = tpu.sem_alloc : memref<!tpu.dma_semaphore, #tpu.memory_space<semaphore_mem>>
      %dma_start3A_134 = arith.constant 0 : i32
      %dma_start3A_135 = tpu.memref_slice %arg9[%mul3A_69, %dma_start3A_134] : memref<10240x64xf32, #tpu.memory_space<vmem_shared>> -> memref<640x64xf32, #tpu.memory_space<vmem_shared>>
      %dma_start3A_136 = arith.constant 0 : i32
      %dma_start3A_137 = tpu.memref_slice %arg2[%run_scoped3A_70, %mul3A_67, %dma_start3A_136] : memref<2x10240x64xf32, #tpu.memory_space<hbm>> -> memref<1x640x64xf32, #tpu.memory_space<hbm>>
      %dma_start3A_138 = tpu.memref_squeeze %dma_start3A_137 : memref<1x640x64xf32, #tpu.memory_space<hbm>> -> memref<640x64xf32, #tpu.memory_space<hbm>>
      tpu.enqueue_dma source(%dma_start3A_138 : memref<640x64xf32, #tpu.memory_space<hbm>>) target(%dma_start3A_135 : memref<640x64xf32, #tpu.memory_space<vmem_shared>>) target_semaphore(%run_scoped3A_133 : memref<!tpu.dma_semaphore, #tpu.memory_space<semaphore_mem>>)
      %dma_wait3A_139 = arith.constant 0 : i32
      %dma_wait3A_140 = tpu.memref_slice %arg9[%mul3A_69, %dma_wait3A_139] : memref<10240x64xf32, #tpu.memory_space<vmem_shared>> -> memref<640x64xf32, #tpu.memory_space<vmem_shared>>
      %dma_wait3A_141 = arith.constant 0 : i32
      %dma_wait3A_142 = tpu.memref_slice %arg2[%run_scoped3A_70, %mul3A_67, %dma_wait3A_141] : memref<2x10240x64xf32, #tpu.memory_space<hbm>> -> memref<1x640x64xf32, #tpu.memory_space<hbm>>
      %dma_wait3A_143 = tpu.memref_squeeze %dma_wait3A_142 : memref<1x640x64xf32, #tpu.memory_space<hbm>> -> memref<640x64xf32, #tpu.memory_space<hbm>>
      tpu.wait_dma2 semaphore(%run_scoped3A_133 : memref<!tpu.dma_semaphore, #tpu.memory_space<semaphore_mem>>) src(%dma_wait3A_143 : memref<640x64xf32, #tpu.memory_space<hbm>>) dst(%dma_wait3A_140 : memref<640x64xf32, #tpu.memory_space<vmem_shared>>)
      tpu.yield
    }) : () -> ()
    %scan3A_71 = arith.constant 0 : i32
    %scan3A_72 = arith.constant 0 : i32
    %scan3A_73 = arith.constant 256 : i32
    %scan3A_74 = arith.addi %scan3A_72, %scan3A_73 : i32
    %scan3A_75 = arith.constant 1 : i32
    scf.for %scan3A_133 = %scan3A_72 to %scan3A_74 step %scan3A_75  : i32 {
      %swap3A = arith.constant 0 : i32
      %swap3A_134 = arith.index_cast %swap3A : i32 to index
      %swap3A_135 = arith.index_cast %scan3A_133 : i32 to index
      %swap3A_136 = arith.constant 0 : index
      %swap3A_137 = tpu.vector_load %arg8[%swap3A_134, %swap3A_135, %swap3A_136] {strides = array<i32>} : memref<2x256x64xf32, #tpu.memory_space<vmem>>, vector<1x1x16xf32>,
      %swap3A_138 = vector.shape_cast %swap3A_137 : vector<1x1x16xf32> to vector<16xf32>
      %swap3A_139 = vector.shape_cast %broadcast_in_dim3A_3 : vector<16xf32> to vector<1x1x16xf32>
      tpu.vector_store %arg8[%swap3A_134, %swap3A_135, %swap3A_136], %swap3A_139 {strides = array<i32>} : memref<2x256x64xf32, #tpu.memory_space<vmem>>, vector<1x1x16xf32>,
      %swap3A_140 = arith.constant 0 : i32
      %swap3A_141 = arith.index_cast %swap3A_140 : i32 to index
      %swap3A_142 = arith.index_cast %scan3A_133 : i32 to index
      %swap3A_143 = arith.constant 16 : index
      %swap3A_144 = tpu.vector_load %arg8[%swap3A_141, %swap3A_142, %swap3A_143] {strides = array<i32>} : memref<2x256x64xf32, #tpu.memory_space<vmem>>, vector<1x1x16xf32>,
      %swap3A_145 = vector.shape_cast %swap3A_144 : vector<1x1x16xf32> to vector<16xf32>
      %swap3A_146 = vector.shape_cast %broadcast_in_dim3A_3 : vector<16xf32> to vector<1x1x16xf32>
      tpu.vector_store %arg8[%swap3A_141, %swap3A_142, %swap3A_143], %swap3A_146 {strides = array<i32>} : memref<2x256x64xf32, #tpu.memory_space<vmem>>, vector<1x1x16xf32>,
      %swap3A_147 = arith.constant 0 : i32
      %swap3A_148 = arith.index_cast %swap3A_147 : i32 to index
      %swap3A_149 = arith.index_cast %scan3A_133 : i32 to index
      %swap3A_150 = arith.constant 32 : index
      %swap3A_151 = tpu.vector_load %arg8[%swap3A_148, %swap3A_149, %swap3A_150] {strides = array<i32>} : memref<2x256x64xf32, #tpu.memory_space<vmem>>, vector<1x1x16xf32>,
      %swap3A_152 = vector.shape_cast %swap3A_151 : vector<1x1x16xf32> to vector<16xf32>
      %swap3A_153 = vector.shape_cast %broadcast_in_dim3A_3 : vector<16xf32> to vector<1x1x16xf32>
      tpu.vector_store %arg8[%swap3A_148, %swap3A_149, %swap3A_150], %swap3A_153 {strides = array<i32>} : memref<2x256x64xf32, #tpu.memory_space<vmem>>, vector<1x1x16xf32>,
      %swap3A_154 = arith.constant 0 : i32
      %swap3A_155 = arith.index_cast %swap3A_154 : i32 to index
      %swap3A_156 = arith.index_cast %scan3A_133 : i32 to index
      %swap3A_157 = arith.constant 48 : index
      %swap3A_158 = tpu.vector_load %arg8[%swap3A_155, %swap3A_156, %swap3A_157] {strides = array<i32>} : memref<2x256x64xf32, #tpu.memory_space<vmem>>, vector<1x1x16xf32>,
      %swap3A_159 = vector.shape_cast %swap3A_158 : vector<1x1x16xf32> to vector<16xf32>
      %swap3A_160 = vector.shape_cast %broadcast_in_dim3A_3 : vector<16xf32> to vector<1x1x16xf32>
      tpu.vector_store %arg8[%swap3A_155, %swap3A_156, %swap3A_157], %swap3A_160 {strides = array<i32>} : memref<2x256x64xf32, #tpu.memory_space<vmem>>, vector<1x1x16xf32>,
    }
    %scan3A_76 = arith.constant 256 : i32
    %mul3A_77 = arith.constant 640 : i32
    %mul3A_78 = arith.muli %arg1, %mul3A_77 : i32
    %add3A_79 = arith.constant 0 : i32
    %add3A_80 = arith.addi %mul3A_78, %add3A_79 : i32
    %run_scoped3A_81 = arith.constant 0 : i32
    "tpu.region"() ({
      %run_scoped3A_133 = tpu.sem_alloc : memref<!tpu.dma_semaphore, #tpu.memory_space<semaphore_mem>>
      %dma_start3A_134 = arith.constant 0 : i32
      %dma_start3A_135 = arith.constant 0 : i32
      %dma_start3A_136 = tpu.memref_slice %arg8[%run_scoped3A_81, %dma_start3A_134, %dma_start3A_135] : memref<2x256x64xf32, #tpu.memory_space<vmem>> -> memref<1x256x64xf32, #tpu.memory_space<vmem>>
      %dma_start3A_137 = tpu.memref_squeeze %dma_start3A_136 : memref<1x256x64xf32, #tpu.memory_space<vmem>> -> memref<256x64xf32, #tpu.memory_space<vmem>>
      %dma_start3A_138 = arith.constant 0 : i32
      %dma_start3A_139 = tpu.memref_slice %arg10[%add3A_80, %dma_start3A_138] : memref<10240x64xf32, #tpu.memory_space<vmem_shared>> -> memref<256x64xf32, #tpu.memory_space<vmem_shared>>
      %dma_start3A_140 = arith.constant 0 : i32
      %dma_start3A_141 = tpu.memref_slice %arg10[%add3A_80, %dma_start3A_140] : memref<10240x64xf32, #tpu.memory_space<vmem_shared>> -> memref<256x64xf32, #tpu.memory_space<vmem_shared>>
      %dma_start3A_142 = arith.constant 0 : i32
      %dma_start3A_143 = arith.constant 0 : i32
      %dma_start3A_144 = tpu.memref_slice %arg8[%run_scoped3A_81, %dma_start3A_142, %dma_start3A_143] : memref<2x256x64xf32, #tpu.memory_space<vmem>> -> memref<1x256x64xf32, #tpu.memory_space<vmem>>
      %dma_start3A_145 = tpu.memref_squeeze %dma_start3A_144 : memref<1x256x64xf32, #tpu.memory_space<vmem>> -> memref<256x64xf32, #tpu.memory_space<vmem>>
      tpu.enqueue_dma source(%dma_start3A_145 : memref<256x64xf32, #tpu.memory_space<vmem>>) target(%dma_start3A_141 : memref<256x64xf32, #tpu.memory_space<vmem_shared>>) target_semaphore(%run_scoped3A_133 : memref<!tpu.dma_semaphore, #tpu.memory_space<semaphore_mem>>)
      %dma_wait3A_146 = arith.constant 0 : i32
      %dma_wait3A_147 = arith.constant 0 : i32
      %dma_wait3A_148 = tpu.memref_slice %arg8[%run_scoped3A_81, %dma_wait3A_146, %dma_wait3A_147] : memref<2x256x64xf32, #tpu.memory_space<vmem>> -> memref<1x256x64xf32, #tpu.memory_space<vmem>>
      %dma_wait3A_149 = tpu.memref_squeeze %dma_wait3A_148 : memref<1x256x64xf32, #tpu.memory_space<vmem>> -> memref<256x64xf32, #tpu.memory_space<vmem>>
      %dma_wait3A_150 = arith.constant 0 : i32
      %dma_wait3A_151 = tpu.memref_slice %arg10[%add3A_80, %dma_wait3A_150] : memref<10240x64xf32, #tpu.memory_space<vmem_shared>> -> memref<256x64xf32, #tpu.memory_space<vmem_shared>>
      %dma_wait3A_152 = arith.constant 0 : i32
      %dma_wait3A_153 = tpu.memref_slice %arg10[%add3A_80, %dma_wait3A_152] : memref<10240x64xf32, #tpu.memory_space<vmem_shared>> -> memref<256x64xf32, #tpu.memory_space<vmem_shared>>
      %dma_wait3A_154 = arith.constant 0 : i32
      %dma_wait3A_155 = arith.constant 0 : i32
      %dma_wait3A_156 = tpu.memref_slice %arg8[%run_scoped3A_81, %dma_wait3A_154, %dma_wait3A_155] : memref<2x256x64xf32, #tpu.memory_space<vmem>> -> memref<1x256x64xf32, #tpu.memory_space<vmem>>
      %dma_wait3A_157 = tpu.memref_squeeze %dma_wait3A_156 : memref<1x256x64xf32, #tpu.memory_space<vmem>> -> memref<256x64xf32, #tpu.memory_space<vmem>>
      tpu.wait_dma2 semaphore(%run_scoped3A_133 : memref<!tpu.dma_semaphore, #tpu.memory_space<semaphore_mem>>) src(%dma_wait3A_157 : memref<256x64xf32, #tpu.memory_space<vmem>>) dst(%dma_wait3A_153 : memref<256x64xf32, #tpu.memory_space<vmem_shared>>)
      tpu.yield
    }) : () -> ()
    %mul3A_82 = arith.constant 640 : i32
    %mul3A_83 = arith.muli %arg1, %mul3A_82 : i32
    %add3A_84 = arith.constant 256 : i32
    %add3A_85 = arith.addi %mul3A_83, %add3A_84 : i32
    %run_scoped3A_86 = arith.constant 0 : i32
    "tpu.region"() ({
      %run_scoped3A_133 = tpu.sem_alloc : memref<!tpu.dma_semaphore, #tpu.memory_space<semaphore_mem>>
      %dma_start3A_134 = arith.constant 0 : i32
      %dma_start3A_135 = arith.constant 0 : i32
      %dma_start3A_136 = tpu.memref_slice %arg8[%run_scoped3A_86, %dma_start3A_134, %dma_start3A_135] : memref<2x256x64xf32, #tpu.memory_space<vmem>> -> memref<1x256x64xf32, #tpu.memory_space<vmem>>
      %dma_start3A_137 = tpu.memref_squeeze %dma_start3A_136 : memref<1x256x64xf32, #tpu.memory_space<vmem>> -> memref<256x64xf32, #tpu.memory_space<vmem>>
      %dma_start3A_138 = arith.constant 0 : i32
      %dma_start3A_139 = tpu.memref_slice %arg10[%add3A_85, %dma_start3A_138] : memref<10240x64xf32, #tpu.memory_space<vmem_shared>> -> memref<256x64xf32, #tpu.memory_space<vmem_shared>>
      %dma_start3A_140 = arith.constant 0 : i32
      %dma_start3A_141 = tpu.memref_slice %arg10[%add3A_85, %dma_start3A_140] : memref<10240x64xf32, #tpu.memory_space<vmem_shared>> -> memref<256x64xf32, #tpu.memory_space<vmem_shared>>
      %dma_start3A_142 = arith.constant 0 : i32
      %dma_start3A_143 = arith.constant 0 : i32
      %dma_start3A_144 = tpu.memref_slice %arg8[%run_scoped3A_86, %dma_start3A_142, %dma_start3A_143] : memref<2x256x64xf32, #tpu.memory_space<vmem>> -> memref<1x256x64xf32, #tpu.memory_space<vmem>>
      %dma_start3A_145 = tpu.memref_squeeze %dma_start3A_144 : memref<1x256x64xf32, #tpu.memory_space<vmem>> -> memref<256x64xf32, #tpu.memory_space<vmem>>
      tpu.enqueue_dma source(%dma_start3A_145 : memref<256x64xf32, #tpu.memory_space<vmem>>) target(%dma_start3A_141 : memref<256x64xf32, #tpu.memory_space<vmem_shared>>) target_semaphore(%run_scoped3A_133 : memref<!tpu.dma_semaphore, #tpu.memory_space<semaphore_mem>>)
      %dma_wait3A_146 = arith.constant 0 : i32
      %dma_wait3A_147 = arith.constant 0 : i32
      %dma_wait3A_148 = tpu.memref_slice %arg8[%run_scoped3A_86, %dma_wait3A_146, %dma_wait3A_147] : memref<2x256x64xf32, #tpu.memory_space<vmem>> -> memref<1x256x64xf32, #tpu.memory_space<vmem>>
      %dma_wait3A_149 = tpu.memref_squeeze %dma_wait3A_148 : memref<1x256x64xf32, #tpu.memory_space<vmem>> -> memref<256x64xf32, #tpu.memory_space<vmem>>
      %dma_wait3A_150 = arith.constant 0 : i32
      %dma_wait3A_151 = tpu.memref_slice %arg10[%add3A_85, %dma_wait3A_150] : memref<10240x64xf32, #tpu.memory_space<vmem_shared>> -> memref<256x64xf32, #tpu.memory_space<vmem_shared>>
      %dma_wait3A_152 = arith.constant 0 : i32
      %dma_wait3A_153 = tpu.memref_slice %arg10[%add3A_85, %dma_wait3A_152] : memref<10240x64xf32, #tpu.memory_space<vmem_shared>> -> memref<256x64xf32, #tpu.memory_space<vmem_shared>>
      %dma_wait3A_154 = arith.constant 0 : i32
      %dma_wait3A_155 = arith.constant 0 : i32
      %dma_wait3A_156 = tpu.memref_slice %arg8[%run_scoped3A_86, %dma_wait3A_154, %dma_wait3A_155] : memref<2x256x64xf32, #tpu.memory_space<vmem>> -> memref<1x256x64xf32, #tpu.memory_space<vmem>>
      %dma_wait3A_157 = tpu.memref_squeeze %dma_wait3A_156 : memref<1x256x64xf32, #tpu.memory_space<vmem>> -> memref<256x64xf32, #tpu.memory_space<vmem>>
      tpu.wait_dma2 semaphore(%run_scoped3A_133 : memref<!tpu.dma_semaphore, #tpu.memory_space<semaphore_mem>>) src(%dma_wait3A_157 : memref<256x64xf32, #tpu.memory_space<vmem>>) dst(%dma_wait3A_153 : memref<256x64xf32, #tpu.memory_space<vmem_shared>>)
      tpu.yield
    }) : () -> ()
    %mul3A_87 = arith.constant 640 : i32
    %mul3A_88 = arith.muli %arg1, %mul3A_87 : i32
    %add3A_89 = arith.constant 512 : i32
    %add3A_90 = arith.addi %mul3A_88, %add3A_89 : i32
    %run_scoped3A_91 = arith.constant 0 : i32
    "tpu.region"() ({
      %run_scoped3A_133 = tpu.sem_alloc : memref<!tpu.dma_semaphore, #tpu.memory_space<semaphore_mem>>
      %dma_start3A_134 = arith.constant 0 : i32
      %dma_start3A_135 = arith.constant 0 : i32
      %dma_start3A_136 = tpu.memref_slice %arg8[%run_scoped3A_91, %dma_start3A_134, %dma_start3A_135] : memref<2x256x64xf32, #tpu.memory_space<vmem>> -> memref<1x128x64xf32, #tpu.memory_space<vmem>>
      %dma_start3A_137 = tpu.memref_squeeze %dma_start3A_136 : memref<1x128x64xf32, #tpu.memory_space<vmem>> -> memref<128x64xf32, #tpu.memory_space<vmem>>
      %dma_start3A_138 = arith.constant 0 : i32
      %dma_start3A_139 = tpu.memref_slice %arg10[%add3A_90, %dma_start3A_138] : memref<10240x64xf32, #tpu.memory_space<vmem_shared>> -> memref<128x64xf32, #tpu.memory_space<vmem_shared>>
      %dma_start3A_140 = arith.constant 0 : i32
      %dma_start3A_141 = tpu.memref_slice %arg10[%add3A_90, %dma_start3A_140] : memref<10240x64xf32, #tpu.memory_space<vmem_shared>> -> memref<128x64xf32, #tpu.memory_space<vmem_shared>>
      %dma_start3A_142 = arith.constant 0 : i32
      %dma_start3A_143 = arith.constant 0 : i32
      %dma_start3A_144 = tpu.memref_slice %arg8[%run_scoped3A_91, %dma_start3A_142, %dma_start3A_143] : memref<2x256x64xf32, #tpu.memory_space<vmem>> -> memref<1x128x64xf32, #tpu.memory_space<vmem>>
      %dma_start3A_145 = tpu.memref_squeeze %dma_start3A_144 : memref<1x128x64xf32, #tpu.memory_space<vmem>> -> memref<128x64xf32, #tpu.memory_space<vmem>>
      tpu.enqueue_dma source(%dma_start3A_145 : memref<128x64xf32, #tpu.memory_space<vmem>>) target(%dma_start3A_141 : memref<128x64xf32, #tpu.memory_space<vmem_shared>>) target_semaphore(%run_scoped3A_133 : memref<!tpu.dma_semaphore, #tpu.memory_space<semaphore_mem>>)
      %dma_wait3A_146 = arith.constant 0 : i32
      %dma_wait3A_147 = arith.constant 0 : i32
      %dma_wait3A_148 = tpu.memref_slice %arg8[%run_scoped3A_91, %dma_wait3A_146, %dma_wait3A_147] : memref<2x256x64xf32, #tpu.memory_space<vmem>> -> memref<1x128x64xf32, #tpu.memory_space<vmem>>
      %dma_wait3A_149 = tpu.memref_squeeze %dma_wait3A_148 : memref<1x128x64xf32, #tpu.memory_space<vmem>> -> memref<128x64xf32, #tpu.memory_space<vmem>>
      %dma_wait3A_150 = arith.constant 0 : i32
      %dma_wait3A_151 = tpu.memref_slice %arg10[%add3A_90, %dma_wait3A_150] : memref<10240x64xf32, #tpu.memory_space<vmem_shared>> -> memref<128x64xf32, #tpu.memory_space<vmem_shared>>
      %dma_wait3A_152 = arith.constant 0 : i32
      %dma_wait3A_153 = tpu.memref_slice %arg10[%add3A_90, %dma_wait3A_152] : memref<10240x64xf32, #tpu.memory_space<vmem_shared>> -> memref<128x64xf32, #tpu.memory_space<vmem_shared>>
      %dma_wait3A_154 = arith.constant 0 : i32
      %dma_wait3A_155 = arith.constant 0 : i32
      %dma_wait3A_156 = tpu.memref_slice %arg8[%run_scoped3A_91, %dma_wait3A_154, %dma_wait3A_155] : memref<2x256x64xf32, #tpu.memory_space<vmem>> -> memref<1x128x64xf32, #tpu.memory_space<vmem>>
      %dma_wait3A_157 = tpu.memref_squeeze %dma_wait3A_156 : memref<1x128x64xf32, #tpu.memory_space<vmem>> -> memref<128x64xf32, #tpu.memory_space<vmem>>
      tpu.wait_dma2 semaphore(%run_scoped3A_133 : memref<!tpu.dma_semaphore, #tpu.memory_space<semaphore_mem>>) src(%dma_wait3A_157 : memref<128x64xf32, #tpu.memory_space<vmem>>) dst(%dma_wait3A_153 : memref<128x64xf32, #tpu.memory_space<vmem_shared>>)
      tpu.yield
    }) : () -> ()
    %run_scoped3A_92 = arith.constant 0 : i32
    "tpu.region"() ({
      %run_scoped3A_133 = tpu.sem_alloc : memref<!tpu.dma_semaphore, #tpu.memory_space<semaphore_mem>>
      %dma_start3A_134 = arith.constant 0 : i32
      %dma_start3A_135 = arith.constant 0 : i32
      %dma_start3A_136 = tpu.memref_slice %arg6[%run_scoped3A_92, %dma_start3A_134, %dma_start3A_135] : memref<2x4x256xi32, #tpu.memory_space<vmem>> -> memref<1x4x256xi32, #tpu.memory_space<vmem>>
      %dma_start3A_137 = tpu.memref_squeeze %dma_start3A_136 : memref<1x4x256xi32, #tpu.memory_space<vmem>> -> memref<4x256xi32, #tpu.memory_space<vmem>>
      %dma_start3A_138 = arith.constant 0 : i32
      %dma_start3A_139 = tpu.memref_slice %arg3[%mul3A_2, %dma_start3A_138] : memref<1280x256xi32, #tpu.memory_space<hbm>> -> memref<4x256xi32, #tpu.memory_space<hbm>>
      %dma_start3A_140 = arith.constant 0 : i32
      %dma_start3A_141 = arith.constant 0 : i32
      %dma_start3A_142 = tpu.memref_slice %arg6[%run_scoped3A_92, %dma_start3A_140, %dma_start3A_141] : memref<2x4x256xi32, #tpu.memory_space<vmem>> -> memref<1x4x256xi32, #tpu.memory_space<vmem>>
      %dma_start3A_143 = tpu.memref_squeeze %dma_start3A_142 : memref<1x4x256xi32, #tpu.memory_space<vmem>> -> memref<4x256xi32, #tpu.memory_space<vmem>>
      %dma_start3A_144 = arith.constant 0 : i32
      %dma_start3A_145 = tpu.memref_slice %arg3[%mul3A_2, %dma_start3A_144] : memref<1280x256xi32, #tpu.memory_space<hbm>> -> memref<4x256xi32, #tpu.memory_space<hbm>>
      tpu.enqueue_dma source(%dma_start3A_145 : memref<4x256xi32, #tpu.memory_space<hbm>>) target(%dma_start3A_143 : memref<4x256xi32, #tpu.memory_space<vmem>>) target_semaphore(%run_scoped3A_133 : memref<!tpu.dma_semaphore, #tpu.memory_space<semaphore_mem>>)
      %dma_wait3A_146 = arith.constant 0 : i32
      %dma_wait3A_147 = arith.constant 0 : i32
      %dma_wait3A_148 = tpu.memref_slice %arg6[%run_scoped3A_92, %dma_wait3A_146, %dma_wait3A_147] : memref<2x4x256xi32, #tpu.memory_space<vmem>> -> memref<1x4x256xi32, #tpu.memory_space<vmem>>
      %dma_wait3A_149 = tpu.memref_squeeze %dma_wait3A_148 : memref<1x4x256xi32, #tpu.memory_space<vmem>> -> memref<4x256xi32, #tpu.memory_space<vmem>>
      %dma_wait3A_150 = arith.constant 0 : i32
      %dma_wait3A_151 = tpu.memref_slice %arg3[%mul3A_2, %dma_wait3A_150] : memref<1280x256xi32, #tpu.memory_space<hbm>> -> memref<4x256xi32, #tpu.memory_space<hbm>>
      %dma_wait3A_152 = arith.constant 0 : i32
      %dma_wait3A_153 = arith.constant 0 : i32
      %dma_wait3A_154 = tpu.memref_slice %arg6[%run_scoped3A_92, %dma_wait3A_152, %dma_wait3A_153] : memref<2x4x256xi32, #tpu.memory_space<vmem>> -> memref<1x4x256xi32, #tpu.memory_space<vmem>>
      %dma_wait3A_155 = tpu.memref_squeeze %dma_wait3A_154 : memref<1x4x256xi32, #tpu.memory_space<vmem>> -> memref<4x256xi32, #tpu.memory_space<vmem>>
      %dma_wait3A_156 = arith.constant 0 : i32
      %dma_wait3A_157 = tpu.memref_slice %arg3[%mul3A_2, %dma_wait3A_156] : memref<1280x256xi32, #tpu.memory_space<hbm>> -> memref<4x256xi32, #tpu.memory_space<hbm>>
      tpu.wait_dma2 semaphore(%run_scoped3A_133 : memref<!tpu.dma_semaphore, #tpu.memory_space<semaphore_mem>>) src(%dma_wait3A_157 : memref<4x256xi32, #tpu.memory_space<hbm>>) dst(%dma_wait3A_155 : memref<4x256xi32, #tpu.memory_space<vmem>>)
      tpu.yield
    }) : () -> ()
    %run_scoped3A_93 = arith.constant 0 : i32
    "tpu.region"() ({
      %run_scoped3A_133 = tpu.sem_alloc : memref<!tpu.dma_semaphore, #tpu.memory_space<semaphore_mem>>
      %dma_start3A_134 = arith.constant 0 : i32
      %dma_start3A_135 = arith.constant 0 : i32
      %dma_start3A_136 = tpu.memref_slice %arg7[%run_scoped3A_93, %dma_start3A_134, %dma_start3A_135] : memref<2x4x256xi32, #tpu.memory_space<vmem>> -> memref<1x4x256xi32, #tpu.memory_space<vmem>>
      %dma_start3A_137 = tpu.memref_squeeze %dma_start3A_136 : memref<1x4x256xi32, #tpu.memory_space<vmem>> -> memref<4x256xi32, #tpu.memory_space<vmem>>
      %dma_start3A_138 = arith.constant 0 : i32
      %dma_start3A_139 = tpu.memref_slice %arg4[%mul3A_2, %dma_start3A_138] : memref<1280x256xi32, #tpu.memory_space<hbm>> -> memref<4x256xi32, #tpu.memory_space<hbm>>
      %dma_start3A_140 = arith.constant 0 : i32
      %dma_start3A_141 = arith.constant 0 : i32
      %dma_start3A_142 = tpu.memref_slice %arg7[%run_scoped3A_93, %dma_start3A_140, %dma_start3A_141] : memref<2x4x256xi32, #tpu.memory_space<vmem>> -> memref<1x4x256xi32, #tpu.memory_space<vmem>>
      %dma_start3A_143 = tpu.memref_squeeze %dma_start3A_142 : memref<1x4x256xi32, #tpu.memory_space<vmem>> -> memref<4x256xi32, #tpu.memory_space<vmem>>
      %dma_start3A_144 = arith.constant 0 : i32
      %dma_start3A_145 = tpu.memref_slice %arg4[%mul3A_2, %dma_start3A_144] : memref<1280x256xi32, #tpu.memory_space<hbm>> -> memref<4x256xi32, #tpu.memory_space<hbm>>
      tpu.enqueue_dma source(%dma_start3A_145 : memref<4x256xi32, #tpu.memory_space<hbm>>) target(%dma_start3A_143 : memref<4x256xi32, #tpu.memory_space<vmem>>) target_semaphore(%run_scoped3A_133 : memref<!tpu.dma_semaphore, #tpu.memory_space<semaphore_mem>>)
      %dma_wait3A_146 = arith.constant 0 : i32
      %dma_wait3A_147 = arith.constant 0 : i32
      %dma_wait3A_148 = tpu.memref_slice %arg7[%run_scoped3A_93, %dma_wait3A_146, %dma_wait3A_147] : memref<2x4x256xi32, #tpu.memory_space<vmem>> -> memref<1x4x256xi32, #tpu.memory_space<vmem>>
      %dma_wait3A_149 = tpu.memref_squeeze %dma_wait3A_148 : memref<1x4x256xi32, #tpu.memory_space<vmem>> -> memref<4x256xi32, #tpu.memory_space<vmem>>
      %dma_wait3A_150 = arith.constant 0 : i32
      %dma_wait3A_151 = tpu.memref_slice %arg4[%mul3A_2, %dma_wait3A_150] : memref<1280x256xi32, #tpu.memory_space<hbm>> -> memref<4x256xi32, #tpu.memory_space<hbm>>
      %dma_wait3A_152 = arith.constant 0 : i32
      %dma_wait3A_153 = arith.constant 0 : i32
      %dma_wait3A_154 = tpu.memref_slice %arg7[%run_scoped3A_93, %dma_wait3A_152, %dma_wait3A_153] : memref<2x4x256xi32, #tpu.memory_space<vmem>> -> memref<1x4x256xi32, #tpu.memory_space<vmem>>
      %dma_wait3A_155 = tpu.memref_squeeze %dma_wait3A_154 : memref<1x4x256xi32, #tpu.memory_space<vmem>> -> memref<4x256xi32, #tpu.memory_space<vmem>>
      %dma_wait3A_156 = arith.constant 0 : i32
      %dma_wait3A_157 = tpu.memref_slice %arg4[%mul3A_2, %dma_wait3A_156] : memref<1280x256xi32, #tpu.memory_space<hbm>> -> memref<4x256xi32, #tpu.memory_space<hbm>>
      tpu.wait_dma2 semaphore(%run_scoped3A_133 : memref<!tpu.dma_semaphore, #tpu.memory_space<semaphore_mem>>) src(%dma_wait3A_157 : memref<4x256xi32, #tpu.memory_space<hbm>>) dst(%dma_wait3A_155 : memref<4x256xi32, #tpu.memory_space<vmem>>)
      tpu.yield
    }) : () -> ()
    %barrier3A_94 = arith.constant 0 : index
    tpu.barrier barrier_id(%barrier3A_94)
    %dma_start3A_95 = arith.constant 0 : i32
    %dma_start3A_96 = arith.constant 0 : i32
    %dma_start3A_97 = arith.constant 0 : i32
    %dma_start3A_98 = arith.constant 0 : i32
    %dma_start3A_99 = arith.constant 0 : i32
    %dma_start3A_100 = tpu.memref_slice %arg8[%dma_start3A_97, %dma_start3A_98, %dma_start3A_99] : memref<2x256x64xf32, #tpu.memory_space<vmem>> -> memref<1x256x64xf32, #tpu.memory_space<vmem>>
    %dma_start3A_101 = tpu.memref_squeeze %dma_start3A_100 : memref<1x256x64xf32, #tpu.memory_space<vmem>> -> memref<256x64xf32, #tpu.memory_space<vmem>>
    %dma_start3A_102 = arith.constant 0 : i32
    %dma_start3A_103 = tpu.memref_slice %arg6[%dma_start3A_95, %dma_start3A_96, %dma_start3A_102] : memref<2x4x256xi32, #tpu.memory_space<vmem>> -> memref<1x1x256xi32, #tpu.memory_space<vmem>>
    %dma_start3A_104 = tpu.memref_squeeze %dma_start3A_103 : memref<1x1x256xi32, #tpu.memory_space<vmem>> -> memref<256xi32, #tpu.memory_space<vmem>>
    %dma_start3A_105 = arith.constant 0 : i32
    %dma_start3A_106 = arith.constant 0 : i32
    %dma_start3A_107 = tpu.memref_slice %arg9[%dma_start3A_105, %dma_start3A_106] : memref<10240x64xf32, #tpu.memory_space<vmem_shared>> -> memref<10240x64xf32, #tpu.memory_space<vmem_shared>>
    tpu.enqueue_indirect_dma source(%dma_start3A_107 : memref<10240x64xf32, #tpu.memory_space<vmem_shared>>) target(%dma_start3A_101 : memref<256x64xf32, #tpu.memory_space<vmem>>) offsets(%dma_start3A_104 : memref<256xi32, #tpu.memory_space<vmem>>) semaphore(%arg11 : memref<!tpu.dma_semaphore, #tpu.memory_space<semaphore_mem>>)
    %scan3A_108 = arith.constant 0 : i32
    %scan3A_109 = arith.constant 0 : i32
    %scan3A_110 = arith.constant 10 : i32
    %scan3A_111 = arith.addi %scan3A_109, %scan3A_110 : i32
    %scan3A_112 = arith.constant 1 : i32
    scf.for %scan3A_133 = %scan3A_109 to %scan3A_111 step %scan3A_112  : i32 {
      %jit3A = arith.constant 2 : i32
      %eq3A = arith.constant 0 : i32
      %eq3A_134 = arith.cmpi eq, %jit3A, %eq3A : i32
      %jit3A_135 = arith.constant 1 : i32
      %select_n3A = arith.select %eq3A_134, %jit3A_135, %jit3A : i32
      %rem3A = arith.remsi %scan3A_133, %select_n3A : i32
      %ne3A = arith.constant 0 : i32
      %ne3A_136 = arith.cmpi ne, %rem3A, %ne3A : i32
      %lt3A = arith.constant 0 : i32
      %lt3A_137 = arith.cmpi slt, %rem3A, %lt3A : i32
      %lt3A_138 = arith.constant 0 : i32
      %lt3A_139 = arith.cmpi slt, %select_n3A, %lt3A_138 : i32
      %ne3A_140 = arith.xori %lt3A_137, %lt3A_139 : i1
      %and3A = arith.andi %ne3A_140, %ne3A_136 : i1
      %add3A_141 = arith.addi %rem3A, %select_n3A : i32
      %select_n3A_142 = arith.select %and3A, %add3A_141, %rem3A : i32
      %add3A_143 = arith.constant 1 : i32
      %add3A_144 = arith.addi %scan3A_133, %add3A_143 : i32
      %jit3A_145 = arith.constant 2 : i32
      %eq3A_146 = arith.constant 0 : i32
      %eq3A_147 = arith.cmpi eq, %jit3A_145, %eq3A_146 : i32
      %jit3A_148 = arith.constant 1 : i32
      %select_n3A_149 = arith.select %eq3A_147, %jit3A_148, %jit3A_145 : i32
      %rem3A_150 = arith.remsi %add3A_144, %select_n3A_149 : i32
      %ne3A_151 = arith.constant 0 : i32
      %ne3A_152 = arith.cmpi ne, %rem3A_150, %ne3A_151 : i32
      %lt3A_153 = arith.constant 0 : i32
      %lt3A_154 = arith.cmpi slt, %rem3A_150, %lt3A_153 : i32
      %lt3A_155 = arith.constant 0 : i32
      %lt3A_156 = arith.cmpi slt, %select_n3A_149, %lt3A_155 : i32
      %ne3A_157 = arith.xori %lt3A_154, %lt3A_156 : i1
      %and3A_158 = arith.andi %ne3A_157, %ne3A_152 : i1
      %add3A_159 = arith.addi %rem3A_150, %select_n3A_149 : i32
      %select_n3A_160 = arith.select %and3A_158, %add3A_159, %rem3A_150 : i32
      %dma_wait3A_161 = arith.constant 0 : i32
      %dma_wait3A_162 = arith.constant 0 : i32
      %dma_wait3A_163 = arith.constant 0 : i32
      %dma_wait3A_164 = arith.constant 0 : i32
      %dma_wait3A_165 = tpu.memref_slice %arg8[%dma_wait3A_162, %dma_wait3A_163, %dma_wait3A_164] : memref<2x256x64xf32, #tpu.memory_space<vmem>> -> memref<1x256x64xf32, #tpu.memory_space<vmem>>
      %dma_wait3A_166 = tpu.memref_squeeze %dma_wait3A_165 : memref<1x256x64xf32, #tpu.memory_space<vmem>> -> memref<256x64xf32, #tpu.memory_space<vmem>>
      %dma_wait3A_167 = arith.constant 0 : i32
      %dma_wait3A_168 = tpu.memref_slice %arg6[%select_n3A_142, %dma_wait3A_161, %dma_wait3A_167] : memref<2x4x256xi32, #tpu.memory_space<vmem>> -> memref<1x1x256xi32, #tpu.memory_space<vmem>>
      %dma_wait3A_169 = tpu.memref_squeeze %dma_wait3A_168 : memref<1x1x256xi32, #tpu.memory_space<vmem>> -> memref<256xi32, #tpu.memory_space<vmem>>
      %dma_wait3A_170 = arith.constant 0 : i32
      %dma_wait3A_171 = arith.constant 0 : i32
      %dma_wait3A_172 = tpu.memref_slice %arg9[%dma_wait3A_170, %dma_wait3A_171] : memref<10240x64xf32, #tpu.memory_space<vmem_shared>> -> memref<10240x64xf32, #tpu.memory_space<vmem_shared>>
      tpu.wait_indirect_dma semaphore(%arg11 : memref<!tpu.dma_semaphore, #tpu.memory_space<semaphore_mem>>) src(%dma_wait3A_172 : memref<10240x64xf32, #tpu.memory_space<vmem_shared>>) dst(%dma_wait3A_166 : memref<256x64xf32, #tpu.memory_space<vmem>>)
      %ge3A = arith.constant 1 : i32
      %ge3A_173 = arith.cmpi sge, %scan3A_133, %ge3A : i32
      %convert_element_type3A = arith.extui %ge3A_173 : i1 to i32
      %cond3A = arith.constant 0 : i32
      %cond3A_174 = arith.cmpi ne, %convert_element_type3A, %cond3A : i32
      scf.if %cond3A_174 {
        %dma_wait3A_341 = arith.constant 1 : i32
        %dma_wait3A_342 = arith.constant 0 : i32
        %dma_wait3A_343 = arith.constant 0 : i32
        %dma_wait3A_344 = arith.constant 0 : i32
        %dma_wait3A_345 = tpu.memref_slice %arg8[%dma_wait3A_341, %dma_wait3A_343, %dma_wait3A_344] : memref<2x256x64xf32, #tpu.memory_space<vmem>> -> memref<1x256x64xf32, #tpu.memory_space<vmem>>
        %dma_wait3A_346 = tpu.memref_squeeze %dma_wait3A_345 : memref<1x256x64xf32, #tpu.memory_space<vmem>> -> memref<256x64xf32, #tpu.memory_space<vmem>>
        %dma_wait3A_347 = arith.constant 0 : i32
        %dma_wait3A_348 = tpu.memref_slice %arg7[%select_n3A_142, %dma_wait3A_342, %dma_wait3A_347] : memref<2x4x256xi32, #tpu.memory_space<vmem>> -> memref<1x1x256xi32, #tpu.memory_space<vmem>>
        %dma_wait3A_349 = tpu.memref_squeeze %dma_wait3A_348 : memref<1x1x256xi32, #tpu.memory_space<vmem>> -> memref<256xi32, #tpu.memory_space<vmem>>
        %dma_wait3A_350 = arith.constant 0 : i32
        %dma_wait3A_351 = arith.constant 0 : i32
        %dma_wait3A_352 = tpu.memref_slice %arg10[%dma_wait3A_350, %dma_wait3A_351] : memref<10240x64xf32, #tpu.memory_space<vmem_shared>> -> memref<10240x64xf32, #tpu.memory_space<vmem_shared>>
        tpu.wait_indirect_dma semaphore(%arg14 : memref<!tpu.dma_semaphore, #tpu.memory_space<semaphore_mem>>) src(%dma_wait3A_346 : memref<256x64xf32, #tpu.memory_space<vmem>>) dst(%dma_wait3A_352 : memref<10240x64xf32, #tpu.memory_space<vmem_shared>>)
      } else {
      }
      %lt3A_175 = arith.constant 9 : i32
      %lt3A_176 = arith.cmpi slt, %scan3A_133, %lt3A_175 : i32
      %convert_element_type3A_177 = arith.extui %lt3A_176 : i1 to i32
      %cond3A_178 = arith.constant 0 : i32
      %cond3A_179 = arith.cmpi ne, %convert_element_type3A_177, %cond3A_178 : i32
      scf.if %cond3A_179 {
        %add3A_341 = arith.constant 1 : i32
        %add3A_342 = arith.addi %scan3A_133, %add3A_341 : i32
        %mul3A_343 = arith.constant 4 : i32
        %mul3A_344 = arith.muli %add3A_342, %mul3A_343 : i32
        %add3A_345 = arith.addi %mul3A_2, %mul3A_344 : i32
        %dma_start3A_346 = arith.constant 0 : i32
        %dma_start3A_347 = arith.constant 0 : i32
        %dma_start3A_348 = tpu.memref_slice %arg6[%select_n3A_160, %dma_start3A_346, %dma_start3A_347] : memref<2x4x256xi32, #tpu.memory_space<vmem>> -> memref<1x4x256xi32, #tpu.memory_space<vmem>>
        %dma_start3A_349 = tpu.memref_squeeze %dma_start3A_348 : memref<1x4x256xi32, #tpu.memory_space<vmem>> -> memref<4x256xi32, #tpu.memory_space<vmem>>
        %dma_start3A_350 = arith.constant 0 : i32
        %dma_start3A_351 = tpu.memref_slice %arg3[%add3A_345, %dma_start3A_350] : memref<1280x256xi32, #tpu.memory_space<hbm>> -> memref<4x256xi32, #tpu.memory_space<hbm>>
        %dma_start3A_352 = arith.constant 0 : i32
        %dma_start3A_353 = arith.constant 0 : i32
        %dma_start3A_354 = tpu.memref_slice %arg6[%select_n3A_160, %dma_start3A_352, %dma_start3A_353] : memref<2x4x256xi32, #tpu.memory_space<vmem>> -> memref<1x4x256xi32, #tpu.memory_space<vmem>>
        %dma_start3A_355 = tpu.memref_squeeze %dma_start3A_354 : memref<1x4x256xi32, #tpu.memory_space<vmem>> -> memref<4x256xi32, #tpu.memory_space<vmem>>
        %dma_start3A_356 = arith.constant 0 : i32
        %dma_start3A_357 = tpu.memref_slice %arg3[%add3A_345, %dma_start3A_356] : memref<1280x256xi32, #tpu.memory_space<hbm>> -> memref<4x256xi32, #tpu.memory_space<hbm>>
        tpu.enqueue_dma source(%dma_start3A_357 : memref<4x256xi32, #tpu.memory_space<hbm>>) target(%dma_start3A_355 : memref<4x256xi32, #tpu.memory_space<vmem>>) target_semaphore(%arg15 : memref<!tpu.dma_semaphore, #tpu.memory_space<semaphore_mem>>)
        %add3A_358 = arith.constant 1 : i32
        %add3A_359 = arith.addi %scan3A_133, %add3A_358 : i32
        %mul3A_360 = arith.constant 4 : i32
        %mul3A_361 = arith.muli %add3A_359, %mul3A_360 : i32
        %add3A_362 = arith.addi %mul3A_2, %mul3A_361 : i32
        %dma_start3A_363 = arith.constant 0 : i32
        %dma_start3A_364 = arith.constant 0 : i32
        %dma_start3A_365 = tpu.memref_slice %arg7[%select_n3A_160, %dma_start3A_363, %dma_start3A_364] : memref<2x4x256xi32, #tpu.memory_space<vmem>> -> memref<1x4x256xi32, #tpu.memory_space<vmem>>
        %dma_start3A_366 = tpu.memref_squeeze %dma_start3A_365 : memref<1x4x256xi32, #tpu.memory_space<vmem>> -> memref<4x256xi32, #tpu.memory_space<vmem>>
        %dma_start3A_367 = arith.constant 0 : i32
        %dma_start3A_368 = tpu.memref_slice %arg4[%add3A_362, %dma_start3A_367] : memref<1280x256xi32, #tpu.memory_space<hbm>> -> memref<4x256xi32, #tpu.memory_space<hbm>>
        %dma_start3A_369 = arith.constant 0 : i32
        %dma_start3A_370 = arith.constant 0 : i32
        %dma_start3A_371 = tpu.memref_slice %arg7[%select_n3A_160, %dma_start3A_369, %dma_start3A_370] : memref<2x4x256xi32, #tpu.memory_space<vmem>> -> memref<1x4x256xi32, #tpu.memory_space<vmem>>
        %dma_start3A_372 = tpu.memref_squeeze %dma_start3A_371 : memref<1x4x256xi32, #tpu.memory_space<vmem>> -> memref<4x256xi32, #tpu.memory_space<vmem>>
        %dma_start3A_373 = arith.constant 0 : i32
        %dma_start3A_374 = tpu.memref_slice %arg4[%add3A_362, %dma_start3A_373] : memref<1280x256xi32, #tpu.memory_space<hbm>> -> memref<4x256xi32, #tpu.memory_space<hbm>>
        tpu.enqueue_dma source(%dma_start3A_374 : memref<4x256xi32, #tpu.memory_space<hbm>>) target(%dma_start3A_372 : memref<4x256xi32, #tpu.memory_space<vmem>>) target_semaphore(%arg16 : memref<!tpu.dma_semaphore, #tpu.memory_space<semaphore_mem>>)
      } else {
      }
      %dma_start3A_180 = arith.constant 1 : i32
      %dma_start3A_181 = arith.constant 1 : i32
      %dma_start3A_182 = arith.constant 0 : i32
      %dma_start3A_183 = arith.constant 0 : i32
      %dma_start3A_184 = tpu.memref_slice %arg8[%dma_start3A_181, %dma_start3A_182, %dma_start3A_183] : memref<2x256x64xf32, #tpu.memory_space<vmem>> -> memref<1x256x64xf32, #tpu.memory_space<vmem>>
      %dma_start3A_185 = tpu.memref_squeeze %dma_start3A_184 : memref<1x256x64xf32, #tpu.memory_space<vmem>> -> memref<256x64xf32, #tpu.memory_space<vmem>>
      %dma_start3A_186 = arith.constant 0 : i32
      %dma_start3A_187 = tpu.memref_slice %arg6[%select_n3A_142, %dma_start3A_180, %dma_start3A_186] : memref<2x4x256xi32, #tpu.memory_space<vmem>> -> memref<1x1x256xi32, #tpu.memory_space<vmem>>
      %dma_start3A_188 = tpu.memref_squeeze %dma_start3A_187 : memref<1x1x256xi32, #tpu.memory_space<vmem>> -> memref<256xi32, #tpu.memory_space<vmem>>
      %dma_start3A_189 = arith.constant 0 : i32
      %dma_start3A_190 = arith.constant 0 : i32
      %dma_start3A_191 = tpu.memref_slice %arg9[%dma_start3A_189, %dma_start3A_190] : memref<10240x64xf32, #tpu.memory_space<vmem_shared>> -> memref<10240x64xf32, #tpu.memory_space<vmem_shared>>
      tpu.enqueue_indirect_dma source(%dma_start3A_191 : memref<10240x64xf32, #tpu.memory_space<vmem_shared>>) target(%dma_start3A_185 : memref<256x64xf32, #tpu.memory_space<vmem>>) offsets(%dma_start3A_188 : memref<256xi32, #tpu.memory_space<vmem>>) semaphore(%arg12 : memref<!tpu.dma_semaphore, #tpu.memory_space<semaphore_mem>>)
      %dma_start3A_192 = arith.constant 0 : i32
      %dma_start3A_193 = arith.constant 0 : i32
      %dma_start3A_194 = arith.constant 0 : i32
      %dma_start3A_195 = arith.constant 0 : i32
      %dma_start3A_196 = tpu.memref_slice %arg8[%dma_start3A_192, %dma_start3A_194, %dma_start3A_195] : memref<2x256x64xf32, #tpu.memory_space<vmem>> -> memref<1x256x64xf32, #tpu.memory_space<vmem>>
      %dma_start3A_197 = tpu.memref_squeeze %dma_start3A_196 : memref<1x256x64xf32, #tpu.memory_space<vmem>> -> memref<256x64xf32, #tpu.memory_space<vmem>>
      %dma_start3A_198 = arith.constant 0 : i32
      %dma_start3A_199 = tpu.memref_slice %arg7[%select_n3A_142, %dma_start3A_193, %dma_start3A_198] : memref<2x4x256xi32, #tpu.memory_space<vmem>> -> memref<1x1x256xi32, #tpu.memory_space<vmem>>
      %dma_start3A_200 = tpu.memref_squeeze %dma_start3A_199 : memref<1x1x256xi32, #tpu.memory_space<vmem>> -> memref<256xi32, #tpu.memory_space<vmem>>
      %dma_start3A_201 = arith.constant 0 : i32
      %dma_start3A_202 = arith.constant 0 : i32
      %dma_start3A_203 = tpu.memref_slice %arg10[%dma_start3A_201, %dma_start3A_202] : memref<10240x64xf32, #tpu.memory_space<vmem_shared>> -> memref<10240x64xf32, #tpu.memory_space<vmem_shared>>
      tpu.enqueue_indirect_dma source(%dma_start3A_197 : memref<256x64xf32, #tpu.memory_space<vmem>>) target(%dma_start3A_203 : memref<10240x64xf32, #tpu.memory_space<vmem_shared>>) offsets(%dma_start3A_200 : memref<256xi32, #tpu.memory_space<vmem>>) semaphore(%arg13 : memref<!tpu.dma_semaphore, #tpu.memory_space<semaphore_mem>>) {add = true}
      %dma_wait3A_204 = arith.constant 1 : i32
      %dma_wait3A_205 = arith.constant 1 : i32
      %dma_wait3A_206 = arith.constant 0 : i32
      %dma_wait3A_207 = arith.constant 0 : i32
      %dma_wait3A_208 = tpu.memref_slice %arg8[%dma_wait3A_205, %dma_wait3A_206, %dma_wait3A_207] : memref<2x256x64xf32, #tpu.memory_space<vmem>> -> memref<1x256x64xf32, #tpu.memory_space<vmem>>
      %dma_wait3A_209 = tpu.memref_squeeze %dma_wait3A_208 : memref<1x256x64xf32, #tpu.memory_space<vmem>> -> memref<256x64xf32, #tpu.memory_space<vmem>>
      %dma_wait3A_210 = arith.constant 0 : i32
      %dma_wait3A_211 = tpu.memref_slice %arg6[%select_n3A_142, %dma_wait3A_204, %dma_wait3A_210] : memref<2x4x256xi32, #tpu.memory_space<vmem>> -> memref<1x1x256xi32, #tpu.memory_space<vmem>>
      %dma_wait3A_212 = tpu.memref_squeeze %dma_wait3A_211 : memref<1x1x256xi32, #tpu.memory_space<vmem>> -> memref<256xi32, #tpu.memory_space<vmem>>
      %dma_wait3A_213 = arith.constant 0 : i32
      %dma_wait3A_214 = arith.constant 0 : i32
      %dma_wait3A_215 = tpu.memref_slice %arg9[%dma_wait3A_213, %dma_wait3A_214] : memref<10240x64xf32, #tpu.memory_space<vmem_shared>> -> memref<10240x64xf32, #tpu.memory_space<vmem_shared>>
      tpu.wait_indirect_dma semaphore(%arg12 : memref<!tpu.dma_semaphore, #tpu.memory_space<semaphore_mem>>) src(%dma_wait3A_215 : memref<10240x64xf32, #tpu.memory_space<vmem_shared>>) dst(%dma_wait3A_209 : memref<256x64xf32, #tpu.memory_space<vmem>>)
      %dma_wait3A_216 = arith.constant 0 : i32
      %dma_wait3A_217 = arith.constant 0 : i32
      %dma_wait3A_218 = arith.constant 0 : i32
      %dma_wait3A_219 = arith.constant 0 : i32
      %dma_wait3A_220 = tpu.memref_slice %arg8[%dma_wait3A_216, %dma_wait3A_218, %dma_wait3A_219] : memref<2x256x64xf32, #tpu.memory_space<vmem>> -> memref<1x256x64xf32, #tpu.memory_space<vmem>>
      %dma_wait3A_221 = tpu.memref_squeeze %dma_wait3A_220 : memref<1x256x64xf32, #tpu.memory_space<vmem>> -> memref<256x64xf32, #tpu.memory_space<vmem>>
      %dma_wait3A_222 = arith.constant 0 : i32
      %dma_wait3A_223 = tpu.memref_slice %arg7[%select_n3A_142, %dma_wait3A_217, %dma_wait3A_222] : memref<2x4x256xi32, #tpu.memory_space<vmem>> -> memref<1x1x256xi32, #tpu.memory_space<vmem>>
      %dma_wait3A_224 = tpu.memref_squeeze %dma_wait3A_223 : memref<1x1x256xi32, #tpu.memory_space<vmem>> -> memref<256xi32, #tpu.memory_space<vmem>>
      %dma_wait3A_225 = arith.constant 0 : i32
      %dma_wait3A_226 = arith.constant 0 : i32
      %dma_wait3A_227 = tpu.memref_slice %arg10[%dma_wait3A_225, %dma_wait3A_226] : memref<10240x64xf32, #tpu.memory_space<vmem_shared>> -> memref<10240x64xf32, #tpu.memory_space<vmem_shared>>
      tpu.wait_indirect_dma semaphore(%arg13 : memref<!tpu.dma_semaphore, #tpu.memory_space<semaphore_mem>>) src(%dma_wait3A_221 : memref<256x64xf32, #tpu.memory_space<vmem>>) dst(%dma_wait3A_227 : memref<10240x64xf32, #tpu.memory_space<vmem_shared>>)
      %dma_start3A_228 = arith.constant 2 : i32
      %dma_start3A_229 = arith.constant 0 : i32
      %dma_start3A_230 = arith.constant 0 : i32
      %dma_start3A_231 = arith.constant 0 : i32
      %dma_start3A_232 = tpu.memref_slice %arg8[%dma_start3A_229, %dma_start3A_230, %dma_start3A_231] : memref<2x256x64xf32, #tpu.memory_space<vmem>> -> memref<1x256x64xf32, #tpu.memory_space<vmem>>
      %dma_start3A_233 = tpu.memref_squeeze %dma_start3A_232 : memref<1x256x64xf32, #tpu.memory_space<vmem>> -> memref<256x64xf32, #tpu.memory_space<vmem>>
      %dma_start3A_234 = arith.constant 0 : i32
      %dma_start3A_235 = tpu.memref_slice %arg6[%select_n3A_142, %dma_start3A_228, %dma_start3A_234] : memref<2x4x256xi32, #tpu.memory_space<vmem>> -> memref<1x1x256xi32, #tpu.memory_space<vmem>>
      %dma_start3A_236 = tpu.memref_squeeze %dma_start3A_235 : memref<1x1x256xi32, #tpu.memory_space<vmem>> -> memref<256xi32, #tpu.memory_space<vmem>>
      %dma_start3A_237 = arith.constant 0 : i32
      %dma_start3A_238 = arith.constant 0 : i32
      %dma_start3A_239 = tpu.memref_slice %arg9[%dma_start3A_237, %dma_start3A_238] : memref<10240x64xf32, #tpu.memory_space<vmem_shared>> -> memref<10240x64xf32, #tpu.memory_space<vmem_shared>>
      tpu.enqueue_indirect_dma source(%dma_start3A_239 : memref<10240x64xf32, #tpu.memory_space<vmem_shared>>) target(%dma_start3A_233 : memref<256x64xf32, #tpu.memory_space<vmem>>) offsets(%dma_start3A_236 : memref<256xi32, #tpu.memory_space<vmem>>) semaphore(%arg11 : memref<!tpu.dma_semaphore, #tpu.memory_space<semaphore_mem>>)
      %dma_start3A_240 = arith.constant 1 : i32
      %dma_start3A_241 = arith.constant 1 : i32
      %dma_start3A_242 = arith.constant 0 : i32
      %dma_start3A_243 = arith.constant 0 : i32
      %dma_start3A_244 = tpu.memref_slice %arg8[%dma_start3A_240, %dma_start3A_242, %dma_start3A_243] : memref<2x256x64xf32, #tpu.memory_space<vmem>> -> memref<1x256x64xf32, #tpu.memory_space<vmem>>
      %dma_start3A_245 = tpu.memref_squeeze %dma_start3A_244 : memref<1x256x64xf32, #tpu.memory_space<vmem>> -> memref<256x64xf32, #tpu.memory_space<vmem>>
      %dma_start3A_246 = arith.constant 0 : i32
      %dma_start3A_247 = tpu.memref_slice %arg7[%select_n3A_142, %dma_start3A_241, %dma_start3A_246] : memref<2x4x256xi32, #tpu.memory_space<vmem>> -> memref<1x1x256xi32, #tpu.memory_space<vmem>>
      %dma_start3A_248 = tpu.memref_squeeze %dma_start3A_247 : memref<1x1x256xi32, #tpu.memory_space<vmem>> -> memref<256xi32, #tpu.memory_space<vmem>>
      %dma_start3A_249 = arith.constant 0 : i32
      %dma_start3A_250 = arith.constant 0 : i32
      %dma_start3A_251 = tpu.memref_slice %arg10[%dma_start3A_249, %dma_start3A_250] : memref<10240x64xf32, #tpu.memory_space<vmem_shared>> -> memref<10240x64xf32, #tpu.memory_space<vmem_shared>>
      tpu.enqueue_indirect_dma source(%dma_start3A_245 : memref<256x64xf32, #tpu.memory_space<vmem>>) target(%dma_start3A_251 : memref<10240x64xf32, #tpu.memory_space<vmem_shared>>) offsets(%dma_start3A_248 : memref<256xi32, #tpu.memory_space<vmem>>) semaphore(%arg14 : memref<!tpu.dma_semaphore, #tpu.memory_space<semaphore_mem>>) {add = true}
      %dma_wait3A_252 = arith.constant 2 : i32
      %dma_wait3A_253 = arith.constant 0 : i32
      %dma_wait3A_254 = arith.constant 0 : i32
      %dma_wait3A_255 = arith.constant 0 : i32
      %dma_wait3A_256 = tpu.memref_slice %arg8[%dma_wait3A_253, %dma_wait3A_254, %dma_wait3A_255] : memref<2x256x64xf32, #tpu.memory_space<vmem>> -> memref<1x256x64xf32, #tpu.memory_space<vmem>>
      %dma_wait3A_257 = tpu.memref_squeeze %dma_wait3A_256 : memref<1x256x64xf32, #tpu.memory_space<vmem>> -> memref<256x64xf32, #tpu.memory_space<vmem>>
      %dma_wait3A_258 = arith.constant 0 : i32
      %dma_wait3A_259 = tpu.memref_slice %arg6[%select_n3A_142, %dma_wait3A_252, %dma_wait3A_258] : memref<2x4x256xi32, #tpu.memory_space<vmem>> -> memref<1x1x256xi32, #tpu.memory_space<vmem>>
      %dma_wait3A_260 = tpu.memref_squeeze %dma_wait3A_259 : memref<1x1x256xi32, #tpu.memory_space<vmem>> -> memref<256xi32, #tpu.memory_space<vmem>>
      %dma_wait3A_261 = arith.constant 0 : i32
      %dma_wait3A_262 = arith.constant 0 : i32
      %dma_wait3A_263 = tpu.memref_slice %arg9[%dma_wait3A_261, %dma_wait3A_262] : memref<10240x64xf32, #tpu.memory_space<vmem_shared>> -> memref<10240x64xf32, #tpu.memory_space<vmem_shared>>
      tpu.wait_indirect_dma semaphore(%arg11 : memref<!tpu.dma_semaphore, #tpu.memory_space<semaphore_mem>>) src(%dma_wait3A_263 : memref<10240x64xf32, #tpu.memory_space<vmem_shared>>) dst(%dma_wait3A_257 : memref<256x64xf32, #tpu.memory_space<vmem>>)
      %dma_wait3A_264 = arith.constant 1 : i32
      %dma_wait3A_265 = arith.constant 0 : i32
      %dma_wait3A_266 = arith.constant 0 : i32
      %dma_wait3A_267 = arith.constant 0 : i32
      %dma_wait3A_268 = tpu.memref_slice %arg8[%dma_wait3A_264, %dma_wait3A_266, %dma_wait3A_267] : memref<2x256x64xf32, #tpu.memory_space<vmem>> -> memref<1x256x64xf32, #tpu.memory_space<vmem>>
      %dma_wait3A_269 = tpu.memref_squeeze %dma_wait3A_268 : memref<1x256x64xf32, #tpu.memory_space<vmem>> -> memref<256x64xf32, #tpu.memory_space<vmem>>
      %dma_wait3A_270 = arith.constant 0 : i32
      %dma_wait3A_271 = tpu.memref_slice %arg7[%select_n3A_142, %dma_wait3A_265, %dma_wait3A_270] : memref<2x4x256xi32, #tpu.memory_space<vmem>> -> memref<1x1x256xi32, #tpu.memory_space<vmem>>
      %dma_wait3A_272 = tpu.memref_squeeze %dma_wait3A_271 : memref<1x1x256xi32, #tpu.memory_space<vmem>> -> memref<256xi32, #tpu.memory_space<vmem>>
      %dma_wait3A_273 = arith.constant 0 : i32
      %dma_wait3A_274 = arith.constant 0 : i32
      %dma_wait3A_275 = tpu.memref_slice %arg10[%dma_wait3A_273, %dma_wait3A_274] : memref<10240x64xf32, #tpu.memory_space<vmem_shared>> -> memref<10240x64xf32, #tpu.memory_space<vmem_shared>>
      tpu.wait_indirect_dma semaphore(%arg14 : memref<!tpu.dma_semaphore, #tpu.memory_space<semaphore_mem>>) src(%dma_wait3A_269 : memref<256x64xf32, #tpu.memory_space<vmem>>) dst(%dma_wait3A_275 : memref<10240x64xf32, #tpu.memory_space<vmem_shared>>)
      %dma_start3A_276 = arith.constant 3 : i32
      %dma_start3A_277 = arith.constant 1 : i32
      %dma_start3A_278 = arith.constant 0 : i32
      %dma_start3A_279 = arith.constant 0 : i32
      %dma_start3A_280 = tpu.memref_slice %arg8[%dma_start3A_277, %dma_start3A_278, %dma_start3A_279] : memref<2x256x64xf32, #tpu.memory_space<vmem>> -> memref<1x256x64xf32, #tpu.memory_space<vmem>>
      %dma_start3A_281 = tpu.memref_squeeze %dma_start3A_280 : memref<1x256x64xf32, #tpu.memory_space<vmem>> -> memref<256x64xf32, #tpu.memory_space<vmem>>
      %dma_start3A_282 = arith.constant 0 : i32
      %dma_start3A_283 = tpu.memref_slice %arg6[%select_n3A_142, %dma_start3A_276, %dma_start3A_282] : memref<2x4x256xi32, #tpu.memory_space<vmem>> -> memref<1x1x256xi32, #tpu.memory_space<vmem>>
      %dma_start3A_284 = tpu.memref_squeeze %dma_start3A_283 : memref<1x1x256xi32, #tpu.memory_space<vmem>> -> memref<256xi32, #tpu.memory_space<vmem>>
      %dma_start3A_285 = arith.constant 0 : i32
      %dma_start3A_286 = arith.constant 0 : i32
      %dma_start3A_287 = tpu.memref_slice %arg9[%dma_start3A_285, %dma_start3A_286] : memref<10240x64xf32, #tpu.memory_space<vmem_shared>> -> memref<10240x64xf32, #tpu.memory_space<vmem_shared>>
      tpu.enqueue_indirect_dma source(%dma_start3A_287 : memref<10240x64xf32, #tpu.memory_space<vmem_shared>>) target(%dma_start3A_281 : memref<256x64xf32, #tpu.memory_space<vmem>>) offsets(%dma_start3A_284 : memref<256xi32, #tpu.memory_space<vmem>>) semaphore(%arg12 : memref<!tpu.dma_semaphore, #tpu.memory_space<semaphore_mem>>)
      %dma_start3A_288 = arith.constant 0 : i32
      %dma_start3A_289 = arith.constant 2 : i32
      %dma_start3A_290 = arith.constant 0 : i32
      %dma_start3A_291 = arith.constant 0 : i32
      %dma_start3A_292 = tpu.memref_slice %arg8[%dma_start3A_288, %dma_start3A_290, %dma_start3A_291] : memref<2x256x64xf32, #tpu.memory_space<vmem>> -> memref<1x256x64xf32, #tpu.memory_space<vmem>>
      %dma_start3A_293 = tpu.memref_squeeze %dma_start3A_292 : memref<1x256x64xf32, #tpu.memory_space<vmem>> -> memref<256x64xf32, #tpu.memory_space<vmem>>
      %dma_start3A_294 = arith.constant 0 : i32
      %dma_start3A_295 = tpu.memref_slice %arg7[%select_n3A_142, %dma_start3A_289, %dma_start3A_294] : memref<2x4x256xi32, #tpu.memory_space<vmem>> -> memref<1x1x256xi32, #tpu.memory_space<vmem>>
      %dma_start3A_296 = tpu.memref_squeeze %dma_start3A_295 : memref<1x1x256xi32, #tpu.memory_space<vmem>> -> memref<256xi32, #tpu.memory_space<vmem>>
      %dma_start3A_297 = arith.constant 0 : i32
      %dma_start3A_298 = arith.constant 0 : i32
      %dma_start3A_299 = tpu.memref_slice %arg10[%dma_start3A_297, %dma_start3A_298] : memref<10240x64xf32, #tpu.memory_space<vmem_shared>> -> memref<10240x64xf32, #tpu.memory_space<vmem_shared>>
      tpu.enqueue_indirect_dma source(%dma_start3A_293 : memref<256x64xf32, #tpu.memory_space<vmem>>) target(%dma_start3A_299 : memref<10240x64xf32, #tpu.memory_space<vmem_shared>>) offsets(%dma_start3A_296 : memref<256xi32, #tpu.memory_space<vmem>>) semaphore(%arg13 : memref<!tpu.dma_semaphore, #tpu.memory_space<semaphore_mem>>) {add = true}
      %dma_wait3A_300 = arith.constant 3 : i32
      %dma_wait3A_301 = arith.constant 1 : i32
      %dma_wait3A_302 = arith.constant 0 : i32
      %dma_wait3A_303 = arith.constant 0 : i32
      %dma_wait3A_304 = tpu.memref_slice %arg8[%dma_wait3A_301, %dma_wait3A_302, %dma_wait3A_303] : memref<2x256x64xf32, #tpu.memory_space<vmem>> -> memref<1x256x64xf32, #tpu.memory_space<vmem>>
      %dma_wait3A_305 = tpu.memref_squeeze %dma_wait3A_304 : memref<1x256x64xf32, #tpu.memory_space<vmem>> -> memref<256x64xf32, #tpu.memory_space<vmem>>
      %dma_wait3A_306 = arith.constant 0 : i32
      %dma_wait3A_307 = tpu.memref_slice %arg6[%select_n3A_142, %dma_wait3A_300, %dma_wait3A_306] : memref<2x4x256xi32, #tpu.memory_space<vmem>> -> memref<1x1x256xi32, #tpu.memory_space<vmem>>
      %dma_wait3A_308 = tpu.memref_squeeze %dma_wait3A_307 : memref<1x1x256xi32, #tpu.memory_space<vmem>> -> memref<256xi32, #tpu.memory_space<vmem>>
      %dma_wait3A_309 = arith.constant 0 : i32
      %dma_wait3A_310 = arith.constant 0 : i32
      %dma_wait3A_311 = tpu.memref_slice %arg9[%dma_wait3A_309, %dma_wait3A_310] : memref<10240x64xf32, #tpu.memory_space<vmem_shared>> -> memref<10240x64xf32, #tpu.memory_space<vmem_shared>>
      tpu.wait_indirect_dma semaphore(%arg12 : memref<!tpu.dma_semaphore, #tpu.memory_space<semaphore_mem>>) src(%dma_wait3A_311 : memref<10240x64xf32, #tpu.memory_space<vmem_shared>>) dst(%dma_wait3A_305 : memref<256x64xf32, #tpu.memory_space<vmem>>)
      %dma_wait3A_312 = arith.constant 0 : i32
      %dma_wait3A_313 = arith.constant 0 : i32
      %dma_wait3A_314 = arith.constant 0 : i32
      %dma_wait3A_315 = arith.constant 0 : i32
      %dma_wait3A_316 = tpu.memref_slice %arg8[%dma_wait3A_312, %dma_wait3A_314, %dma_wait3A_315] : memref<2x256x64xf32, #tpu.memory_space<vmem>> -> memref<1x256x64xf32, #tpu.memory_space<vmem>>
      %dma_wait3A_317 = tpu.memref_squeeze %dma_wait3A_316 : memref<1x256x64xf32, #tpu.memory_space<vmem>> -> memref<256x64xf32, #tpu.memory_space<vmem>>
      %dma_wait3A_318 = arith.constant 0 : i32
      %dma_wait3A_319 = tpu.memref_slice %arg7[%select_n3A_142, %dma_wait3A_313, %dma_wait3A_318] : memref<2x4x256xi32, #tpu.memory_space<vmem>> -> memref<1x1x256xi32, #tpu.memory_space<vmem>>
      %dma_wait3A_320 = tpu.memref_squeeze %dma_wait3A_319 : memref<1x1x256xi32, #tpu.memory_space<vmem>> -> memref<256xi32, #tpu.memory_space<vmem>>
      %dma_wait3A_321 = arith.constant 0 : i32
      %dma_wait3A_322 = arith.constant 0 : i32
      %dma_wait3A_323 = tpu.memref_slice %arg10[%dma_wait3A_321, %dma_wait3A_322] : memref<10240x64xf32, #tpu.memory_space<vmem_shared>> -> memref<10240x64xf32, #tpu.memory_space<vmem_shared>>
      tpu.wait_indirect_dma semaphore(%arg13 : memref<!tpu.dma_semaphore, #tpu.memory_space<semaphore_mem>>) src(%dma_wait3A_317 : memref<256x64xf32, #tpu.memory_space<vmem>>) dst(%dma_wait3A_323 : memref<10240x64xf32, #tpu.memory_space<vmem_shared>>)
      %lt3A_324 = arith.constant 9 : i32
      %lt3A_325 = arith.cmpi slt, %scan3A_133, %lt3A_324 : i32
      %convert_element_type3A_326 = arith.extui %lt3A_325 : i1 to i32
      %cond3A_327 = arith.constant 0 : i32
      %cond3A_328 = arith.cmpi ne, %convert_element_type3A_326, %cond3A_327 : i32
      scf.if %cond3A_328 {
        %dma_wait3A_341 = arith.constant 0 : i32
        %dma_wait3A_342 = arith.constant 0 : i32
        %dma_wait3A_343 = tpu.memref_slice %arg6[%select_n3A_160, %dma_wait3A_341, %dma_wait3A_342] : memref<2x4x256xi32, #tpu.memory_space<vmem>> -> memref<1x4x256xi32, #tpu.memory_space<vmem>>
        %dma_wait3A_344 = tpu.memref_squeeze %dma_wait3A_343 : memref<1x4x256xi32, #tpu.memory_space<vmem>> -> memref<4x256xi32, #tpu.memory_space<vmem>>
        %dma_wait3A_345 = arith.constant 0 : i32
        %dma_wait3A_346 = arith.constant 0 : i32
        %dma_wait3A_347 = tpu.memref_slice %arg3[%dma_wait3A_345, %dma_wait3A_346] : memref<1280x256xi32, #tpu.memory_space<hbm>> -> memref<4x256xi32, #tpu.memory_space<hbm>>
        %dma_wait3A_348 = arith.constant 0 : i32
        %dma_wait3A_349 = arith.constant 0 : i32
        %dma_wait3A_350 = tpu.memref_slice %arg6[%select_n3A_160, %dma_wait3A_348, %dma_wait3A_349] : memref<2x4x256xi32, #tpu.memory_space<vmem>> -> memref<1x4x256xi32, #tpu.memory_space<vmem>>
        %dma_wait3A_351 = tpu.memref_squeeze %dma_wait3A_350 : memref<1x4x256xi32, #tpu.memory_space<vmem>> -> memref<4x256xi32, #tpu.memory_space<vmem>>
        %dma_wait3A_352 = arith.constant 0 : i32
        %dma_wait3A_353 = arith.constant 0 : i32
        %dma_wait3A_354 = tpu.memref_slice %arg3[%dma_wait3A_352, %dma_wait3A_353] : memref<1280x256xi32, #tpu.memory_space<hbm>> -> memref<4x256xi32, #tpu.memory_space<hbm>>
        tpu.wait_dma2 semaphore(%arg15 : memref<!tpu.dma_semaphore, #tpu.memory_space<semaphore_mem>>) src(%dma_wait3A_354 : memref<4x256xi32, #tpu.memory_space<hbm>>) dst(%dma_wait3A_351 : memref<4x256xi32, #tpu.memory_space<vmem>>)
        %dma_wait3A_355 = arith.constant 0 : i32
        %dma_wait3A_356 = arith.constant 0 : i32
        %dma_wait3A_357 = tpu.memref_slice %arg7[%select_n3A_160, %dma_wait3A_355, %dma_wait3A_356] : memref<2x4x256xi32, #tpu.memory_space<vmem>> -> memref<1x4x256xi32, #tpu.memory_space<vmem>>
        %dma_wait3A_358 = tpu.memref_squeeze %dma_wait3A_357 : memref<1x4x256xi32, #tpu.memory_space<vmem>> -> memref<4x256xi32, #tpu.memory_space<vmem>>
        %dma_wait3A_359 = arith.constant 0 : i32
        %dma_wait3A_360 = arith.constant 0 : i32
        %dma_wait3A_361 = tpu.memref_slice %arg4[%dma_wait3A_359, %dma_wait3A_360] : memref<1280x256xi32, #tpu.memory_space<hbm>> -> memref<4x256xi32, #tpu.memory_space<hbm>>
        %dma_wait3A_362 = arith.constant 0 : i32
        %dma_wait3A_363 = arith.constant 0 : i32
        %dma_wait3A_364 = tpu.memref_slice %arg7[%select_n3A_160, %dma_wait3A_362, %dma_wait3A_363] : memref<2x4x256xi32, #tpu.memory_space<vmem>> -> memref<1x4x256xi32, #tpu.memory_space<vmem>>
        %dma_wait3A_365 = tpu.memref_squeeze %dma_wait3A_364 : memref<1x4x256xi32, #tpu.memory_space<vmem>> -> memref<4x256xi32, #tpu.memory_space<vmem>>
        %dma_wait3A_366 = arith.constant 0 : i32
        %dma_wait3A_367 = arith.constant 0 : i32
        %dma_wait3A_368 = tpu.memref_slice %arg4[%dma_wait3A_366, %dma_wait3A_367] : memref<1280x256xi32, #tpu.memory_space<hbm>> -> memref<4x256xi32, #tpu.memory_space<hbm>>
        tpu.wait_dma2 semaphore(%arg16 : memref<!tpu.dma_semaphore, #tpu.memory_space<semaphore_mem>>) src(%dma_wait3A_368 : memref<4x256xi32, #tpu.memory_space<hbm>>) dst(%dma_wait3A_365 : memref<4x256xi32, #tpu.memory_space<vmem>>)
        %dma_start3A_369 = arith.constant 0 : i32
        %dma_start3A_370 = arith.constant 0 : i32
        %dma_start3A_371 = arith.constant 0 : i32
        %dma_start3A_372 = arith.constant 0 : i32
        %dma_start3A_373 = tpu.memref_slice %arg8[%dma_start3A_370, %dma_start3A_371, %dma_start3A_372] : memref<2x256x64xf32, #tpu.memory_space<vmem>> -> memref<1x256x64xf32, #tpu.memory_space<vmem>>
        %dma_start3A_374 = tpu.memref_squeeze %dma_start3A_373 : memref<1x256x64xf32, #tpu.memory_space<vmem>> -> memref<256x64xf32, #tpu.memory_space<vmem>>
        %dma_start3A_375 = arith.constant 0 : i32
        %dma_start3A_376 = tpu.memref_slice %arg6[%select_n3A_160, %dma_start3A_369, %dma_start3A_375] : memref<2x4x256xi32, #tpu.memory_space<vmem>> -> memref<1x1x256xi32, #tpu.memory_space<vmem>>
        %dma_start3A_377 = tpu.memref_squeeze %dma_start3A_376 : memref<1x1x256xi32, #tpu.memory_space<vmem>> -> memref<256xi32, #tpu.memory_space<vmem>>
        %dma_start3A_378 = arith.constant 0 : i32
        %dma_start3A_379 = arith.constant 0 : i32
        %dma_start3A_380 = tpu.memref_slice %arg9[%dma_start3A_378, %dma_start3A_379] : memref<10240x64xf32, #tpu.memory_space<vmem_shared>> -> memref<10240x64xf32, #tpu.memory_space<vmem_shared>>
        tpu.enqueue_indirect_dma source(%dma_start3A_380 : memref<10240x64xf32, #tpu.memory_space<vmem_shared>>) target(%dma_start3A_374 : memref<256x64xf32, #tpu.memory_space<vmem>>) offsets(%dma_start3A_377 : memref<256xi32, #tpu.memory_space<vmem>>) semaphore(%arg11 : memref<!tpu.dma_semaphore, #tpu.memory_space<semaphore_mem>>)
      } else {
      }
      %dma_start3A_329 = arith.constant 1 : i32
      %dma_start3A_330 = arith.constant 3 : i32
      %dma_start3A_331 = arith.constant 0 : i32
      %dma_start3A_332 = arith.constant 0 : i32
      %dma_start3A_333 = tpu.memref_slice %arg8[%dma_start3A_329, %dma_start3A_331, %dma_start3A_332] : memref<2x256x64xf32, #tpu.memory_space<vmem>> -> memref<1x256x64xf32, #tpu.memory_space<vmem>>
      %dma_start3A_334 = tpu.memref_squeeze %dma_start3A_333 : memref<1x256x64xf32, #tpu.memory_space<vmem>> -> memref<256x64xf32, #tpu.memory_space<vmem>>
      %dma_start3A_335 = arith.constant 0 : i32
      %dma_start3A_336 = tpu.memref_slice %arg7[%select_n3A_142, %dma_start3A_330, %dma_start3A_335] : memref<2x4x256xi32, #tpu.memory_space<vmem>> -> memref<1x1x256xi32, #tpu.memory_space<vmem>>
      %dma_start3A_337 = tpu.memref_squeeze %dma_start3A_336 : memref<1x1x256xi32, #tpu.memory_space<vmem>> -> memref<256xi32, #tpu.memory_space<vmem>>
      %dma_start3A_338 = arith.constant 0 : i32
      %dma_start3A_339 = arith.constant 0 : i32
      %dma_start3A_340 = tpu.memref_slice %arg10[%dma_start3A_338, %dma_start3A_339] : memref<10240x64xf32, #tpu.memory_space<vmem_shared>> -> memref<10240x64xf32, #tpu.memory_space<vmem_shared>>
      tpu.enqueue_indirect_dma source(%dma_start3A_334 : memref<256x64xf32, #tpu.memory_space<vmem>>) target(%dma_start3A_340 : memref<10240x64xf32, #tpu.memory_space<vmem_shared>>) offsets(%dma_start3A_337 : memref<256xi32, #tpu.memory_space<vmem>>) semaphore(%arg14 : memref<!tpu.dma_semaphore, #tpu.memory_space<semaphore_mem>>) {add = true}
    }
    %scan3A_113 = arith.constant 10 : i32
    %dma_wait3A_114 = arith.constant 1 : i32
    %dma_wait3A_115 = arith.constant 0 : i32
    %dma_wait3A_116 = arith.constant 0 : i32
    %dma_wait3A_117 = arith.constant 0 : i32
    %dma_wait3A_118 = arith.constant 0 : i32
    %dma_wait3A_119 = tpu.memref_slice %arg8[%dma_wait3A_114, %dma_wait3A_117, %dma_wait3A_118] : memref<2x256x64xf32, #tpu.memory_space<vmem>> -> memref<1x256x64xf32, #tpu.memory_space<vmem>>
    %dma_wait3A_120 = tpu.memref_squeeze %dma_wait3A_119 : memref<1x256x64xf32, #tpu.memory_space<vmem>> -> memref<256x64xf32, #tpu.memory_space<vmem>>
    %dma_wait3A_121 = arith.constant 0 : i32
    %dma_wait3A_122 = tpu.memref_slice %arg7[%dma_wait3A_115, %dma_wait3A_116, %dma_wait3A_121] : memref<2x4x256xi32, #tpu.memory_space<vmem>> -> memref<1x1x256xi32, #tpu.memory_space<vmem>>
    %dma_wait3A_123 = tpu.memref_squeeze %dma_wait3A_122 : memref<1x1x256xi32, #tpu.memory_space<vmem>> -> memref<256xi32, #tpu.memory_space<vmem>>
    %dma_wait3A_124 = arith.constant 0 : i32
    %dma_wait3A_125 = arith.constant 0 : i32
    %dma_wait3A_126 = tpu.memref_slice %arg10[%dma_wait3A_124, %dma_wait3A_125] : memref<10240x64xf32, #tpu.memory_space<vmem_shared>> -> memref<10240x64xf32, #tpu.memory_space<vmem_shared>>
    tpu.wait_indirect_dma semaphore(%arg14 : memref<!tpu.dma_semaphore, #tpu.memory_space<semaphore_mem>>) src(%dma_wait3A_120 : memref<256x64xf32, #tpu.memory_space<vmem>>) dst(%dma_wait3A_126 : memref<10240x64xf32, #tpu.memory_space<vmem_shared>>)
    %barrier3A_127 = arith.constant 0 : index
    tpu.barrier barrier_id(%barrier3A_127)
    %mul3A_128 = arith.constant 640 : i32
    %mul3A_129 = arith.muli %arg1, %mul3A_128 : i32
    %mul3A_130 = arith.constant 640 : i32
    %mul3A_131 = arith.muli %arg1, %mul3A_130 : i32
    %run_scoped3A_132 = arith.constant 1 : i32
    "tpu.region"() ({
      %run_scoped3A_133 = tpu.sem_alloc : memref<!tpu.dma_semaphore, #tpu.memory_space<semaphore_mem>>
      %dma_start3A_134 = arith.constant 0 : i32
      %dma_start3A_135 = tpu.memref_slice %arg5[%arg0, %run_scoped3A_132, %mul3A_131, %dma_start3A_134] : memref<2x2x10240x64xf32, #tpu.memory_space<hbm>> -> memref<1x1x640x64xf32, #tpu.memory_space<hbm>>
      %dma_start3A_136 = tpu.memref_squeeze %dma_start3A_135 : memref<1x1x640x64xf32, #tpu.memory_space<hbm>> -> memref<640x64xf32, #tpu.memory_space<hbm>>
      %dma_start3A_137 = arith.constant 0 : i32
      %dma_start3A_138 = tpu.memref_slice %arg10[%mul3A_129, %dma_start3A_137] : memref<10240x64xf32, #tpu.memory_space<vmem_shared>> -> memref<640x64xf32, #tpu.memory_space<vmem_shared>>
      tpu.enqueue_dma source(%dma_start3A_138 : memref<640x64xf32, #tpu.memory_space<vmem_shared>>) target(%dma_start3A_136 : memref<640x64xf32, #tpu.memory_space<hbm>>) target_semaphore(%run_scoped3A_133 : memref<!tpu.dma_semaphore, #tpu.memory_space<semaphore_mem>>)
      %dma_wait3A_139 = arith.constant 0 : i32
      %dma_wait3A_140 = tpu.memref_slice %arg5[%arg0, %run_scoped3A_132, %mul3A_131, %dma_wait3A_139] : memref<2x2x10240x64xf32, #tpu.memory_space<hbm>> -> memref<1x1x640x64xf32, #tpu.memory_space<hbm>>
      %dma_wait3A_141 = tpu.memref_squeeze %dma_wait3A_140 : memref<1x1x640x64xf32, #tpu.memory_space<hbm>> -> memref<640x64xf32, #tpu.memory_space<hbm>>
      %dma_wait3A_142 = arith.constant 0 : i32
      %dma_wait3A_143 = tpu.memref_slice %arg10[%mul3A_129, %dma_wait3A_142] : memref<10240x64xf32, #tpu.memory_space<vmem_shared>> -> memref<640x64xf32, #tpu.memory_space<vmem_shared>>
      tpu.wait_dma2 semaphore(%run_scoped3A_133 : memref<!tpu.dma_semaphore, #tpu.memory_space<semaphore_mem>>) src(%dma_wait3A_143 : memref<640x64xf32, #tpu.memory_space<vmem_shared>>) dst(%dma_wait3A_141 : memref<640x64xf32, #tpu.memory_space<hbm>>)
      tpu.yield
    }) : () -> ()
    return
  }
}

module attributes {stable_mosaic.version = 14 : i64} {
  func.func @_tc_body(%arg0: i32, %arg1: memref<1000x128xf32, #tpu.memory_space<vmem>>, %arg2: memref<1000x128xf32, #tpu.memory_space<vmem>>, %arg3: memref<1000x16xf32, #tpu.memory_space<vmem>>, %arg4: memref<1000x16xf32, #tpu.memory_space<vmem>>, %arg5: memref<1000x128xf32, #tpu.memory_space<vmem>>, %arg6: memref<128x128xf32, #tpu.memory_space<vmem>>, %arg7: memref<1x128xf32, #tpu.memory_space<vmem>>, %arg8: memref<128x128xf32, #tpu.memory_space<vmem>>, %arg9: memref<1000x128xf32, #tpu.memory_space<vmem>>) attributes {dimension_semantics = [#tpu.dimension_semantics<arbitrary>], iteration_bounds = array<i64: 10>, scalar_prefetch = 0 : i64, scratch_operands = 0 : i64, tpu.core_type = #tpu.core_type<tc>, window_params = [{transform_indices = @transform_0, window_bounds = array<i64: 1000, 128>}, {transform_indices = @transform_1, window_bounds = array<i64: 1000, 128>}, {transform_indices = @transform_2, window_bounds = array<i64: 1000, 16>}, {transform_indices = @transform_3, window_bounds = array<i64: 1000, 16>}, {transform_indices = @transform_4, window_bounds = array<i64: 1000, 128>}, {pipeline_mode = #tpu.pipeline_mode<synchronous>, transform_indices = @transform_5, window_bounds = array<i64: 128, 128>}, {pipeline_mode = #tpu.pipeline_mode<synchronous>, transform_indices = @transform_6, window_bounds = array<i64: 1, 128>}, {pipeline_mode = #tpu.pipeline_mode<synchronous>, transform_indices = @transform_7, window_bounds = array<i64: 128, 128>}, {transform_indices = @transform_8, window_bounds = array<i64: 1000, 128>}]} {
    %get3A = arith.constant 0 : index
    %get3A_0 = arith.constant 0 : index
    %get3A_1 = vector.load %arg3[%get3A, %get3A_0] : memref<1000x16xf32, #tpu.memory_space<vmem>>, vector<1000x1xf32>
    %get3A_2 = arith.constant 0 : index
    %get3A_3 = arith.constant 0 : index
    %get3A_4 = vector.load %arg4[%get3A_2, %get3A_3] : memref<1000x16xf32, #tpu.memory_space<vmem>>, vector<1000x1xf32>
    %add3A = arith.addf %get3A_1, %get3A_4 : vector<1000x1xf32>
    %max3A = arith.constant 1.000000e+00 : f32
    %max3A_5 = vector.broadcast %max3A : f32 to vector<1000x1xf32>
    %max3A_6 = arith.maximumf %add3A, %max3A_5 : vector<1000x1xf32>
    %div3A = arith.constant 1.000000e+00 : f32
    %div3A_7 = vector.broadcast %div3A : f32 to vector<1000x1xf32>
    %div3A_8 = arith.divf %div3A_7, %max3A_6 : vector<1000x1xf32>
    %get3A_9 = arith.constant 0 : index
    %get3A_10 = arith.constant 0 : index
    %get3A_11 = vector.load %arg1[%get3A_9, %get3A_10] : memref<1000x128xf32, #tpu.memory_space<vmem>>, vector<1000x128xf32>
    %get3A_12 = arith.constant 0 : index
    %get3A_13 = arith.constant 0 : index
    %get3A_14 = vector.load %arg2[%get3A_12, %get3A_13] : memref<1000x128xf32, #tpu.memory_space<vmem>>, vector<1000x128xf32>
    %add3A_15 = arith.addf %get3A_11, %get3A_14 : vector<1000x128xf32>
    %mul3A = vector.broadcast %div3A_8 : vector<1000x1xf32> to vector<1000x128xf32>
    %mul3A_16 = arith.mulf %add3A_15, %mul3A : vector<1000x128xf32>
    %get3A_17 = arith.constant 0 : index
    %get3A_18 = arith.constant 0 : index
    %get3A_19 = vector.load %arg6[%get3A_17, %get3A_18] : memref<128x128xf32, #tpu.memory_space<vmem>>, vector<128x128xf32>
    %dot_general3A = arith.constant dense<0.000000e+00> : vector<1000x128xf32>
    %dot_general3A_20 = tpu.matmul %mul3A_16, %get3A_19, %dot_general3A {dimension_numbers = #tpu.dot_dimension_numbers<[1], [0], [0], [1], [0, 0, 1, 1], [], []>, transpose_lhs_hint = false} : vector<1000x128xf32>, vector<128x128xf32>, vector<1000x128xf32> -> vector<1000x128xf32>
    %get3A_21 = arith.constant 0 : index
    %get3A_22 = arith.constant 0 : index
    %get3A_23 = vector.load %arg5[%get3A_21, %get3A_22] : memref<1000x128xf32, #tpu.memory_space<vmem>>, vector<1000x128xf32>
    %get3A_24 = arith.constant 0 : index
    %get3A_25 = arith.constant 0 : index
    %get3A_26 = vector.load %arg8[%get3A_24, %get3A_25] : memref<128x128xf32, #tpu.memory_space<vmem>>, vector<128x128xf32>
    %dot_general3A_27 = arith.constant dense<0.000000e+00> : vector<1000x128xf32>
    %dot_general3A_28 = tpu.matmul %get3A_23, %get3A_26, %dot_general3A_27 {dimension_numbers = #tpu.dot_dimension_numbers<[1], [0], [0], [1], [0, 0, 1, 1], [], []>, transpose_lhs_hint = false} : vector<1000x128xf32>, vector<128x128xf32>, vector<1000x128xf32> -> vector<1000x128xf32>
    %add3A_29 = arith.addf %dot_general3A_20, %dot_general3A_28 : vector<1000x128xf32>
    %get3A_30 = arith.constant 0 : index
    %get3A_31 = arith.constant 0 : index
    %get3A_32 = vector.load %arg7[%get3A_30, %get3A_31] : memref<1x128xf32, #tpu.memory_space<vmem>>, vector<1x128xf32>
    %add3A_33 = vector.broadcast %get3A_32 : vector<1x128xf32> to vector<1000x128xf32>
    %add3A_34 = arith.addf %add3A_29, %add3A_33 : vector<1000x128xf32>
    %gt3A = arith.constant 0.000000e+00 : f32
    %gt3A_35 = vector.broadcast %gt3A : f32 to vector<1000x128xf32>
    %gt3A_36 = arith.cmpf ogt, %add3A_34, %gt3A_35 : vector<1000x128xf32>
    %min3A = arith.constant 0.000000e+00 : f32
    %min3A_37 = vector.broadcast %min3A : f32 to vector<1000x128xf32>
    %min3A_38 = arith.minimumf %add3A_34, %min3A_37 : vector<1000x128xf32>
    %exp3A = math.exp %min3A_38 : vector<1000x128xf32>
    %sub3A = arith.constant 1.000000e+00 : f32
    %sub3A_39 = vector.broadcast %sub3A : f32 to vector<1000x128xf32>
    %sub3A_40 = arith.subf %exp3A, %sub3A_39 : vector<1000x128xf32>
    %select_n3A = arith.select %gt3A_36, %add3A_34, %sub3A_40 : vector<1000x128xi1>, vector<1000x128xf32>
    %swap3A = arith.constant 0 : index
    %swap3A_41 = arith.constant 0 : index
    %swap3A_42 = vector.load %arg9[%swap3A, %swap3A_41] : memref<1000x128xf32, #tpu.memory_space<vmem>>, vector<1000x128xf32>
    tpu.vector_store %arg9[%swap3A, %swap3A_41], %select_n3A {strides = array<i32>} : memref<1000x128xf32, #tpu.memory_space<vmem>>, vector<1000x128xf32>,
    return
  }
  func.func @transform_0(%arg0: i32) -> (i32, i32) {
    %c0_i32 = arith.constant 0 : i32
    %c0_i32_0 = arith.constant 0 : i32
    return %arg0, %c0_i32 : i32, i32
  }
  func.func @transform_1(%arg0: i32) -> (i32, i32) {
    %c0_i32 = arith.constant 0 : i32
    %c0_i32_0 = arith.constant 0 : i32
    return %arg0, %c0_i32 : i32, i32
  }
  func.func @transform_2(%arg0: i32) -> (i32, i32) {
    %c0_i32 = arith.constant 0 : i32
    %c0_i32_0 = arith.constant 0 : i32
    return %arg0, %c0_i32 : i32, i32
  }
  func.func @transform_3(%arg0: i32) -> (i32, i32) {
    %c0_i32 = arith.constant 0 : i32
    %c0_i32_0 = arith.constant 0 : i32
    return %arg0, %c0_i32 : i32, i32
  }
  func.func @transform_4(%arg0: i32) -> (i32, i32) {
    %c0_i32 = arith.constant 0 : i32
    %c0_i32_0 = arith.constant 0 : i32
    return %arg0, %c0_i32 : i32, i32
  }
  func.func @transform_5(%arg0: i32) -> (i32, i32) {
    %c0_i32 = arith.constant 0 : i32
    %c0_i32_0 = arith.constant 0 : i32
    %c0_i32_1 = arith.constant 0 : i32
    return %c0_i32, %c0_i32_0 : i32, i32
  }
  func.func @transform_6(%arg0: i32) -> (i32, i32) {
    %c0_i32 = arith.constant 0 : i32
    %c0_i32_0 = arith.constant 0 : i32
    %c0_i32_1 = arith.constant 0 : i32
    return %c0_i32, %c0_i32_0 : i32, i32
  }
  func.func @transform_7(%arg0: i32) -> (i32, i32) {
    %c0_i32 = arith.constant 0 : i32
    %c0_i32_0 = arith.constant 0 : i32
    %c0_i32_1 = arith.constant 0 : i32
    return %c0_i32, %c0_i32_0 : i32, i32
  }
  func.func @transform_8(%arg0: i32) -> (i32, i32) {
    %c0_i32 = arith.constant 0 : i32
    %c0_i32_0 = arith.constant 0 : i32
    return %arg0, %c0_i32 : i32, i32
  }
}

module attributes {stable_mosaic.version = 14 : i64} {
  func.func @_tc_body(%arg0: i32, %arg1: memref<1000x128xf32, #tpu.memory_space<vmem>>, %arg2: memref<1000x128xf32, #tpu.memory_space<vmem>>, %arg3: memref<1000x16xf32, #tpu.memory_space<vmem>>, %arg4: memref<1000x16xf32, #tpu.memory_space<vmem>>, %arg5: memref<1000x128xf32, #tpu.memory_space<vmem>>, %arg6: memref<128x128xf32, #tpu.memory_space<vmem>>, %arg7: memref<1x128xf32, #tpu.memory_space<vmem>>, %arg8: memref<128x128xf32, #tpu.memory_space<vmem>>, %arg9: memref<1000x128xf32, #tpu.memory_space<vmem>>) attributes {dimension_semantics = [#tpu.dimension_semantics<arbitrary>], iteration_bounds = array<i64: 10>, scalar_prefetch = 0 : i64, scratch_operands = 0 : i64, tpu.core_type = #tpu.core_type<tc>, window_params = [{transform_indices = @transform_0, window_bounds = array<i64: 1000, 128>}, {transform_indices = @transform_1, window_bounds = array<i64: 1000, 128>}, {transform_indices = @transform_2, window_bounds = array<i64: 1000, 16>}, {transform_indices = @transform_3, window_bounds = array<i64: 1000, 16>}, {transform_indices = @transform_4, window_bounds = array<i64: 1000, 128>}, {pipeline_mode = #tpu.pipeline_mode<synchronous>, transform_indices = @transform_5, window_bounds = array<i64: 128, 128>}, {pipeline_mode = #tpu.pipeline_mode<synchronous>, transform_indices = @transform_6, window_bounds = array<i64: 1, 128>}, {pipeline_mode = #tpu.pipeline_mode<synchronous>, transform_indices = @transform_7, window_bounds = array<i64: 128, 128>}, {transform_indices = @transform_8, window_bounds = array<i64: 1000, 128>}]} {
    %get3A = arith.constant 0 : index
    %get3A_0 = arith.constant 0 : index
    %get3A_1 = vector.load %arg3[%get3A, %get3A_0] : memref<1000x16xf32, #tpu.memory_space<vmem>>, vector<1000x1xf32>
    %get3A_2 = arith.constant 0 : index
    %get3A_3 = arith.constant 0 : index
    %get3A_4 = vector.load %arg4[%get3A_2, %get3A_3] : memref<1000x16xf32, #tpu.memory_space<vmem>>, vector<1000x1xf32>
    %add3A = arith.addf %get3A_1, %get3A_4 : vector<1000x1xf32>
    %max3A = arith.constant 1.000000e+00 : f32
    %max3A_5 = vector.broadcast %max3A : f32 to vector<1000x1xf32>
    %max3A_6 = arith.maximumf %add3A, %max3A_5 : vector<1000x1xf32>
    %div3A = arith.constant 1.000000e+00 : f32
    %div3A_7 = vector.broadcast %div3A : f32 to vector<1000x1xf32>
    %div3A_8 = arith.divf %div3A_7, %max3A_6 : vector<1000x1xf32>
    %get3A_9 = arith.constant 0 : index
    %get3A_10 = arith.constant 0 : index
    %get3A_11 = vector.load %arg1[%get3A_9, %get3A_10] : memref<1000x128xf32, #tpu.memory_space<vmem>>, vector<1000x128xf32>
    %get3A_12 = arith.constant 0 : index
    %get3A_13 = arith.constant 0 : index
    %get3A_14 = vector.load %arg2[%get3A_12, %get3A_13] : memref<1000x128xf32, #tpu.memory_space<vmem>>, vector<1000x128xf32>
    %add3A_15 = arith.addf %get3A_11, %get3A_14 : vector<1000x128xf32>
    %mul3A = vector.broadcast %div3A_8 : vector<1000x1xf32> to vector<1000x128xf32>
    %mul3A_16 = arith.mulf %add3A_15, %mul3A : vector<1000x128xf32>
    %get3A_17 = arith.constant 0 : index
    %get3A_18 = arith.constant 0 : index
    %get3A_19 = vector.load %arg6[%get3A_17, %get3A_18] : memref<128x128xf32, #tpu.memory_space<vmem>>, vector<128x128xf32>
    %dot_general3A = arith.constant dense<0.000000e+00> : vector<1000x128xf32>
    %dot_general3A_20 = tpu.matmul %mul3A_16, %get3A_19, %dot_general3A {dimension_numbers = #tpu.dot_dimension_numbers<[1], [0], [0], [1], [0, 0, 1, 1], [], []>, transpose_lhs_hint = false} : vector<1000x128xf32>, vector<128x128xf32>, vector<1000x128xf32> -> vector<1000x128xf32>
    %get3A_21 = arith.constant 0 : index
    %get3A_22 = arith.constant 0 : index
    %get3A_23 = vector.load %arg5[%get3A_21, %get3A_22] : memref<1000x128xf32, #tpu.memory_space<vmem>>, vector<1000x128xf32>
    %get3A_24 = arith.constant 0 : index
    %get3A_25 = arith.constant 0 : index
    %get3A_26 = vector.load %arg8[%get3A_24, %get3A_25] : memref<128x128xf32, #tpu.memory_space<vmem>>, vector<128x128xf32>
    %dot_general3A_27 = arith.constant dense<0.000000e+00> : vector<1000x128xf32>
    %dot_general3A_28 = tpu.matmul %get3A_23, %get3A_26, %dot_general3A_27 {dimension_numbers = #tpu.dot_dimension_numbers<[1], [0], [0], [1], [0, 0, 1, 1], [], []>, transpose_lhs_hint = false} : vector<1000x128xf32>, vector<128x128xf32>, vector<1000x128xf32> -> vector<1000x128xf32>
    %add3A_29 = arith.addf %dot_general3A_20, %dot_general3A_28 : vector<1000x128xf32>
    %get3A_30 = arith.constant 0 : index
    %get3A_31 = arith.constant 0 : index
    %get3A_32 = vector.load %arg7[%get3A_30, %get3A_31] : memref<1x128xf32, #tpu.memory_space<vmem>>, vector<1x128xf32>
    %add3A_33 = vector.broadcast %get3A_32 : vector<1x128xf32> to vector<1000x128xf32>
    %add3A_34 = arith.addf %add3A_29, %add3A_33 : vector<1000x128xf32>
    %swap3A = arith.constant 0 : index
    %swap3A_35 = arith.constant 0 : index
    %swap3A_36 = vector.load %arg9[%swap3A, %swap3A_35] : memref<1000x128xf32, #tpu.memory_space<vmem>>, vector<1000x128xf32>
    tpu.vector_store %arg9[%swap3A, %swap3A_35], %add3A_34 {strides = array<i32>} : memref<1000x128xf32, #tpu.memory_space<vmem>>, vector<1000x128xf32>,
    return
  }
  func.func @transform_0(%arg0: i32) -> (i32, i32) {
    %c0_i32 = arith.constant 0 : i32
    %c0_i32_0 = arith.constant 0 : i32
    return %arg0, %c0_i32 : i32, i32
  }
  func.func @transform_1(%arg0: i32) -> (i32, i32) {
    %c0_i32 = arith.constant 0 : i32
    %c0_i32_0 = arith.constant 0 : i32
    return %arg0, %c0_i32 : i32, i32
  }
  func.func @transform_2(%arg0: i32) -> (i32, i32) {
    %c0_i32 = arith.constant 0 : i32
    %c0_i32_0 = arith.constant 0 : i32
    return %arg0, %c0_i32 : i32, i32
  }
  func.func @transform_3(%arg0: i32) -> (i32, i32) {
    %c0_i32 = arith.constant 0 : i32
    %c0_i32_0 = arith.constant 0 : i32
    return %arg0, %c0_i32 : i32, i32
  }
  func.func @transform_4(%arg0: i32) -> (i32, i32) {
    %c0_i32 = arith.constant 0 : i32
    %c0_i32_0 = arith.constant 0 : i32
    return %arg0, %c0_i32 : i32, i32
  }
  func.func @transform_5(%arg0: i32) -> (i32, i32) {
    %c0_i32 = arith.constant 0 : i32
    %c0_i32_0 = arith.constant 0 : i32
    %c0_i32_1 = arith.constant 0 : i32
    return %c0_i32, %c0_i32_0 : i32, i32
  }
  func.func @transform_6(%arg0: i32) -> (i32, i32) {
    %c0_i32 = arith.constant 0 : i32
    %c0_i32_0 = arith.constant 0 : i32
    %c0_i32_1 = arith.constant 0 : i32
    return %c0_i32, %c0_i32_0 : i32, i32
  }
  func.func @transform_7(%arg0: i32) -> (i32, i32) {
    %c0_i32 = arith.constant 0 : i32
    %c0_i32_0 = arith.constant 0 : i32
    %c0_i32_1 = arith.constant 0 : i32
    return %c0_i32, %c0_i32_0 : i32, i32
  }
  func.func @transform_8(%arg0: i32) -> (i32, i32) {
    %c0_i32 = arith.constant 0 : i32
    %c0_i32_0 = arith.constant 0 : i32
    return %arg0, %c0_i32 : i32, i32
  }
}

</mosaic_0001>

<sc_bundles>
// kernel: kernel.12.cloned.1.call-start
scs
__scs_entry_jumppad:
0x0: {  	(pc) =	sbr.rel $0x88, $3  }
0x1: {  	(tag) =	ssettag $0x0;
	lr =	simm.s32 $0x1  }
0x2: {  	[smem:$0x3F96] =	sst lr;
	_ =	strace $0xD0000000  }
0x3: {  	_ = 	snop  }
0x4: {  	_ = 	snop  }
0x5: {  	_ = 	snop  }
0x6: {  	_ = 	snop  }
0x7: {  	_ = 	snop  }
__scs_overlays_trampoline_lowered:
0x8: {  	[smem:$0x3FA5] =	sst s0  }
0x9: {  	[smem:$0x3FA6] =	sst s1  }
0xa: {  	[smem:$0x3FA7] =	sst s2  }
0xb: {  	[smem:$0x3FA8] =	sst s3  }
0xc: {  	[smem:$0x3FA9] =	sst s4  }
0xd: {  	[smem:$0x3FAA] =	sst s5  }
0xe: {  	[smem:$0x3FAB] =	sst s6  }
0xf: {  	[smem:$0x3FAC] =	sst s7  }
0x10: {  	[smem:$0x3FAD] =	sst s8  }
0x11: {  	[smem:$0x3FAE] =	sst s9;
	s0 =	simm.s32 @!p0 $0x0  }
0x12: {  	s1 =	sld [smem:$0x3F94];
	s0 =	simm.s32 @p0 $0x1  }
0x13: {  	[smem:$0x3FAF] =	sst s0;
	s0 =	simm.s32 @!p1 $0x0  }
0x14: {  	s2 =	sld [smem:$0x3F93];
	s0 =	simm.s32 @p1 $0x1  }
0x15: {  	[smem:$0x3FB0] =	sst s0;
	s0 =	simm.s32 @!p2 $0x0  }
0x16: {  	s3 =	sld [smem:$0x3FDB];
	s0 =	simm.s32 @p2 $0x1  }
0x17: {  	s4 =	simm.s32 $0x1BF5;
	[smem:$0x3FB2] =	sst s0  }
0x18: {  	s0 =	sld [smem:$0x3F95];
	_ =	swait.ge [sflag:s4], $0x0  }
0x19: {  	s7 =	sld [smem:$0x3F96]  }
0x1a: {  	s8 =	sadd.s32 $0xFFFFE003, lr  }
0x1b: {  	s9 =	sadd.s32 $0xFFFFFEF7, lr;
	s5 =	simm.s32 $0xFFFFFFFF;
	p2 =	slt.u32 s8, $0xFFFFF086  }
0x1c: {  	p1 =	slt.u32 s9, $0xF7A;
	s5 =	simm.s32 @!p2 $0x0  }
0x1d: {  	s5 =	simm.s32 @p1 $0x1;
	p0 =	seq.s32 s7, s2  }
0x1e: {  	s7 =	smul.u32 @!p0 $0xF7A, s2;
	p2 =	seq.s32 @!p0 s5, $0x0  }
0x1f: {  	s9 =	smul.u32 $0xF7A, s1;
	s8 =	simm.s32 @!p0 $0x1BF5;
	p2 =	por !p2, p0  }
0x20: {  	[sflag:s8] =	ssyncset.s32 @!p0 $0xFFFFF086;
	s6 =	sadd.s32 @!p0 s3, s7;
	s7 =	simm.s32 @!p0 $0x108  }
0x21: {  	s3 =	sadd.s32 s3, s9;
	s6 =	sadd.s32 @!p0 $0x88, s6;
	s7 =	simm.s32 @p2 $0x1082  }
0x22: {  	[simem:s7], [sflag:s8] =	dma.local @!p0 [hbm:s6], $0xF7A  }
0x23: {  	s9 =	sor.u32 $0xD0000000, s2;
	s6 =	simm.s32 $0x108;
	_ =	swait.ge @!p0 [sflag:s8], $0x0  }
0x24: {  	s3 =	sadd.s32 $0x88, s3;
	s6 =	simm.s32 @!p1 $0x1082;
	[sflag:s4] =	ssyncset.s32 $0xFFFFF086  }
0x25: {  	[simem:s6], [sflag:s4] =	dma.local [hbm:s3], $0xF7A  }
0x26: {  	[smem:$0x3F96] =	sst s1;
	(tag) =	ssettag s2;
	_ =	strace s9  }
0x27: {  	s1 =	sld [smem:$0x3FA6]  }
0x28: {  	s2 =	sld [smem:$0x3FA7]  }
0x29: {  	s4 =	sld [smem:$0x3FA9]  }
0x2a: {  	p0 =	seq.s32 s5, $0x0;
	s5 =	sld [smem:$0x3FAA]  }
0x2b: {  	s6 =	sld [smem:$0x3FAB]  }
0x2c: {  	s7 =	sld [smem:$0x3FAC]  }
0x2d: {  	s3 =	simm.s32 $0x108;
	s8 =	sld [smem:$0x3FAD]  }
0x2e: {  	s3 =	simm.s32 @!p0 $0x1082;
	s9 =	sld [smem:$0x3FAE]  }
0x2f: {  	lr =	sadd.s32 s0, s3;
	s0 =	sld [smem:$0x3FA5]  }
0x30: {  	s3 =	sld [smem:$0x3FA8]  }
0x31: {  	[smem:$0x3FB1] =	sst s10  }
0x32: {  	s10 =	sld [smem:$0x3FAF];
	_ =	sdelay $0x3  }
0x33: {  	p0 =	seq.s32 s10, $0x1;
	s10 =	sld [smem:$0x3FB1];
	_ =	sdelay $0x3  }
0x34: {  	[smem:$0x3FB1] =	sst s10  }
0x35: {  	s10 =	sld [smem:$0x3FB0];
	_ =	sdelay $0x3  }
0x36: {  	p1 =	seq.s32 s10, $0x1;
	s10 =	sld [smem:$0x3FB1];
	_ =	sdelay $0x3  }
0x37: {  	[smem:$0x3FB1] =	sst s10  }
0x38: {  	s10 =	sld [smem:$0x3FB2]  }
0x39: {  	_ = 	snop;
	(pc) =	sbr.ind lr, $3  }
0x3a: {  	_ = 	snop  }
0x3b: {  	_ = 	snop  }
0x3c: {  	p2 =	seq.s32 s10, $0x1;
	s10 =	sld [smem:$0x3FB1]  }
0x3d: {  	_ =	shalt  }
0x3e: {  	_ =	shalt  }
0x3f: {  	_ =	shalt  }
0x40: {  	_ =	shalt  }
0x41: {  	_ =	shalt  }
0x42: {  	_ =	shalt  }
0x43: {  	_ =	shalt  }
0x44: {  	_ =	shalt  }
0x45: {  	_ =	shalt  }
0x46: {  	_ =	shalt  }
0x47: {  	_ =	shalt  }
0x48: {  	_ =	shalt  }
0x49: {  	_ =	shalt  }
0x4a: {  	_ =	shalt  }
0x4b: {  	_ =	shalt  }
0x4c: {  	_ =	shalt  }
0x4d: {  	_ =	shalt  }
0x4e: {  	_ =	shalt  }
0x4f: {  	_ =	shalt  }
0x50: {  	_ =	shalt  }
0x51: {  	_ =	shalt  }
0x52: {  	_ =	shalt  }
0x53: {  	_ =	shalt  }
0x54: {  	_ =	shalt  }
0x55: {  	_ =	shalt  }
0x56: {  	_ =	shalt  }
0x57: {  	_ =	shalt  }
0x58: {  	_ =	shalt  }
0x59: {  	_ =	shalt  }
0x5a: {  	_ =	shalt  }
0x5b: {  	_ =	shalt  }
0x5c: {  	_ =	shalt  }
0x5d: {  	_ =	shalt  }
0x5e: {  	_ =	shalt  }
0x5f: {  	_ =	shalt  }
0x60: {  	_ =	shalt  }
0x61: {  	_ =	shalt  }
0x62: {  	_ =	shalt  }
0x63: {  	_ =	shalt  }
0x64: {  	_ =	shalt  }
0x65: {  	_ =	shalt  }
0x66: {  	_ =	shalt  }
0x67: {  	_ =	shalt  }
0x68: {  	_ =	shalt  }
0x69: {  	_ =	shalt  }
0x6a: {  	_ =	shalt  }
0x6b: {  	_ =	shalt  }
0x6c: {  	_ =	shalt  }
0x6d: {  	_ =	shalt  }
0x6e: {  	_ =	shalt  }
0x6f: {  	_ =	shalt  }
0x70: {  	_ =	shalt  }
0x71: {  	_ =	shalt  }
0x72: {  	_ =	shalt  }
0x73: {  	_ =	shalt  }
0x74: {  	_ =	shalt  }
0x75: {  	_ =	shalt  }
0x76: {  	_ =	shalt  }
0x77: {  	_ =	shalt  }
0x78: {  	_ =	shalt  }
0x79: {  	_ =	shalt  }
0x7a: {  	_ =	shalt  }
0x7b: {  	_ =	shalt  }
0x7c: {  	_ =	shalt  }
0x7d: {  	_ =	shalt  }
0x7e: {  	_ =	shalt  }
0x7f: {  	_ =	shalt  }
0x80: {  	_ =	shalt  }
0x81: {  	_ =	shalt  }
0x82: {  	_ =	shalt  }
0x83: {  	_ =	shalt  }
0x84: {  	_ =	shalt  }
0x85: {  	_ =	shalt  }
0x86: {  	_ =	shalt  }
0x87: {  	_ =	shalt  }
.Lfunc_end0:
.L_simem_size_0:
called_computation.1_lowered:
.L_overlay_start_0:
0x88: {  	s2 =	sld [smem:$0x3FD9]  }
0x89: {  	s3 =	sld [smem:$0x3FFE];
	_ =	sdelay $0x1  }
0x8a: {  	s1 =	srdreg.scid  }
0x8b: {  	s0 =	sand.u32 $0x1, s1  }
0x8c: {  	s17 =	sshll.u32 s0, $0xA;
	s2 =	sadd.s32 s3, s2  }
0x8d: {  	s2 =	sadd.s32 s2, s17  }
0x8e: {  	[smem:$0x3FBD] =	sst s2  }
0x8f: {  	_ = 	snop  }
0x90: {  	(tm) =	ssettm $0x1  }
0x91: {  	s18 =	sld [smem:$0x3FFB];
	_ =	sdelay $0x3  }
0x92: {  	_ =	strace s18  }
0x93: {  	s2 =	sld [smem:$0x3FFC];
	_ =	sdelay $0x3  }
0x94: {  	_ =	strace s2  }
0x95: {  	s2 =	sld [smem:$0x3FFD];
	_ =	sdelay $0x3  }
0x96: {  	_ =	strace s2  }
0x97: {  	_ =	strace $0x8FFFFFFF  }
0x98: {  	s19 =	sld [smem:$0x3FDB];
	_ =	sdelay $0x1  }
0x99: {  	s20 =	simm.s32 $_scs_section_size  }
0x9a: {  	s4 =	simm.s32 $_size__tile_overlayer_lowered;
	s5 =	simm.s32 $_tile_overlayer_lowered  }
0x9b: {  	s6 =	simm.s32 $0x1BFF;
	s21 =	sshll.u32 s5, $0x1;
	s3 =	sadd.s32 s20, s19  }
0x9c: {  	s22 =	simm.s32 $0x0;
	s4 =	sshll.u32 s4, $0x1;
	s5 =	sadd.s32 s21, s3  }
0x9d: {  	[timem:s22], [sflag:s6] =	dma.local [hbm:s5], s4  }
0x9e: {  	_ =	swait.ge [sflag:s6], s4  }
0x9f: {  	s4 =	ssub.s32 $0x0, s4;
	[sflag:s6] =	ssyncset.done $0x0  }
0xa0: {  	[sflag:s6] =	ssyncadd.s32 s4;
	_ =	sdelay $0x1  }
0xa1: {  	s23 =	simm.s32 $0x1B8B  }
0xa2: {  	_ =	swait.ge [sflag:s23], $0x1  }
0xa3: {  	[sflag:s23] =	ssyncset.done $0x0  }
0xa4: {  	[sflag:s23] =	ssyncadd.s32 $0xFFFFFFFF  }
0xa5: {  	s4 =	sld [smem:$0x0]  }
0xa6: {  	s5 =	sand.u32 $0xFFFFFFFE, s1  }
0xa7: {  	p0 =	sne.s32 s1, s5  }
0xa8: {  	s5 =	sshll.u32 @p0 s5, $0xE  }
0xa9: {  	s5 =	sadd.s32 @p0 $0x11B8D, s5;
	s6 =	sshll.u32 @p0 s4, $0x11  }
0xaa: {  	s5 =	sor.u32 @p0 s6, s5  }
0xab: {  	[sflag:s5] =	ssyncadd.remote.s32 @p0 $0x1;
	_ =	sdelay $0x1  }
0xac: {  	s5 =	simm.s32 @p0 $0x1B8D  }
0xad: {  	_ =	swait.eq @p0 [sflag:s5], $0x1  }
0xae: {  	[sflag:s5] =	ssyncadd.s32 @p0 $0xFFFFFFFF  }
0xaf: {  	s6 =	sshll.u32 @!p0 s1, $0xE  }
0xb0: {  	s6 =	sor.u32 @!p0 $0x4000, s6;
	s5 =	simm.s32 @!p0 $0x1B8D  }
0xb1: {  	s4 =	sshll.u32 @!p0 s4, $0x11;
	s6 =	sadd.s32 @!p0 $0x11B8D, s6;
	_ =	swait.eq @!p0 [sflag:s5], $0x1  }
0xb2: {  	s4 =	sor.u32 @!p0 s4, s6;
	[sflag:s5] =	ssyncadd.s32 @!p0 $0xFFFFFFFF  }
0xb3: {  	s25 =	simm.s32 $0x1B8E;
	s24 =	sld [smem:$0x3FFE];
	[sflag:s4] =	ssyncadd.remote.s32 @!p0 $0x1  }
0xb4: {  	s26 =	simm.s32 $execute0_lowered;
	[smem:$0x3FD2] =	sst s25  }
0xb5: {  	s5 =	sshll.u32 s26, $0x1;
	_ =	strace $0x80000049;
	[dreg:$0x1] =	wrdreg $0xFFFFFFFF  }
0xb6: {  	s28 =	simm.s32 $_size_execute0_lowered;
	s3 =	sadd.s32 s3, s5;
	[dreg:$0x0] =	wrdreg $0x0  }
0xb7: {  	s5 =	sshll.u32 s28, $0x1;
	[dreg:$0x2] =	wrdreg s3  }
0xb8: {  	[dreg:$0x3] =	wrdreg s5  }
0xb9: {  	[dreg:$0x4] =	wrdreg $0xC0  }
0xba: {  	_ =	task [dreg:s22], $0x5FFFF  }
0xbb: {  	[dreg:$0x1] =	wrdreg $0xFFFFFFFF  }
0xbc: {  	[dreg:$0x0] =	wrdreg $0x60  }
0xbd: {  	[dreg:$0x2] =	wrdreg s24  }
0xbe: {  	[dreg:$0x3] =	wrdreg $0x90000  }
0xbf: {  	[dreg:$0x4] =	wrdreg $0x130000  }
0xc0: {  	[dreg:$0x5] =	wrdreg $0xA  }
0xc1: {  	_ =	task.clear_ibuf [dreg:s22], $0x6FFFF;
	_ =	strace $0x90000049  }
0xc2: {  	s29 =	simm.s32 $0xA;
	_ =	strace $0x8000004B  }
0xc3: {  	_ =	swait.ge [sflag:s29], $0x1  }
0xc4: {  	[sflag:s29] =	ssyncadd.s32 $0xFFFFFFFF  }
0xc5: {  	_ =	strace $0x9000004B  }
0xc6: {  	_ =	sfence  }
0xc7: {  	s30 =	sld [smem:$0x0];
	_ =	sdelay $0x2  }
0xc8: {  	s31 =	sshll.u32 s1, $0xD;
	s1 =	sshrl.u32 s1, $0x2  }
0xc9: {  	s4 =	sand.u32 $0x4000, s31;
	s1 =	sadd.s32 s1, s30  }
0xca: {  	s0 =	sor.u32 s4, s0;
	s1 =	sshll.u32 s1, $0x11  }
0xcb: {  	s0 =	sor.u32 s1, s0  }
0xcc: {  	s0 =	sadd.s32 $0x8F2B, s0  }
0xcd: {  	[sflag:s0] =	ssyncadd.remote.s32 $0x1  }
0xce: {  	_ =	sfence.sel $0xFFFF  }
0xcf: {  	[dreg:$0x0] =	wrdreg $0xFFFFFFFF;
	(pc) =	sbr.abs _section_cstart, $3  }
0xd0: {  	[dreg:$0x1] =	wrdreg $0xFFFFFFFF  }
0xd1: {  	_ =	task.clear_ibuf [dreg:s22], $0x2FFFF;
	_ =	strace $0x9FFFFFFF  }
0xd2: {  	(tm) =	ssettm $0x7FFFFFFF  }
0xd3: {  	_ =	shalt  }
tec
execute0_lowered:
.L_overlay_start_1:
0x0: {  	(tag) =	ssettag $0x1  }
0x1: {  	s0 =	rddreg [dreg:$0x0]  }
0x2: {  	s2 =	rddreg [dreg:$0x1]  }
0x3: {  	s3 =	rddreg [dreg:$0x2]  }
0x4: {  	s9 =	stileid.u32;
	s5 =	srdreg.scid  }
0x5: {  	s4 =	simm.s32 $0x0;
	s28 =	simm.s32 $0x4;
	s29 =	simm.s32 $0x0  }
0x6: {  	s1 =	smul.u32 $0xA000, s9;
	s5 =	sand.u32 $0x1, s5;
	[smem:$0x7FF] =	sst s4  }
0x7: {  	s17 =	sadd.s32 $0x36200, s0;
	s16 =	sadd.s32 $0x4200, s0;
	s21 =	smul.u32 $0x28000, s9  }
0x8: {  	s19 =	sshll.u32 s9, $0x1;
	s23 =	sshll.u32 s9, $0x6;
	s10 =	smul.u32 $0x5000, s9  }
0x9: {  	s7 =	smul.u32 $0x140000, s5;
	_ =	strace $0x8000004A;
	s18 =	ssub.s32 $0x2, s5  }
0xa: {  	s20 =	sor.u32 s5, s19;
	s5 =	smul.u32 $0x2800, s5;
	s19 =	simm.s32 $0x7  }
0xb: {  	s6 =	sshrl.u32 s1, $0x3;
	s8 =	sshrl.u32 s18, $0x1;
	s24 =	sshrl.u32 s21, $0x2  }
0xc: {  	s11 =	smul.u32 $0x500, s20;
	s20 =	simm.s32 $0x1000;
	s21 =	simm.s32 $0x800  }
0xd: {  	s13 =	sadd.s32 s6, s0;
	s15 =	sadd.s32 s1, s7;
	s7 =	sadd.s32 s1, s3  }
0xe: {  	s25 =	sadd.s32 s24, s3;
	s26 =	sadd.s32 s5, s10;
	s24 =	simm.s32 $0x5000  }
0xf: {  	s6 =	sshrl.u32 s15, $0x3;
	s15 =	ssub.s32 s18, s8;
	s18 =	sadd.s32 s1, s2  }
0x10: {  	s22 =	sadd.s32 $0xE200, s13;
	s8 =	sadd.s32 $0x4000, s25;
	s9 =	sadd.s32 $0x8000, s25  }
0x11: {  	s10 =	sadd.s32 s17, s11;
	s11 =	sadd.s32 s16, s11;
	s1 =	sor.u32 $0x400, s26  }
0x12: {  	s31 =	sadd.s32 $0x22200, s13;
	s25 =	simm.s32 $0x2;
	s26 =	simm.s32 $0x3  }
0x13: {  	s0 =	sadd.s32 s6, s0;
	[dreg:$0x4] =	wrdreg s22;
	s6 =	sor.u32 $0x1C07, s23  }
0x14: {  	[dreg:$0x6] =	wrdreg s31;
	s1 =	sshrl.u32 s1, $0x3;
	s15 =	smax.u32 s15, $0x1  }
0x15: {  	s18 =	sshrl.u32 s18, $0x3;
	s22 =	simm.s32 $0x100;
	s30 =	sadd.s32 $0x40200, s0  }
0x16: {  	s23 =	simm.s32 $0x1;
	s0 =	sadd.s32 $0x54200, s0;
	[dreg:$0x5] =	wrdreg s30  }
0x17: {  	v0 =	vimm.f32 $0.0e+00;
	s16 =	sadd.s32 s1, s16;
	s17 =	sadd.s32 s1, s17;
	[dreg:$0x7] =	wrdreg s0  }
.LBB2_1:
0x18: {  	s0 =	rddreg [dreg:$0x4]  }
0x19: {  	[spmem:s18], [sflag:s6] =	dma.local [hbm:s0], $0x1400  }
0x1a: {  	_ =	swait.ge [sflag:s19], $0x1400  }
0x1b: {  	[sflag:s19] =	ssyncset.done $0x0  }
0x1c: {  	s1 =	simm.s32 $0x100;
	s0 =	simm.s32 $0x0;
	[sflag:s19] =	ssyncadd.s32 $0xFFFFEC00  }
.LBB2_2:
0x1d: {  	p0 =	sne.s32 s1, $0xFF00;
	[tilespmem:s0+$0x1030] =	vst v0;
	s5 =	smov.u32 s1;
	s1 =	sadd.s32 $0x100, s1  }
.Ltmp0:
0x1e: {  	[tilespmem:s0+$0x1020] =	vst v0;
	(pc) =	sbr.rel @p0 .LBB2_2-.Ltmp0, $3  }
0x1f: {  	[tilespmem:s0+$0x1000] =	vst v0  }
0x20: {  	[tilespmem:s0+$0x1010] =	vst v0;
	_ =	sdelay $0x1  }
0x21: {  	s0 =	sshra.s32 s5, $0x2  }
0x22: {  	[tilespmem:s0+$0x1030] =	vst v0  }
0x23: {  	[tilespmem:s0+$0x1020] =	vst v0  }
0x24: {  	[tilespmem:s0+$0x1000] =	vst v0  }
0x25: {  	[tilespmem:s0+$0x1010] =	vst v0  }
0x26: {  	[spmem:s7] =	stream.linear.scatter [tilespmem:s20], [sflag:$0x7], $0x4000, $0x38;
	[tilespmem:$0x1D000] =	vst v63  }
0x27: {  	_ =	swait.ge [sflag:s19], $0x4000  }
0x28: {  	[sflag:s19] =	ssyncset.done $0x0  }
0x29: {  	[sflag:s19] =	ssyncadd.s32 $0xFFFFC000  }
0x2a: {  	[spmem:s8] =	stream.linear.scatter [tilespmem:s20], [sflag:$0x7], $0x4000, $0x38;
	[tilespmem:$0x1D000] =	vst v63  }
0x2b: {  	_ =	swait.ge [sflag:s19], $0x4000  }
0x2c: {  	[sflag:s19] =	ssyncset.done $0x0  }
0x2d: {  	[sflag:s19] =	ssyncadd.s32 $0xFFFFC000  }
0x2e: {  	[spmem:s9] =	stream.linear.scatter [tilespmem:s20], [sflag:$0x7], $0x2000, $0x38;
	[tilespmem:$0x1D000] =	vst v63  }
0x2f: {  	_ =	swait.ge [sflag:s19], $0x2000  }
0x30: {  	[sflag:s19] =	ssyncset.done $0x0  }
0x31: {  	s30 =	simm.s32 $0x0;
	[sflag:s19] =	ssyncadd.s32 $0xFFFFE000  }
0x32: {  	[tilespmem:s30], [sflag:$0x7] =	stream.linear.gather [hbm4b:s10+s30], $0x400, $0x38;
	[tilespmem:$0x1D000] =	vst v63  }
0x33: {  	_ =	swait.ge [sflag:s19], $0x400  }
0x34: {  	[sflag:s19] =	ssyncset.done $0x0  }
0x35: {  	[sflag:s19] =	ssyncadd.s32 $0xFFFFFC00  }
0x36: {  	[tilespmem:s21], [sflag:$0x7] =	stream.linear.gather [hbm4b:s11+s30], $0x400, $0x38;
	[tilespmem:$0x1D000] =	vst v63  }
0x37: {  	_ =	swait.ge [sflag:s19], $0x400  }
0x38: {  	[sflag:s19] =	ssyncset.done $0x0  }
0x39: {  	[sflag:s19] =	ssyncadd.s32 $0xFFFFFC00  }
0x3a: {  	s31 =	simm.s32 $0x1;
	s1 =	simm.s32 $0x0;
	[bflag:$0x0] =	sbarrier.arrive $0xFFFF  }
0x3b: {  	[tilespmem:s20], [sflag:$0x1] =	stream.indirect.gather [spmem:s2], $0x40, s30, s22, $0xb8;
	[tilespmem:$0x1D000] =	vst v63  }
.LBB2_4:
0x3c: {  	_ =	swait.ge [sflag:s23], $0x4000  }
0x3d: {  	p0 =	seq.s32 s1, $0x0;
	[sflag:s23] =	ssyncset.done $0x0  }
0x3e: {  	s5 =	simm.s32 @!p0 $0x4;
	[sflag:s23] =	ssyncadd.s32 $0xFFFFC000  }
0x3f: {  	p1 =	seq.s32 @!p0 s1, $0x480;
	_ =	swait.ge @!p0 [sflag:s5], $0x4000  }
0x40: {  	s0 =	sand.u32 $0x1, s31;
	p1 =	por p0, !p1;
	[sflag:s5] =	ssyncset.done @!p0 $0x0  }
0x41: {  	s12 =	sadd.s32 @p1 s1, s17;
	[sflag:s5] =	ssyncadd.s32 @!p0 $0xFFFFC000;
	s5 =	sshll.u32 @p1 s0, $0xA  }
0x42: {  	[tilespmem:s5], [sflag:$0x5] =	stream.linear.gather @p1 [hbm4b:s12+s4], $0x400, $0x38;
	[tilespmem:$0x1D000] =	vst v63  }
0x43: {  	s5 =	sor.u32 @p1 $0x800, s5;
	s12 =	sadd.s32 @p1 s1, s16  }
0x44: {  	[tilespmem:s5], [sflag:$0x6] =	stream.linear.gather @p1 [hbm4b:s12+s4], $0x400, $0x38;
	[tilespmem:$0x1D000] =	vst v63  }
0x45: {  	s5 =	sand.u32 $0x400, s30  }
0x46: {  	s14 =	sor.u32 $0x100, s5  }
0x47: {  	[tilespmem:s24], [sflag:$0x2] =	stream.indirect.gather [spmem:s2], $0x40, s14, s22, $0xb8;
	[tilespmem:$0x1D000] =	vst v63  }
0x48: {  	s13 =	sor.u32 $0x800, s5  }
0x49: {  	[spmem:s3] =	stream.indirect.scatter.add.f32 [tilespmem:s20], [sflag:$0x3], $0x40, s13, s22, $0xb8;
	[tilespmem:$0x1D000] =	vst v63  }
0x4a: {  	_ =	swait.ge [sflag:s25], $0x4000  }
0x4b: {  	[sflag:s25] =	ssyncset.done $0x0  }
0x4c: {  	[sflag:s25] =	ssyncadd.s32 $0xFFFFC000  }
0x4d: {  	_ =	swait.ge [sflag:s26], $0x4000  }
0x4e: {  	[sflag:s26] =	ssyncset.done $0x0  }
0x4f: {  	s14 =	sor.u32 $0x200, s5;
	[sflag:s26] =	ssyncadd.s32 $0xFFFFC000  }
0x50: {  	[tilespmem:s20], [sflag:$0x1] =	stream.indirect.gather [spmem:s2], $0x40, s14, s22, $0xb8;
	[tilespmem:$0x1D000] =	vst v63  }
0x51: {  	s13 =	sor.u32 $0x900, s5  }
0x52: {  	[spmem:s3] =	stream.indirect.scatter.add.f32 [tilespmem:s24], [sflag:$0x4], $0x40, s13, s22, $0xb8;
	[tilespmem:$0x1D000] =	vst v63  }
0x53: {  	_ =	swait.ge [sflag:s23], $0x4000  }
0x54: {  	[sflag:s23] =	ssyncset.done $0x0  }
0x55: {  	[sflag:s23] =	ssyncadd.s32 $0xFFFFC000  }
0x56: {  	_ =	swait.ge [sflag:s28], $0x4000  }
0x57: {  	[sflag:s28] =	ssyncset.done $0x0  }
0x58: {  	s14 =	sor.u32 $0x300, s5;
	[sflag:s28] =	ssyncadd.s32 $0xFFFFC000  }
0x59: {  	[tilespmem:s24], [sflag:$0x2] =	stream.indirect.gather [spmem:s2], $0x40, s14, s22, $0xb8;
	[tilespmem:$0x1D000] =	vst v63  }
0x5a: {  	s5 =	sor.u32 $0xA00, s5  }
0x5b: {  	[spmem:s3] =	stream.indirect.scatter.add.f32 [tilespmem:s20], [sflag:$0x3], $0x40, s5, s22, $0xb8;
	[tilespmem:$0x1D000] =	vst v63  }
0x5c: {  	_ =	swait.ge [sflag:s25], $0x4000  }
0x5d: {  	[sflag:s25] =	ssyncset.done $0x0  }
0x5e: {  	[sflag:s25] =	ssyncadd.s32 $0xFFFFC000  }
0x5f: {  	p0 =	por @!p0 $0x1, $0x1;
	_ =	swait.ge [sflag:s26], $0x4000  }
0x60: {  	p0 =	por @p1 $0x0, $0x0;
	[sflag:s26] =	ssyncset.done $0x0  }
0x61: {  	s5 =	simm.s32 @!p0 $0x5;
	[sflag:s26] =	ssyncadd.s32 $0xFFFFC000  }
0x62: {  	_ =	swait.ge @!p0 [sflag:s5], $0x400  }
0x63: {  	[sflag:s5] =	ssyncset.done @!p0 $0x0  }
0x64: {  	[sflag:s5] =	ssyncadd.s32 @!p0 $0xFFFFFC00;
	s5 =	simm.s32 @!p0 $0x6  }
0x65: {  	_ =	swait.ge @!p0 [sflag:s5], $0x400  }
0x66: {  	s1 =	sadd.s32 $0x80, s1;
	s0 =	sshll.u32 @!p0 s0, $0xA;
	[sflag:s5] =	ssyncset.done @!p0 $0x0  }
0x67: {  	s13 =	simm.s32 @!p0 $0x1000;
	[sflag:s5] =	ssyncadd.s32 @!p0 $0xFFFFFC00;
	s5 =	simm.s32 @!p0 $0x100  }
0x68: {  	[tilespmem:s13], [sflag:$0x1] =	stream.indirect.gather @!p0 [spmem:s2], $0x40, s0, s5, $0xb8;
	[tilespmem:$0x1D000] =	vst v63  }
0x69: {  	p0 =	sne.s32 s1, $0x500  }
.Ltmp1:
0x6a: {  	_ = 	snop;
	(pc) =	sbr.rel @p0 .LBB2_4-.Ltmp1, $3  }
0x6b: {  	_ =	sdelay $0x1  }
0x6c: {  	s31 =	sadd.s32 $0x1, s31;
	s30 =	sadd.s32 $0x400, s30;
	s14 =	sor.u32 $0x800, s14  }
0x6d: {  	[spmem:s3] =	stream.indirect.scatter.add.f32 [tilespmem:s24], [sflag:$0x4], $0x40, s14, s22, $0xb8;
	[tilespmem:$0x1D000] =	vst v63  }
0x6e: {  	_ =	swait.ge [sflag:s28], $0x4000  }
0x6f: {  	[sflag:s28] =	ssyncset.done $0x0  }
0x70: {  	[sflag:s28] =	ssyncadd.s32 $0xFFFFC000  }
0x71: {  	[bflag:$0x0] =	sbarrier.arrive $0xFFFF  }
0x72: {  	s30 =	sshrl.u32 s7, $0x3;
	s0 =	rddreg [dreg:$0x5]  }
0x73: {  	[hbm:s0], [sflag:s6] =	dma.local [spmem:s30], $0x1400  }
0x74: {  	_ =	swait.ge [sflag:s19], $0x1400  }
0x75: {  	[sflag:s19] =	ssyncset.done $0x0  }
0x76: {  	s31 =	rddreg [dreg:$0x6];
	[sflag:s19] =	ssyncadd.s32 $0xFFFFEC00  }
0x77: {  	[spmem:s18], [sflag:s6] =	dma.local [hbm:s31], $0x1400  }
0x78: {  	_ =	swait.ge [sflag:s19], $0x1400  }
0x79: {  	[sflag:s19] =	ssyncset.done $0x0  }
0x7a: {  	s1 =	simm.s32 $0x100;
	s0 =	simm.s32 $0x0;
	[sflag:s19] =	ssyncadd.s32 $0xFFFFEC00  }
.LBB2_6:
0x7b: {  	p0 =	sne.s32 s1, $0xFF00;
	[tilespmem:s0+$0x1030] =	vst v0;
	s5 =	smov.u32 s1;
	s1 =	sadd.s32 $0x100, s1  }
.Ltmp2:
0x7c: {  	[tilespmem:s0+$0x1020] =	vst v0;
	(pc) =	sbr.rel @p0 .LBB2_6-.Ltmp2, $3  }
0x7d: {  	[tilespmem:s0+$0x1000] =	vst v0  }
0x7e: {  	[tilespmem:s0+$0x1010] =	vst v0;
	_ =	sdelay $0x1  }
0x7f: {  	s0 =	sshra.s32 s5, $0x2  }
0x80: {  	[tilespmem:s0+$0x1030] =	vst v0  }
0x81: {  	[tilespmem:s0+$0x1020] =	vst v0  }
0x82: {  	[tilespmem:s0+$0x1000] =	vst v0  }
0x83: {  	[tilespmem:s0+$0x1010] =	vst v0  }
0x84: {  	[spmem:s7] =	stream.linear.scatter [tilespmem:s20], [sflag:$0x7], $0x4000, $0x38;
	[tilespmem:$0x1D000] =	vst v63  }
0x85: {  	_ =	swait.ge [sflag:s19], $0x4000  }
0x86: {  	[sflag:s19] =	ssyncset.done $0x0  }
0x87: {  	[sflag:s19] =	ssyncadd.s32 $0xFFFFC000  }
0x88: {  	[spmem:s8] =	stream.linear.scatter [tilespmem:s20], [sflag:$0x7], $0x4000, $0x38;
	[tilespmem:$0x1D000] =	vst v63  }
0x89: {  	_ =	swait.ge [sflag:s19], $0x4000  }
0x8a: {  	[sflag:s19] =	ssyncset.done $0x0  }
0x8b: {  	[sflag:s19] =	ssyncadd.s32 $0xFFFFC000  }
0x8c: {  	[spmem:s9] =	stream.linear.scatter [tilespmem:s20], [sflag:$0x7], $0x2000, $0x38;
	[tilespmem:$0x1D000] =	vst v63  }
0x8d: {  	_ =	swait.ge [sflag:s19], $0x2000  }
0x8e: {  	[sflag:s19] =	ssyncset.done $0x0  }
0x8f: {  	s31 =	simm.s32 $0x0;
	[sflag:s19] =	ssyncadd.s32 $0xFFFFE000  }
0x90: {  	[tilespmem:s31], [sflag:$0x7] =	stream.linear.gather [hbm4b:s10+s31], $0x400, $0x38;
	[tilespmem:$0x1D000] =	vst v63  }
0x91: {  	_ =	swait.ge [sflag:s19], $0x400  }
0x92: {  	[sflag:s19] =	ssyncset.done $0x0  }
0x93: {  	[sflag:s19] =	ssyncadd.s32 $0xFFFFFC00  }
0x94: {  	[tilespmem:s21], [sflag:$0x7] =	stream.linear.gather [hbm4b:s11+s31], $0x400, $0x38;
	[tilespmem:$0x1D000] =	vst v63  }
0x95: {  	_ =	swait.ge [sflag:s19], $0x400  }
0x96: {  	[sflag:s19] =	ssyncset.done $0x0  }
0x97: {  	[sflag:s19] =	ssyncadd.s32 $0xFFFFFC00  }
0x98: {  	s1 =	simm.s32 $0x1;
	s0 =	simm.s32 $0x0;
	[bflag:$0x0] =	sbarrier.arrive $0xFFFF  }
0x99: {  	[tilespmem:s20], [sflag:$0x1] =	stream.indirect.gather [spmem:s2], $0x40, s31, s22, $0xb8;
	[tilespmem:$0x1D000] =	vst v63  }
.LBB2_8:
0x9a: {  	_ =	swait.ge [sflag:s23], $0x4000  }
0x9b: {  	p0 =	seq.s32 s0, $0x0;
	[sflag:s23] =	ssyncset.done $0x0  }
0x9c: {  	s12 =	simm.s32 @!p0 $0x4;
	[sflag:s23] =	ssyncadd.s32 $0xFFFFC000  }
0x9d: {  	p1 =	seq.s32 @!p0 s0, $0x480;
	_ =	swait.ge @!p0 [sflag:s12], $0x4000  }
0x9e: {  	s5 =	sand.u32 $0x1, s1;
	p1 =	por p0, !p1;
	[sflag:s12] =	ssyncset.done @!p0 $0x0  }
0x9f: {  	s13 =	sadd.s32 @p1 s0, s17;
	[sflag:s12] =	ssyncadd.s32 @!p0 $0xFFFFC000;
	s12 =	sshll.u32 @p1 s5, $0xA  }
0xa0: {  	[tilespmem:s12], [sflag:$0x5] =	stream.linear.gather @p1 [hbm4b:s13+s4], $0x400, $0x38;
	[tilespmem:$0x1D000] =	vst v63  }
0xa1: {  	s12 =	sor.u32 @p1 $0x800, s12;
	s13 =	sadd.s32 @p1 s0, s16  }
0xa2: {  	[tilespmem:s12], [sflag:$0x6] =	stream.linear.gather @p1 [hbm4b:s13+s4], $0x400, $0x38;
	[tilespmem:$0x1D000] =	vst v63  }
0xa3: {  	s12 =	sand.u32 $0x400, s31  }
0xa4: {  	s14 =	sor.u32 $0x100, s12  }
0xa5: {  	[tilespmem:s24], [sflag:$0x2] =	stream.indirect.gather [spmem:s2], $0x40, s14, s22, $0xb8;
	[tilespmem:$0x1D000] =	vst v63  }
0xa6: {  	s14 =	sor.u32 $0x800, s12  }
0xa7: {  	[spmem:s3] =	stream.indirect.scatter.add.f32 [tilespmem:s20], [sflag:$0x3], $0x40, s14, s22, $0xb8;
	[tilespmem:$0x1D000] =	vst v63  }
0xa8: {  	_ =	swait.ge [sflag:s25], $0x4000  }
0xa9: {  	[sflag:s25] =	ssyncset.done $0x0  }
0xaa: {  	[sflag:s25] =	ssyncadd.s32 $0xFFFFC000  }
0xab: {  	_ =	swait.ge [sflag:s26], $0x4000  }
0xac: {  	[sflag:s26] =	ssyncset.done $0x0  }
0xad: {  	s14 =	sor.u32 $0x200, s12;
	[sflag:s26] =	ssyncadd.s32 $0xFFFFC000  }
0xae: {  	[tilespmem:s20], [sflag:$0x1] =	stream.indirect.gather [spmem:s2], $0x40, s14, s22, $0xb8;
	[tilespmem:$0x1D000] =	vst v63  }
0xaf: {  	s14 =	sor.u32 $0x900, s12  }
0xb0: {  	[spmem:s3] =	stream.indirect.scatter.add.f32 [tilespmem:s24], [sflag:$0x4], $0x40, s14, s22, $0xb8;
	[tilespmem:$0x1D000] =	vst v63  }
0xb1: {  	_ =	swait.ge [sflag:s23], $0x4000  }
0xb2: {  	[sflag:s23] =	ssyncset.done $0x0  }
0xb3: {  	[sflag:s23] =	ssyncadd.s32 $0xFFFFC000  }
0xb4: {  	_ =	swait.ge [sflag:s28], $0x4000  }
0xb5: {  	[sflag:s28] =	ssyncset.done $0x0  }
0xb6: {  	s13 =	sor.u32 $0x300, s12;
	[sflag:s28] =	ssyncadd.s32 $0xFFFFC000  }
0xb7: {  	[tilespmem:s24], [sflag:$0x2] =	stream.indirect.gather [spmem:s2], $0x40, s13, s22, $0xb8;
	[tilespmem:$0x1D000] =	vst v63  }
0xb8: {  	s12 =	sor.u32 $0xA00, s12  }
0xb9: {  	[spmem:s3] =	stream.indirect.scatter.add.f32 [tilespmem:s20], [sflag:$0x3], $0x40, s12, s22, $0xb8;
	[tilespmem:$0x1D000] =	vst v63  }
0xba: {  	_ =	swait.ge [sflag:s25], $0x4000  }
0xbb: {  	[sflag:s25] =	ssyncset.done $0x0  }
0xbc: {  	[sflag:s25] =	ssyncadd.s32 $0xFFFFC000  }
0xbd: {  	p0 =	por @!p0 $0x1, $0x1;
	_ =	swait.ge [sflag:s26], $0x4000  }
0xbe: {  	p0 =	por @p1 $0x0, $0x0;
	[sflag:s26] =	ssyncset.done $0x0  }
0xbf: {  	s12 =	simm.s32 @!p0 $0x5;
	[sflag:s26] =	ssyncadd.s32 $0xFFFFC000  }
0xc0: {  	_ =	swait.ge @!p0 [sflag:s12], $0x400  }
0xc1: {  	[sflag:s12] =	ssyncset.done @!p0 $0x0  }
0xc2: {  	[sflag:s12] =	ssyncadd.s32 @!p0 $0xFFFFFC00;
	s12 =	simm.s32 @!p0 $0x6  }
0xc3: {  	_ =	swait.ge @!p0 [sflag:s12], $0x400  }
0xc4: {  	s0 =	sadd.s32 $0x80, s0;
	s5 =	sshll.u32 @!p0 s5, $0xA;
	[sflag:s12] =	ssyncset.done @!p0 $0x0  }
0xc5: {  	s14 =	simm.s32 @!p0 $0x1000;
	[sflag:s12] =	ssyncadd.s32 @!p0 $0xFFFFFC00;
	s12 =	simm.s32 @!p0 $0x100  }
0xc6: {  	[tilespmem:s14], [sflag:$0x1] =	stream.indirect.gather @!p0 [spmem:s2], $0x40, s5, s12, $0xb8;
	[tilespmem:$0x1D000] =	vst v63  }
0xc7: {  	p0 =	sne.s32 s0, $0x500  }
.Ltmp3:
0xc8: {  	_ = 	snop;
	(pc) =	sbr.rel @p0 .LBB2_8-.Ltmp3, $3  }
0xc9: {  	_ =	sdelay $0x1  }
0xca: {  	s1 =	sadd.s32 $0x1, s1;
	s31 =	sadd.s32 $0x400, s31;
	s14 =	sor.u32 $0x800, s13  }
0xcb: {  	[spmem:s3] =	stream.indirect.scatter.add.f32 [tilespmem:s24], [sflag:$0x4], $0x40, s14, s22, $0xb8;
	[tilespmem:$0x1D000] =	vst v63  }
0xcc: {  	_ =	swait.ge [sflag:s28], $0x4000  }
0xcd: {  	[sflag:s28] =	ssyncset.done $0x0  }
0xce: {  	s29 =	sadd.s32 $0x1, s29;
	[sflag:s28] =	ssyncadd.s32 $0xFFFFC000  }
0xcf: {  	p0 =	sne.s32 s29, s15;
	[bflag:$0x0] =	sbarrier.arrive $0xFFFF  }
.Ltmp4:
0xd0: {  	s0 =	rddreg [dreg:$0x7];
	(pc) =	sbr.rel @p0 .LBB2_1-.Ltmp4, $4  }
0xd1: {  	[hbm:s0], [sflag:s6] =	dma.local [spmem:s30], $0x1400  }
0xd2: {  	_ =	swait.ge [sflag:s19], $0x1400  }
0xd3: {  	[sflag:s19] =	ssyncset.done $0x0  }
0xd4: {  	[sflag:s19] =	ssyncadd.s32 $0xFFFFEC00  }
0xd5: {  	_ =	sfence.sel $0x180000  }
0xd6: {  	[bflag:$0x0] =	sbarrier.arrive $0xFFFF  }
0xd7: {  	_ =	strace $0x9000004A  }
0xd8: {  	s0 =	stileid.u32;
	[bflag:$0x2] =	sbarrier.arrive $0xFFFF  }
0xd9: {  	p0 =	sne.s32 s0, $0x0;
	s0 =	rddreg [dreg:$0x3]  }
0xda: {  	s0 =	sadd.s32 @!p0 $0x100000, s0  }
0xdb: {  	[sflag:s0] =	ssyncadd.tile.s32 @!p0 $0x1;
	_ =	shalt  }
.Lfunc_end2:
_tile_overlayer_lowered:
.L_overlay_start_2:
0xdc: {  	(tag) =	ssettag $0x2  }
0xdd: {  	s0 =	rddreg [dreg:$0x0];
	s2 =	stileid.u32  }
0xde: {  	s1 =	rddreg [dreg:$0x1];
	p0 =	sne.s32 s2, $0x0  }
0xdf: {  	s3 =	rddreg [dreg:$0x2];
	[bflag:$0x3] =	sbarrier.arrive $0xFFFF;
	s2 =	simm.s32 @!p0 $0x1C07  }
0xe0: {  	[timem:s3], [sflag:s2] =	dma.local @!p0 [hbm:s0], s1  }
0xe1: {  	s0 =	simm.s32 @!p0 $0x7  }
0xe2: {  	_ =	swait.ge @!p0 [sflag:s0], s1  }
0xe3: {  	s1 =	ssub.s32 @!p0 $0x0, s1;
	[sflag:s0] =	ssyncset.done @!p0 $0x0  }
0xe4: {  	[sflag:s0] =	ssyncadd.s32 @!p0 s1  }
0xe5: {  	[bflag:$0x3] =	sbarrier.arrive $0xFFFF  }
0xe6: {  	_ =	shalt  }

// kernel: kernel.15.cloned.1.call-start
scs
__scs_entry_jumppad:
0x0: {  	(pc) =	sbr.rel $0x88, $3  }
0x1: {  	(tag) =	ssettag $0x0;
	lr =	simm.s32 $0x1  }
0x2: {  	[smem:$0x3F96] =	sst lr;
	_ =	strace $0xD0000000  }
0x3: {  	_ = 	snop  }
0x4: {  	_ = 	snop  }
0x5: {  	_ = 	snop  }
0x6: {  	_ = 	snop  }
0x7: {  	_ = 	snop  }
__scs_overlays_trampoline_lowered:
0x8: {  	[smem:$0x3FA5] =	sst s0  }
0x9: {  	[smem:$0x3FA6] =	sst s1  }
0xa: {  	[smem:$0x3FA7] =	sst s2  }
0xb: {  	[smem:$0x3FA8] =	sst s3  }
0xc: {  	[smem:$0x3FA9] =	sst s4  }
0xd: {  	[smem:$0x3FAA] =	sst s5  }
0xe: {  	[smem:$0x3FAB] =	sst s6  }
0xf: {  	[smem:$0x3FAC] =	sst s7  }
0x10: {  	[smem:$0x3FAD] =	sst s8  }
0x11: {  	[smem:$0x3FAE] =	sst s9;
	s0 =	simm.s32 @!p0 $0x0  }
0x12: {  	s1 =	sld [smem:$0x3F94];
	s0 =	simm.s32 @p0 $0x1  }
0x13: {  	[smem:$0x3FAF] =	sst s0;
	s0 =	simm.s32 @!p1 $0x0  }
0x14: {  	s2 =	sld [smem:$0x3F93];
	s0 =	simm.s32 @p1 $0x1  }
0x15: {  	[smem:$0x3FB0] =	sst s0;
	s0 =	simm.s32 @!p2 $0x0  }
0x16: {  	s3 =	sld [smem:$0x3FDB];
	s0 =	simm.s32 @p2 $0x1  }
0x17: {  	s4 =	simm.s32 $0x1BF5;
	[smem:$0x3FB2] =	sst s0  }
0x18: {  	s0 =	sld [smem:$0x3F95];
	_ =	swait.ge [sflag:s4], $0x0  }
0x19: {  	s7 =	sld [smem:$0x3F96]  }
0x1a: {  	s8 =	sadd.s32 $0xFFFFE003, lr  }
0x1b: {  	s9 =	sadd.s32 $0xFFFFFEF7, lr;
	s5 =	simm.s32 $0xFFFFFFFF;
	p2 =	slt.u32 s8, $0xFFFFF086  }
0x1c: {  	p1 =	slt.u32 s9, $0xF7A;
	s5 =	simm.s32 @!p2 $0x0  }
0x1d: {  	s5 =	simm.s32 @p1 $0x1;
	p0 =	seq.s32 s7, s2  }
0x1e: {  	s7 =	smul.u32 @!p0 $0xF7A, s2;
	p2 =	seq.s32 @!p0 s5, $0x0  }
0x1f: {  	s9 =	smul.u32 $0xF7A, s1;
	s8 =	simm.s32 @!p0 $0x1BF5;
	p2 =	por !p2, p0  }
0x20: {  	[sflag:s8] =	ssyncset.s32 @!p0 $0xFFFFF086;
	s6 =	sadd.s32 @!p0 s3, s7;
	s7 =	simm.s32 @!p0 $0x108  }
0x21: {  	s3 =	sadd.s32 s3, s9;
	s6 =	sadd.s32 @!p0 $0x88, s6;
	s7 =	simm.s32 @p2 $0x1082  }
0x22: {  	[simem:s7], [sflag:s8] =	dma.local @!p0 [hbm:s6], $0xF7A  }
0x23: {  	s9 =	sor.u32 $0xD0000000, s2;
	s6 =	simm.s32 $0x108;
	_ =	swait.ge @!p0 [sflag:s8], $0x0  }
0x24: {  	s3 =	sadd.s32 $0x88, s3;
	s6 =	simm.s32 @!p1 $0x1082;
	[sflag:s4] =	ssyncset.s32 $0xFFFFF086  }
0x25: {  	[simem:s6], [sflag:s4] =	dma.local [hbm:s3], $0xF7A  }
0x26: {  	[smem:$0x3F96] =	sst s1;
	(tag) =	ssettag s2;
	_ =	strace s9  }
0x27: {  	s1 =	sld [smem:$0x3FA6]  }
0x28: {  	s2 =	sld [smem:$0x3FA7]  }
0x29: {  	s4 =	sld [smem:$0x3FA9]  }
0x2a: {  	p0 =	seq.s32 s5, $0x0;
	s5 =	sld [smem:$0x3FAA]  }
0x2b: {  	s6 =	sld [smem:$0x3FAB]  }
0x2c: {  	s7 =	sld [smem:$0x3FAC]  }
0x2d: {  	s3 =	simm.s32 $0x108;
	s8 =	sld [smem:$0x3FAD]  }
0x2e: {  	s3 =	simm.s32 @!p0 $0x1082;
	s9 =	sld [smem:$0x3FAE]  }
0x2f: {  	lr =	sadd.s32 s0, s3;
	s0 =	sld [smem:$0x3FA5]  }
0x30: {  	s3 =	sld [smem:$0x3FA8]  }
0x31: {  	[smem:$0x3FB1] =	sst s10  }
0x32: {  	s10 =	sld [smem:$0x3FAF];
	_ =	sdelay $0x3  }
0x33: {  	p0 =	seq.s32 s10, $0x1;
	s10 =	sld [smem:$0x3FB1];
	_ =	sdelay $0x3  }
0x34: {  	[smem:$0x3FB1] =	sst s10  }
0x35: {  	s10 =	sld [smem:$0x3FB0];
	_ =	sdelay $0x3  }
0x36: {  	p1 =	seq.s32 s10, $0x1;
	s10 =	sld [smem:$0x3FB1];
	_ =	sdelay $0x3  }
0x37: {  	[smem:$0x3FB1] =	sst s10  }
0x38: {  	s10 =	sld [smem:$0x3FB2]  }
0x39: {  	_ = 	snop;
	(pc) =	sbr.ind lr, $3  }
0x3a: {  	_ = 	snop  }
0x3b: {  	_ = 	snop  }
0x3c: {  	p2 =	seq.s32 s10, $0x1;
	s10 =	sld [smem:$0x3FB1]  }
0x3d: {  	_ =	shalt  }
0x3e: {  	_ =	shalt  }
0x3f: {  	_ =	shalt  }
0x40: {  	_ =	shalt  }
0x41: {  	_ =	shalt  }
0x42: {  	_ =	shalt  }
0x43: {  	_ =	shalt  }
0x44: {  	_ =	shalt  }
0x45: {  	_ =	shalt  }
0x46: {  	_ =	shalt  }
0x47: {  	_ =	shalt  }
0x48: {  	_ =	shalt  }
0x49: {  	_ =	shalt  }
0x4a: {  	_ =	shalt  }
0x4b: {  	_ =	shalt  }
0x4c: {  	_ =	shalt  }
0x4d: {  	_ =	shalt  }
0x4e: {  	_ =	shalt  }
0x4f: {  	_ =	shalt  }
0x50: {  	_ =	shalt  }
0x51: {  	_ =	shalt  }
0x52: {  	_ =	shalt  }
0x53: {  	_ =	shalt  }
0x54: {  	_ =	shalt  }
0x55: {  	_ =	shalt  }
0x56: {  	_ =	shalt  }
0x57: {  	_ =	shalt  }
0x58: {  	_ =	shalt  }
0x59: {  	_ =	shalt  }
0x5a: {  	_ =	shalt  }
0x5b: {  	_ =	shalt  }
0x5c: {  	_ =	shalt  }
0x5d: {  	_ =	shalt  }
0x5e: {  	_ =	shalt  }
0x5f: {  	_ =	shalt  }
0x60: {  	_ =	shalt  }
0x61: {  	_ =	shalt  }
0x62: {  	_ =	shalt  }
0x63: {  	_ =	shalt  }
0x64: {  	_ =	shalt  }
0x65: {  	_ =	shalt  }
0x66: {  	_ =	shalt  }
0x67: {  	_ =	shalt  }
0x68: {  	_ =	shalt  }
0x69: {  	_ =	shalt  }
0x6a: {  	_ =	shalt  }
0x6b: {  	_ =	shalt  }
0x6c: {  	_ =	shalt  }
0x6d: {  	_ =	shalt  }
0x6e: {  	_ =	shalt  }
0x6f: {  	_ =	shalt  }
0x70: {  	_ =	shalt  }
0x71: {  	_ =	shalt  }
0x72: {  	_ =	shalt  }
0x73: {  	_ =	shalt  }
0x74: {  	_ =	shalt  }
0x75: {  	_ =	shalt  }
0x76: {  	_ =	shalt  }
0x77: {  	_ =	shalt  }
0x78: {  	_ =	shalt  }
0x79: {  	_ =	shalt  }
0x7a: {  	_ =	shalt  }
0x7b: {  	_ =	shalt  }
0x7c: {  	_ =	shalt  }
0x7d: {  	_ =	shalt  }
0x7e: {  	_ =	shalt  }
0x7f: {  	_ =	shalt  }
0x80: {  	_ =	shalt  }
0x81: {  	_ =	shalt  }
0x82: {  	_ =	shalt  }
0x83: {  	_ =	shalt  }
0x84: {  	_ =	shalt  }
0x85: {  	_ =	shalt  }
0x86: {  	_ =	shalt  }
0x87: {  	_ =	shalt  }
.Lfunc_end0:
.L_simem_size_0:
called_computation.2_lowered:
.L_overlay_start_0:
0x88: {  	s2 =	sld [smem:$0x3FD9]  }
0x89: {  	s3 =	sld [smem:$0x3FFE];
	_ =	sdelay $0x1  }
0x8a: {  	s1 =	srdreg.scid  }
0x8b: {  	s0 =	sand.u32 $0x1, s1  }
0x8c: {  	s16 =	sshll.u32 s0, $0xA;
	s2 =	sadd.s32 s3, s2  }
0x8d: {  	s2 =	sadd.s32 s2, s16  }
0x8e: {  	[smem:$0x3FBD] =	sst s2  }
0x8f: {  	_ = 	snop  }
0x90: {  	(tm) =	ssettm $0x1  }
0x91: {  	s17 =	sld [smem:$0x3FFB];
	_ =	sdelay $0x3  }
0x92: {  	_ =	strace s17  }
0x93: {  	s2 =	sld [smem:$0x3FFC];
	_ =	sdelay $0x3  }
0x94: {  	_ =	strace s2  }
0x95: {  	s2 =	sld [smem:$0x3FFD];
	_ =	sdelay $0x3  }
0x96: {  	_ =	strace s2  }
0x97: {  	_ =	strace $0x8FFFFFFF  }
0x98: {  	s18 =	sld [smem:$0x3FDB];
	_ =	sdelay $0x1  }
0x99: {  	s19 =	simm.s32 $_scs_section_size  }
0x9a: {  	s4 =	simm.s32 $_size__tile_overlayer_lowered;
	s5 =	simm.s32 $_tile_overlayer_lowered  }
0x9b: {  	s22 =	simm.s32 $0x1BFF;
	s21 =	sshll.u32 s5, $0x1;
	s2 =	sadd.s32 s19, s18  }
0x9c: {  	s6 =	simm.s32 $0x0;
	s20 =	sshll.u32 s4, $0x1;
	s4 =	sadd.s32 s21, s2  }
0x9d: {  	[timem:s6], [sflag:s22] =	dma.local [hbm:s4], s20  }
0x9e: {  	_ =	swait.ge [sflag:s22], s20  }
0x9f: {  	s3 =	ssub.s32 $0x0, s20;
	[sflag:s22] =	ssyncset.done $0x0  }
0xa0: {  	[sflag:s22] =	ssyncadd.s32 s3;
	_ =	sdelay $0x1  }
0xa1: {  	s23 =	simm.s32 $0x1B8B  }
0xa2: {  	_ =	swait.ge [sflag:s23], $0x1  }
0xa3: {  	[sflag:s23] =	ssyncset.done $0x0  }
0xa4: {  	s25 =	simm.s32 $0x1B8E;
	s24 =	sld [smem:$0x3FFE];
	[sflag:s23] =	ssyncadd.s32 $0xFFFFFFFF  }
0xa5: {  	s26 =	simm.s32 $execute0_lowered;
	[smem:$0x3FD2] =	sst s25  }
0xa6: {  	s4 =	sshll.u32 s26, $0x1;
	_ =	strace $0x8000004C;
	[dreg:$0x1] =	wrdreg $0xFFFFFFFF  }
0xa7: {  	s28 =	simm.s32 $_size_execute0_lowered;
	s2 =	sadd.s32 s2, s4;
	[dreg:$0x0] =	wrdreg $0x0  }
0xa8: {  	s4 =	sshll.u32 s28, $0x1;
	[dreg:$0x2] =	wrdreg s2  }
0xa9: {  	[dreg:$0x3] =	wrdreg s4  }
0xaa: {  	[dreg:$0x4] =	wrdreg $0xC0  }
0xab: {  	_ =	task [dreg:s6], $0x5FFFF  }
0xac: {  	[dreg:$0x1] =	wrdreg $0xFFFFFFFF  }
0xad: {  	[dreg:$0x0] =	wrdreg $0x60  }
0xae: {  	[dreg:$0x2] =	wrdreg s24  }
0xaf: {  	[dreg:$0x3] =	wrdreg $0x90000  }
0xb0: {  	[dreg:$0x4] =	wrdreg $0x130000  }
0xb1: {  	[dreg:$0x5] =	wrdreg $0x9  }
0xb2: {  	_ =	task.clear_ibuf [dreg:s6], $0x6FFFF;
	_ =	strace $0x9000004C  }
0xb3: {  	s29 =	simm.s32 $0x9;
	_ =	strace $0x8000004E  }
0xb4: {  	_ =	swait.ge [sflag:s29], $0x1  }
0xb5: {  	[sflag:s29] =	ssyncadd.s32 $0xFFFFFFFF  }
0xb6: {  	_ =	strace $0x9000004E  }
0xb7: {  	_ =	sfence  }
0xb8: {  	s30 =	sld [smem:$0x0];
	_ =	sdelay $0x2  }
0xb9: {  	s31 =	sshll.u32 s1, $0xD;
	s1 =	sshrl.u32 s1, $0x2  }
0xba: {  	s3 =	sand.u32 $0x4000, s31;
	s1 =	sadd.s32 s1, s30  }
0xbb: {  	s0 =	sor.u32 s3, s0;
	s1 =	sshll.u32 s1, $0x11  }
0xbc: {  	s0 =	sor.u32 s1, s0  }
0xbd: {  	s0 =	sadd.s32 $0x8F2B, s0  }
0xbe: {  	[sflag:s0] =	ssyncadd.remote.s32 $0x1  }
0xbf: {  	_ =	sfence.sel $0xFFFF  }
0xc0: {  	[dreg:$0x0] =	wrdreg $0xFFFFFFFF;
	(pc) =	sbr.abs _section_cstart, $3  }
0xc1: {  	[dreg:$0x1] =	wrdreg $0xFFFFFFFF  }
0xc2: {  	_ =	task.clear_ibuf [dreg:s6], $0x2FFFF;
	_ =	strace $0x9FFFFFFF  }
0xc3: {  	(tm) =	ssettm $0x7FFFFFFF  }
tec
execute0_lowered:
.L_overlay_start_1:
0x0: {  	(tag) =	ssettag $0x1  }
0x1: {  	s0 =	rddreg [dreg:$0x0]  }
0x2: {  	s2 =	rddreg [dreg:$0x1]  }
0x3: {  	s3 =	rddreg [dreg:$0x2]  }
0x4: {  	s9 =	stileid.u32;
	s5 =	srdreg.scid  }
0x5: {  	s4 =	simm.s32 $0x0;
	s28 =	simm.s32 $0x4;
	s29 =	simm.s32 $0x0  }
0x6: {  	s1 =	smul.u32 $0xA000, s9;
	s5 =	sand.u32 $0x1, s5;
	[smem:$0x7FF] =	sst s4  }
0x7: {  	s17 =	sadd.s32 $0x36200, s0;
	s16 =	sadd.s32 $0x4200, s0;
	s21 =	smul.u32 $0x28000, s9  }
0x8: {  	s19 =	sshll.u32 s9, $0x1;
	s23 =	sshll.u32 s9, $0x6;
	s10 =	smul.u32 $0x5000, s9  }
0x9: {  	s7 =	smul.u32 $0x140000, s5;
	_ =	strace $0x8000004D;
	s18 =	ssub.s32 $0x2, s5  }
0xa: {  	s20 =	sor.u32 s5, s19;
	s5 =	smul.u32 $0x2800, s5;
	s19 =	simm.s32 $0x7  }
0xb: {  	s6 =	sshrl.u32 s1, $0x3;
	s8 =	sshrl.u32 s18, $0x1;
	s24 =	sshrl.u32 s21, $0x2  }
0xc: {  	s11 =	smul.u32 $0x500, s20;
	s20 =	simm.s32 $0x1000;
	s21 =	simm.s32 $0x800  }
0xd: {  	s13 =	sadd.s32 s6, s0;
	s15 =	sadd.s32 s1, s7;
	s7 =	sadd.s32 s1, s3  }
0xe: {  	s25 =	sadd.s32 s24, s3;
	s26 =	sadd.s32 s5, s10;
	s24 =	simm.s32 $0x5000  }
0xf: {  	s6 =	sshrl.u32 s15, $0x3;
	s15 =	ssub.s32 s18, s8;
	s18 =	sadd.s32 s1, s2  }
0x10: {  	s22 =	sadd.s32 $0x40200, s13;
	s8 =	sadd.s32 $0x4000, s25;
	s9 =	sadd.s32 $0x8000, s25  }
0x11: {  	s10 =	sadd.s32 s17, s11;
	s11 =	sadd.s32 s16, s11;
	s1 =	sor.u32 $0x400, s26  }
0x12: {  	s31 =	sadd.s32 $0x54200, s13;
	s25 =	simm.s32 $0x2;
	s26 =	simm.s32 $0x3  }
0x13: {  	s0 =	sadd.s32 s6, s0;
	[dreg:$0x4] =	wrdreg s22;
	s6 =	sor.u32 $0x1C07, s23  }
0x14: {  	[dreg:$0x6] =	wrdreg s31;
	s1 =	sshrl.u32 s1, $0x3;
	s15 =	smax.u32 s15, $0x1  }
0x15: {  	s18 =	sshrl.u32 s18, $0x3;
	s22 =	simm.s32 $0x100;
	s30 =	sadd.s32 $0xB7400, s0  }
0x16: {  	s23 =	simm.s32 $0x1;
	s0 =	sadd.s32 $0xCB400, s0;
	[dreg:$0x5] =	wrdreg s30  }
0x17: {  	v0 =	vimm.f32 $0.0e+00;
	s16 =	sadd.s32 s1, s16;
	s17 =	sadd.s32 s1, s17;
	[dreg:$0x7] =	wrdreg s0  }
.LBB2_1:
0x18: {  	s0 =	rddreg [dreg:$0x4]  }
0x19: {  	[spmem:s18], [sflag:s6] =	dma.local [hbm:s0], $0x1400  }
0x1a: {  	_ =	swait.ge [sflag:s19], $0x1400  }
0x1b: {  	[sflag:s19] =	ssyncset.done $0x0  }
0x1c: {  	s1 =	simm.s32 $0x100;
	s0 =	simm.s32 $0x0;
	[sflag:s19] =	ssyncadd.s32 $0xFFFFEC00  }
.LBB2_2:
0x1d: {  	p0 =	sne.s32 s1, $0xFF00;
	[tilespmem:s0+$0x1030] =	vst v0;
	s5 =	smov.u32 s1;
	s1 =	sadd.s32 $0x100, s1  }
.Ltmp0:
0x1e: {  	[tilespmem:s0+$0x1020] =	vst v0;
	(pc) =	sbr.rel @p0 .LBB2_2-.Ltmp0, $3  }
0x1f: {  	[tilespmem:s0+$0x1000] =	vst v0  }
0x20: {  	[tilespmem:s0+$0x1010] =	vst v0;
	_ =	sdelay $0x1  }
0x21: {  	s0 =	sshra.s32 s5, $0x2  }
0x22: {  	[tilespmem:s0+$0x1030] =	vst v0  }
0x23: {  	[tilespmem:s0+$0x1020] =	vst v0  }
0x24: {  	[tilespmem:s0+$0x1000] =	vst v0  }
0x25: {  	[tilespmem:s0+$0x1010] =	vst v0  }
0x26: {  	[spmem:s7] =	stream.linear.scatter [tilespmem:s20], [sflag:$0x7], $0x4000, $0x38;
	[tilespmem:$0x1D000] =	vst v63  }
0x27: {  	_ =	swait.ge [sflag:s19], $0x4000  }
0x28: {  	[sflag:s19] =	ssyncset.done $0x0  }
0x29: {  	[sflag:s19] =	ssyncadd.s32 $0xFFFFC000  }
0x2a: {  	[spmem:s8] =	stream.linear.scatter [tilespmem:s20], [sflag:$0x7], $0x4000, $0x38;
	[tilespmem:$0x1D000] =	vst v63  }
0x2b: {  	_ =	swait.ge [sflag:s19], $0x4000  }
0x2c: {  	[sflag:s19] =	ssyncset.done $0x0  }
0x2d: {  	[sflag:s19] =	ssyncadd.s32 $0xFFFFC000  }
0x2e: {  	[spmem:s9] =	stream.linear.scatter [tilespmem:s20], [sflag:$0x7], $0x2000, $0x38;
	[tilespmem:$0x1D000] =	vst v63  }
0x2f: {  	_ =	swait.ge [sflag:s19], $0x2000  }
0x30: {  	[sflag:s19] =	ssyncset.done $0x0  }
0x31: {  	s30 =	simm.s32 $0x0;
	[sflag:s19] =	ssyncadd.s32 $0xFFFFE000  }
0x32: {  	[tilespmem:s30], [sflag:$0x7] =	stream.linear.gather [hbm4b:s10+s30], $0x400, $0x38;
	[tilespmem:$0x1D000] =	vst v63  }
0x33: {  	_ =	swait.ge [sflag:s19], $0x400  }
0x34: {  	[sflag:s19] =	ssyncset.done $0x0  }
0x35: {  	[sflag:s19] =	ssyncadd.s32 $0xFFFFFC00  }
0x36: {  	[tilespmem:s21], [sflag:$0x7] =	stream.linear.gather [hbm4b:s11+s30], $0x400, $0x38;
	[tilespmem:$0x1D000] =	vst v63  }
0x37: {  	_ =	swait.ge [sflag:s19], $0x400  }
0x38: {  	[sflag:s19] =	ssyncset.done $0x0  }
0x39: {  	[sflag:s19] =	ssyncadd.s32 $0xFFFFFC00  }
0x3a: {  	s31 =	simm.s32 $0x1;
	s1 =	simm.s32 $0x0;
	[bflag:$0x0] =	sbarrier.arrive $0xFFFF  }
0x3b: {  	[tilespmem:s20], [sflag:$0x1] =	stream.indirect.gather [spmem:s2], $0x40, s30, s22, $0xb8;
	[tilespmem:$0x1D000] =	vst v63  }
.LBB2_4:
0x3c: {  	_ =	swait.ge [sflag:s23], $0x4000  }
0x3d: {  	p0 =	seq.s32 s1, $0x0;
	[sflag:s23] =	ssyncset.done $0x0  }
0x3e: {  	s5 =	simm.s32 @!p0 $0x4;
	[sflag:s23] =	ssyncadd.s32 $0xFFFFC000  }
0x3f: {  	p1 =	seq.s32 @!p0 s1, $0x480;
	_ =	swait.ge @!p0 [sflag:s5], $0x4000  }
0x40: {  	s0 =	sand.u32 $0x1, s31;
	p1 =	por p0, !p1;
	[sflag:s5] =	ssyncset.done @!p0 $0x0  }
0x41: {  	s12 =	sadd.s32 @p1 s1, s17;
	[sflag:s5] =	ssyncadd.s32 @!p0 $0xFFFFC000;
	s5 =	sshll.u32 @p1 s0, $0xA  }
0x42: {  	[tilespmem:s5], [sflag:$0x5] =	stream.linear.gather @p1 [hbm4b:s12+s4], $0x400, $0x38;
	[tilespmem:$0x1D000] =	vst v63  }
0x43: {  	s5 =	sor.u32 @p1 $0x800, s5;
	s12 =	sadd.s32 @p1 s1, s16  }
0x44: {  	[tilespmem:s5], [sflag:$0x6] =	stream.linear.gather @p1 [hbm4b:s12+s4], $0x400, $0x38;
	[tilespmem:$0x1D000] =	vst v63  }
0x45: {  	s5 =	sand.u32 $0x400, s30  }
0x46: {  	s14 =	sor.u32 $0x100, s5  }
0x47: {  	[tilespmem:s24], [sflag:$0x2] =	stream.indirect.gather [spmem:s2], $0x40, s14, s22, $0xb8;
	[tilespmem:$0x1D000] =	vst v63  }
0x48: {  	s13 =	sor.u32 $0x800, s5  }
0x49: {  	[spmem:s3] =	stream.indirect.scatter.add.f32 [tilespmem:s20], [sflag:$0x3], $0x40, s13, s22, $0xb8;
	[tilespmem:$0x1D000] =	vst v63  }
0x4a: {  	_ =	swait.ge [sflag:s25], $0x4000  }
0x4b: {  	[sflag:s25] =	ssyncset.done $0x0  }
0x4c: {  	[sflag:s25] =	ssyncadd.s32 $0xFFFFC000  }
0x4d: {  	_ =	swait.ge [sflag:s26], $0x4000  }
0x4e: {  	[sflag:s26] =	ssyncset.done $0x0  }
0x4f: {  	s14 =	sor.u32 $0x200, s5;
	[sflag:s26] =	ssyncadd.s32 $0xFFFFC000  }
0x50: {  	[tilespmem:s20], [sflag:$0x1] =	stream.indirect.gather [spmem:s2], $0x40, s14, s22, $0xb8;
	[tilespmem:$0x1D000] =	vst v63  }
0x51: {  	s13 =	sor.u32 $0x900, s5  }
0x52: {  	[spmem:s3] =	stream.indirect.scatter.add.f32 [tilespmem:s24], [sflag:$0x4], $0x40, s13, s22, $0xb8;
	[tilespmem:$0x1D000] =	vst v63  }
0x53: {  	_ =	swait.ge [sflag:s23], $0x4000  }
0x54: {  	[sflag:s23] =	ssyncset.done $0x0  }
0x55: {  	[sflag:s23] =	ssyncadd.s32 $0xFFFFC000  }
0x56: {  	_ =	swait.ge [sflag:s28], $0x4000  }
0x57: {  	[sflag:s28] =	ssyncset.done $0x0  }
0x58: {  	s14 =	sor.u32 $0x300, s5;
	[sflag:s28] =	ssyncadd.s32 $0xFFFFC000  }
0x59: {  	[tilespmem:s24], [sflag:$0x2] =	stream.indirect.gather [spmem:s2], $0x40, s14, s22, $0xb8;
	[tilespmem:$0x1D000] =	vst v63  }
0x5a: {  	s5 =	sor.u32 $0xA00, s5  }
0x5b: {  	[spmem:s3] =	stream.indirect.scatter.add.f32 [tilespmem:s20], [sflag:$0x3], $0x40, s5, s22, $0xb8;
	[tilespmem:$0x1D000] =	vst v63  }
0x5c: {  	_ =	swait.ge [sflag:s25], $0x4000  }
0x5d: {  	[sflag:s25] =	ssyncset.done $0x0  }
0x5e: {  	[sflag:s25] =	ssyncadd.s32 $0xFFFFC000  }
0x5f: {  	p0 =	por @!p0 $0x1, $0x1;
	_ =	swait.ge [sflag:s26], $0x4000  }
0x60: {  	p0 =	por @p1 $0x0, $0x0;
	[sflag:s26] =	ssyncset.done $0x0  }
0x61: {  	s5 =	simm.s32 @!p0 $0x5;
	[sflag:s26] =	ssyncadd.s32 $0xFFFFC000  }
0x62: {  	_ =	swait.ge @!p0 [sflag:s5], $0x400  }
0x63: {  	[sflag:s5] =	ssyncset.done @!p0 $0x0  }
0x64: {  	[sflag:s5] =	ssyncadd.s32 @!p0 $0xFFFFFC00;
	s5 =	simm.s32 @!p0 $0x6  }
0x65: {  	_ =	swait.ge @!p0 [sflag:s5], $0x400  }
0x66: {  	s1 =	sadd.s32 $0x80, s1;
	s0 =	sshll.u32 @!p0 s0, $0xA;
	[sflag:s5] =	ssyncset.done @!p0 $0x0  }
0x67: {  	s13 =	simm.s32 @!p0 $0x1000;
	[sflag:s5] =	ssyncadd.s32 @!p0 $0xFFFFFC00;
	s5 =	simm.s32 @!p0 $0x100  }
0x68: {  	[tilespmem:s13], [sflag:$0x1] =	stream.indirect.gather @!p0 [spmem:s2], $0x40, s0, s5, $0xb8;
	[tilespmem:$0x1D000] =	vst v63  }
0x69: {  	p0 =	sne.s32 s1, $0x500  }
.Ltmp1:
0x6a: {  	_ = 	snop;
	(pc) =	sbr.rel @p0 .LBB2_4-.Ltmp1, $3  }
0x6b: {  	_ =	sdelay $0x1  }
0x6c: {  	s31 =	sadd.s32 $0x1, s31;
	s30 =	sadd.s32 $0x400, s30;
	s14 =	sor.u32 $0x800, s14  }
0x6d: {  	[spmem:s3] =	stream.indirect.scatter.add.f32 [tilespmem:s24], [sflag:$0x4], $0x40, s14, s22, $0xb8;
	[tilespmem:$0x1D000] =	vst v63  }
0x6e: {  	_ =	swait.ge [sflag:s28], $0x4000  }
0x6f: {  	[sflag:s28] =	ssyncset.done $0x0  }
0x70: {  	[sflag:s28] =	ssyncadd.s32 $0xFFFFC000  }
0x71: {  	[bflag:$0x0] =	sbarrier.arrive $0xFFFF  }
0x72: {  	s30 =	sshrl.u32 s7, $0x3;
	s0 =	rddreg [dreg:$0x5]  }
0x73: {  	[hbm:s0], [sflag:s6] =	dma.local [spmem:s30], $0x1400  }
0x74: {  	_ =	swait.ge [sflag:s19], $0x1400  }
0x75: {  	[sflag:s19] =	ssyncset.done $0x0  }
0x76: {  	s31 =	rddreg [dreg:$0x6];
	[sflag:s19] =	ssyncadd.s32 $0xFFFFEC00  }
0x77: {  	[spmem:s18], [sflag:s6] =	dma.local [hbm:s31], $0x1400  }
0x78: {  	_ =	swait.ge [sflag:s19], $0x1400  }
0x79: {  	[sflag:s19] =	ssyncset.done $0x0  }
0x7a: {  	s1 =	simm.s32 $0x100;
	s0 =	simm.s32 $0x0;
	[sflag:s19] =	ssyncadd.s32 $0xFFFFEC00  }
.LBB2_6:
0x7b: {  	p0 =	sne.s32 s1, $0xFF00;
	[tilespmem:s0+$0x1030] =	vst v0;
	s5 =	smov.u32 s1;
	s1 =	sadd.s32 $0x100, s1  }
.Ltmp2:
0x7c: {  	[tilespmem:s0+$0x1020] =	vst v0;
	(pc) =	sbr.rel @p0 .LBB2_6-.Ltmp2, $3  }
0x7d: {  	[tilespmem:s0+$0x1000] =	vst v0  }
0x7e: {  	[tilespmem:s0+$0x1010] =	vst v0;
	_ =	sdelay $0x1  }
0x7f: {  	s0 =	sshra.s32 s5, $0x2  }
0x80: {  	[tilespmem:s0+$0x1030] =	vst v0  }
0x81: {  	[tilespmem:s0+$0x1020] =	vst v0  }
0x82: {  	[tilespmem:s0+$0x1000] =	vst v0  }
0x83: {  	[tilespmem:s0+$0x1010] =	vst v0  }
0x84: {  	[spmem:s7] =	stream.linear.scatter [tilespmem:s20], [sflag:$0x7], $0x4000, $0x38;
	[tilespmem:$0x1D000] =	vst v63  }
0x85: {  	_ =	swait.ge [sflag:s19], $0x4000  }
0x86: {  	[sflag:s19] =	ssyncset.done $0x0  }
0x87: {  	[sflag:s19] =	ssyncadd.s32 $0xFFFFC000  }
0x88: {  	[spmem:s8] =	stream.linear.scatter [tilespmem:s20], [sflag:$0x7], $0x4000, $0x38;
	[tilespmem:$0x1D000] =	vst v63  }
0x89: {  	_ =	swait.ge [sflag:s19], $0x4000  }
0x8a: {  	[sflag:s19] =	ssyncset.done $0x0  }
0x8b: {  	[sflag:s19] =	ssyncadd.s32 $0xFFFFC000  }
0x8c: {  	[spmem:s9] =	stream.linear.scatter [tilespmem:s20], [sflag:$0x7], $0x2000, $0x38;
	[tilespmem:$0x1D000] =	vst v63  }
0x8d: {  	_ =	swait.ge [sflag:s19], $0x2000  }
0x8e: {  	[sflag:s19] =	ssyncset.done $0x0  }
0x8f: {  	s31 =	simm.s32 $0x0;
	[sflag:s19] =	ssyncadd.s32 $0xFFFFE000  }
0x90: {  	[tilespmem:s31], [sflag:$0x7] =	stream.linear.gather [hbm4b:s10+s31], $0x400, $0x38;
	[tilespmem:$0x1D000] =	vst v63  }
0x91: {  	_ =	swait.ge [sflag:s19], $0x400  }
0x92: {  	[sflag:s19] =	ssyncset.done $0x0  }
0x93: {  	[sflag:s19] =	ssyncadd.s32 $0xFFFFFC00  }
0x94: {  	[tilespmem:s21], [sflag:$0x7] =	stream.linear.gather [hbm4b:s11+s31], $0x400, $0x38;
	[tilespmem:$0x1D000] =	vst v63  }
0x95: {  	_ =	swait.ge [sflag:s19], $0x400  }
0x96: {  	[sflag:s19] =	ssyncset.done $0x0  }
0x97: {  	[sflag:s19] =	ssyncadd.s32 $0xFFFFFC00  }
0x98: {  	s1 =	simm.s32 $0x1;
	s0 =	simm.s32 $0x0;
	[bflag:$0x0] =	sbarrier.arrive $0xFFFF  }
0x99: {  	[tilespmem:s20], [sflag:$0x1] =	stream.indirect.gather [spmem:s2], $0x40, s31, s22, $0xb8;
	[tilespmem:$0x1D000] =	vst v63  }
.LBB2_8:
0x9a: {  	_ =	swait.ge [sflag:s23], $0x4000  }
0x9b: {  	p0 =	seq.s32 s0, $0x0;
	[sflag:s23] =	ssyncset.done $0x0  }
0x9c: {  	s12 =	simm.s32 @!p0 $0x4;
	[sflag:s23] =	ssyncadd.s32 $0xFFFFC000  }
0x9d: {  	p1 =	seq.s32 @!p0 s0, $0x480;
	_ =	swait.ge @!p0 [sflag:s12], $0x4000  }
0x9e: {  	s5 =	sand.u32 $0x1, s1;
	p1 =	por p0, !p1;
	[sflag:s12] =	ssyncset.done @!p0 $0x0  }
0x9f: {  	s13 =	sadd.s32 @p1 s0, s17;
	[sflag:s12] =	ssyncadd.s32 @!p0 $0xFFFFC000;
	s12 =	sshll.u32 @p1 s5, $0xA  }
0xa0: {  	[tilespmem:s12], [sflag:$0x5] =	stream.linear.gather @p1 [hbm4b:s13+s4], $0x400, $0x38;
	[tilespmem:$0x1D000] =	vst v63  }
0xa1: {  	s12 =	sor.u32 @p1 $0x800, s12;
	s13 =	sadd.s32 @p1 s0, s16  }
0xa2: {  	[tilespmem:s12], [sflag:$0x6] =	stream.linear.gather @p1 [hbm4b:s13+s4], $0x400, $0x38;
	[tilespmem:$0x1D000] =	vst v63  }
0xa3: {  	s12 =	sand.u32 $0x400, s31  }
0xa4: {  	s14 =	sor.u32 $0x100, s12  }
0xa5: {  	[tilespmem:s24], [sflag:$0x2] =	stream.indirect.gather [spmem:s2], $0x40, s14, s22, $0xb8;
	[tilespmem:$0x1D000] =	vst v63  }
0xa6: {  	s14 =	sor.u32 $0x800, s12  }
0xa7: {  	[spmem:s3] =	stream.indirect.scatter.add.f32 [tilespmem:s20], [sflag:$0x3], $0x40, s14, s22, $0xb8;
	[tilespmem:$0x1D000] =	vst v63  }
0xa8: {  	_ =	swait.ge [sflag:s25], $0x4000  }
0xa9: {  	[sflag:s25] =	ssyncset.done $0x0  }
0xaa: {  	[sflag:s25] =	ssyncadd.s32 $0xFFFFC000  }
0xab: {  	_ =	swait.ge [sflag:s26], $0x4000  }
0xac: {  	[sflag:s26] =	ssyncset.done $0x0  }
0xad: {  	s14 =	sor.u32 $0x200, s12;
	[sflag:s26] =	ssyncadd.s32 $0xFFFFC000  }
0xae: {  	[tilespmem:s20], [sflag:$0x1] =	stream.indirect.gather [spmem:s2], $0x40, s14, s22, $0xb8;
	[tilespmem:$0x1D000] =	vst v63  }
0xaf: {  	s14 =	sor.u32 $0x900, s12  }
0xb0: {  	[spmem:s3] =	stream.indirect.scatter.add.f32 [tilespmem:s24], [sflag:$0x4], $0x40, s14, s22, $0xb8;
	[tilespmem:$0x1D000] =	vst v63  }
0xb1: {  	_ =	swait.ge [sflag:s23], $0x4000  }
0xb2: {  	[sflag:s23] =	ssyncset.done $0x0  }
0xb3: {  	[sflag:s23] =	ssyncadd.s32 $0xFFFFC000  }
0xb4: {  	_ =	swait.ge [sflag:s28], $0x4000  }
0xb5: {  	[sflag:s28] =	ssyncset.done $0x0  }
0xb6: {  	s13 =	sor.u32 $0x300, s12;
	[sflag:s28] =	ssyncadd.s32 $0xFFFFC000  }
0xb7: {  	[tilespmem:s24], [sflag:$0x2] =	stream.indirect.gather [spmem:s2], $0x40, s13, s22, $0xb8;
	[tilespmem:$0x1D000] =	vst v63  }
0xb8: {  	s12 =	sor.u32 $0xA00, s12  }
0xb9: {  	[spmem:s3] =	stream.indirect.scatter.add.f32 [tilespmem:s20], [sflag:$0x3], $0x40, s12, s22, $0xb8;
	[tilespmem:$0x1D000] =	vst v63  }
0xba: {  	_ =	swait.ge [sflag:s25], $0x4000  }
0xbb: {  	[sflag:s25] =	ssyncset.done $0x0  }
0xbc: {  	[sflag:s25] =	ssyncadd.s32 $0xFFFFC000  }
0xbd: {  	p0 =	por @!p0 $0x1, $0x1;
	_ =	swait.ge [sflag:s26], $0x4000  }
0xbe: {  	p0 =	por @p1 $0x0, $0x0;
	[sflag:s26] =	ssyncset.done $0x0  }
0xbf: {  	s12 =	simm.s32 @!p0 $0x5;
	[sflag:s26] =	ssyncadd.s32 $0xFFFFC000  }
0xc0: {  	_ =	swait.ge @!p0 [sflag:s12], $0x400  }
0xc1: {  	[sflag:s12] =	ssyncset.done @!p0 $0x0  }
0xc2: {  	[sflag:s12] =	ssyncadd.s32 @!p0 $0xFFFFFC00;
	s12 =	simm.s32 @!p0 $0x6  }
0xc3: {  	_ =	swait.ge @!p0 [sflag:s12], $0x400  }
0xc4: {  	s0 =	sadd.s32 $0x80, s0;
	s5 =	sshll.u32 @!p0 s5, $0xA;
	[sflag:s12] =	ssyncset.done @!p0 $0x0  }
0xc5: {  	s14 =	simm.s32 @!p0 $0x1000;
	[sflag:s12] =	ssyncadd.s32 @!p0 $0xFFFFFC00;
	s12 =	simm.s32 @!p0 $0x100  }
0xc6: {  	[tilespmem:s14], [sflag:$0x1] =	stream.indirect.gather @!p0 [spmem:s2], $0x40, s5, s12, $0xb8;
	[tilespmem:$0x1D000] =	vst v63  }
0xc7: {  	p0 =	sne.s32 s0, $0x500  }
.Ltmp3:
0xc8: {  	_ = 	snop;
	(pc) =	sbr.rel @p0 .LBB2_8-.Ltmp3, $3  }
0xc9: {  	_ =	sdelay $0x1  }
0xca: {  	s1 =	sadd.s32 $0x1, s1;
	s31 =	sadd.s32 $0x400, s31;
	s14 =	sor.u32 $0x800, s13  }
0xcb: {  	[spmem:s3] =	stream.indirect.scatter.add.f32 [tilespmem:s24], [sflag:$0x4], $0x40, s14, s22, $0xb8;
	[tilespmem:$0x1D000] =	vst v63  }
0xcc: {  	_ =	swait.ge [sflag:s28], $0x4000  }
0xcd: {  	[sflag:s28] =	ssyncset.done $0x0  }
0xce: {  	s29 =	sadd.s32 $0x1, s29;
	[sflag:s28] =	ssyncadd.s32 $0xFFFFC000  }
0xcf: {  	p0 =	sne.s32 s29, s15;
	[bflag:$0x0] =	sbarrier.arrive $0xFFFF  }
.Ltmp4:
0xd0: {  	s0 =	rddreg [dreg:$0x7];
	(pc) =	sbr.rel @p0 .LBB2_1-.Ltmp4, $4  }
0xd1: {  	[hbm:s0], [sflag:s6] =	dma.local [spmem:s30], $0x1400  }
0xd2: {  	_ =	swait.ge [sflag:s19], $0x1400  }
0xd3: {  	[sflag:s19] =	ssyncset.done $0x0  }
0xd4: {  	[sflag:s19] =	ssyncadd.s32 $0xFFFFEC00  }
0xd5: {  	_ =	sfence.sel $0x180000  }
0xd6: {  	[bflag:$0x0] =	sbarrier.arrive $0xFFFF  }
0xd7: {  	_ =	strace $0x9000004D  }
0xd8: {  	s0 =	stileid.u32;
	[bflag:$0x2] =	sbarrier.arrive $0xFFFF  }
0xd9: {  	p0 =	sne.s32 s0, $0x0;
	s0 =	rddreg [dreg:$0x3]  }
0xda: {  	s0 =	sadd.s32 @!p0 $0x100000, s0  }
0xdb: {  	[sflag:s0] =	ssyncadd.tile.s32 @!p0 $0x1;
	_ =	shalt  }
.Lfunc_end2:
_tile_overlayer_lowered:
.L_overlay_start_2:
0xdc: {  	(tag) =	ssettag $0x2  }
0xdd: {  	s0 =	rddreg [dreg:$0x0];
	s2 =	stileid.u32  }
0xde: {  	s1 =	rddreg [dreg:$0x1];
	p0 =	sne.s32 s2, $0x0  }
0xdf: {  	s3 =	rddreg [dreg:$0x2];
	[bflag:$0x3] =	sbarrier.arrive $0xFFFF;
	s2 =	simm.s32 @!p0 $0x1C07  }
0xe0: {  	[timem:s3], [sflag:s2] =	dma.local @!p0 [hbm:s0], s1  }
0xe1: {  	s0 =	simm.s32 @!p0 $0x7  }
0xe2: {  	_ =	swait.ge @!p0 [sflag:s0], s1  }
0xe3: {  	s1 =	ssub.s32 @!p0 $0x0, s1;
	[sflag:s0] =	ssyncset.done @!p0 $0x0  }
0xe4: {  	[sflag:s0] =	ssyncadd.s32 @!p0 s1  }
0xe5: {  	[bflag:$0x3] =	sbarrier.arrive $0xFFFF  }
0xe6: {  	_ =	shalt  }

// kernel: kernel.18.cloned.1.call-start
scs
__scs_entry_jumppad:
0x0: {  	(pc) =	sbr.rel $0x88, $3  }
0x1: {  	(tag) =	ssettag $0x0;
	lr =	simm.s32 $0x1  }
0x2: {  	[smem:$0x3F96] =	sst lr;
	_ =	strace $0xD0000000  }
0x3: {  	_ = 	snop  }
0x4: {  	_ = 	snop  }
0x5: {  	_ = 	snop  }
0x6: {  	_ = 	snop  }
0x7: {  	_ = 	snop  }
__scs_overlays_trampoline_lowered:
0x8: {  	[smem:$0x3FA5] =	sst s0  }
0x9: {  	[smem:$0x3FA6] =	sst s1  }
0xa: {  	[smem:$0x3FA7] =	sst s2  }
0xb: {  	[smem:$0x3FA8] =	sst s3  }
0xc: {  	[smem:$0x3FA9] =	sst s4  }
0xd: {  	[smem:$0x3FAA] =	sst s5  }
0xe: {  	[smem:$0x3FAB] =	sst s6  }
0xf: {  	[smem:$0x3FAC] =	sst s7  }
0x10: {  	[smem:$0x3FAD] =	sst s8  }
0x11: {  	[smem:$0x3FAE] =	sst s9;
	s0 =	simm.s32 @!p0 $0x0  }
0x12: {  	s1 =	sld [smem:$0x3F94];
	s0 =	simm.s32 @p0 $0x1  }
0x13: {  	[smem:$0x3FAF] =	sst s0;
	s0 =	simm.s32 @!p1 $0x0  }
0x14: {  	s2 =	sld [smem:$0x3F93];
	s0 =	simm.s32 @p1 $0x1  }
0x15: {  	[smem:$0x3FB0] =	sst s0;
	s0 =	simm.s32 @!p2 $0x0  }
0x16: {  	s3 =	sld [smem:$0x3FDB];
	s0 =	simm.s32 @p2 $0x1  }
0x17: {  	s4 =	simm.s32 $0x1BF5;
	[smem:$0x3FB2] =	sst s0  }
0x18: {  	s0 =	sld [smem:$0x3F95];
	_ =	swait.ge [sflag:s4], $0x0  }
0x19: {  	s7 =	sld [smem:$0x3F96]  }
0x1a: {  	s8 =	sadd.s32 $0xFFFFE003, lr  }
0x1b: {  	s9 =	sadd.s32 $0xFFFFFEF7, lr;
	s5 =	simm.s32 $0xFFFFFFFF;
	p2 =	slt.u32 s8, $0xFFFFF086  }
0x1c: {  	p1 =	slt.u32 s9, $0xF7A;
	s5 =	simm.s32 @!p2 $0x0  }
0x1d: {  	s5 =	simm.s32 @p1 $0x1;
	p0 =	seq.s32 s7, s2  }
0x1e: {  	s7 =	smul.u32 @!p0 $0xF7A, s2;
	p2 =	seq.s32 @!p0 s5, $0x0  }
0x1f: {  	s9 =	smul.u32 $0xF7A, s1;
	s8 =	simm.s32 @!p0 $0x1BF5;
	p2 =	por !p2, p0  }
0x20: {  	[sflag:s8] =	ssyncset.s32 @!p0 $0xFFFFF086;
	s6 =	sadd.s32 @!p0 s3, s7;
	s7 =	simm.s32 @!p0 $0x108  }
0x21: {  	s3 =	sadd.s32 s3, s9;
	s6 =	sadd.s32 @!p0 $0x88, s6;
	s7 =	simm.s32 @p2 $0x1082  }
0x22: {  	[simem:s7], [sflag:s8] =	dma.local @!p0 [hbm:s6], $0xF7A  }
0x23: {  	s9 =	sor.u32 $0xD0000000, s2;
	s6 =	simm.s32 $0x108;
	_ =	swait.ge @!p0 [sflag:s8], $0x0  }
0x24: {  	s3 =	sadd.s32 $0x88, s3;
	s6 =	simm.s32 @!p1 $0x1082;
	[sflag:s4] =	ssyncset.s32 $0xFFFFF086  }
0x25: {  	[simem:s6], [sflag:s4] =	dma.local [hbm:s3], $0xF7A  }
0x26: {  	[smem:$0x3F96] =	sst s1;
	(tag) =	ssettag s2;
	_ =	strace s9  }
0x27: {  	s1 =	sld [smem:$0x3FA6]  }
0x28: {  	s2 =	sld [smem:$0x3FA7]  }
0x29: {  	s4 =	sld [smem:$0x3FA9]  }
0x2a: {  	p0 =	seq.s32 s5, $0x0;
	s5 =	sld [smem:$0x3FAA]  }
0x2b: {  	s6 =	sld [smem:$0x3FAB]  }
0x2c: {  	s7 =	sld [smem:$0x3FAC]  }
0x2d: {  	s3 =	simm.s32 $0x108;
	s8 =	sld [smem:$0x3FAD]  }
0x2e: {  	s3 =	simm.s32 @!p0 $0x1082;
	s9 =	sld [smem:$0x3FAE]  }
0x2f: {  	lr =	sadd.s32 s0, s3;
	s0 =	sld [smem:$0x3FA5]  }
0x30: {  	s3 =	sld [smem:$0x3FA8]  }
0x31: {  	[smem:$0x3FB1] =	sst s10  }
0x32: {  	s10 =	sld [smem:$0x3FAF];
	_ =	sdelay $0x3  }
0x33: {  	p0 =	seq.s32 s10, $0x1;
	s10 =	sld [smem:$0x3FB1];
	_ =	sdelay $0x3  }
0x34: {  	[smem:$0x3FB1] =	sst s10  }
0x35: {  	s10 =	sld [smem:$0x3FB0];
	_ =	sdelay $0x3  }
0x36: {  	p1 =	seq.s32 s10, $0x1;
	s10 =	sld [smem:$0x3FB1];
	_ =	sdelay $0x3  }
0x37: {  	[smem:$0x3FB1] =	sst s10  }
0x38: {  	s10 =	sld [smem:$0x3FB2]  }
0x39: {  	_ = 	snop;
	(pc) =	sbr.ind lr, $3  }
0x3a: {  	_ = 	snop  }
0x3b: {  	_ = 	snop  }
0x3c: {  	p2 =	seq.s32 s10, $0x1;
	s10 =	sld [smem:$0x3FB1]  }
0x3d: {  	_ =	shalt  }
0x3e: {  	_ =	shalt  }
0x3f: {  	_ =	shalt  }
0x40: {  	_ =	shalt  }
0x41: {  	_ =	shalt  }
0x42: {  	_ =	shalt  }
0x43: {  	_ =	shalt  }
0x44: {  	_ =	shalt  }
0x45: {  	_ =	shalt  }
0x46: {  	_ =	shalt  }
0x47: {  	_ =	shalt  }
0x48: {  	_ =	shalt  }
0x49: {  	_ =	shalt  }
0x4a: {  	_ =	shalt  }
0x4b: {  	_ =	shalt  }
0x4c: {  	_ =	shalt  }
0x4d: {  	_ =	shalt  }
0x4e: {  	_ =	shalt  }
0x4f: {  	_ =	shalt  }
0x50: {  	_ =	shalt  }
0x51: {  	_ =	shalt  }
0x52: {  	_ =	shalt  }
0x53: {  	_ =	shalt  }
0x54: {  	_ =	shalt  }
0x55: {  	_ =	shalt  }
0x56: {  	_ =	shalt  }
0x57: {  	_ =	shalt  }
0x58: {  	_ =	shalt  }
0x59: {  	_ =	shalt  }
0x5a: {  	_ =	shalt  }
0x5b: {  	_ =	shalt  }
0x5c: {  	_ =	shalt  }
0x5d: {  	_ =	shalt  }
0x5e: {  	_ =	shalt  }
0x5f: {  	_ =	shalt  }
0x60: {  	_ =	shalt  }
0x61: {  	_ =	shalt  }
0x62: {  	_ =	shalt  }
0x63: {  	_ =	shalt  }
0x64: {  	_ =	shalt  }
0x65: {  	_ =	shalt  }
0x66: {  	_ =	shalt  }
0x67: {  	_ =	shalt  }
0x68: {  	_ =	shalt  }
0x69: {  	_ =	shalt  }
0x6a: {  	_ =	shalt  }
0x6b: {  	_ =	shalt  }
0x6c: {  	_ =	shalt  }
0x6d: {  	_ =	shalt  }
0x6e: {  	_ =	shalt  }
0x6f: {  	_ =	shalt  }
0x70: {  	_ =	shalt  }
0x71: {  	_ =	shalt  }
0x72: {  	_ =	shalt  }
0x73: {  	_ =	shalt  }
0x74: {  	_ =	shalt  }
0x75: {  	_ =	shalt  }
0x76: {  	_ =	shalt  }
0x77: {  	_ =	shalt  }
0x78: {  	_ =	shalt  }
0x79: {  	_ =	shalt  }
0x7a: {  	_ =	shalt  }
0x7b: {  	_ =	shalt  }
0x7c: {  	_ =	shalt  }
0x7d: {  	_ =	shalt  }
0x7e: {  	_ =	shalt  }
0x7f: {  	_ =	shalt  }
0x80: {  	_ =	shalt  }
0x81: {  	_ =	shalt  }
0x82: {  	_ =	shalt  }
0x83: {  	_ =	shalt  }
0x84: {  	_ =	shalt  }
0x85: {  	_ =	shalt  }
0x86: {  	_ =	shalt  }
0x87: {  	_ =	shalt  }
.Lfunc_end0:
.L_simem_size_0:
called_computation.3_lowered:
.L_overlay_start_0:
0x88: {  	s2 =	sld [smem:$0x3FD9]  }
0x89: {  	s3 =	sld [smem:$0x3FFE];
	_ =	sdelay $0x1  }
0x8a: {  	s1 =	srdreg.scid  }
0x8b: {  	s0 =	sand.u32 $0x1, s1  }
0x8c: {  	s16 =	sshll.u32 s0, $0xA;
	s2 =	sadd.s32 s3, s2  }
0x8d: {  	s2 =	sadd.s32 s2, s16  }
0x8e: {  	[smem:$0x3FBD] =	sst s2  }
0x8f: {  	_ = 	snop  }
0x90: {  	(tm) =	ssettm $0x1  }
0x91: {  	s17 =	sld [smem:$0x3FFB];
	_ =	sdelay $0x3  }
0x92: {  	_ =	strace s17  }
0x93: {  	s2 =	sld [smem:$0x3FFC];
	_ =	sdelay $0x3  }
0x94: {  	_ =	strace s2  }
0x95: {  	s2 =	sld [smem:$0x3FFD];
	_ =	sdelay $0x3  }
0x96: {  	_ =	strace s2  }
0x97: {  	_ =	strace $0x8FFFFFFF  }
0x98: {  	s18 =	sld [smem:$0x3FDB];
	_ =	sdelay $0x1  }
0x99: {  	s19 =	simm.s32 $_scs_section_size  }
0x9a: {  	s4 =	simm.s32 $_size__tile_overlayer_lowered;
	s5 =	simm.s32 $_tile_overlayer_lowered  }
0x9b: {  	s22 =	simm.s32 $0x1BFF;
	s21 =	sshll.u32 s5, $0x1;
	s2 =	sadd.s32 s19, s18  }
0x9c: {  	s6 =	simm.s32 $0x0;
	s20 =	sshll.u32 s4, $0x1;
	s4 =	sadd.s32 s21, s2  }
0x9d: {  	[timem:s6], [sflag:s22] =	dma.local [hbm:s4], s20  }
0x9e: {  	_ =	swait.ge [sflag:s22], s20  }
0x9f: {  	s3 =	ssub.s32 $0x0, s20;
	[sflag:s22] =	ssyncset.done $0x0  }
0xa0: {  	[sflag:s22] =	ssyncadd.s32 s3;
	_ =	sdelay $0x1  }
0xa1: {  	s23 =	simm.s32 $0x1B8B  }
0xa2: {  	_ =	swait.ge [sflag:s23], $0x1  }
0xa3: {  	[sflag:s23] =	ssyncset.done $0x0  }
0xa4: {  	s25 =	simm.s32 $0x1B8E;
	s24 =	sld [smem:$0x3FFE];
	[sflag:s23] =	ssyncadd.s32 $0xFFFFFFFF  }
0xa5: {  	s26 =	simm.s32 $execute0_lowered;
	[smem:$0x3FD2] =	sst s25  }
0xa6: {  	s4 =	sshll.u32 s26, $0x1;
	_ =	strace $0x8000004F;
	[dreg:$0x1] =	wrdreg $0xFFFFFFFF  }
0xa7: {  	s28 =	simm.s32 $_size_execute0_lowered;
	s2 =	sadd.s32 s2, s4;
	[dreg:$0x0] =	wrdreg $0x0  }
0xa8: {  	s4 =	sshll.u32 s28, $0x1;
	[dreg:$0x2] =	wrdreg s2  }
0xa9: {  	[dreg:$0x3] =	wrdreg s4  }
0xaa: {  	[dreg:$0x4] =	wrdreg $0xC0  }
0xab: {  	_ =	task [dreg:s6], $0x5FFFF  }
0xac: {  	[dreg:$0x1] =	wrdreg $0xFFFFFFFF  }
0xad: {  	[dreg:$0x0] =	wrdreg $0x60  }
0xae: {  	[dreg:$0x2] =	wrdreg s24  }
0xaf: {  	[dreg:$0x3] =	wrdreg $0x90000  }
0xb0: {  	[dreg:$0x4] =	wrdreg $0x130000  }
0xb1: {  	[dreg:$0x5] =	wrdreg $0x9  }
0xb2: {  	_ =	task.clear_ibuf [dreg:s6], $0x6FFFF;
	_ =	strace $0x9000004F  }
0xb3: {  	s29 =	simm.s32 $0x9;
	_ =	strace $0x80000051  }
0xb4: {  	_ =	swait.ge [sflag:s29], $0x1  }
0xb5: {  	[sflag:s29] =	ssyncadd.s32 $0xFFFFFFFF  }
0xb6: {  	_ =	strace $0x90000051  }
0xb7: {  	_ =	sfence  }
0xb8: {  	s30 =	sld [smem:$0x0];
	_ =	sdelay $0x2  }
0xb9: {  	s31 =	sshll.u32 s1, $0xD;
	s1 =	sshrl.u32 s1, $0x2  }
0xba: {  	s3 =	sand.u32 $0x4000, s31;
	s1 =	sadd.s32 s1, s30  }
0xbb: {  	s0 =	sor.u32 s3, s0;
	s1 =	sshll.u32 s1, $0x11  }
0xbc: {  	s0 =	sor.u32 s1, s0  }
0xbd: {  	s0 =	sadd.s32 $0x8F2B, s0  }
0xbe: {  	[sflag:s0] =	ssyncadd.remote.s32 $0x1  }
0xbf: {  	_ =	sfence.sel $0xFFFF  }
0xc0: {  	[dreg:$0x0] =	wrdreg $0xFFFFFFFF;
	(pc) =	sbr.abs _section_cstart, $3  }
0xc1: {  	[dreg:$0x1] =	wrdreg $0xFFFFFFFF  }
0xc2: {  	_ =	task.clear_ibuf [dreg:s6], $0x2FFFF;
	_ =	strace $0x9FFFFFFF  }
0xc3: {  	(tm) =	ssettm $0x7FFFFFFF  }
tec
execute0_lowered:
.L_overlay_start_1:
0x0: {  	(tag) =	ssettag $0x1  }
0x1: {  	s0 =	rddreg [dreg:$0x0]  }
0x2: {  	s2 =	rddreg [dreg:$0x1]  }
0x3: {  	s3 =	rddreg [dreg:$0x2]  }
0x4: {  	s9 =	stileid.u32;
	s5 =	srdreg.scid  }
0x5: {  	s4 =	simm.s32 $0x0;
	s28 =	simm.s32 $0x4;
	s29 =	simm.s32 $0x0  }
0x6: {  	s1 =	smul.u32 $0xA000, s9;
	s5 =	sand.u32 $0x1, s5;
	[smem:$0x7FF] =	sst s4  }
0x7: {  	s17 =	sadd.s32 $0x36200, s0;
	s16 =	sadd.s32 $0x4200, s0;
	s21 =	smul.u32 $0x28000, s9  }
0x8: {  	s19 =	sshll.u32 s9, $0x1;
	s23 =	sshll.u32 s9, $0x6;
	s10 =	smul.u32 $0x5000, s9  }
0x9: {  	s7 =	smul.u32 $0x140000, s5;
	_ =	strace $0x80000050;
	s18 =	ssub.s32 $0x2, s5  }
0xa: {  	s20 =	sor.u32 s5, s19;
	s5 =	smul.u32 $0x2800, s5;
	s19 =	simm.s32 $0x7  }
0xb: {  	s6 =	sshrl.u32 s1, $0x3;
	s8 =	sshrl.u32 s18, $0x1;
	s24 =	sshrl.u32 s21, $0x2  }
0xc: {  	s11 =	smul.u32 $0x500, s20;
	s20 =	simm.s32 $0x1000;
	s21 =	simm.s32 $0x800  }
0xd: {  	s13 =	sadd.s32 s6, s0;
	s15 =	sadd.s32 s1, s7;
	s7 =	sadd.s32 s1, s3  }
0xe: {  	s25 =	sadd.s32 s24, s3;
	s26 =	sadd.s32 s5, s10;
	s24 =	simm.s32 $0x5000  }
0xf: {  	s6 =	sshrl.u32 s15, $0x3;
	s15 =	ssub.s32 s18, s8;
	s18 =	sadd.s32 s1, s2  }
0x10: {  	s22 =	sadd.s32 $0x40200, s13;
	s8 =	sadd.s32 $0x4000, s25;
	s9 =	sadd.s32 $0x8000, s25  }
0x11: {  	s10 =	sadd.s32 s17, s11;
	s11 =	sadd.s32 s16, s11;
	s1 =	sor.u32 $0x400, s26  }
0x12: {  	s31 =	sadd.s32 $0x54200, s13;
	s25 =	simm.s32 $0x2;
	s26 =	simm.s32 $0x3  }
0x13: {  	s0 =	sadd.s32 s6, s0;
	[dreg:$0x4] =	wrdreg s22;
	s6 =	sor.u32 $0x1C07, s23  }
0x14: {  	[dreg:$0x6] =	wrdreg s31;
	s1 =	sshrl.u32 s1, $0x3;
	s15 =	smax.u32 s15, $0x1  }
0x15: {  	s18 =	sshrl.u32 s18, $0x3;
	s22 =	simm.s32 $0x100;
	s30 =	sadd.s32 $0xB7400, s0  }
0x16: {  	s23 =	simm.s32 $0x1;
	s0 =	sadd.s32 $0xCB400, s0;
	[dreg:$0x5] =	wrdreg s30  }
0x17: {  	v0 =	vimm.f32 $0.0e+00;
	s16 =	sadd.s32 s1, s16;
	s17 =	sadd.s32 s1, s17;
	[dreg:$0x7] =	wrdreg s0  }
.LBB2_1:
0x18: {  	s0 =	rddreg [dreg:$0x4]  }
0x19: {  	[spmem:s18], [sflag:s6] =	dma.local [hbm:s0], $0x1400  }
0x1a: {  	_ =	swait.ge [sflag:s19], $0x1400  }
0x1b: {  	[sflag:s19] =	ssyncset.done $0x0  }
0x1c: {  	s1 =	simm.s32 $0x100;
	s0 =	simm.s32 $0x0;
	[sflag:s19] =	ssyncadd.s32 $0xFFFFEC00  }
.LBB2_2:
0x1d: {  	p0 =	sne.s32 s1, $0xFF00;
	[tilespmem:s0+$0x1030] =	vst v0;
	s5 =	smov.u32 s1;
	s1 =	sadd.s32 $0x100, s1  }
.Ltmp0:
0x1e: {  	[tilespmem:s0+$0x1020] =	vst v0;
	(pc) =	sbr.rel @p0 .LBB2_2-.Ltmp0, $3  }
0x1f: {  	[tilespmem:s0+$0x1000] =	vst v0  }
0x20: {  	[tilespmem:s0+$0x1010] =	vst v0;
	_ =	sdelay $0x1  }
0x21: {  	s0 =	sshra.s32 s5, $0x2  }
0x22: {  	[tilespmem:s0+$0x1030] =	vst v0  }
0x23: {  	[tilespmem:s0+$0x1020] =	vst v0  }
0x24: {  	[tilespmem:s0+$0x1000] =	vst v0  }
0x25: {  	[tilespmem:s0+$0x1010] =	vst v0  }
0x26: {  	[spmem:s7] =	stream.linear.scatter [tilespmem:s20], [sflag:$0x7], $0x4000, $0x38;
	[tilespmem:$0x1D000] =	vst v63  }
0x27: {  	_ =	swait.ge [sflag:s19], $0x4000  }
0x28: {  	[sflag:s19] =	ssyncset.done $0x0  }
0x29: {  	[sflag:s19] =	ssyncadd.s32 $0xFFFFC000  }
0x2a: {  	[spmem:s8] =	stream.linear.scatter [tilespmem:s20], [sflag:$0x7], $0x4000, $0x38;
	[tilespmem:$0x1D000] =	vst v63  }
0x2b: {  	_ =	swait.ge [sflag:s19], $0x4000  }
0x2c: {  	[sflag:s19] =	ssyncset.done $0x0  }
0x2d: {  	[sflag:s19] =	ssyncadd.s32 $0xFFFFC000  }
0x2e: {  	[spmem:s9] =	stream.linear.scatter [tilespmem:s20], [sflag:$0x7], $0x2000, $0x38;
	[tilespmem:$0x1D000] =	vst v63  }
0x2f: {  	_ =	swait.ge [sflag:s19], $0x2000  }
0x30: {  	[sflag:s19] =	ssyncset.done $0x0  }
0x31: {  	s30 =	simm.s32 $0x0;
	[sflag:s19] =	ssyncadd.s32 $0xFFFFE000  }
0x32: {  	[tilespmem:s30], [sflag:$0x7] =	stream.linear.gather [hbm4b:s10+s30], $0x400, $0x38;
	[tilespmem:$0x1D000] =	vst v63  }
0x33: {  	_ =	swait.ge [sflag:s19], $0x400  }
0x34: {  	[sflag:s19] =	ssyncset.done $0x0  }
0x35: {  	[sflag:s19] =	ssyncadd.s32 $0xFFFFFC00  }
0x36: {  	[tilespmem:s21], [sflag:$0x7] =	stream.linear.gather [hbm4b:s11+s30], $0x400, $0x38;
	[tilespmem:$0x1D000] =	vst v63  }
0x37: {  	_ =	swait.ge [sflag:s19], $0x400  }
0x38: {  	[sflag:s19] =	ssyncset.done $0x0  }
0x39: {  	[sflag:s19] =	ssyncadd.s32 $0xFFFFFC00  }
0x3a: {  	s31 =	simm.s32 $0x1;
	s1 =	simm.s32 $0x0;
	[bflag:$0x0] =	sbarrier.arrive $0xFFFF  }
0x3b: {  	[tilespmem:s20], [sflag:$0x1] =	stream.indirect.gather [spmem:s2], $0x40, s30, s22, $0xb8;
	[tilespmem:$0x1D000] =	vst v63  }
.LBB2_4:
0x3c: {  	_ =	swait.ge [sflag:s23], $0x4000  }
0x3d: {  	p0 =	seq.s32 s1, $0x0;
	[sflag:s23] =	ssyncset.done $0x0  }
0x3e: {  	s5 =	simm.s32 @!p0 $0x4;
	[sflag:s23] =	ssyncadd.s32 $0xFFFFC000  }
0x3f: {  	p1 =	seq.s32 @!p0 s1, $0x480;
	_ =	swait.ge @!p0 [sflag:s5], $0x4000  }
0x40: {  	s0 =	sand.u32 $0x1, s31;
	p1 =	por p0, !p1;
	[sflag:s5] =	ssyncset.done @!p0 $0x0  }
0x41: {  	s12 =	sadd.s32 @p1 s1, s17;
	[sflag:s5] =	ssyncadd.s32 @!p0 $0xFFFFC000;
	s5 =	sshll.u32 @p1 s0, $0xA  }
0x42: {  	[tilespmem:s5], [sflag:$0x5] =	stream.linear.gather @p1 [hbm4b:s12+s4], $0x400, $0x38;
	[tilespmem:$0x1D000] =	vst v63  }
0x43: {  	s5 =	sor.u32 @p1 $0x800, s5;
	s12 =	sadd.s32 @p1 s1, s16  }
0x44: {  	[tilespmem:s5], [sflag:$0x6] =	stream.linear.gather @p1 [hbm4b:s12+s4], $0x400, $0x38;
	[tilespmem:$0x1D000] =	vst v63  }
0x45: {  	s5 =	sand.u32 $0x400, s30  }
0x46: {  	s14 =	sor.u32 $0x100, s5  }
0x47: {  	[tilespmem:s24], [sflag:$0x2] =	stream.indirect.gather [spmem:s2], $0x40, s14, s22, $0xb8;
	[tilespmem:$0x1D000] =	vst v63  }
0x48: {  	s13 =	sor.u32 $0x800, s5  }
0x49: {  	[spmem:s3] =	stream.indirect.scatter.add.f32 [tilespmem:s20], [sflag:$0x3], $0x40, s13, s22, $0xb8;
	[tilespmem:$0x1D000] =	vst v63  }
0x4a: {  	_ =	swait.ge [sflag:s25], $0x4000  }
0x4b: {  	[sflag:s25] =	ssyncset.done $0x0  }
0x4c: {  	[sflag:s25] =	ssyncadd.s32 $0xFFFFC000  }
0x4d: {  	_ =	swait.ge [sflag:s26], $0x4000  }
0x4e: {  	[sflag:s26] =	ssyncset.done $0x0  }
0x4f: {  	s14 =	sor.u32 $0x200, s5;
	[sflag:s26] =	ssyncadd.s32 $0xFFFFC000  }
0x50: {  	[tilespmem:s20], [sflag:$0x1] =	stream.indirect.gather [spmem:s2], $0x40, s14, s22, $0xb8;
	[tilespmem:$0x1D000] =	vst v63  }
0x51: {  	s13 =	sor.u32 $0x900, s5  }
0x52: {  	[spmem:s3] =	stream.indirect.scatter.add.f32 [tilespmem:s24], [sflag:$0x4], $0x40, s13, s22, $0xb8;
	[tilespmem:$0x1D000] =	vst v63  }
0x53: {  	_ =	swait.ge [sflag:s23], $0x4000  }
0x54: {  	[sflag:s23] =	ssyncset.done $0x0  }
0x55: {  	[sflag:s23] =	ssyncadd.s32 $0xFFFFC000  }
0x56: {  	_ =	swait.ge [sflag:s28], $0x4000  }
0x57: {  	[sflag:s28] =	ssyncset.done $0x0  }
0x58: {  	s14 =	sor.u32 $0x300, s5;
	[sflag:s28] =	ssyncadd.s32 $0xFFFFC000  }
0x59: {  	[tilespmem:s24], [sflag:$0x2] =	stream.indirect.gather [spmem:s2], $0x40, s14, s22, $0xb8;
	[tilespmem:$0x1D000] =	vst v63  }
0x5a: {  	s5 =	sor.u32 $0xA00, s5  }
0x5b: {  	[spmem:s3] =	stream.indirect.scatter.add.f32 [tilespmem:s20], [sflag:$0x3], $0x40, s5, s22, $0xb8;
	[tilespmem:$0x1D000] =	vst v63  }
0x5c: {  	_ =	swait.ge [sflag:s25], $0x4000  }
0x5d: {  	[sflag:s25] =	ssyncset.done $0x0  }
0x5e: {  	[sflag:s25] =	ssyncadd.s32 $0xFFFFC000  }
0x5f: {  	p0 =	por @!p0 $0x1, $0x1;
	_ =	swait.ge [sflag:s26], $0x4000  }
0x60: {  	p0 =	por @p1 $0x0, $0x0;
	[sflag:s26] =	ssyncset.done $0x0  }
0x61: {  	s5 =	simm.s32 @!p0 $0x5;
	[sflag:s26] =	ssyncadd.s32 $0xFFFFC000  }
0x62: {  	_ =	swait.ge @!p0 [sflag:s5], $0x400  }
0x63: {  	[sflag:s5] =	ssyncset.done @!p0 $0x0  }
0x64: {  	[sflag:s5] =	ssyncadd.s32 @!p0 $0xFFFFFC00;
	s5 =	simm.s32 @!p0 $0x6  }
0x65: {  	_ =	swait.ge @!p0 [sflag:s5], $0x400  }
0x66: {  	s1 =	sadd.s32 $0x80, s1;
	s0 =	sshll.u32 @!p0 s0, $0xA;
	[sflag:s5] =	ssyncset.done @!p0 $0x0  }
0x67: {  	s13 =	simm.s32 @!p0 $0x1000;
	[sflag:s5] =	ssyncadd.s32 @!p0 $0xFFFFFC00;
	s5 =	simm.s32 @!p0 $0x100  }
0x68: {  	[tilespmem:s13], [sflag:$0x1] =	stream.indirect.gather @!p0 [spmem:s2], $0x40, s0, s5, $0xb8;
	[tilespmem:$0x1D000] =	vst v63  }
0x69: {  	p0 =	sne.s32 s1, $0x500  }
.Ltmp1:
0x6a: {  	_ = 	snop;
	(pc) =	sbr.rel @p0 .LBB2_4-.Ltmp1, $3  }
0x6b: {  	_ =	sdelay $0x1  }
0x6c: {  	s31 =	sadd.s32 $0x1, s31;
	s30 =	sadd.s32 $0x400, s30;
	s14 =	sor.u32 $0x800, s14  }
0x6d: {  	[spmem:s3] =	stream.indirect.scatter.add.f32 [tilespmem:s24], [sflag:$0x4], $0x40, s14, s22, $0xb8;
	[tilespmem:$0x1D000] =	vst v63  }
0x6e: {  	_ =	swait.ge [sflag:s28], $0x4000  }
0x6f: {  	[sflag:s28] =	ssyncset.done $0x0  }
0x70: {  	[sflag:s28] =	ssyncadd.s32 $0xFFFFC000  }
0x71: {  	[bflag:$0x0] =	sbarrier.arrive $0xFFFF  }
0x72: {  	s30 =	sshrl.u32 s7, $0x3;
	s0 =	rddreg [dreg:$0x5]  }
0x73: {  	[hbm:s0], [sflag:s6] =	dma.local [spmem:s30], $0x1400  }
0x74: {  	_ =	swait.ge [sflag:s19], $0x1400  }
0x75: {  	[sflag:s19] =	ssyncset.done $0x0  }
0x76: {  	s31 =	rddreg [dreg:$0x6];
	[sflag:s19] =	ssyncadd.s32 $0xFFFFEC00  }
0x77: {  	[spmem:s18], [sflag:s6] =	dma.local [hbm:s31], $0x1400  }
0x78: {  	_ =	swait.ge [sflag:s19], $0x1400  }
0x79: {  	[sflag:s19] =	ssyncset.done $0x0  }
0x7a: {  	s1 =	simm.s32 $0x100;
	s0 =	simm.s32 $0x0;
	[sflag:s19] =	ssyncadd.s32 $0xFFFFEC00  }
.LBB2_6:
0x7b: {  	p0 =	sne.s32 s1, $0xFF00;
	[tilespmem:s0+$0x1030] =	vst v0;
	s5 =	smov.u32 s1;
	s1 =	sadd.s32 $0x100, s1  }
.Ltmp2:
0x7c: {  	[tilespmem:s0+$0x1020] =	vst v0;
	(pc) =	sbr.rel @p0 .LBB2_6-.Ltmp2, $3  }
0x7d: {  	[tilespmem:s0+$0x1000] =	vst v0  }
0x7e: {  	[tilespmem:s0+$0x1010] =	vst v0;
	_ =	sdelay $0x1  }
0x7f: {  	s0 =	sshra.s32 s5, $0x2  }
0x80: {  	[tilespmem:s0+$0x1030] =	vst v0  }
0x81: {  	[tilespmem:s0+$0x1020] =	vst v0  }
0x82: {  	[tilespmem:s0+$0x1000] =	vst v0  }
0x83: {  	[tilespmem:s0+$0x1010] =	vst v0  }
0x84: {  	[spmem:s7] =	stream.linear.scatter [tilespmem:s20], [sflag:$0x7], $0x4000, $0x38;
	[tilespmem:$0x1D000] =	vst v63  }
0x85: {  	_ =	swait.ge [sflag:s19], $0x4000  }
0x86: {  	[sflag:s19] =	ssyncset.done $0x0  }
0x87: {  	[sflag:s19] =	ssyncadd.s32 $0xFFFFC000  }
0x88: {  	[spmem:s8] =	stream.linear.scatter [tilespmem:s20], [sflag:$0x7], $0x4000, $0x38;
	[tilespmem:$0x1D000] =	vst v63  }
0x89: {  	_ =	swait.ge [sflag:s19], $0x4000  }
0x8a: {  	[sflag:s19] =	ssyncset.done $0x0  }
0x8b: {  	[sflag:s19] =	ssyncadd.s32 $0xFFFFC000  }
0x8c: {  	[spmem:s9] =	stream.linear.scatter [tilespmem:s20], [sflag:$0x7], $0x2000, $0x38;
	[tilespmem:$0x1D000] =	vst v63  }
0x8d: {  	_ =	swait.ge [sflag:s19], $0x2000  }
0x8e: {  	[sflag:s19] =	ssyncset.done $0x0  }
0x8f: {  	s31 =	simm.s32 $0x0;
	[sflag:s19] =	ssyncadd.s32 $0xFFFFE000  }
0x90: {  	[tilespmem:s31], [sflag:$0x7] =	stream.linear.gather [hbm4b:s10+s31], $0x400, $0x38;
	[tilespmem:$0x1D000] =	vst v63  }
0x91: {  	_ =	swait.ge [sflag:s19], $0x400  }
0x92: {  	[sflag:s19] =	ssyncset.done $0x0  }
0x93: {  	[sflag:s19] =	ssyncadd.s32 $0xFFFFFC00  }
0x94: {  	[tilespmem:s21], [sflag:$0x7] =	stream.linear.gather [hbm4b:s11+s31], $0x400, $0x38;
	[tilespmem:$0x1D000] =	vst v63  }
0x95: {  	_ =	swait.ge [sflag:s19], $0x400  }
0x96: {  	[sflag:s19] =	ssyncset.done $0x0  }
0x97: {  	[sflag:s19] =	ssyncadd.s32 $0xFFFFFC00  }
0x98: {  	s1 =	simm.s32 $0x1;
	s0 =	simm.s32 $0x0;
	[bflag:$0x0] =	sbarrier.arrive $0xFFFF  }
0x99: {  	[tilespmem:s20], [sflag:$0x1] =	stream.indirect.gather [spmem:s2], $0x40, s31, s22, $0xb8;
	[tilespmem:$0x1D000] =	vst v63  }
.LBB2_8:
0x9a: {  	_ =	swait.ge [sflag:s23], $0x4000  }
0x9b: {  	p0 =	seq.s32 s0, $0x0;
	[sflag:s23] =	ssyncset.done $0x0  }
0x9c: {  	s12 =	simm.s32 @!p0 $0x4;
	[sflag:s23] =	ssyncadd.s32 $0xFFFFC000  }
0x9d: {  	p1 =	seq.s32 @!p0 s0, $0x480;
	_ =	swait.ge @!p0 [sflag:s12], $0x4000  }
0x9e: {  	s5 =	sand.u32 $0x1, s1;
	p1 =	por p0, !p1;
	[sflag:s12] =	ssyncset.done @!p0 $0x0  }
0x9f: {  	s13 =	sadd.s32 @p1 s0, s17;
	[sflag:s12] =	ssyncadd.s32 @!p0 $0xFFFFC000;
	s12 =	sshll.u32 @p1 s5, $0xA  }
0xa0: {  	[tilespmem:s12], [sflag:$0x5] =	stream.linear.gather @p1 [hbm4b:s13+s4], $0x400, $0x38;
	[tilespmem:$0x1D000] =	vst v63  }
0xa1: {  	s12 =	sor.u32 @p1 $0x800, s12;
	s13 =	sadd.s32 @p1 s0, s16  }
0xa2: {  	[tilespmem:s12], [sflag:$0x6] =	stream.linear.gather @p1 [hbm4b:s13+s4], $0x400, $0x38;
	[tilespmem:$0x1D000] =	vst v63  }
0xa3: {  	s12 =	sand.u32 $0x400, s31  }
0xa4: {  	s14 =	sor.u32 $0x100, s12  }
0xa5: {  	[tilespmem:s24], [sflag:$0x2] =	stream.indirect.gather [spmem:s2], $0x40, s14, s22, $0xb8;
	[tilespmem:$0x1D000] =	vst v63  }
0xa6: {  	s14 =	sor.u32 $0x800, s12  }
0xa7: {  	[spmem:s3] =	stream.indirect.scatter.add.f32 [tilespmem:s20], [sflag:$0x3], $0x40, s14, s22, $0xb8;
	[tilespmem:$0x1D000] =	vst v63  }
0xa8: {  	_ =	swait.ge [sflag:s25], $0x4000  }
0xa9: {  	[sflag:s25] =	ssyncset.done $0x0  }
0xaa: {  	[sflag:s25] =	ssyncadd.s32 $0xFFFFC000  }
0xab: {  	_ =	swait.ge [sflag:s26], $0x4000  }
0xac: {  	[sflag:s26] =	ssyncset.done $0x0  }
0xad: {  	s14 =	sor.u32 $0x200, s12;
	[sflag:s26] =	ssyncadd.s32 $0xFFFFC000  }
0xae: {  	[tilespmem:s20], [sflag:$0x1] =	stream.indirect.gather [spmem:s2], $0x40, s14, s22, $0xb8;
	[tilespmem:$0x1D000] =	vst v63  }
0xaf: {  	s14 =	sor.u32 $0x900, s12  }
0xb0: {  	[spmem:s3] =	stream.indirect.scatter.add.f32 [tilespmem:s24], [sflag:$0x4], $0x40, s14, s22, $0xb8;
	[tilespmem:$0x1D000] =	vst v63  }
0xb1: {  	_ =	swait.ge [sflag:s23], $0x4000  }
0xb2: {  	[sflag:s23] =	ssyncset.done $0x0  }
0xb3: {  	[sflag:s23] =	ssyncadd.s32 $0xFFFFC000  }
0xb4: {  	_ =	swait.ge [sflag:s28], $0x4000  }
0xb5: {  	[sflag:s28] =	ssyncset.done $0x0  }
0xb6: {  	s13 =	sor.u32 $0x300, s12;
	[sflag:s28] =	ssyncadd.s32 $0xFFFFC000  }
0xb7: {  	[tilespmem:s24], [sflag:$0x2] =	stream.indirect.gather [spmem:s2], $0x40, s13, s22, $0xb8;
	[tilespmem:$0x1D000] =	vst v63  }
0xb8: {  	s12 =	sor.u32 $0xA00, s12  }
0xb9: {  	[spmem:s3] =	stream.indirect.scatter.add.f32 [tilespmem:s20], [sflag:$0x3], $0x40, s12, s22, $0xb8;
	[tilespmem:$0x1D000] =	vst v63  }
0xba: {  	_ =	swait.ge [sflag:s25], $0x4000  }
0xbb: {  	[sflag:s25] =	ssyncset.done $0x0  }
0xbc: {  	[sflag:s25] =	ssyncadd.s32 $0xFFFFC000  }
0xbd: {  	p0 =	por @!p0 $0x1, $0x1;
	_ =	swait.ge [sflag:s26], $0x4000  }
0xbe: {  	p0 =	por @p1 $0x0, $0x0;
	[sflag:s26] =	ssyncset.done $0x0  }
0xbf: {  	s12 =	simm.s32 @!p0 $0x5;
	[sflag:s26] =	ssyncadd.s32 $0xFFFFC000  }
0xc0: {  	_ =	swait.ge @!p0 [sflag:s12], $0x400  }
0xc1: {  	[sflag:s12] =	ssyncset.done @!p0 $0x0  }
0xc2: {  	[sflag:s12] =	ssyncadd.s32 @!p0 $0xFFFFFC00;
	s12 =	simm.s32 @!p0 $0x6  }
0xc3: {  	_ =	swait.ge @!p0 [sflag:s12], $0x400  }
0xc4: {  	s0 =	sadd.s32 $0x80, s0;
	s5 =	sshll.u32 @!p0 s5, $0xA;
	[sflag:s12] =	ssyncset.done @!p0 $0x0  }
0xc5: {  	s14 =	simm.s32 @!p0 $0x1000;
	[sflag:s12] =	ssyncadd.s32 @!p0 $0xFFFFFC00;
	s12 =	simm.s32 @!p0 $0x100  }
0xc6: {  	[tilespmem:s14], [sflag:$0x1] =	stream.indirect.gather @!p0 [spmem:s2], $0x40, s5, s12, $0xb8;
	[tilespmem:$0x1D000] =	vst v63  }
0xc7: {  	p0 =	sne.s32 s0, $0x500  }
.Ltmp3:
0xc8: {  	_ = 	snop;
	(pc) =	sbr.rel @p0 .LBB2_8-.Ltmp3, $3  }
0xc9: {  	_ =	sdelay $0x1  }
0xca: {  	s1 =	sadd.s32 $0x1, s1;
	s31 =	sadd.s32 $0x400, s31;
	s14 =	sor.u32 $0x800, s13  }
0xcb: {  	[spmem:s3] =	stream.indirect.scatter.add.f32 [tilespmem:s24], [sflag:$0x4], $0x40, s14, s22, $0xb8;
	[tilespmem:$0x1D000] =	vst v63  }
0xcc: {  	_ =	swait.ge [sflag:s28], $0x4000  }
0xcd: {  	[sflag:s28] =	ssyncset.done $0x0  }
0xce: {  	s29 =	sadd.s32 $0x1, s29;
	[sflag:s28] =	ssyncadd.s32 $0xFFFFC000  }
0xcf: {  	p0 =	sne.s32 s29, s15;
	[bflag:$0x0] =	sbarrier.arrive $0xFFFF  }
.Ltmp4:
0xd0: {  	s0 =	rddreg [dreg:$0x7];
	(pc) =	sbr.rel @p0 .LBB2_1-.Ltmp4, $4  }
0xd1: {  	[hbm:s0], [sflag:s6] =	dma.local [spmem:s30], $0x1400  }
0xd2: {  	_ =	swait.ge [sflag:s19], $0x1400  }
0xd3: {  	[sflag:s19] =	ssyncset.done $0x0  }
0xd4: {  	[sflag:s19] =	ssyncadd.s32 $0xFFFFEC00  }
0xd5: {  	_ =	sfence.sel $0x180000  }
0xd6: {  	[bflag:$0x0] =	sbarrier.arrive $0xFFFF  }
0xd7: {  	_ =	strace $0x90000050  }
0xd8: {  	s0 =	stileid.u32;
	[bflag:$0x2] =	sbarrier.arrive $0xFFFF  }
0xd9: {  	p0 =	sne.s32 s0, $0x0;
	s0 =	rddreg [dreg:$0x3]  }
0xda: {  	s0 =	sadd.s32 @!p0 $0x100000, s0  }
0xdb: {  	[sflag:s0] =	ssyncadd.tile.s32 @!p0 $0x1;
	_ =	shalt  }
.Lfunc_end2:
_tile_overlayer_lowered:
.L_overlay_start_2:
0xdc: {  	(tag) =	ssettag $0x2  }
0xdd: {  	s0 =	rddreg [dreg:$0x0];
	s2 =	stileid.u32  }
0xde: {  	s1 =	rddreg [dreg:$0x1];
	p0 =	sne.s32 s2, $0x0  }
0xdf: {  	s3 =	rddreg [dreg:$0x2];
	[bflag:$0x3] =	sbarrier.arrive $0xFFFF;
	s2 =	simm.s32 @!p0 $0x1C07  }
0xe0: {  	[timem:s3], [sflag:s2] =	dma.local @!p0 [hbm:s0], s1  }
0xe1: {  	s0 =	simm.s32 @!p0 $0x7  }
0xe2: {  	_ =	swait.ge @!p0 [sflag:s0], s1  }
0xe3: {  	s1 =	ssub.s32 @!p0 $0x0, s1;
	[sflag:s0] =	ssyncset.done @!p0 $0x0  }
0xe4: {  	[sflag:s0] =	ssyncadd.s32 @!p0 s1  }
0xe5: {  	[bflag:$0x3] =	sbarrier.arrive $0xFFFF  }
0xe6: {  	_ =	shalt  }

// kernel: kernel.9.cloned.1.call-start
scs
__scs_entry_jumppad:
0x0: {  	(pc) =	sbr.rel $0x88, $3  }
0x1: {  	(tag) =	ssettag $0x0;
	lr =	simm.s32 $0x1  }
0x2: {  	[smem:$0x3F96] =	sst lr;
	_ =	strace $0xD0000000  }
0x3: {  	_ = 	snop  }
0x4: {  	_ = 	snop  }
0x5: {  	_ = 	snop  }
0x6: {  	_ = 	snop  }
0x7: {  	_ = 	snop  }
__scs_overlays_trampoline_lowered:
0x8: {  	[smem:$0x3FA5] =	sst s0  }
0x9: {  	[smem:$0x3FA6] =	sst s1  }
0xa: {  	[smem:$0x3FA7] =	sst s2  }
0xb: {  	[smem:$0x3FA8] =	sst s3  }
0xc: {  	[smem:$0x3FA9] =	sst s4  }
0xd: {  	[smem:$0x3FAA] =	sst s5  }
0xe: {  	[smem:$0x3FAB] =	sst s6  }
0xf: {  	[smem:$0x3FAC] =	sst s7  }
0x10: {  	[smem:$0x3FAD] =	sst s8  }
0x11: {  	[smem:$0x3FAE] =	sst s9;
	s0 =	simm.s32 @!p0 $0x0  }
0x12: {  	s1 =	sld [smem:$0x3F94];
	s0 =	simm.s32 @p0 $0x1  }
0x13: {  	[smem:$0x3FAF] =	sst s0;
	s0 =	simm.s32 @!p1 $0x0  }
0x14: {  	s2 =	sld [smem:$0x3F93];
	s0 =	simm.s32 @p1 $0x1  }
0x15: {  	[smem:$0x3FB0] =	sst s0;
	s0 =	simm.s32 @!p2 $0x0  }
0x16: {  	s3 =	sld [smem:$0x3FDB];
	s0 =	simm.s32 @p2 $0x1  }
0x17: {  	s4 =	simm.s32 $0x1BF5;
	[smem:$0x3FB2] =	sst s0  }
0x18: {  	s0 =	sld [smem:$0x3F95];
	_ =	swait.ge [sflag:s4], $0x0  }
0x19: {  	s7 =	sld [smem:$0x3F96]  }
0x1a: {  	s8 =	sadd.s32 $0xFFFFE003, lr  }
0x1b: {  	s9 =	sadd.s32 $0xFFFFFEF7, lr;
	s5 =	simm.s32 $0xFFFFFFFF;
	p2 =	slt.u32 s8, $0xFFFFF086  }
0x1c: {  	p1 =	slt.u32 s9, $0xF7A;
	s5 =	simm.s32 @!p2 $0x0  }
0x1d: {  	s5 =	simm.s32 @p1 $0x1;
	p0 =	seq.s32 s7, s2  }
0x1e: {  	s7 =	smul.u32 @!p0 $0xF7A, s2;
	p2 =	seq.s32 @!p0 s5, $0x0  }
0x1f: {  	s9 =	smul.u32 $0xF7A, s1;
	s8 =	simm.s32 @!p0 $0x1BF5;
	p2 =	por !p2, p0  }
0x20: {  	[sflag:s8] =	ssyncset.s32 @!p0 $0xFFFFF086;
	s6 =	sadd.s32 @!p0 s3, s7;
	s7 =	simm.s32 @!p0 $0x108  }
0x21: {  	s3 =	sadd.s32 s3, s9;
	s6 =	sadd.s32 @!p0 $0x88, s6;
	s7 =	simm.s32 @p2 $0x1082  }
0x22: {  	[simem:s7], [sflag:s8] =	dma.local @!p0 [hbm:s6], $0xF7A  }
0x23: {  	s9 =	sor.u32 $0xD0000000, s2;
	s6 =	simm.s32 $0x108;
	_ =	swait.ge @!p0 [sflag:s8], $0x0  }
0x24: {  	s3 =	sadd.s32 $0x88, s3;
	s6 =	simm.s32 @!p1 $0x1082;
	[sflag:s4] =	ssyncset.s32 $0xFFFFF086  }
0x25: {  	[simem:s6], [sflag:s4] =	dma.local [hbm:s3], $0xF7A  }
0x26: {  	[smem:$0x3F96] =	sst s1;
	(tag) =	ssettag s2;
	_ =	strace s9  }
0x27: {  	s1 =	sld [smem:$0x3FA6]  }
0x28: {  	s2 =	sld [smem:$0x3FA7]  }
0x29: {  	s4 =	sld [smem:$0x3FA9]  }
0x2a: {  	p0 =	seq.s32 s5, $0x0;
	s5 =	sld [smem:$0x3FAA]  }
0x2b: {  	s6 =	sld [smem:$0x3FAB]  }
0x2c: {  	s7 =	sld [smem:$0x3FAC]  }
0x2d: {  	s3 =	simm.s32 $0x108;
	s8 =	sld [smem:$0x3FAD]  }
0x2e: {  	s3 =	simm.s32 @!p0 $0x1082;
	s9 =	sld [smem:$0x3FAE]  }
0x2f: {  	lr =	sadd.s32 s0, s3;
	s0 =	sld [smem:$0x3FA5]  }
0x30: {  	s3 =	sld [smem:$0x3FA8]  }
0x31: {  	[smem:$0x3FB1] =	sst s10  }
0x32: {  	s10 =	sld [smem:$0x3FAF];
	_ =	sdelay $0x3  }
0x33: {  	p0 =	seq.s32 s10, $0x1;
	s10 =	sld [smem:$0x3FB1];
	_ =	sdelay $0x3  }
0x34: {  	[smem:$0x3FB1] =	sst s10  }
0x35: {  	s10 =	sld [smem:$0x3FB0];
	_ =	sdelay $0x3  }
0x36: {  	p1 =	seq.s32 s10, $0x1;
	s10 =	sld [smem:$0x3FB1];
	_ =	sdelay $0x3  }
0x37: {  	[smem:$0x3FB1] =	sst s10  }
0x38: {  	s10 =	sld [smem:$0x3FB2]  }
0x39: {  	_ = 	snop;
	(pc) =	sbr.ind lr, $3  }
0x3a: {  	_ = 	snop  }
0x3b: {  	_ = 	snop  }
0x3c: {  	p2 =	seq.s32 s10, $0x1;
	s10 =	sld [smem:$0x3FB1]  }
0x3d: {  	_ =	shalt  }
0x3e: {  	_ =	shalt  }
0x3f: {  	_ =	shalt  }
0x40: {  	_ =	shalt  }
0x41: {  	_ =	shalt  }
0x42: {  	_ =	shalt  }
0x43: {  	_ =	shalt  }
0x44: {  	_ =	shalt  }
0x45: {  	_ =	shalt  }
0x46: {  	_ =	shalt  }
0x47: {  	_ =	shalt  }
0x48: {  	_ =	shalt  }
0x49: {  	_ =	shalt  }
0x4a: {  	_ =	shalt  }
0x4b: {  	_ =	shalt  }
0x4c: {  	_ =	shalt  }
0x4d: {  	_ =	shalt  }
0x4e: {  	_ =	shalt  }
0x4f: {  	_ =	shalt  }
0x50: {  	_ =	shalt  }
0x51: {  	_ =	shalt  }
0x52: {  	_ =	shalt  }
0x53: {  	_ =	shalt  }
0x54: {  	_ =	shalt  }
0x55: {  	_ =	shalt  }
0x56: {  	_ =	shalt  }
0x57: {  	_ =	shalt  }
0x58: {  	_ =	shalt  }
0x59: {  	_ =	shalt  }
0x5a: {  	_ =	shalt  }
0x5b: {  	_ =	shalt  }
0x5c: {  	_ =	shalt  }
0x5d: {  	_ =	shalt  }
0x5e: {  	_ =	shalt  }
0x5f: {  	_ =	shalt  }
0x60: {  	_ =	shalt  }
0x61: {  	_ =	shalt  }
0x62: {  	_ =	shalt  }
0x63: {  	_ =	shalt  }
0x64: {  	_ =	shalt  }
0x65: {  	_ =	shalt  }
0x66: {  	_ =	shalt  }
0x67: {  	_ =	shalt  }
0x68: {  	_ =	shalt  }
0x69: {  	_ =	shalt  }
0x6a: {  	_ =	shalt  }
0x6b: {  	_ =	shalt  }
0x6c: {  	_ =	shalt  }
0x6d: {  	_ =	shalt  }
0x6e: {  	_ =	shalt  }
0x6f: {  	_ =	shalt  }
0x70: {  	_ =	shalt  }
0x71: {  	_ =	shalt  }
0x72: {  	_ =	shalt  }
0x73: {  	_ =	shalt  }
0x74: {  	_ =	shalt  }
0x75: {  	_ =	shalt  }
0x76: {  	_ =	shalt  }
0x77: {  	_ =	shalt  }
0x78: {  	_ =	shalt  }
0x79: {  	_ =	shalt  }
0x7a: {  	_ =	shalt  }
0x7b: {  	_ =	shalt  }
0x7c: {  	_ =	shalt  }
0x7d: {  	_ =	shalt  }
0x7e: {  	_ =	shalt  }
0x7f: {  	_ =	shalt  }
0x80: {  	_ =	shalt  }
0x81: {  	_ =	shalt  }
0x82: {  	_ =	shalt  }
0x83: {  	_ =	shalt  }
0x84: {  	_ =	shalt  }
0x85: {  	_ =	shalt  }
0x86: {  	_ =	shalt  }
0x87: {  	_ =	shalt  }
.Lfunc_end0:
.L_simem_size_0:
called_computation_lowered:
.L_overlay_start_0:
0x88: {  	s2 =	sld [smem:$0x3FD9]  }
0x89: {  	s3 =	sld [smem:$0x3FFE];
	_ =	sdelay $0x1  }
0x8a: {  	s1 =	srdreg.scid  }
0x8b: {  	s0 =	sand.u32 $0x1, s1  }
0x8c: {  	s17 =	sshll.u32 s0, $0xA;
	s2 =	sadd.s32 s3, s2  }
0x8d: {  	s2 =	sadd.s32 s2, s17  }
0x8e: {  	[smem:$0x3FBD] =	sst s2  }
0x8f: {  	_ = 	snop  }
0x90: {  	s2 =	sld [smem:$0x3FD0];
	(tm) =	ssettm $0x1  }
0x91: {  	s18 =	sld [smem:$0x3FFB];
	_ =	sdelay $0x3  }
0x92: {  	_ =	strace s18  }
0x93: {  	s3 =	sld [smem:$0x3FFC];
	_ =	sdelay $0x3  }
0x94: {  	_ =	strace s3  }
0x95: {  	s3 =	sld [smem:$0x3FFD];
	_ =	sdelay $0x3  }
0x96: {  	_ =	strace s3  }
0x97: {  	_ =	strace $0x8FFFFFFF  }
0x98: {  	s19 =	sld [smem:$0x3FDB];
	_ =	sdelay $0x1  }
0x99: {  	s4 =	simm.s32 $_scs_section_size  }
0x9a: {  	s5 =	simm.s32 $_size__tile_overlayer_lowered;
	s6 =	simm.s32 $_tile_overlayer_lowered  }
0x9b: {  	s22 =	simm.s32 $0x1BFF;
	s21 =	sshll.u32 s6, $0x1;
	s3 =	sadd.s32 s4, s19  }
0x9c: {  	s7 =	simm.s32 $0x0;
	s20 =	sshll.u32 s5, $0x1;
	s5 =	sadd.s32 s21, s3  }
0x9d: {  	[timem:s7], [sflag:s22] =	dma.local [hbm:s5], s20  }
0x9e: {  	_ =	swait.ge [sflag:s22], s20  }
0x9f: {  	s4 =	ssub.s32 $0x0, s20;
	[sflag:s22] =	ssyncset.done $0x0  }
0xa0: {  	[sflag:s22] =	ssyncadd.s32 s4;
	_ =	sdelay $0x1  }
0xa1: {  	s23 =	simm.s32 $0x1B8B  }
0xa2: {  	_ =	swait.ge [sflag:s23], $0x1  }
0xa3: {  	[sflag:s23] =	ssyncset.done $0x0  }
0xa4: {  	s25 =	simm.s32 $0x1B8E;
	s24 =	sld [smem:$0x3FFE];
	[sflag:s23] =	ssyncadd.s32 $0xFFFFFFFF  }
0xa5: {  	s26 =	simm.s32 $execute0_lowered;
	[smem:$0x3FD2] =	sst s25  }
0xa6: {  	s5 =	sshll.u32 s26, $0x1;
	_ =	strace $0x80000046;
	[dreg:$0x1] =	wrdreg $0xFFFFFFFF  }
0xa7: {  	s28 =	simm.s32 $_size_execute0_lowered;
	s3 =	sadd.s32 s3, s5;
	[dreg:$0x0] =	wrdreg $0x0  }
0xa8: {  	s5 =	sshll.u32 s28, $0x1;
	[dreg:$0x2] =	wrdreg s3  }
0xa9: {  	[dreg:$0x3] =	wrdreg s5  }
0xaa: {  	[dreg:$0x4] =	wrdreg $0xC0  }
0xab: {  	_ =	task [dreg:s7], $0x5FFFF  }
0xac: {  	[dreg:$0x1] =	wrdreg $0xFFFFFFFF  }
0xad: {  	[dreg:$0x0] =	wrdreg $0x60  }
0xae: {  	[dreg:$0x2] =	wrdreg s24  }
0xaf: {  	[dreg:$0x3] =	wrdreg s2  }
0xb0: {  	[dreg:$0x4] =	wrdreg $0x14000  }
0xb1: {  	[dreg:$0x5] =	wrdreg $0x9  }
0xb2: {  	_ =	task.clear_ibuf [dreg:s7], $0x6FFFF;
	_ =	strace $0x90000046  }
0xb3: {  	s29 =	simm.s32 $0x9;
	_ =	strace $0x80000048  }
0xb4: {  	_ =	swait.ge [sflag:s29], $0x1  }
0xb5: {  	[sflag:s29] =	ssyncadd.s32 $0xFFFFFFFF  }
0xb6: {  	_ =	strace $0x90000048  }
0xb7: {  	_ =	sfence  }
0xb8: {  	s30 =	sld [smem:$0x0];
	_ =	sdelay $0x2  }
0xb9: {  	s31 =	sshll.u32 s1, $0xD;
	s1 =	sshrl.u32 s1, $0x2  }
0xba: {  	s3 =	sand.u32 $0x4000, s31;
	s1 =	sadd.s32 s1, s30  }
0xbb: {  	s0 =	sor.u32 s3, s0;
	s1 =	sshll.u32 s1, $0x11  }
0xbc: {  	s0 =	sor.u32 s1, s0  }
0xbd: {  	s0 =	sadd.s32 $0x8F2B, s0  }
0xbe: {  	[sflag:s0] =	ssyncadd.remote.s32 $0x1  }
0xbf: {  	_ =	sfence.sel $0xFFFF  }
0xc0: {  	[dreg:$0x0] =	wrdreg $0xFFFFFFFF;
	(pc) =	sbr.abs _section_cstart, $3  }
0xc1: {  	[dreg:$0x1] =	wrdreg $0xFFFFFFFF  }
0xc2: {  	_ =	task.clear_ibuf [dreg:s7], $0x2FFFF;
	_ =	strace $0x9FFFFFFF  }
0xc3: {  	(tm) =	ssettm $0x7FFFFFFF  }
tec
execute0_lowered:
.L_overlay_start_1:
0x0: {  	(tag) =	ssettag $0x1  }
0x1: {  	s4 =	rddreg [dreg:$0x0]  }
0x2: {  	s7 =	rddreg [dreg:$0x1]  }
0x3: {  	s2 =	rddreg [dreg:$0x2]  }
0x4: {  	s0 =	rddreg [dreg:$0x3]  }
0x5: {  	s5 =	srdreg.scid;
	s1 =	stileid.u32;
	s3 =	simm.s32 $0x0  }
0x6: {  	s13 =	simm.s32 $0x200;
	s14 =	simm.s32 $0x300;
	s6 =	smul.u32 $0x5000, s1  }
0x7: {  	s17 =	simm.s32 $0x0;
	s5 =	sand.u32 $0x1, s5;
	s9 =	smul.u32 $0x2800, s1  }
0x8: {  	[smem:$0x7FF] =	sst s3;
	s10 =	smul.u32 $0xA000, s1;
	s15 =	sshll.u32 s1, $0x6  }
0x9: {  	s8 =	smul.u32 $0x2800, s5;
	_ =	strace $0x80000047;
	s30 =	ssub.s32 $0x2, s5  }
0xa: {  	s5 =	smul.u32 $0x28000, s5;
	s15 =	sor.u32 $0x1C01, s15;
	s11 =	sshrl.u32 s30, $0x1  }
0xb: {  	s31 =	sshrl.u32 s10, $0x2;
	s10 =	simm.s32 $0x400;
	s6 =	sadd.s32 s8, s6  }
0xc: {  	s8 =	ssub.s32 s30, s11;
	s11 =	simm.s32 $0x1;
	s6 =	sshrl.u32 s6, $0x3  }
0xd: {  	s8 =	smax.u32 s8, $0x1;
	s12 =	sadd.s32 s6, s4;
	s6 =	sadd.s32 s31, s2  }
0xe: {  	s4 =	sadd.s32 s9, s2;
	s9 =	sadd.s32 s9, s5;
	s5 =	sadd.s32 $0x1000, s6  }
0xf: {  	s6 =	sadd.s32 $0x2000, s6;
	s9 =	sshrl.u32 s9, $0x3;
	s16 =	sshrl.u32 s4, $0x3  }
0x10: {  	v0 =	vimm.f32 $0.0e+00;
	v1 =	vimm.f32 $1.000000000e+00;
	s7 =	sadd.s32 s7, s9;
	s9 =	sadd.s32 $0x4200, s12;
	s12 =	simm.s32 $0x100  }
.LBB2_1:
0x11: {  	s18 =	simm.s32 $0x40;
	s19 =	simm.s32 $0x0  }
.LBB2_2:
0x12: {  	p0 =	sne.s32 s18, $0x3FC0;
	[tilespmem:s19+$0x400] =	vst v0;
	s19 =	smov.u32 s18;
	s18 =	sadd.s32 $0x40, s18  }
.Ltmp0:
0x13: {  	(pc) =	sbr.rel @p0 .LBB2_2-.Ltmp0, $2  }
0x14: {  	_ =	sdelay $0x2  }
0x15: {  	s19 =	sshra.s32 s19, $0x2  }
0x16: {  	[tilespmem:s19+$0x400] =	vst v0  }
0x17: {  	[spmem:s4] =	stream.linear.scatter [tilespmem:s10], [sflag:$0x1], $0x1000, $0x38;
	[tilespmem:$0x3C00] =	vst v63  }
0x18: {  	_ =	swait.ge [sflag:s11], $0x1000  }
0x19: {  	[sflag:s11] =	ssyncset.done $0x0  }
0x1a: {  	[sflag:s11] =	ssyncadd.s32 $0xFFFFF000  }
0x1b: {  	[spmem:s5] =	stream.linear.scatter [tilespmem:s10], [sflag:$0x1], $0x1000, $0x38;
	[tilespmem:$0x3C00] =	vst v63  }
0x1c: {  	_ =	swait.ge [sflag:s11], $0x1000  }
0x1d: {  	[sflag:s11] =	ssyncset.done $0x0  }
0x1e: {  	[sflag:s11] =	ssyncadd.s32 $0xFFFFF000  }
0x1f: {  	[spmem:s6] =	stream.linear.scatter [tilespmem:s10], [sflag:$0x1], $0x800, $0x38;
	[tilespmem:$0x3C00] =	vst v63  }
0x20: {  	_ =	swait.ge [sflag:s11], $0x800  }
0x21: {  	[sflag:s11] =	ssyncset.done $0x0  }
0x22: {  	s18 =	simm.s32 $0x40;
	s19 =	simm.s32 $0x0;
	[sflag:s11] =	ssyncadd.s32 $0xFFFFF800  }
.LBB2_4:
0x23: {  	p0 =	sne.s32 s18, $0x3FC0;
	[tilespmem:s19+$0x400] =	vst v1;
	s19 =	smov.u32 s18;
	s18 =	sadd.s32 $0x40, s18  }
.Ltmp1:
0x24: {  	(pc) =	sbr.rel @p0 .LBB2_4-.Ltmp1, $2  }
0x25: {  	_ =	sdelay $0x2  }
0x26: {  	s19 =	sshra.s32 s19, $0x2  }
0x27: {  	[tilespmem:s19+$0x400] =	vst v1  }
0x28: {  	s18 =	sadd.s32 $0x0, s9;
	[bflag:$0x0] =	sbarrier.arrive $0xFFFF  }
0x29: {  	[tilespmem:s3], [sflag:$0x1] =	stream.linear.gather [hbm4b:s18+s3], $0x400, $0x38;
	[tilespmem:$0x3C00] =	vst v63  }
0x2a: {  	_ =	swait.ge [sflag:s11], $0x400  }
0x2b: {  	[sflag:s11] =	ssyncset.done $0x0  }
0x2c: {  	[sflag:s11] =	ssyncadd.s32 $0xFFFFFC00  }
0x2d: {  	[spmem:s2] =	stream.indirect.scatter.add.f32 [tilespmem:s10], [sflag:$0x1], $0x10, s3, s12, $0xb8;
	[tilespmem:$0x3C00] =	vst v63  }
0x2e: {  	_ =	swait.ge [sflag:s11], $0x1000  }
0x2f: {  	[sflag:s11] =	ssyncset.done $0x0  }
0x30: {  	[sflag:s11] =	ssyncadd.s32 $0xFFFFF000  }
0x31: {  	[spmem:s2] =	stream.indirect.scatter.add.f32 [tilespmem:s10], [sflag:$0x1], $0x10, s12, s12, $0xb8;
	[tilespmem:$0x3C00] =	vst v63  }
0x32: {  	_ =	swait.ge [sflag:s11], $0x1000  }
0x33: {  	[sflag:s11] =	ssyncset.done $0x0  }
0x34: {  	[sflag:s11] =	ssyncadd.s32 $0xFFFFF000  }
0x35: {  	[spmem:s2] =	stream.indirect.scatter.add.f32 [tilespmem:s10], [sflag:$0x1], $0x10, s13, s12, $0xb8;
	[tilespmem:$0x3C00] =	vst v63  }
0x36: {  	_ =	swait.ge [sflag:s11], $0x1000  }
0x37: {  	[sflag:s11] =	ssyncset.done $0x0  }
0x38: {  	[sflag:s11] =	ssyncadd.s32 $0xFFFFF000  }
0x39: {  	[spmem:s2] =	stream.indirect.scatter.add.f32 [tilespmem:s10], [sflag:$0x1], $0x10, s14, s12, $0xb8;
	[tilespmem:$0x3C00] =	vst v63  }
0x3a: {  	_ =	swait.ge [sflag:s11], $0x1000  }
0x3b: {  	s19 =	simm.s32 $0x100;
	s18 =	simm.s32 $0x80;
	[sflag:s11] =	ssyncset.done $0x0  }
.LBB2_6:
0x3c: {  	s20 =	sadd.s32 s18, s9  }
0x3d: {  	[sflag:s11] =	ssyncadd.s32 $0xFFFFF000;
	s18 =	smov.u32 s19;
	s21 =	sadd.s32 $0x80, s19  }
0x3e: {  	[tilespmem:s3], [sflag:$0x1] =	stream.linear.gather [hbm4b:s20+s3], $0x400, $0x38;
	[tilespmem:$0x3C00] =	vst v63  }
0x3f: {  	p0 =	sne.s32 s19, $0x480;
	_ =	swait.ge [sflag:s11], $0x400  }
0x40: {  	[sflag:s11] =	ssyncset.done $0x0  }
0x41: {  	[sflag:s11] =	ssyncadd.s32 $0xFFFFFC00  }
0x42: {  	[spmem:s2] =	stream.indirect.scatter.add.f32 [tilespmem:s10], [sflag:$0x1], $0x10, s3, s12, $0xb8;
	[tilespmem:$0x3C00] =	vst v63  }
0x43: {  	_ =	swait.ge [sflag:s11], $0x1000  }
0x44: {  	[sflag:s11] =	ssyncset.done $0x0  }
0x45: {  	[sflag:s11] =	ssyncadd.s32 $0xFFFFF000  }
0x46: {  	[spmem:s2] =	stream.indirect.scatter.add.f32 [tilespmem:s10], [sflag:$0x1], $0x10, s12, s12, $0xb8;
	[tilespmem:$0x3C00] =	vst v63  }
0x47: {  	_ =	swait.ge [sflag:s11], $0x1000  }
0x48: {  	[sflag:s11] =	ssyncset.done $0x0  }
0x49: {  	[sflag:s11] =	ssyncadd.s32 $0xFFFFF000  }
0x4a: {  	[spmem:s2] =	stream.indirect.scatter.add.f32 [tilespmem:s10], [sflag:$0x1], $0x10, s13, s12, $0xb8;
	[tilespmem:$0x3C00] =	vst v63  }
0x4b: {  	_ =	swait.ge [sflag:s11], $0x1000  }
.Ltmp2:
0x4c: {  	[sflag:s11] =	ssyncset.done $0x0;
	(pc) =	sbr.rel @p0 .LBB2_6-.Ltmp2, $4  }
0x4d: {  	[sflag:s11] =	ssyncadd.s32 $0xFFFFF000  }
0x4e: {  	[spmem:s2] =	stream.indirect.scatter.add.f32 [tilespmem:s10], [sflag:$0x1], $0x10, s14, s12, $0xb8;
	[tilespmem:$0x3C00] =	vst v63  }
0x4f: {  	_ =	swait.ge [sflag:s11], $0x1000  }
0x50: {  	s19 =	smov.u32 s21;
	[sflag:s11] =	ssyncset.done $0x0  }
0x51: {  	s18 =	sadd.s32 s18, s9;
	[sflag:s11] =	ssyncadd.s32 $0xFFFFF000  }
0x52: {  	[tilespmem:s3], [sflag:$0x1] =	stream.linear.gather [hbm4b:s18+s3], $0x400, $0x38;
	[tilespmem:$0x3C00] =	vst v63  }
0x53: {  	_ =	swait.ge [sflag:s11], $0x400  }
0x54: {  	[sflag:s11] =	ssyncset.done $0x0  }
0x55: {  	[sflag:s11] =	ssyncadd.s32 $0xFFFFFC00  }
0x56: {  	[spmem:s2] =	stream.indirect.scatter.add.f32 [tilespmem:s10], [sflag:$0x1], $0x10, s3, s12, $0xb8;
	[tilespmem:$0x3C00] =	vst v63  }
0x57: {  	_ =	swait.ge [sflag:s11], $0x1000  }
0x58: {  	[sflag:s11] =	ssyncset.done $0x0  }
0x59: {  	[sflag:s11] =	ssyncadd.s32 $0xFFFFF000  }
0x5a: {  	[spmem:s2] =	stream.indirect.scatter.add.f32 [tilespmem:s10], [sflag:$0x1], $0x10, s12, s12, $0xb8;
	[tilespmem:$0x3C00] =	vst v63  }
0x5b: {  	_ =	swait.ge [sflag:s11], $0x1000  }
0x5c: {  	[sflag:s11] =	ssyncset.done $0x0  }
0x5d: {  	[sflag:s11] =	ssyncadd.s32 $0xFFFFF000  }
0x5e: {  	[spmem:s2] =	stream.indirect.scatter.add.f32 [tilespmem:s10], [sflag:$0x1], $0x10, s13, s12, $0xb8;
	[tilespmem:$0x3C00] =	vst v63  }
0x5f: {  	_ =	swait.ge [sflag:s11], $0x1000  }
0x60: {  	[sflag:s11] =	ssyncset.done $0x0  }
0x61: {  	[sflag:s11] =	ssyncadd.s32 $0xFFFFF000  }
0x62: {  	[spmem:s2] =	stream.indirect.scatter.add.f32 [tilespmem:s10], [sflag:$0x1], $0x10, s14, s12, $0xb8;
	[tilespmem:$0x3C00] =	vst v63  }
0x63: {  	_ =	swait.ge [sflag:s11], $0x1000  }
0x64: {  	s17 =	sadd.s32 $0x1, s17;
	[sflag:s11] =	ssyncset.done $0x0  }
0x65: {  	p0 =	sne.s32 s17, s8;
	[sflag:s11] =	ssyncadd.s32 $0xFFFFF000  }
.Ltmp3:
0x66: {  	[bflag:$0x0] =	sbarrier.arrive $0xFFFF;
	(pc) =	sbr.rel @p0 .LBB2_1-.Ltmp3, $4  }
0x67: {  	[hbm:s7], [sflag:s15] =	dma.local [spmem:s16], $0x500  }
0x68: {  	_ =	swait.ge [sflag:s11], $0x500  }
0x69: {  	[sflag:s11] =	ssyncset.done $0x0  }
0x6a: {  	[sflag:s11] =	ssyncadd.s32 $0xFFFFFB00  }
0x6b: {  	_ =	sfence.sel $0x180000  }
0x6c: {  	[bflag:$0x0] =	sbarrier.arrive $0xFFFF  }
0x6d: {  	p0 =	sne.s32 s1, $0x0;
	_ =	strace $0x90000047  }
0x6e: {  	s0 =	sadd.s32 @!p0 $0x100000, s0;
	[bflag:$0x2] =	sbarrier.arrive $0xFFFF  }
0x6f: {  	[sflag:s0] =	ssyncadd.tile.s32 @!p0 $0x1;
	_ =	shalt  }
.Lfunc_end2:
_tile_overlayer_lowered:
.L_overlay_start_2:
0x70: {  	(tag) =	ssettag $0x2  }
0x71: {  	s0 =	rddreg [dreg:$0x0];
	s2 =	stileid.u32  }
0x72: {  	s1 =	rddreg [dreg:$0x1];
	p0 =	sne.s32 s2, $0x0  }
0x73: {  	s3 =	rddreg [dreg:$0x2];
	[bflag:$0x3] =	sbarrier.arrive $0xFFFF;
	s2 =	simm.s32 @!p0 $0x1C01  }
0x74: {  	[timem:s3], [sflag:s2] =	dma.local @!p0 [hbm:s0], s1  }
0x75: {  	s0 =	simm.s32 @!p0 $0x1  }
0x76: {  	_ =	swait.ge @!p0 [sflag:s0], s1  }
0x77: {  	s1 =	ssub.s32 @!p0 $0x0, s1;
	[sflag:s0] =	ssyncset.done @!p0 $0x0  }
0x78: {  	[sflag:s0] =	ssyncadd.s32 @!p0 s1  }
0x79: {  	[bflag:$0x3] =	sbarrier.arrive $0xFFFF  }
0x7a: {  	_ =	shalt  }

</sc_bundles>
